<compile_context>
chip_gen: v7x
topology: tpu7x:2x2x1
jax: 0.10.2.dev20260603
libtpu: 0.0.44.dev20260713+nightly
codegen_flags: <defaults>
</compile_context>

<pallas_src>
import functools

import jax
import jax.numpy as jnp
from jax import lax
from jax.experimental import pallas as pl
from jax.experimental.pallas import tpu as pltpu
from jax.experimental.pallas import tpu_sc as plsc

N = 10000
E = 320000
D = 128
L = 4
B = 8

NC = 2
NS = 16
NW = NC * NS
K = 128
EPAD = ((E + NW * K - 1) // (NW * K)) * (NW * K)
EPT = EPAD // NW
NCH = EPT // K
RPT = 624
RPTL = 648
NACC = RPT * (NS - 1) + RPTL
NDEEP = 3
IDEEP = 6

RB = 10000
NB = N // RB

@functools.lru_cache(maxsize=1)
def _get_spmm():
    mesh = plsc.VectorSubcoreMesh(
        core_axis_name="c", subcore_axis_name="s",
        num_cores=NC, num_subcores=NS)

    @functools.partial(
        pl.kernel,
        out_type=jax.ShapeDtypeStruct((NC, NACC, D), jnp.float32),
        mesh=mesh,
        scratch_types=[
            pltpu.VMEM((IDEEP, 2, K), jnp.int32),
            pltpu.VMEM((NDEEP, K, D), jnp.float32),
            pltpu.VMEM_SHARED((NACC, D), jnp.float32),
            pltpu.SemaphoreType.DMA((IDEEP,)),
            pltpu.SemaphoreType.DMA((NDEEP,)),
            pltpu.SemaphoreType.DMA((NDEEP,)),
        ],
    )
    def _spmm(h_hbm, sd_hbm, zero_hbm, out_hbm,
              idx, rows, acc, semi, semg, sems):
        c = lax.axis_index("c")
        s = lax.axis_index("s")
        wid = c * NS + s
        zbase = s * RPT

        @pl.when(s < NS - 1)
        def _():
            pltpu.sync_copy(zero_hbm.at[pl.ds(zbase, RPT)],
                            acc.at[pl.ds(zbase, RPT)])

        @pl.when(s == NS - 1)
        def _():
            pltpu.sync_copy(zero_hbm.at[pl.ds(RPT * (NS - 1), RPTL)],
                            acc.at[pl.ds(RPT * (NS - 1), RPTL)])

        plsc.subcore_barrier()

        pltpu.sync_copy(sd_hbm.at[wid, 0], idx.at[0])
        pltpu.sync_copy(sd_hbm.at[wid, 1], idx.at[1])
        pltpu.async_copy(h_hbm.at[idx.at[0, 0]], rows.at[0], semg.at[0])
        pltpu.async_copy(h_hbm.at[idx.at[1, 0]], rows.at[1], semg.at[1])
        pltpu.async_copy(sd_hbm.at[wid, 2], idx.at[2], semi.at[2])
        pltpu.async_copy(sd_hbm.at[wid, 3], idx.at[3], semi.at[3])
        pltpu.async_copy(sd_hbm.at[wid, 4], idx.at[4], semi.at[4])

        def chunk(i, carry):
            r = lax.rem(i, NDEEP)
            r2 = lax.rem(i + 2, NDEEP)
            j = lax.rem(i, IDEEP)
            j2 = lax.rem(i + 2, IDEEP)
            j5 = lax.rem(i + 5, IDEEP)

            @pl.when((i >= 1) & (i + 2 < NCH))
            def _():
                pltpu.make_async_copy(rows.at[r2],
                                      acc.at[idx.at[lax.rem(i - 1, IDEEP), 1]],
                                      sems.at[r2]).wait()

            @pl.when(i + 2 < NCH)
            def _():
                pltpu.make_async_copy(sd_hbm.at[wid, i + 2], idx.at[j2],
                                      semi.at[j2]).wait()
                pltpu.async_copy(h_hbm.at[idx.at[j2, 0]], rows.at[r2],
                                 semg.at[r2])

            @pl.when(i + 5 < NCH)
            def _():
                pltpu.async_copy(sd_hbm.at[wid, i + 5], idx.at[j5],
                                 semi.at[j5])

            pltpu.make_async_copy(h_hbm.at[idx.at[j, 0]], rows.at[r],
                                  semg.at[r]).wait()
            pltpu.async_copy(rows.at[r], acc.at[idx.at[j, 1]], sems.at[r],
                             add=True)
            return carry

        lax.fori_loop(0, NCH, chunk, 0)
        for t in range(NCH - NDEEP, NCH):
            pltpu.make_async_copy(rows.at[t % NDEEP],
                                  acc.at[idx.at[t % IDEEP, 1]],
                                  sems.at[t % NDEEP]).wait()
        plsc.subcore_barrier()

        @pl.when(s < NS - 1)
        def _():
            pltpu.sync_copy(acc.at[pl.ds(zbase, RPT)],
                            out_hbm.at[c, pl.ds(zbase, RPT)])

        @pl.when(s == NS - 1)
        def _():
            pltpu.sync_copy(acc.at[pl.ds(RPT * (NS - 1), RPTL)],
                            out_hbm.at[c, pl.ds(RPT * (NS - 1), RPTL)])

    return _spmm


def _vspec():
    return pl.BlockSpec((1, D), lambda i: (0, 0))


def _body1(parts, h, w1, b1, epsv, h1_out, stats):
    pooled = parts[0] + parts[1] + epsv[0, 0] * h[...]
    h1 = jnp.dot(pooled, w1[...], preferred_element_type=jnp.float32) + b1[...]
    h1_out[...] = h1

    @pl.when(pl.program_id(0) == 0)
    def _():
        stats[...] = jnp.zeros_like(stats)

    stats[0:1, :] += jnp.sum(h1, axis=0, keepdims=True)
    stats[1:2, :] += jnp.sum(h1 * h1, axis=0, keepdims=True)


_call1 = pl.pallas_call(
    _body1,
    grid=(NB,),
    in_specs=[
        pl.BlockSpec((NC, RB, D), lambda i: (0, i, 0)),
        pl.BlockSpec((RB, D), lambda i: (i, 0)),
        pl.BlockSpec((D, D), lambda i: (0, 0)),
        _vspec(),
        pl.BlockSpec(memory_space=pltpu.SMEM),
    ],
    out_specs=[
        pl.BlockSpec((RB, D), lambda i: (i, 0)),
        pl.BlockSpec((8, D), lambda i: (0, 0)),
    ],
    out_shape=[
        jax.ShapeDtypeStruct((N, D), jnp.float32),
        jax.ShapeDtypeStruct((8, D), jnp.float32),
    ],
)


def _body2(h1, stats, w2, b2, g1, be1, rep_out, stats2):
    mu = stats[0:1, :] * (1.0 / N)
    var = stats[1:2, :] * (1.0 / N) - mu * mu
    inv = lax.rsqrt(var + 1e-5)
    h1n = jnp.maximum((h1[...] - mu) * inv * g1[...] + be1[...], 0.0)
    rep = jnp.dot(h1n, w2[...], preferred_element_type=jnp.float32) + b2[...]
    rep_out[...] = rep

    @pl.when(pl.program_id(0) == 0)
    def _():
        stats2[...] = jnp.zeros_like(stats2)

    stats2[0:1, :] += jnp.sum(rep, axis=0, keepdims=True)
    stats2[1:2, :] += jnp.sum(rep * rep, axis=0, keepdims=True)


_call2 = pl.pallas_call(
    _body2,
    grid=(NB,),
    in_specs=[
        pl.BlockSpec((RB, D), lambda i: (i, 0)),
        pl.BlockSpec((8, D), lambda i: (0, 0)),
        pl.BlockSpec((D, D), lambda i: (0, 0)),
        _vspec(),
        _vspec(),
        _vspec(),
    ],
    out_specs=[
        pl.BlockSpec((RB, D), lambda i: (i, 0)),
        pl.BlockSpec((8, D), lambda i: (0, 0)),
    ],
    out_shape=[
        jax.ShapeDtypeStruct((N, D), jnp.float32),
        jax.ShapeDtypeStruct((8, D), jnp.float32),
    ],
)


def _body3(rep, stats2, g2, be2, h_out):
    mu = stats2[0:1, :] * (1.0 / N)
    var = stats2[1:2, :] * (1.0 / N) - mu * mu
    inv = lax.rsqrt(var + 1e-5)
    h_out[...] = jnp.maximum((rep[...] - mu) * inv * g2[...] + be2[...], 0.0)


_call3 = pl.pallas_call(
    _body3,
    grid=(NB,),
    in_specs=[
        pl.BlockSpec((RB, D), lambda i: (i, 0)),
        pl.BlockSpec((8, D), lambda i: (0, 0)),
        _vspec(),
        _vspec(),
    ],
    out_specs=pl.BlockSpec((RB, D), lambda i: (i, 0)),
    out_shape=jax.ShapeDtypeStruct((N, D), jnp.float32),
)


def _body4(rep, stats2, g2, be2, gids, out):
    mu = stats2[0:1, :] * (1.0 / N)
    var = stats2[1:2, :] * (1.0 / N) - mu * mu
    inv = lax.rsqrt(var + 1e-5)
    h = jnp.maximum((rep[...] - mu) * inv * g2[...] + be2[...], 0.0)

    @pl.when(pl.program_id(0) == 0)
    def _():
        out[...] = jnp.zeros_like(out)

    g = gids[...]
    rows = []
    for b in range(B):
        m = (g == b).astype(jnp.float32)
        rows.append(jnp.sum(h * m, axis=0, keepdims=True))
    out[...] += jnp.concatenate(rows, axis=0)


_call4 = pl.pallas_call(
    _body4,
    grid=(NB,),
    in_specs=[
        pl.BlockSpec((RB, D), lambda i: (i, 0)),
        pl.BlockSpec((8, D), lambda i: (0, 0)),
        _vspec(),
        _vspec(),
        pl.BlockSpec((RB, 1), lambda i: (i, 0)),
    ],
    out_specs=pl.BlockSpec((B, D), lambda i: (0, 0)),
    out_shape=jax.ShapeDtypeStruct((B, D), jnp.float32),
)


def kernel(x, edge_index, graph_ids, eps, W1, B1, W2, B2, G1, Be1, G2, Be2):
    dst = edge_index[0]
    src = edge_index[1]
    pad = EPAD - E
    src_p = jnp.concatenate([src, jnp.zeros((pad,), jnp.int32)]
                            ).reshape(NW, NCH, K)
    dst_p = jnp.concatenate([dst, jnp.full((pad,), N, jnp.int32)]
                            ).reshape(NW, NCH, K)
    sd_p = jnp.stack([src_p, dst_p], axis=2)
    zeros_acc = jnp.zeros((NACC, D), jnp.float32)
    gids = graph_ids.reshape(N, 1)

    h = x
    out = None
    for l in range(L):
        parts = _get_spmm()(h, sd_p, zeros_acc)
        epsv = (1.0 + eps[l]).reshape(1, 1)
        h1, s1 = _call1(parts, h, W1[l], B1[l].reshape(1, D), epsv)
        rep, s2 = _call2(h1, s1, W2[l], B2[l].reshape(1, D),
                         G1[l].reshape(1, D), Be1[l].reshape(1, D))
        if l < L - 1:
            h = _call3(rep, s2, G2[l].reshape(1, D), Be2[l].reshape(1, D))
        else:
            out = _call4(rep, s2, G2[l].reshape(1, D), Be2[l].reshape(1, D), gids)
    return out

# --- scband reference (transcript-rebuilt; emitter-appended) ---
"""Pipeline reference for scband-graph-cnn-12962211299360 (READ-ONLY COPY).

The authoritative reference and input builder live on the scoring server;
editing this copy changes nothing except your own understanding.
"""

import jax, jax.numpy as jnp
import numpy as np

N = 10000   # total nodes across batch
E = 320000  # edges
D = 128     # input_dim = hidden_dim = 128
L = 4       # num_layers - 1 message passing layers
B = 8       # number of graphs in the batch


def _bn(h, gamma, beta):
    # BatchNorm1d in training mode: batch statistics over node dim
    mu = h.mean(axis=0)
    var = h.var(axis=0)
    return (h - mu) / jnp.sqrt(var + 1e-5) * gamma + beta


def setup_inputs(seed: int = 0) -> dict:
    key = jax.random.key(seed)
    ks = jax.random.split(key, 10)
    x = jax.random.normal(ks[0], (N, D), dtype=jnp.float32)
    edge_index = jax.random.randint(ks[1], (2, E), 0, N, dtype=jnp.int32)
    graph_ids = jnp.sort(jax.random.randint(ks[2], (N,), 0, B, dtype=jnp.int32))
    # learned params: eps per layer; per-layer 2-layer MLP (Linear->BN->ReLU->Linear)
    # followed by an outer BatchNorm. Stacked over L layers (all dims equal = D).
    eps = jnp.zeros((L,), dtype=jnp.float32)
    W1 = jax.random.normal(ks[3], (L, D, D), dtype=jnp.float32) * (1.0 / np.sqrt(D))
    B1 = jnp.zeros((L, D), dtype=jnp.float32)
    W2 = jax.random.normal(ks[4], (L, D, D), dtype=jnp.float32) * (1.0 / np.sqrt(D))
    B2 = jnp.zeros((L, D), dtype=jnp.float32)
    G1 = jnp.ones((L, D), dtype=jnp.float32)   # MLP-internal BN gamma
    Be1 = jnp.zeros((L, D), dtype=jnp.float32) # MLP-internal BN beta
    G2 = jnp.ones((L, D), dtype=jnp.float32)   # outer BN gamma
    Be2 = jnp.zeros((L, D), dtype=jnp.float32) # outer BN beta
    return {
        "x": x, "edge_index": edge_index, "graph_ids": graph_ids,
        "eps": eps, "W1": W1, "B1": B1, "W2": W2, "B2": B2,
        "G1": G1, "Be1": Be1, "G2": G2, "Be2": Be2,
    }


def reference(x, edge_index, graph_ids, eps, W1, B1, W2, B2, G1, Be1, G2, Be2):
    dst = edge_index[0]
    src = edge_index[1]
    h = x
    for l in range(L):
        # pooled = spmm(Adj_block, h): sum of neighbor features (sum pooling)
        msgs = jnp.take(h, src, axis=0)
        pooled = jax.ops.segment_sum(msgs, dst, num_segments=N)
        # learn_eps=True: pooled = pooled + (1 + eps[layer]) * h
        pooled = pooled + (1.0 + eps[l]) * h
        # MLP: Linear -> BN -> ReLU -> Linear
        h1 = pooled @ W1[l] + B1[l]
        h1 = jax.nn.relu(_bn(h1, G1[l], Be1[l]))
        rep = h1 @ W2[l] + B2[l]
        # outer BatchNorm + ReLU
        h = jax.nn.relu(_bn(rep, G2[l], Be2[l]))
    # graph_pool (sum pooling): spmm(graph_pool, h) == segment_sum over graph ids
    out = jax.ops.segment_sum(h, graph_ids, num_segments=B)
    return out

if __name__ == "__main__":
    import jax
    _d = setup_inputs()
    print(jax.jit(kernel)(*tuple(_d.values())))

</pallas_src>

<mosaic_0001>
#map = affine_map<(d0, d1) -> (0, 0)>
#map1 = affine_map<(d0, d1) -> (0, 0, 0, 0)>
#map2 = affine_map<(d0, d1) -> (0, 0, 0)>
module attributes {stable_mosaic.version = 14 : i64} {
  func.func @_spmm(%arg0: i32, %arg1: i32, %arg2: memref<10000x128xf32, #tpu.memory_space<hbm>>, %arg3: memref<32x79x2x128xi32, #tpu.memory_space<hbm>>, %arg4: memref<10008x128xf32, #tpu.memory_space<hbm>>, %arg5: memref<2x10008x128xf32, #tpu.memory_space<hbm>>, %arg6: memref<6x2x128xi32, #tpu.memory_space<vmem>>, %arg7: memref<3x128x128xf32, #tpu.memory_space<vmem>>, %arg8: memref<10008x128xf32, #tpu.memory_space<vmem_shared>>, %arg9: memref<6x!tpu.dma_semaphore, #tpu.memory_space<semaphore_mem>>, %arg10: memref<3x!tpu.dma_semaphore, #tpu.memory_space<semaphore_mem>>, %arg11: memref<3x!tpu.dma_semaphore, #tpu.memory_space<semaphore_mem>>) attributes {dimension_semantics = [#tpu.dimension_semantics<core_parallel>, #tpu.dimension_semantics<subcore_parallel>], iteration_bounds = array<i64: 2, 16>, scalar_prefetch = 0 : i64, scratch_operands = 6 : i64, tpu.core_type = #tpu.core_type<sc_vector_subcore>, window_params = [{transform_indices = #map}, {transform_indices = #map1}, {transform_indices = #map}, {transform_indices = #map2}]} {
    %mul3A = arith.constant 16 : i32
    %mul3A_0 = arith.muli %arg0, %mul3A : i32
    %add3A = arith.addi %mul3A_0, %arg1 : i32
    %mul3A_1 = arith.constant 624 : i32
    %mul3A_2 = arith.muli %arg1, %mul3A_1 : i32
    %lt3A = arith.constant 15 : i32
    %lt3A_3 = arith.cmpi slt, %arg1, %lt3A : i32
    %convert_element_type3A = arith.extui %lt3A_3 : i1 to i32
    %cond3A = arith.constant 0 : i32
    %cond3A_4 = arith.cmpi ne, %convert_element_type3A, %cond3A : i32
    scf.if %cond3A_4 {
      "tpu.region"() ({
        %run_scoped3A_169 = tpu.sem_alloc : memref<!tpu.dma_semaphore, #tpu.memory_space<semaphore_mem>>
        %dma_start3A_170 = arith.constant 0 : i32
        %dma_start3A_171 = tpu.memref_slice %arg8[%mul3A_2, %dma_start3A_170] : memref<10008x128xf32, #tpu.memory_space<vmem_shared>> -> memref<624x128xf32, #tpu.memory_space<vmem_shared>>
        %dma_start3A_172 = arith.constant 0 : i32
        %dma_start3A_173 = tpu.memref_slice %arg4[%mul3A_2, %dma_start3A_172] : memref<10008x128xf32, #tpu.memory_space<hbm>> -> memref<624x128xf32, #tpu.memory_space<hbm>>
        tpu.enqueue_dma source(%dma_start3A_173 : memref<624x128xf32, #tpu.memory_space<hbm>>) target(%dma_start3A_171 : memref<624x128xf32, #tpu.memory_space<vmem_shared>>) target_semaphore(%run_scoped3A_169 : memref<!tpu.dma_semaphore, #tpu.memory_space<semaphore_mem>>)
        %dma_wait3A_174 = arith.constant 0 : i32
        %dma_wait3A_175 = tpu.memref_slice %arg8[%mul3A_2, %dma_wait3A_174] : memref<10008x128xf32, #tpu.memory_space<vmem_shared>> -> memref<624x128xf32, #tpu.memory_space<vmem_shared>>
        %dma_wait3A_176 = arith.constant 0 : i32
        %dma_wait3A_177 = tpu.memref_slice %arg4[%mul3A_2, %dma_wait3A_176] : memref<10008x128xf32, #tpu.memory_space<hbm>> -> memref<624x128xf32, #tpu.memory_space<hbm>>
        tpu.wait_dma2 semaphore(%run_scoped3A_169 : memref<!tpu.dma_semaphore, #tpu.memory_space<semaphore_mem>>) src(%dma_wait3A_177 : memref<624x128xf32, #tpu.memory_space<hbm>>) dst(%dma_wait3A_175 : memref<624x128xf32, #tpu.memory_space<vmem_shared>>)
        tpu.yield
      }) : () -> ()
    } else {
    }
    %eq3A = arith.constant 15 : i32
    %eq3A_5 = arith.cmpi eq, %arg1, %eq3A : i32
    %convert_element_type3A_6 = arith.extui %eq3A_5 : i1 to i32
    %cond3A_7 = arith.constant 0 : i32
    %cond3A_8 = arith.cmpi ne, %convert_element_type3A_6, %cond3A_7 : i32
    scf.if %cond3A_8 {
      "tpu.region"() ({
        %run_scoped3A_169 = tpu.sem_alloc : memref<!tpu.dma_semaphore, #tpu.memory_space<semaphore_mem>>
        %dma_start3A_170 = arith.constant 9360 : i32
        %dma_start3A_171 = arith.constant 0 : i32
        %dma_start3A_172 = tpu.memref_slice %arg8[%dma_start3A_170, %dma_start3A_171] : memref<10008x128xf32, #tpu.memory_space<vmem_shared>> -> memref<648x128xf32, #tpu.memory_space<vmem_shared>>
        %dma_start3A_173 = arith.constant 9360 : i32
        %dma_start3A_174 = arith.constant 0 : i32
        %dma_start3A_175 = tpu.memref_slice %arg4[%dma_start3A_173, %dma_start3A_174] : memref<10008x128xf32, #tpu.memory_space<hbm>> -> memref<648x128xf32, #tpu.memory_space<hbm>>
        tpu.enqueue_dma source(%dma_start3A_175 : memref<648x128xf32, #tpu.memory_space<hbm>>) target(%dma_start3A_172 : memref<648x128xf32, #tpu.memory_space<vmem_shared>>) target_semaphore(%run_scoped3A_169 : memref<!tpu.dma_semaphore, #tpu.memory_space<semaphore_mem>>)
        %dma_wait3A_176 = arith.constant 9360 : i32
        %dma_wait3A_177 = arith.constant 0 : i32
        %dma_wait3A_178 = tpu.memref_slice %arg8[%dma_wait3A_176, %dma_wait3A_177] : memref<10008x128xf32, #tpu.memory_space<vmem_shared>> -> memref<648x128xf32, #tpu.memory_space<vmem_shared>>
        %dma_wait3A_179 = arith.constant 9360 : i32
        %dma_wait3A_180 = arith.constant 0 : i32
        %dma_wait3A_181 = tpu.memref_slice %arg4[%dma_wait3A_179, %dma_wait3A_180] : memref<10008x128xf32, #tpu.memory_space<hbm>> -> memref<648x128xf32, #tpu.memory_space<hbm>>
        tpu.wait_dma2 semaphore(%run_scoped3A_169 : memref<!tpu.dma_semaphore, #tpu.memory_space<semaphore_mem>>) src(%dma_wait3A_181 : memref<648x128xf32, #tpu.memory_space<hbm>>) dst(%dma_wait3A_178 : memref<648x128xf32, #tpu.memory_space<vmem_shared>>)
        tpu.yield
      }) : () -> ()
    } else {
    }
    %barrier3A = arith.constant 0 : index
    tpu.barrier barrier_id(%barrier3A)
    %run_scoped3A = arith.constant 0 : i32
    %run_scoped3A_9 = arith.constant 0 : i32
    "tpu.region"() ({
      %run_scoped3A_169 = tpu.sem_alloc : memref<!tpu.dma_semaphore, #tpu.memory_space<semaphore_mem>>
      %dma_start3A_170 = arith.constant 0 : i32
      %dma_start3A_171 = arith.constant 0 : i32
      %dma_start3A_172 = tpu.memref_slice %arg6[%run_scoped3A_9, %dma_start3A_170, %dma_start3A_171] : memref<6x2x128xi32, #tpu.memory_space<vmem>> -> memref<1x2x128xi32, #tpu.memory_space<vmem>>
      %dma_start3A_173 = tpu.memref_squeeze %dma_start3A_172 : memref<1x2x128xi32, #tpu.memory_space<vmem>> -> memref<2x128xi32, #tpu.memory_space<vmem>>
      %dma_start3A_174 = arith.constant 0 : i32
      %dma_start3A_175 = arith.constant 0 : i32
      %dma_start3A_176 = tpu.memref_slice %arg3[%add3A, %run_scoped3A, %dma_start3A_174, %dma_start3A_175] : memref<32x79x2x128xi32, #tpu.memory_space<hbm>> -> memref<1x1x2x128xi32, #tpu.memory_space<hbm>>
      %dma_start3A_177 = tpu.memref_squeeze %dma_start3A_176 : memref<1x1x2x128xi32, #tpu.memory_space<hbm>> -> memref<2x128xi32, #tpu.memory_space<hbm>>
      %dma_start3A_178 = arith.constant 0 : i32
      %dma_start3A_179 = arith.constant 0 : i32
      %dma_start3A_180 = tpu.memref_slice %arg6[%run_scoped3A_9, %dma_start3A_178, %dma_start3A_179] : memref<6x2x128xi32, #tpu.memory_space<vmem>> -> memref<1x2x128xi32, #tpu.memory_space<vmem>>
      %dma_start3A_181 = tpu.memref_squeeze %dma_start3A_180 : memref<1x2x128xi32, #tpu.memory_space<vmem>> -> memref<2x128xi32, #tpu.memory_space<vmem>>
      %dma_start3A_182 = arith.constant 0 : i32
      %dma_start3A_183 = arith.constant 0 : i32
      %dma_start3A_184 = tpu.memref_slice %arg3[%add3A, %run_scoped3A, %dma_start3A_182, %dma_start3A_183] : memref<32x79x2x128xi32, #tpu.memory_space<hbm>> -> memref<1x1x2x128xi32, #tpu.memory_space<hbm>>
      %dma_start3A_185 = tpu.memref_squeeze %dma_start3A_184 : memref<1x1x2x128xi32, #tpu.memory_space<hbm>> -> memref<2x128xi32, #tpu.memory_space<hbm>>
      tpu.enqueue_dma source(%dma_start3A_185 : memref<2x128xi32, #tpu.memory_space<hbm>>) target(%dma_start3A_181 : memref<2x128xi32, #tpu.memory_space<vmem>>) target_semaphore(%run_scoped3A_169 : memref<!tpu.dma_semaphore, #tpu.memory_space<semaphore_mem>>)
      %dma_wait3A_186 = arith.constant 0 : i32
      %dma_wait3A_187 = arith.constant 0 : i32
      %dma_wait3A_188 = tpu.memref_slice %arg6[%run_scoped3A_9, %dma_wait3A_186, %dma_wait3A_187] : memref<6x2x128xi32, #tpu.memory_space<vmem>> -> memref<1x2x128xi32, #tpu.memory_space<vmem>>
      %dma_wait3A_189 = tpu.memref_squeeze %dma_wait3A_188 : memref<1x2x128xi32, #tpu.memory_space<vmem>> -> memref<2x128xi32, #tpu.memory_space<vmem>>
      %dma_wait3A_190 = arith.constant 0 : i32
      %dma_wait3A_191 = arith.constant 0 : i32
      %dma_wait3A_192 = tpu.memref_slice %arg3[%add3A, %run_scoped3A, %dma_wait3A_190, %dma_wait3A_191] : memref<32x79x2x128xi32, #tpu.memory_space<hbm>> -> memref<1x1x2x128xi32, #tpu.memory_space<hbm>>
      %dma_wait3A_193 = tpu.memref_squeeze %dma_wait3A_192 : memref<1x1x2x128xi32, #tpu.memory_space<hbm>> -> memref<2x128xi32, #tpu.memory_space<hbm>>
      %dma_wait3A_194 = arith.constant 0 : i32
      %dma_wait3A_195 = arith.constant 0 : i32
      %dma_wait3A_196 = tpu.memref_slice %arg6[%run_scoped3A_9, %dma_wait3A_194, %dma_wait3A_195] : memref<6x2x128xi32, #tpu.memory_space<vmem>> -> memref<1x2x128xi32, #tpu.memory_space<vmem>>
      %dma_wait3A_197 = tpu.memref_squeeze %dma_wait3A_196 : memref<1x2x128xi32, #tpu.memory_space<vmem>> -> memref<2x128xi32, #tpu.memory_space<vmem>>
      %dma_wait3A_198 = arith.constant 0 : i32
      %dma_wait3A_199 = arith.constant 0 : i32
      %dma_wait3A_200 = tpu.memref_slice %arg3[%add3A, %run_scoped3A, %dma_wait3A_198, %dma_wait3A_199] : memref<32x79x2x128xi32, #tpu.memory_space<hbm>> -> memref<1x1x2x128xi32, #tpu.memory_space<hbm>>
      %dma_wait3A_201 = tpu.memref_squeeze %dma_wait3A_200 : memref<1x1x2x128xi32, #tpu.memory_space<hbm>> -> memref<2x128xi32, #tpu.memory_space<hbm>>
      tpu.wait_dma2 semaphore(%run_scoped3A_169 : memref<!tpu.dma_semaphore, #tpu.memory_space<semaphore_mem>>) src(%dma_wait3A_201 : memref<2x128xi32, #tpu.memory_space<hbm>>) dst(%dma_wait3A_197 : memref<2x128xi32, #tpu.memory_space<vmem>>)
      tpu.yield
    }) : () -> ()
    %run_scoped3A_10 = arith.constant 1 : i32
    %run_scoped3A_11 = arith.constant 1 : i32
    "tpu.region"() ({
      %run_scoped3A_169 = tpu.sem_alloc : memref<!tpu.dma_semaphore, #tpu.memory_space<semaphore_mem>>
      %dma_start3A_170 = arith.constant 0 : i32
      %dma_start3A_171 = arith.constant 0 : i32
      %dma_start3A_172 = tpu.memref_slice %arg6[%run_scoped3A_11, %dma_start3A_170, %dma_start3A_171] : memref<6x2x128xi32, #tpu.memory_space<vmem>> -> memref<1x2x128xi32, #tpu.memory_space<vmem>>
      %dma_start3A_173 = tpu.memref_squeeze %dma_start3A_172 : memref<1x2x128xi32, #tpu.memory_space<vmem>> -> memref<2x128xi32, #tpu.memory_space<vmem>>
      %dma_start3A_174 = arith.constant 0 : i32
      %dma_start3A_175 = arith.constant 0 : i32
      %dma_start3A_176 = tpu.memref_slice %arg3[%add3A, %run_scoped3A_10, %dma_start3A_174, %dma_start3A_175] : memref<32x79x2x128xi32, #tpu.memory_space<hbm>> -> memref<1x1x2x128xi32, #tpu.memory_space<hbm>>
      %dma_start3A_177 = tpu.memref_squeeze %dma_start3A_176 : memref<1x1x2x128xi32, #tpu.memory_space<hbm>> -> memref<2x128xi32, #tpu.memory_space<hbm>>
      %dma_start3A_178 = arith.constant 0 : i32
      %dma_start3A_179 = arith.constant 0 : i32
      %dma_start3A_180 = tpu.memref_slice %arg6[%run_scoped3A_11, %dma_start3A_178, %dma_start3A_179] : memref<6x2x128xi32, #tpu.memory_space<vmem>> -> memref<1x2x128xi32, #tpu.memory_space<vmem>>
      %dma_start3A_181 = tpu.memref_squeeze %dma_start3A_180 : memref<1x2x128xi32, #tpu.memory_space<vmem>> -> memref<2x128xi32, #tpu.memory_space<vmem>>
      %dma_start3A_182 = arith.constant 0 : i32
      %dma_start3A_183 = arith.constant 0 : i32
      %dma_start3A_184 = tpu.memref_slice %arg3[%add3A, %run_scoped3A_10, %dma_start3A_182, %dma_start3A_183] : memref<32x79x2x128xi32, #tpu.memory_space<hbm>> -> memref<1x1x2x128xi32, #tpu.memory_space<hbm>>
      %dma_start3A_185 = tpu.memref_squeeze %dma_start3A_184 : memref<1x1x2x128xi32, #tpu.memory_space<hbm>> -> memref<2x128xi32, #tpu.memory_space<hbm>>
      tpu.enqueue_dma source(%dma_start3A_185 : memref<2x128xi32, #tpu.memory_space<hbm>>) target(%dma_start3A_181 : memref<2x128xi32, #tpu.memory_space<vmem>>) target_semaphore(%run_scoped3A_169 : memref<!tpu.dma_semaphore, #tpu.memory_space<semaphore_mem>>)
      %dma_wait3A_186 = arith.constant 0 : i32
      %dma_wait3A_187 = arith.constant 0 : i32
      %dma_wait3A_188 = tpu.memref_slice %arg6[%run_scoped3A_11, %dma_wait3A_186, %dma_wait3A_187] : memref<6x2x128xi32, #tpu.memory_space<vmem>> -> memref<1x2x128xi32, #tpu.memory_space<vmem>>
      %dma_wait3A_189 = tpu.memref_squeeze %dma_wait3A_188 : memref<1x2x128xi32, #tpu.memory_space<vmem>> -> memref<2x128xi32, #tpu.memory_space<vmem>>
      %dma_wait3A_190 = arith.constant 0 : i32
      %dma_wait3A_191 = arith.constant 0 : i32
      %dma_wait3A_192 = tpu.memref_slice %arg3[%add3A, %run_scoped3A_10, %dma_wait3A_190, %dma_wait3A_191] : memref<32x79x2x128xi32, #tpu.memory_space<hbm>> -> memref<1x1x2x128xi32, #tpu.memory_space<hbm>>
      %dma_wait3A_193 = tpu.memref_squeeze %dma_wait3A_192 : memref<1x1x2x128xi32, #tpu.memory_space<hbm>> -> memref<2x128xi32, #tpu.memory_space<hbm>>
      %dma_wait3A_194 = arith.constant 0 : i32
      %dma_wait3A_195 = arith.constant 0 : i32
      %dma_wait3A_196 = tpu.memref_slice %arg6[%run_scoped3A_11, %dma_wait3A_194, %dma_wait3A_195] : memref<6x2x128xi32, #tpu.memory_space<vmem>> -> memref<1x2x128xi32, #tpu.memory_space<vmem>>
      %dma_wait3A_197 = tpu.memref_squeeze %dma_wait3A_196 : memref<1x2x128xi32, #tpu.memory_space<vmem>> -> memref<2x128xi32, #tpu.memory_space<vmem>>
      %dma_wait3A_198 = arith.constant 0 : i32
      %dma_wait3A_199 = arith.constant 0 : i32
      %dma_wait3A_200 = tpu.memref_slice %arg3[%add3A, %run_scoped3A_10, %dma_wait3A_198, %dma_wait3A_199] : memref<32x79x2x128xi32, #tpu.memory_space<hbm>> -> memref<1x1x2x128xi32, #tpu.memory_space<hbm>>
      %dma_wait3A_201 = tpu.memref_squeeze %dma_wait3A_200 : memref<1x1x2x128xi32, #tpu.memory_space<hbm>> -> memref<2x128xi32, #tpu.memory_space<hbm>>
      tpu.wait_dma2 semaphore(%run_scoped3A_169 : memref<!tpu.dma_semaphore, #tpu.memory_space<semaphore_mem>>) src(%dma_wait3A_201 : memref<2x128xi32, #tpu.memory_space<hbm>>) dst(%dma_wait3A_197 : memref<2x128xi32, #tpu.memory_space<vmem>>)
      tpu.yield
    }) : () -> ()
    %dma_start3A = arith.constant 0 : i32
    %dma_start3A_12 = arith.constant 0 : i32
    %dma_start3A_13 = arith.constant 0 : i32
    %dma_start3A_14 = arith.constant 0 : i32
    %dma_start3A_15 = arith.constant 0 : i32
    %dma_start3A_16 = arith.constant 0 : i32
    %dma_start3A_17 = tpu.memref_slice %arg7[%dma_start3A_13, %dma_start3A_15, %dma_start3A_16] : memref<3x128x128xf32, #tpu.memory_space<vmem>> -> memref<1x128x128xf32, #tpu.memory_space<vmem>>
    %dma_start3A_18 = tpu.memref_squeeze %dma_start3A_17 : memref<1x128x128xf32, #tpu.memory_space<vmem>> -> memref<128x128xf32, #tpu.memory_space<vmem>>
    %dma_start3A_19 = arith.constant 0 : i32
    %dma_start3A_20 = tpu.memref_slice %arg6[%dma_start3A, %dma_start3A_12, %dma_start3A_19] : memref<6x2x128xi32, #tpu.memory_space<vmem>> -> memref<1x1x128xi32, #tpu.memory_space<vmem>>
    %dma_start3A_21 = tpu.memref_squeeze %dma_start3A_20 : memref<1x1x128xi32, #tpu.memory_space<vmem>> -> memref<128xi32, #tpu.memory_space<vmem>>
    %dma_start3A_22 = arith.constant 0 : i32
    %dma_start3A_23 = arith.constant 0 : i32
    %dma_start3A_24 = tpu.memref_slice %arg2[%dma_start3A_22, %dma_start3A_23] : memref<10000x128xf32, #tpu.memory_space<hbm>> -> memref<10000x128xf32, #tpu.memory_space<hbm>>
    %dma_start3A_25 = tpu.memref_slice %arg10[%dma_start3A_14] : memref<3x!tpu.dma_semaphore, #tpu.memory_space<semaphore_mem>> -> memref<1x!tpu.dma_semaphore, #tpu.memory_space<semaphore_mem>>
    %dma_start3A_26 = tpu.memref_squeeze %dma_start3A_25 : memref<1x!tpu.dma_semaphore, #tpu.memory_space<semaphore_mem>> -> memref<!tpu.dma_semaphore, #tpu.memory_space<semaphore_mem>>
    tpu.enqueue_indirect_dma source(%dma_start3A_24 : memref<10000x128xf32, #tpu.memory_space<hbm>>) target(%dma_start3A_18 : memref<128x128xf32, #tpu.memory_space<vmem>>) offsets(%dma_start3A_21 : memref<128xi32, #tpu.memory_space<vmem>>) semaphore(%dma_start3A_26 : memref<!tpu.dma_semaphore, #tpu.memory_space<semaphore_mem>>)
    %dma_start3A_27 = arith.constant 1 : i32
    %dma_start3A_28 = arith.constant 0 : i32
    %dma_start3A_29 = arith.constant 1 : i32
    %dma_start3A_30 = arith.constant 1 : i32
    %dma_start3A_31 = arith.constant 0 : i32
    %dma_start3A_32 = arith.constant 0 : i32
    %dma_start3A_33 = tpu.memref_slice %arg7[%dma_start3A_29, %dma_start3A_31, %dma_start3A_32] : memref<3x128x128xf32, #tpu.memory_space<vmem>> -> memref<1x128x128xf32, #tpu.memory_space<vmem>>
    %dma_start3A_34 = tpu.memref_squeeze %dma_start3A_33 : memref<1x128x128xf32, #tpu.memory_space<vmem>> -> memref<128x128xf32, #tpu.memory_space<vmem>>
    %dma_start3A_35 = arith.constant 0 : i32
    %dma_start3A_36 = tpu.memref_slice %arg6[%dma_start3A_27, %dma_start3A_28, %dma_start3A_35] : memref<6x2x128xi32, #tpu.memory_space<vmem>> -> memref<1x1x128xi32, #tpu.memory_space<vmem>>
    %dma_start3A_37 = tpu.memref_squeeze %dma_start3A_36 : memref<1x1x128xi32, #tpu.memory_space<vmem>> -> memref<128xi32, #tpu.memory_space<vmem>>
    %dma_start3A_38 = arith.constant 0 : i32
    %dma_start3A_39 = arith.constant 0 : i32
    %dma_start3A_40 = tpu.memref_slice %arg2[%dma_start3A_38, %dma_start3A_39] : memref<10000x128xf32, #tpu.memory_space<hbm>> -> memref<10000x128xf32, #tpu.memory_space<hbm>>
    %dma_start3A_41 = tpu.memref_slice %arg10[%dma_start3A_30] : memref<3x!tpu.dma_semaphore, #tpu.memory_space<semaphore_mem>> -> memref<1x!tpu.dma_semaphore, #tpu.memory_space<semaphore_mem>>
    %dma_start3A_42 = tpu.memref_squeeze %dma_start3A_41 : memref<1x!tpu.dma_semaphore, #tpu.memory_space<semaphore_mem>> -> memref<!tpu.dma_semaphore, #tpu.memory_space<semaphore_mem>>
    tpu.enqueue_indirect_dma source(%dma_start3A_40 : memref<10000x128xf32, #tpu.memory_space<hbm>>) target(%dma_start3A_34 : memref<128x128xf32, #tpu.memory_space<vmem>>) offsets(%dma_start3A_37 : memref<128xi32, #tpu.memory_space<vmem>>) semaphore(%dma_start3A_42 : memref<!tpu.dma_semaphore, #tpu.memory_space<semaphore_mem>>)
    %dma_start3A_43 = arith.constant 2 : i32
    %dma_start3A_44 = arith.constant 2 : i32
    %dma_start3A_45 = arith.constant 2 : i32
    %dma_start3A_46 = arith.constant 0 : i32
    %dma_start3A_47 = arith.constant 0 : i32
    %dma_start3A_48 = tpu.memref_slice %arg6[%dma_start3A_44, %dma_start3A_46, %dma_start3A_47] : memref<6x2x128xi32, #tpu.memory_space<vmem>> -> memref<1x2x128xi32, #tpu.memory_space<vmem>>
    %dma_start3A_49 = tpu.memref_squeeze %dma_start3A_48 : memref<1x2x128xi32, #tpu.memory_space<vmem>> -> memref<2x128xi32, #tpu.memory_space<vmem>>
    %dma_start3A_50 = arith.constant 0 : i32
    %dma_start3A_51 = arith.constant 0 : i32
    %dma_start3A_52 = tpu.memref_slice %arg3[%add3A, %dma_start3A_43, %dma_start3A_50, %dma_start3A_51] : memref<32x79x2x128xi32, #tpu.memory_space<hbm>> -> memref<1x1x2x128xi32, #tpu.memory_space<hbm>>
    %dma_start3A_53 = tpu.memref_squeeze %dma_start3A_52 : memref<1x1x2x128xi32, #tpu.memory_space<hbm>> -> memref<2x128xi32, #tpu.memory_space<hbm>>
    %dma_start3A_54 = tpu.memref_slice %arg9[%dma_start3A_45] : memref<6x!tpu.dma_semaphore, #tpu.memory_space<semaphore_mem>> -> memref<1x!tpu.dma_semaphore, #tpu.memory_space<semaphore_mem>>
    %dma_start3A_55 = tpu.memref_squeeze %dma_start3A_54 : memref<1x!tpu.dma_semaphore, #tpu.memory_space<semaphore_mem>> -> memref<!tpu.dma_semaphore, #tpu.memory_space<semaphore_mem>>
    %dma_start3A_56 = arith.constant 0 : i32
    %dma_start3A_57 = arith.constant 0 : i32
    %dma_start3A_58 = tpu.memref_slice %arg6[%dma_start3A_44, %dma_start3A_56, %dma_start3A_57] : memref<6x2x128xi32, #tpu.memory_space<vmem>> -> memref<1x2x128xi32, #tpu.memory_space<vmem>>
    %dma_start3A_59 = tpu.memref_squeeze %dma_start3A_58 : memref<1x2x128xi32, #tpu.memory_space<vmem>> -> memref<2x128xi32, #tpu.memory_space<vmem>>
    %dma_start3A_60 = arith.constant 0 : i32
    %dma_start3A_61 = arith.constant 0 : i32
    %dma_start3A_62 = tpu.memref_slice %arg3[%add3A, %dma_start3A_43, %dma_start3A_60, %dma_start3A_61] : memref<32x79x2x128xi32, #tpu.memory_space<hbm>> -> memref<1x1x2x128xi32, #tpu.memory_space<hbm>>
    %dma_start3A_63 = tpu.memref_squeeze %dma_start3A_62 : memref<1x1x2x128xi32, #tpu.memory_space<hbm>> -> memref<2x128xi32, #tpu.memory_space<hbm>>
    tpu.enqueue_dma source(%dma_start3A_63 : memref<2x128xi32, #tpu.memory_space<hbm>>) target(%dma_start3A_59 : memref<2x128xi32, #tpu.memory_space<vmem>>) target_semaphore(%dma_start3A_55 : memref<!tpu.dma_semaphore, #tpu.memory_space<semaphore_mem>>)
    %dma_start3A_64 = arith.constant 3 : i32
    %dma_start3A_65 = arith.constant 3 : i32
    %dma_start3A_66 = arith.constant 3 : i32
    %dma_start3A_67 = arith.constant 0 : i32
    %dma_start3A_68 = arith.constant 0 : i32
    %dma_start3A_69 = tpu.memref_slice %arg6[%dma_start3A_65, %dma_start3A_67, %dma_start3A_68] : memref<6x2x128xi32, #tpu.memory_space<vmem>> -> memref<1x2x128xi32, #tpu.memory_space<vmem>>
    %dma_start3A_70 = tpu.memref_squeeze %dma_start3A_69 : memref<1x2x128xi32, #tpu.memory_space<vmem>> -> memref<2x128xi32, #tpu.memory_space<vmem>>
    %dma_start3A_71 = arith.constant 0 : i32
    %dma_start3A_72 = arith.constant 0 : i32
    %dma_start3A_73 = tpu.memref_slice %arg3[%add3A, %dma_start3A_64, %dma_start3A_71, %dma_start3A_72] : memref<32x79x2x128xi32, #tpu.memory_space<hbm>> -> memref<1x1x2x128xi32, #tpu.memory_space<hbm>>
    %dma_start3A_74 = tpu.memref_squeeze %dma_start3A_73 : memref<1x1x2x128xi32, #tpu.memory_space<hbm>> -> memref<2x128xi32, #tpu.memory_space<hbm>>
    %dma_start3A_75 = tpu.memref_slice %arg9[%dma_start3A_66] : memref<6x!tpu.dma_semaphore, #tpu.memory_space<semaphore_mem>> -> memref<1x!tpu.dma_semaphore, #tpu.memory_space<semaphore_mem>>
    %dma_start3A_76 = tpu.memref_squeeze %dma_start3A_75 : memref<1x!tpu.dma_semaphore, #tpu.memory_space<semaphore_mem>> -> memref<!tpu.dma_semaphore, #tpu.memory_space<semaphore_mem>>
    %dma_start3A_77 = arith.constant 0 : i32
    %dma_start3A_78 = arith.constant 0 : i32
    %dma_start3A_79 = tpu.memref_slice %arg6[%dma_start3A_65, %dma_start3A_77, %dma_start3A_78] : memref<6x2x128xi32, #tpu.memory_space<vmem>> -> memref<1x2x128xi32, #tpu.memory_space<vmem>>
    %dma_start3A_80 = tpu.memref_squeeze %dma_start3A_79 : memref<1x2x128xi32, #tpu.memory_space<vmem>> -> memref<2x128xi32, #tpu.memory_space<vmem>>
    %dma_start3A_81 = arith.constant 0 : i32
    %dma_start3A_82 = arith.constant 0 : i32
    %dma_start3A_83 = tpu.memref_slice %arg3[%add3A, %dma_start3A_64, %dma_start3A_81, %dma_start3A_82] : memref<32x79x2x128xi32, #tpu.memory_space<hbm>> -> memref<1x1x2x128xi32, #tpu.memory_space<hbm>>
    %dma_start3A_84 = tpu.memref_squeeze %dma_start3A_83 : memref<1x1x2x128xi32, #tpu.memory_space<hbm>> -> memref<2x128xi32, #tpu.memory_space<hbm>>
    tpu.enqueue_dma source(%dma_start3A_84 : memref<2x128xi32, #tpu.memory_space<hbm>>) target(%dma_start3A_80 : memref<2x128xi32, #tpu.memory_space<vmem>>) target_semaphore(%dma_start3A_76 : memref<!tpu.dma_semaphore, #tpu.memory_space<semaphore_mem>>)
    %dma_start3A_85 = arith.constant 4 : i32
    %dma_start3A_86 = arith.constant 4 : i32
    %dma_start3A_87 = arith.constant 4 : i32
    %dma_start3A_88 = arith.constant 0 : i32
    %dma_start3A_89 = arith.constant 0 : i32
    %dma_start3A_90 = tpu.memref_slice %arg6[%dma_start3A_86, %dma_start3A_88, %dma_start3A_89] : memref<6x2x128xi32, #tpu.memory_space<vmem>> -> memref<1x2x128xi32, #tpu.memory_space<vmem>>
    %dma_start3A_91 = tpu.memref_squeeze %dma_start3A_90 : memref<1x2x128xi32, #tpu.memory_space<vmem>> -> memref<2x128xi32, #tpu.memory_space<vmem>>
    %dma_start3A_92 = arith.constant 0 : i32
    %dma_start3A_93 = arith.constant 0 : i32
    %dma_start3A_94 = tpu.memref_slice %arg3[%add3A, %dma_start3A_85, %dma_start3A_92, %dma_start3A_93] : memref<32x79x2x128xi32, #tpu.memory_space<hbm>> -> memref<1x1x2x128xi32, #tpu.memory_space<hbm>>
    %dma_start3A_95 = tpu.memref_squeeze %dma_start3A_94 : memref<1x1x2x128xi32, #tpu.memory_space<hbm>> -> memref<2x128xi32, #tpu.memory_space<hbm>>
    %dma_start3A_96 = tpu.memref_slice %arg9[%dma_start3A_87] : memref<6x!tpu.dma_semaphore, #tpu.memory_space<semaphore_mem>> -> memref<1x!tpu.dma_semaphore, #tpu.memory_space<semaphore_mem>>
    %dma_start3A_97 = tpu.memref_squeeze %dma_start3A_96 : memref<1x!tpu.dma_semaphore, #tpu.memory_space<semaphore_mem>> -> memref<!tpu.dma_semaphore, #tpu.memory_space<semaphore_mem>>
    %dma_start3A_98 = arith.constant 0 : i32
    %dma_start3A_99 = arith.constant 0 : i32
    %dma_start3A_100 = tpu.memref_slice %arg6[%dma_start3A_86, %dma_start3A_98, %dma_start3A_99] : memref<6x2x128xi32, #tpu.memory_space<vmem>> -> memref<1x2x128xi32, #tpu.memory_space<vmem>>
    %dma_start3A_101 = tpu.memref_squeeze %dma_start3A_100 : memref<1x2x128xi32, #tpu.memory_space<vmem>> -> memref<2x128xi32, #tpu.memory_space<vmem>>
    %dma_start3A_102 = arith.constant 0 : i32
    %dma_start3A_103 = arith.constant 0 : i32
    %dma_start3A_104 = tpu.memref_slice %arg3[%add3A, %dma_start3A_85, %dma_start3A_102, %dma_start3A_103] : memref<32x79x2x128xi32, #tpu.memory_space<hbm>> -> memref<1x1x2x128xi32, #tpu.memory_space<hbm>>
    %dma_start3A_105 = tpu.memref_squeeze %dma_start3A_104 : memref<1x1x2x128xi32, #tpu.memory_space<hbm>> -> memref<2x128xi32, #tpu.memory_space<hbm>>
    tpu.enqueue_dma source(%dma_start3A_105 : memref<2x128xi32, #tpu.memory_space<hbm>>) target(%dma_start3A_101 : memref<2x128xi32, #tpu.memory_space<vmem>>) target_semaphore(%dma_start3A_97 : memref<!tpu.dma_semaphore, #tpu.memory_space<semaphore_mem>>)
    %scan3A = arith.constant 0 : i32
    %scan3A_106 = arith.constant 0 : i32
    %scan3A_107 = arith.constant 79 : i32
    %scan3A_108 = arith.addi %scan3A_106, %scan3A_107 : i32
    %scan3A_109 = arith.constant 1 : i32
    scf.for %scan3A_169 = %scan3A_106 to %scan3A_108 step %scan3A_109  : i32 {
      %rem3A = arith.constant 3 : i32
      %rem3A_170 = arith.remsi %scan3A_169, %rem3A : i32
      %add3A_171 = arith.constant 2 : i32
      %add3A_172 = arith.addi %scan3A_169, %add3A_171 : i32
      %rem3A_173 = arith.constant 3 : i32
      %rem3A_174 = arith.remsi %add3A_172, %rem3A_173 : i32
      %rem3A_175 = arith.constant 6 : i32
      %rem3A_176 = arith.remsi %scan3A_169, %rem3A_175 : i32
      %add3A_177 = arith.constant 2 : i32
      %add3A_178 = arith.addi %scan3A_169, %add3A_177 : i32
      %rem3A_179 = arith.constant 6 : i32
      %rem3A_180 = arith.remsi %add3A_178, %rem3A_179 : i32
      %add3A_181 = arith.constant 5 : i32
      %add3A_182 = arith.addi %scan3A_169, %add3A_181 : i32
      %rem3A_183 = arith.constant 6 : i32
      %rem3A_184 = arith.remsi %add3A_182, %rem3A_183 : i32
      %ge3A = arith.constant 1 : i32
      %ge3A_185 = arith.cmpi sge, %scan3A_169, %ge3A : i32
      %add3A_186 = arith.constant 2 : i32
      %add3A_187 = arith.addi %scan3A_169, %add3A_186 : i32
      %lt3A_188 = arith.constant 79 : i32
      %lt3A_189 = arith.cmpi slt, %add3A_187, %lt3A_188 : i32
      %and3A = arith.andi %ge3A_185, %lt3A_189 : i1
      %convert_element_type3A_190 = arith.extui %and3A : i1 to i32
      %cond3A_191 = arith.constant 0 : i32
      %cond3A_192 = arith.cmpi ne, %convert_element_type3A_190, %cond3A_191 : i32
      scf.if %cond3A_192 {
        %sub3A = arith.constant 1 : i32
        %sub3A_233 = arith.subi %scan3A_169, %sub3A : i32
        %rem3A_234 = arith.constant 6 : i32
        %rem3A_235 = arith.remsi %sub3A_233, %rem3A_234 : i32
        %dma_wait3A_236 = arith.constant 1 : i32
        %dma_wait3A_237 = arith.constant 0 : i32
        %dma_wait3A_238 = arith.constant 0 : i32
        %dma_wait3A_239 = tpu.memref_slice %arg7[%rem3A_174, %dma_wait3A_237, %dma_wait3A_238] : memref<3x128x128xf32, #tpu.memory_space<vmem>> -> memref<1x128x128xf32, #tpu.memory_space<vmem>>
        %dma_wait3A_240 = tpu.memref_squeeze %dma_wait3A_239 : memref<1x128x128xf32, #tpu.memory_space<vmem>> -> memref<128x128xf32, #tpu.memory_space<vmem>>
        %dma_wait3A_241 = arith.constant 0 : i32
        %dma_wait3A_242 = tpu.memref_slice %arg6[%rem3A_235, %dma_wait3A_236, %dma_wait3A_241] : memref<6x2x128xi32, #tpu.memory_space<vmem>> -> memref<1x1x128xi32, #tpu.memory_space<vmem>>
        %dma_wait3A_243 = tpu.memref_squeeze %dma_wait3A_242 : memref<1x1x128xi32, #tpu.memory_space<vmem>> -> memref<128xi32, #tpu.memory_space<vmem>>
        %dma_wait3A_244 = arith.constant 0 : i32
        %dma_wait3A_245 = arith.constant 0 : i32
        %dma_wait3A_246 = tpu.memref_slice %arg8[%dma_wait3A_244, %dma_wait3A_245] : memref<10008x128xf32, #tpu.memory_space<vmem_shared>> -> memref<10008x128xf32, #tpu.memory_space<vmem_shared>>
        %dma_wait3A_247 = tpu.memref_slice %arg11[%rem3A_174] : memref<3x!tpu.dma_semaphore, #tpu.memory_space<semaphore_mem>> -> memref<1x!tpu.dma_semaphore, #tpu.memory_space<semaphore_mem>>
        %dma_wait3A_248 = tpu.memref_squeeze %dma_wait3A_247 : memref<1x!tpu.dma_semaphore, #tpu.memory_space<semaphore_mem>> -> memref<!tpu.dma_semaphore, #tpu.memory_space<semaphore_mem>>
        tpu.wait_indirect_dma semaphore(%dma_wait3A_248 : memref<!tpu.dma_semaphore, #tpu.memory_space<semaphore_mem>>) src(%dma_wait3A_240 : memref<128x128xf32, #tpu.memory_space<vmem>>) dst(%dma_wait3A_246 : memref<10008x128xf32, #tpu.memory_space<vmem_shared>>)
      } else {
      }
      %add3A_193 = arith.constant 2 : i32
      %add3A_194 = arith.addi %scan3A_169, %add3A_193 : i32
      %lt3A_195 = arith.constant 79 : i32
      %lt3A_196 = arith.cmpi slt, %add3A_194, %lt3A_195 : i32
      %convert_element_type3A_197 = arith.extui %lt3A_196 : i1 to i32
      %cond3A_198 = arith.constant 0 : i32
      %cond3A_199 = arith.cmpi ne, %convert_element_type3A_197, %cond3A_198 : i32
      scf.if %cond3A_199 {
        %add3A_233 = arith.constant 2 : i32
        %add3A_234 = arith.addi %scan3A_169, %add3A_233 : i32
        %dma_wait3A_235 = arith.constant 0 : i32
        %dma_wait3A_236 = arith.constant 0 : i32
        %dma_wait3A_237 = tpu.memref_slice %arg6[%rem3A_180, %dma_wait3A_235, %dma_wait3A_236] : memref<6x2x128xi32, #tpu.memory_space<vmem>> -> memref<1x2x128xi32, #tpu.memory_space<vmem>>
        %dma_wait3A_238 = tpu.memref_squeeze %dma_wait3A_237 : memref<1x2x128xi32, #tpu.memory_space<vmem>> -> memref<2x128xi32, #tpu.memory_space<vmem>>
        %dma_wait3A_239 = arith.constant 0 : i32
        %dma_wait3A_240 = arith.constant 0 : i32
        %dma_wait3A_241 = tpu.memref_slice %arg3[%add3A, %add3A_234, %dma_wait3A_239, %dma_wait3A_240] : memref<32x79x2x128xi32, #tpu.memory_space<hbm>> -> memref<1x1x2x128xi32, #tpu.memory_space<hbm>>
        %dma_wait3A_242 = tpu.memref_squeeze %dma_wait3A_241 : memref<1x1x2x128xi32, #tpu.memory_space<hbm>> -> memref<2x128xi32, #tpu.memory_space<hbm>>
        %dma_wait3A_243 = tpu.memref_slice %arg9[%rem3A_180] : memref<6x!tpu.dma_semaphore, #tpu.memory_space<semaphore_mem>> -> memref<1x!tpu.dma_semaphore, #tpu.memory_space<semaphore_mem>>
        %dma_wait3A_244 = tpu.memref_squeeze %dma_wait3A_243 : memref<1x!tpu.dma_semaphore, #tpu.memory_space<semaphore_mem>> -> memref<!tpu.dma_semaphore, #tpu.memory_space<semaphore_mem>>
        %dma_wait3A_245 = arith.constant 0 : i32
        %dma_wait3A_246 = arith.constant 0 : i32
        %dma_wait3A_247 = tpu.memref_slice %arg6[%rem3A_180, %dma_wait3A_245, %dma_wait3A_246] : memref<6x2x128xi32, #tpu.memory_space<vmem>> -> memref<1x2x128xi32, #tpu.memory_space<vmem>>
        %dma_wait3A_248 = tpu.memref_squeeze %dma_wait3A_247 : memref<1x2x128xi32, #tpu.memory_space<vmem>> -> memref<2x128xi32, #tpu.memory_space<vmem>>
        %dma_wait3A_249 = arith.constant 0 : i32
        %dma_wait3A_250 = arith.constant 0 : i32
        %dma_wait3A_251 = tpu.memref_slice %arg3[%add3A, %add3A_234, %dma_wait3A_249, %dma_wait3A_250] : memref<32x79x2x128xi32, #tpu.memory_space<hbm>> -> memref<1x1x2x128xi32, #tpu.memory_space<hbm>>
        %dma_wait3A_252 = tpu.memref_squeeze %dma_wait3A_251 : memref<1x1x2x128xi32, #tpu.memory_space<hbm>> -> memref<2x128xi32, #tpu.memory_space<hbm>>
        tpu.wait_dma2 semaphore(%dma_wait3A_244 : memref<!tpu.dma_semaphore, #tpu.memory_space<semaphore_mem>>) src(%dma_wait3A_252 : memref<2x128xi32, #tpu.memory_space<hbm>>) dst(%dma_wait3A_248 : memref<2x128xi32, #tpu.memory_space<vmem>>)
        %dma_start3A_253 = arith.constant 0 : i32
        %dma_start3A_254 = arith.constant 0 : i32
        %dma_start3A_255 = arith.constant 0 : i32
        %dma_start3A_256 = tpu.memref_slice %arg7[%rem3A_174, %dma_start3A_254, %dma_start3A_255] : memref<3x128x128xf32, #tpu.memory_space<vmem>> -> memref<1x128x128xf32, #tpu.memory_space<vmem>>
        %dma_start3A_257 = tpu.memref_squeeze %dma_start3A_256 : memref<1x128x128xf32, #tpu.memory_space<vmem>> -> memref<128x128xf32, #tpu.memory_space<vmem>>
        %dma_start3A_258 = arith.constant 0 : i32
        %dma_start3A_259 = tpu.memref_slice %arg6[%rem3A_180, %dma_start3A_253, %dma_start3A_258] : memref<6x2x128xi32, #tpu.memory_space<vmem>> -> memref<1x1x128xi32, #tpu.memory_space<vmem>>
        %dma_start3A_260 = tpu.memref_squeeze %dma_start3A_259 : memref<1x1x128xi32, #tpu.memory_space<vmem>> -> memref<128xi32, #tpu.memory_space<vmem>>
        %dma_start3A_261 = arith.constant 0 : i32
        %dma_start3A_262 = arith.constant 0 : i32
        %dma_start3A_263 = tpu.memref_slice %arg2[%dma_start3A_261, %dma_start3A_262] : memref<10000x128xf32, #tpu.memory_space<hbm>> -> memref<10000x128xf32, #tpu.memory_space<hbm>>
        %dma_start3A_264 = tpu.memref_slice %arg10[%rem3A_174] : memref<3x!tpu.dma_semaphore, #tpu.memory_space<semaphore_mem>> -> memref<1x!tpu.dma_semaphore, #tpu.memory_space<semaphore_mem>>
        %dma_start3A_265 = tpu.memref_squeeze %dma_start3A_264 : memref<1x!tpu.dma_semaphore, #tpu.memory_space<semaphore_mem>> -> memref<!tpu.dma_semaphore, #tpu.memory_space<semaphore_mem>>
        tpu.enqueue_indirect_dma source(%dma_start3A_263 : memref<10000x128xf32, #tpu.memory_space<hbm>>) target(%dma_start3A_257 : memref<128x128xf32, #tpu.memory_space<vmem>>) offsets(%dma_start3A_260 : memref<128xi32, #tpu.memory_space<vmem>>) semaphore(%dma_start3A_265 : memref<!tpu.dma_semaphore, #tpu.memory_space<semaphore_mem>>)
      } else {
      }
      %add3A_200 = arith.constant 5 : i32
      %add3A_201 = arith.addi %scan3A_169, %add3A_200 : i32
      %lt3A_202 = arith.constant 79 : i32
      %lt3A_203 = arith.cmpi slt, %add3A_201, %lt3A_202 : i32
      %convert_element_type3A_204 = arith.extui %lt3A_203 : i1 to i32
      %cond3A_205 = arith.constant 0 : i32
      %cond3A_206 = arith.cmpi ne, %convert_element_type3A_204, %cond3A_205 : i32
      scf.if %cond3A_206 {
        %add3A_233 = arith.constant 5 : i32
        %add3A_234 = arith.addi %scan3A_169, %add3A_233 : i32
        %dma_start3A_235 = arith.constant 0 : i32
        %dma_start3A_236 = arith.constant 0 : i32
        %dma_start3A_237 = tpu.memref_slice %arg6[%rem3A_184, %dma_start3A_235, %dma_start3A_236] : memref<6x2x128xi32, #tpu.memory_space<vmem>> -> memref<1x2x128xi32, #tpu.memory_space<vmem>>
        %dma_start3A_238 = tpu.memref_squeeze %dma_start3A_237 : memref<1x2x128xi32, #tpu.memory_space<vmem>> -> memref<2x128xi32, #tpu.memory_space<vmem>>
        %dma_start3A_239 = arith.constant 0 : i32
        %dma_start3A_240 = arith.constant 0 : i32
        %dma_start3A_241 = tpu.memref_slice %arg3[%add3A, %add3A_234, %dma_start3A_239, %dma_start3A_240] : memref<32x79x2x128xi32, #tpu.memory_space<hbm>> -> memref<1x1x2x128xi32, #tpu.memory_space<hbm>>
        %dma_start3A_242 = tpu.memref_squeeze %dma_start3A_241 : memref<1x1x2x128xi32, #tpu.memory_space<hbm>> -> memref<2x128xi32, #tpu.memory_space<hbm>>
        %dma_start3A_243 = tpu.memref_slice %arg9[%rem3A_184] : memref<6x!tpu.dma_semaphore, #tpu.memory_space<semaphore_mem>> -> memref<1x!tpu.dma_semaphore, #tpu.memory_space<semaphore_mem>>
        %dma_start3A_244 = tpu.memref_squeeze %dma_start3A_243 : memref<1x!tpu.dma_semaphore, #tpu.memory_space<semaphore_mem>> -> memref<!tpu.dma_semaphore, #tpu.memory_space<semaphore_mem>>
        %dma_start3A_245 = arith.constant 0 : i32
        %dma_start3A_246 = arith.constant 0 : i32
        %dma_start3A_247 = tpu.memref_slice %arg6[%rem3A_184, %dma_start3A_245, %dma_start3A_246] : memref<6x2x128xi32, #tpu.memory_space<vmem>> -> memref<1x2x128xi32, #tpu.memory_space<vmem>>
        %dma_start3A_248 = tpu.memref_squeeze %dma_start3A_247 : memref<1x2x128xi32, #tpu.memory_space<vmem>> -> memref<2x128xi32, #tpu.memory_space<vmem>>
        %dma_start3A_249 = arith.constant 0 : i32
        %dma_start3A_250 = arith.constant 0 : i32
        %dma_start3A_251 = tpu.memref_slice %arg3[%add3A, %add3A_234, %dma_start3A_249, %dma_start3A_250] : memref<32x79x2x128xi32, #tpu.memory_space<hbm>> -> memref<1x1x2x128xi32, #tpu.memory_space<hbm>>
        %dma_start3A_252 = tpu.memref_squeeze %dma_start3A_251 : memref<1x1x2x128xi32, #tpu.memory_space<hbm>> -> memref<2x128xi32, #tpu.memory_space<hbm>>
        tpu.enqueue_dma source(%dma_start3A_252 : memref<2x128xi32, #tpu.memory_space<hbm>>) target(%dma_start3A_248 : memref<2x128xi32, #tpu.memory_space<vmem>>) target_semaphore(%dma_start3A_244 : memref<!tpu.dma_semaphore, #tpu.memory_space<semaphore_mem>>)
      } else {
      }
      %dma_wait3A_207 = arith.constant 0 : i32
      %dma_wait3A_208 = arith.constant 0 : i32
      %dma_wait3A_209 = arith.constant 0 : i32
      %dma_wait3A_210 = tpu.memref_slice %arg7[%rem3A_170, %dma_wait3A_208, %dma_wait3A_209] : memref<3x128x128xf32, #tpu.memory_space<vmem>> -> memref<1x128x128xf32, #tpu.memory_space<vmem>>
      %dma_wait3A_211 = tpu.memref_squeeze %dma_wait3A_210 : memref<1x128x128xf32, #tpu.memory_space<vmem>> -> memref<128x128xf32, #tpu.memory_space<vmem>>
      %dma_wait3A_212 = arith.constant 0 : i32
      %dma_wait3A_213 = tpu.memref_slice %arg6[%rem3A_176, %dma_wait3A_207, %dma_wait3A_212] : memref<6x2x128xi32, #tpu.memory_space<vmem>> -> memref<1x1x128xi32, #tpu.memory_space<vmem>>
      %dma_wait3A_214 = tpu.memref_squeeze %dma_wait3A_213 : memref<1x1x128xi32, #tpu.memory_space<vmem>> -> memref<128xi32, #tpu.memory_space<vmem>>
      %dma_wait3A_215 = arith.constant 0 : i32
      %dma_wait3A_216 = arith.constant 0 : i32
      %dma_wait3A_217 = tpu.memref_slice %arg2[%dma_wait3A_215, %dma_wait3A_216] : memref<10000x128xf32, #tpu.memory_space<hbm>> -> memref<10000x128xf32, #tpu.memory_space<hbm>>
      %dma_wait3A_218 = tpu.memref_slice %arg10[%rem3A_170] : memref<3x!tpu.dma_semaphore, #tpu.memory_space<semaphore_mem>> -> memref<1x!tpu.dma_semaphore, #tpu.memory_space<semaphore_mem>>
      %dma_wait3A_219 = tpu.memref_squeeze %dma_wait3A_218 : memref<1x!tpu.dma_semaphore, #tpu.memory_space<semaphore_mem>> -> memref<!tpu.dma_semaphore, #tpu.memory_space<semaphore_mem>>
      tpu.wait_indirect_dma semaphore(%dma_wait3A_219 : memref<!tpu.dma_semaphore, #tpu.memory_space<semaphore_mem>>) src(%dma_wait3A_217 : memref<10000x128xf32, #tpu.memory_space<hbm>>) dst(%dma_wait3A_211 : memref<128x128xf32, #tpu.memory_space<vmem>>)
      %dma_start3A_220 = arith.constant 1 : i32
      %dma_start3A_221 = arith.constant 0 : i32
      %dma_start3A_222 = arith.constant 0 : i32
      %dma_start3A_223 = tpu.memref_slice %arg7[%rem3A_170, %dma_start3A_221, %dma_start3A_222] : memref<3x128x128xf32, #tpu.memory_space<vmem>> -> memref<1x128x128xf32, #tpu.memory_space<vmem>>
      %dma_start3A_224 = tpu.memref_squeeze %dma_start3A_223 : memref<1x128x128xf32, #tpu.memory_space<vmem>> -> memref<128x128xf32, #tpu.memory_space<vmem>>
      %dma_start3A_225 = arith.constant 0 : i32
      %dma_start3A_226 = tpu.memref_slice %arg6[%rem3A_176, %dma_start3A_220, %dma_start3A_225] : memref<6x2x128xi32, #tpu.memory_space<vmem>> -> memref<1x1x128xi32, #tpu.memory_space<vmem>>
      %dma_start3A_227 = tpu.memref_squeeze %dma_start3A_226 : memref<1x1x128xi32, #tpu.memory_space<vmem>> -> memref<128xi32, #tpu.memory_space<vmem>>
      %dma_start3A_228 = arith.constant 0 : i32
      %dma_start3A_229 = arith.constant 0 : i32
      %dma_start3A_230 = tpu.memref_slice %arg8[%dma_start3A_228, %dma_start3A_229] : memref<10008x128xf32, #tpu.memory_space<vmem_shared>> -> memref<10008x128xf32, #tpu.memory_space<vmem_shared>>
      %dma_start3A_231 = tpu.memref_slice %arg11[%rem3A_170] : memref<3x!tpu.dma_semaphore, #tpu.memory_space<semaphore_mem>> -> memref<1x!tpu.dma_semaphore, #tpu.memory_space<semaphore_mem>>
      %dma_start3A_232 = tpu.memref_squeeze %dma_start3A_231 : memref<1x!tpu.dma_semaphore, #tpu.memory_space<semaphore_mem>> -> memref<!tpu.dma_semaphore, #tpu.memory_space<semaphore_mem>>
      tpu.enqueue_indirect_dma source(%dma_start3A_224 : memref<128x128xf32, #tpu.memory_space<vmem>>) target(%dma_start3A_230 : memref<10008x128xf32, #tpu.memory_space<vmem_shared>>) offsets(%dma_start3A_227 : memref<128xi32, #tpu.memory_space<vmem>>) semaphore(%dma_start3A_232 : memref<!tpu.dma_semaphore, #tpu.memory_space<semaphore_mem>>) {add = true}
    }
    %scan3A_110 = arith.constant 79 : i32
    %dma_wait3A = arith.constant 1 : i32
    %dma_wait3A_111 = arith.constant 4 : i32
    %dma_wait3A_112 = arith.constant 1 : i32
    %dma_wait3A_113 = arith.constant 1 : i32
    %dma_wait3A_114 = arith.constant 0 : i32
    %dma_wait3A_115 = arith.constant 0 : i32
    %dma_wait3A_116 = tpu.memref_slice %arg7[%dma_wait3A, %dma_wait3A_114, %dma_wait3A_115] : memref<3x128x128xf32, #tpu.memory_space<vmem>> -> memref<1x128x128xf32, #tpu.memory_space<vmem>>
    %dma_wait3A_117 = tpu.memref_squeeze %dma_wait3A_116 : memref<1x128x128xf32, #tpu.memory_space<vmem>> -> memref<128x128xf32, #tpu.memory_space<vmem>>
    %dma_wait3A_118 = arith.constant 0 : i32
    %dma_wait3A_119 = tpu.memref_slice %arg6[%dma_wait3A_111, %dma_wait3A_112, %dma_wait3A_118] : memref<6x2x128xi32, #tpu.memory_space<vmem>> -> memref<1x1x128xi32, #tpu.memory_space<vmem>>
    %dma_wait3A_120 = tpu.memref_squeeze %dma_wait3A_119 : memref<1x1x128xi32, #tpu.memory_space<vmem>> -> memref<128xi32, #tpu.memory_space<vmem>>
    %dma_wait3A_121 = arith.constant 0 : i32
    %dma_wait3A_122 = arith.constant 0 : i32
    %dma_wait3A_123 = tpu.memref_slice %arg8[%dma_wait3A_121, %dma_wait3A_122] : memref<10008x128xf32, #tpu.memory_space<vmem_shared>> -> memref<10008x128xf32, #tpu.memory_space<vmem_shared>>
    %dma_wait3A_124 = tpu.memref_slice %arg11[%dma_wait3A_113] : memref<3x!tpu.dma_semaphore, #tpu.memory_space<semaphore_mem>> -> memref<1x!tpu.dma_semaphore, #tpu.memory_space<semaphore_mem>>
    %dma_wait3A_125 = tpu.memref_squeeze %dma_wait3A_124 : memref<1x!tpu.dma_semaphore, #tpu.memory_space<semaphore_mem>> -> memref<!tpu.dma_semaphore, #tpu.memory_space<semaphore_mem>>
    tpu.wait_indirect_dma semaphore(%dma_wait3A_125 : memref<!tpu.dma_semaphore, #tpu.memory_space<semaphore_mem>>) src(%dma_wait3A_117 : memref<128x128xf32, #tpu.memory_space<vmem>>) dst(%dma_wait3A_123 : memref<10008x128xf32, #tpu.memory_space<vmem_shared>>)
    %dma_wait3A_126 = arith.constant 2 : i32
    %dma_wait3A_127 = arith.constant 5 : i32
    %dma_wait3A_128 = arith.constant 1 : i32
    %dma_wait3A_129 = arith.constant 2 : i32
    %dma_wait3A_130 = arith.constant 0 : i32
    %dma_wait3A_131 = arith.constant 0 : i32
    %dma_wait3A_132 = tpu.memref_slice %arg7[%dma_wait3A_126, %dma_wait3A_130, %dma_wait3A_131] : memref<3x128x128xf32, #tpu.memory_space<vmem>> -> memref<1x128x128xf32, #tpu.memory_space<vmem>>
    %dma_wait3A_133 = tpu.memref_squeeze %dma_wait3A_132 : memref<1x128x128xf32, #tpu.memory_space<vmem>> -> memref<128x128xf32, #tpu.memory_space<vmem>>
    %dma_wait3A_134 = arith.constant 0 : i32
    %dma_wait3A_135 = tpu.memref_slice %arg6[%dma_wait3A_127, %dma_wait3A_128, %dma_wait3A_134] : memref<6x2x128xi32, #tpu.memory_space<vmem>> -> memref<1x1x128xi32, #tpu.memory_space<vmem>>
    %dma_wait3A_136 = tpu.memref_squeeze %dma_wait3A_135 : memref<1x1x128xi32, #tpu.memory_space<vmem>> -> memref<128xi32, #tpu.memory_space<vmem>>
    %dma_wait3A_137 = arith.constant 0 : i32
    %dma_wait3A_138 = arith.constant 0 : i32
    %dma_wait3A_139 = tpu.memref_slice %arg8[%dma_wait3A_137, %dma_wait3A_138] : memref<10008x128xf32, #tpu.memory_space<vmem_shared>> -> memref<10008x128xf32, #tpu.memory_space<vmem_shared>>
    %dma_wait3A_140 = tpu.memref_slice %arg11[%dma_wait3A_129] : memref<3x!tpu.dma_semaphore, #tpu.memory_space<semaphore_mem>> -> memref<1x!tpu.dma_semaphore, #tpu.memory_space<semaphore_mem>>
    %dma_wait3A_141 = tpu.memref_squeeze %dma_wait3A_140 : memref<1x!tpu.dma_semaphore, #tpu.memory_space<semaphore_mem>> -> memref<!tpu.dma_semaphore, #tpu.memory_space<semaphore_mem>>
    tpu.wait_indirect_dma semaphore(%dma_wait3A_141 : memref<!tpu.dma_semaphore, #tpu.memory_space<semaphore_mem>>) src(%dma_wait3A_133 : memref<128x128xf32, #tpu.memory_space<vmem>>) dst(%dma_wait3A_139 : memref<10008x128xf32, #tpu.memory_space<vmem_shared>>)
    %dma_wait3A_142 = arith.constant 0 : i32
    %dma_wait3A_143 = arith.constant 0 : i32
    %dma_wait3A_144 = arith.constant 1 : i32
    %dma_wait3A_145 = arith.constant 0 : i32
    %dma_wait3A_146 = arith.constant 0 : i32
    %dma_wait3A_147 = arith.constant 0 : i32
    %dma_wait3A_148 = tpu.memref_slice %arg7[%dma_wait3A_142, %dma_wait3A_146, %dma_wait3A_147] : memref<3x128x128xf32, #tpu.memory_space<vmem>> -> memref<1x128x128xf32, #tpu.memory_space<vmem>>
    %dma_wait3A_149 = tpu.memref_squeeze %dma_wait3A_148 : memref<1x128x128xf32, #tpu.memory_space<vmem>> -> memref<128x128xf32, #tpu.memory_space<vmem>>
    %dma_wait3A_150 = arith.constant 0 : i32
    %dma_wait3A_151 = tpu.memref_slice %arg6[%dma_wait3A_143, %dma_wait3A_144, %dma_wait3A_150] : memref<6x2x128xi32, #tpu.memory_space<vmem>> -> memref<1x1x128xi32, #tpu.memory_space<vmem>>
    %dma_wait3A_152 = tpu.memref_squeeze %dma_wait3A_151 : memref<1x1x128xi32, #tpu.memory_space<vmem>> -> memref<128xi32, #tpu.memory_space<vmem>>
    %dma_wait3A_153 = arith.constant 0 : i32
    %dma_wait3A_154 = arith.constant 0 : i32
    %dma_wait3A_155 = tpu.memref_slice %arg8[%dma_wait3A_153, %dma_wait3A_154] : memref<10008x128xf32, #tpu.memory_space<vmem_shared>> -> memref<10008x128xf32, #tpu.memory_space<vmem_shared>>
    %dma_wait3A_156 = tpu.memref_slice %arg11[%dma_wait3A_145] : memref<3x!tpu.dma_semaphore, #tpu.memory_space<semaphore_mem>> -> memref<1x!tpu.dma_semaphore, #tpu.memory_space<semaphore_mem>>
    %dma_wait3A_157 = tpu.memref_squeeze %dma_wait3A_156 : memref<1x!tpu.dma_semaphore, #tpu.memory_space<semaphore_mem>> -> memref<!tpu.dma_semaphore, #tpu.memory_space<semaphore_mem>>
    tpu.wait_indirect_dma semaphore(%dma_wait3A_157 : memref<!tpu.dma_semaphore, #tpu.memory_space<semaphore_mem>>) src(%dma_wait3A_149 : memref<128x128xf32, #tpu.memory_space<vmem>>) dst(%dma_wait3A_155 : memref<10008x128xf32, #tpu.memory_space<vmem_shared>>)
    %barrier3A_158 = arith.constant 0 : index
    tpu.barrier barrier_id(%barrier3A_158)
    %lt3A_159 = arith.constant 15 : i32
    %lt3A_160 = arith.cmpi slt, %arg1, %lt3A_159 : i32
    %convert_element_type3A_161 = arith.extui %lt3A_160 : i1 to i32
    %cond3A_162 = arith.constant 0 : i32
    %cond3A_163 = arith.cmpi ne, %convert_element_type3A_161, %cond3A_162 : i32
    scf.if %cond3A_163 {
      "tpu.region"() ({
        %run_scoped3A_169 = tpu.sem_alloc : memref<!tpu.dma_semaphore, #tpu.memory_space<semaphore_mem>>
        %dma_start3A_170 = arith.constant 0 : i32
        %dma_start3A_171 = tpu.memref_slice %arg5[%arg0, %mul3A_2, %dma_start3A_170] : memref<2x10008x128xf32, #tpu.memory_space<hbm>> -> memref<1x624x128xf32, #tpu.memory_space<hbm>>
        %dma_start3A_172 = tpu.memref_squeeze %dma_start3A_171 : memref<1x624x128xf32, #tpu.memory_space<hbm>> -> memref<624x128xf32, #tpu.memory_space<hbm>>
        %dma_start3A_173 = arith.constant 0 : i32
        %dma_start3A_174 = tpu.memref_slice %arg8[%mul3A_2, %dma_start3A_173] : memref<10008x128xf32, #tpu.memory_space<vmem_shared>> -> memref<624x128xf32, #tpu.memory_space<vmem_shared>>
        tpu.enqueue_dma source(%dma_start3A_174 : memref<624x128xf32, #tpu.memory_space<vmem_shared>>) target(%dma_start3A_172 : memref<624x128xf32, #tpu.memory_space<hbm>>) target_semaphore(%run_scoped3A_169 : memref<!tpu.dma_semaphore, #tpu.memory_space<semaphore_mem>>)
        %dma_wait3A_175 = arith.constant 0 : i32
        %dma_wait3A_176 = tpu.memref_slice %arg5[%arg0, %mul3A_2, %dma_wait3A_175] : memref<2x10008x128xf32, #tpu.memory_space<hbm>> -> memref<1x624x128xf32, #tpu.memory_space<hbm>>
        %dma_wait3A_177 = tpu.memref_squeeze %dma_wait3A_176 : memref<1x624x128xf32, #tpu.memory_space<hbm>> -> memref<624x128xf32, #tpu.memory_space<hbm>>
        %dma_wait3A_178 = arith.constant 0 : i32
        %dma_wait3A_179 = tpu.memref_slice %arg8[%mul3A_2, %dma_wait3A_178] : memref<10008x128xf32, #tpu.memory_space<vmem_shared>> -> memref<624x128xf32, #tpu.memory_space<vmem_shared>>
        tpu.wait_dma2 semaphore(%run_scoped3A_169 : memref<!tpu.dma_semaphore, #tpu.memory_space<semaphore_mem>>) src(%dma_wait3A_179 : memref<624x128xf32, #tpu.memory_space<vmem_shared>>) dst(%dma_wait3A_177 : memref<624x128xf32, #tpu.memory_space<hbm>>)
        tpu.yield
      }) : () -> ()
    } else {
    }
    %eq3A_164 = arith.constant 15 : i32
    %eq3A_165 = arith.cmpi eq, %arg1, %eq3A_164 : i32
    %convert_element_type3A_166 = arith.extui %eq3A_165 : i1 to i32
    %cond3A_167 = arith.constant 0 : i32
    %cond3A_168 = arith.cmpi ne, %convert_element_type3A_166, %cond3A_167 : i32
    scf.if %cond3A_168 {
      "tpu.region"() ({
        %run_scoped3A_169 = tpu.sem_alloc : memref<!tpu.dma_semaphore, #tpu.memory_space<semaphore_mem>>
        %dma_start3A_170 = arith.constant 9360 : i32
        %dma_start3A_171 = arith.constant 0 : i32
        %dma_start3A_172 = tpu.memref_slice %arg5[%arg0, %dma_start3A_170, %dma_start3A_171] : memref<2x10008x128xf32, #tpu.memory_space<hbm>> -> memref<1x648x128xf32, #tpu.memory_space<hbm>>
        %dma_start3A_173 = tpu.memref_squeeze %dma_start3A_172 : memref<1x648x128xf32, #tpu.memory_space<hbm>> -> memref<648x128xf32, #tpu.memory_space<hbm>>
        %dma_start3A_174 = arith.constant 9360 : i32
        %dma_start3A_175 = arith.constant 0 : i32
        %dma_start3A_176 = tpu.memref_slice %arg8[%dma_start3A_174, %dma_start3A_175] : memref<10008x128xf32, #tpu.memory_space<vmem_shared>> -> memref<648x128xf32, #tpu.memory_space<vmem_shared>>
        tpu.enqueue_dma source(%dma_start3A_176 : memref<648x128xf32, #tpu.memory_space<vmem_shared>>) target(%dma_start3A_173 : memref<648x128xf32, #tpu.memory_space<hbm>>) target_semaphore(%run_scoped3A_169 : memref<!tpu.dma_semaphore, #tpu.memory_space<semaphore_mem>>)
        %dma_wait3A_177 = arith.constant 9360 : i32
        %dma_wait3A_178 = arith.constant 0 : i32
        %dma_wait3A_179 = tpu.memref_slice %arg5[%arg0, %dma_wait3A_177, %dma_wait3A_178] : memref<2x10008x128xf32, #tpu.memory_space<hbm>> -> memref<1x648x128xf32, #tpu.memory_space<hbm>>
        %dma_wait3A_180 = tpu.memref_squeeze %dma_wait3A_179 : memref<1x648x128xf32, #tpu.memory_space<hbm>> -> memref<648x128xf32, #tpu.memory_space<hbm>>
        %dma_wait3A_181 = arith.constant 9360 : i32
        %dma_wait3A_182 = arith.constant 0 : i32
        %dma_wait3A_183 = tpu.memref_slice %arg8[%dma_wait3A_181, %dma_wait3A_182] : memref<10008x128xf32, #tpu.memory_space<vmem_shared>> -> memref<648x128xf32, #tpu.memory_space<vmem_shared>>
        tpu.wait_dma2 semaphore(%run_scoped3A_169 : memref<!tpu.dma_semaphore, #tpu.memory_space<semaphore_mem>>) src(%dma_wait3A_183 : memref<648x128xf32, #tpu.memory_space<vmem_shared>>) dst(%dma_wait3A_180 : memref<648x128xf32, #tpu.memory_space<hbm>>)
        tpu.yield
      }) : () -> ()
    } else {
    }
    return
  }
}

#map = affine_map<(d0, d1) -> (0, 0)>
#map1 = affine_map<(d0, d1) -> (0, 0, 0, 0)>
#map2 = affine_map<(d0, d1) -> (0, 0, 0)>
module attributes {stable_mosaic.version = 14 : i64} {
  func.func @_spmm(%arg0: i32, %arg1: i32, %arg2: memref<10000x128xf32, #tpu.memory_space<hbm>>, %arg3: memref<32x79x2x128xi32, #tpu.memory_space<hbm>>, %arg4: memref<10008x128xf32, #tpu.memory_space<hbm>>, %arg5: memref<2x10008x128xf32, #tpu.memory_space<hbm>>, %arg6: memref<6x2x128xi32, #tpu.memory_space<vmem>>, %arg7: memref<3x128x128xf32, #tpu.memory_space<vmem>>, %arg8: memref<10008x128xf32, #tpu.memory_space<vmem_shared>>, %arg9: memref<6x!tpu.dma_semaphore, #tpu.memory_space<semaphore_mem>>, %arg10: memref<3x!tpu.dma_semaphore, #tpu.memory_space<semaphore_mem>>, %arg11: memref<3x!tpu.dma_semaphore, #tpu.memory_space<semaphore_mem>>) attributes {dimension_semantics = [#tpu.dimension_semantics<core_parallel>, #tpu.dimension_semantics<subcore_parallel>], iteration_bounds = array<i64: 2, 16>, scalar_prefetch = 0 : i64, scratch_operands = 6 : i64, tpu.core_type = #tpu.core_type<sc_vector_subcore>, window_params = [{transform_indices = #map}, {transform_indices = #map1}, {transform_indices = #map}, {transform_indices = #map2}]} {
    %mul3A = arith.constant 16 : i32
    %mul3A_0 = arith.muli %arg0, %mul3A : i32
    %add3A = arith.addi %mul3A_0, %arg1 : i32
    %mul3A_1 = arith.constant 624 : i32
    %mul3A_2 = arith.muli %arg1, %mul3A_1 : i32
    %lt3A = arith.constant 15 : i32
    %lt3A_3 = arith.cmpi slt, %arg1, %lt3A : i32
    %convert_element_type3A = arith.extui %lt3A_3 : i1 to i32
    %cond3A = arith.constant 0 : i32
    %cond3A_4 = arith.cmpi ne, %convert_element_type3A, %cond3A : i32
    scf.if %cond3A_4 {
      "tpu.region"() ({
        %run_scoped3A_169 = tpu.sem_alloc : memref<!tpu.dma_semaphore, #tpu.memory_space<semaphore_mem>>
        %dma_start3A_170 = arith.constant 0 : i32
        %dma_start3A_171 = tpu.memref_slice %arg8[%mul3A_2, %dma_start3A_170] : memref<10008x128xf32, #tpu.memory_space<vmem_shared>> -> memref<624x128xf32, #tpu.memory_space<vmem_shared>>
        %dma_start3A_172 = arith.constant 0 : i32
        %dma_start3A_173 = tpu.memref_slice %arg4[%mul3A_2, %dma_start3A_172] : memref<10008x128xf32, #tpu.memory_space<hbm>> -> memref<624x128xf32, #tpu.memory_space<hbm>>
        tpu.enqueue_dma source(%dma_start3A_173 : memref<624x128xf32, #tpu.memory_space<hbm>>) target(%dma_start3A_171 : memref<624x128xf32, #tpu.memory_space<vmem_shared>>) target_semaphore(%run_scoped3A_169 : memref<!tpu.dma_semaphore, #tpu.memory_space<semaphore_mem>>)
        %dma_wait3A_174 = arith.constant 0 : i32
        %dma_wait3A_175 = tpu.memref_slice %arg8[%mul3A_2, %dma_wait3A_174] : memref<10008x128xf32, #tpu.memory_space<vmem_shared>> -> memref<624x128xf32, #tpu.memory_space<vmem_shared>>
        %dma_wait3A_176 = arith.constant 0 : i32
        %dma_wait3A_177 = tpu.memref_slice %arg4[%mul3A_2, %dma_wait3A_176] : memref<10008x128xf32, #tpu.memory_space<hbm>> -> memref<624x128xf32, #tpu.memory_space<hbm>>
        tpu.wait_dma2 semaphore(%run_scoped3A_169 : memref<!tpu.dma_semaphore, #tpu.memory_space<semaphore_mem>>) src(%dma_wait3A_177 : memref<624x128xf32, #tpu.memory_space<hbm>>) dst(%dma_wait3A_175 : memref<624x128xf32, #tpu.memory_space<vmem_shared>>)
        tpu.yield
      }) : () -> ()
    } else {
    }
    %eq3A = arith.constant 15 : i32
    %eq3A_5 = arith.cmpi eq, %arg1, %eq3A : i32
    %convert_element_type3A_6 = arith.extui %eq3A_5 : i1 to i32
    %cond3A_7 = arith.constant 0 : i32
    %cond3A_8 = arith.cmpi ne, %convert_element_type3A_6, %cond3A_7 : i32
    scf.if %cond3A_8 {
      "tpu.region"() ({
        %run_scoped3A_169 = tpu.sem_alloc : memref<!tpu.dma_semaphore, #tpu.memory_space<semaphore_mem>>
        %dma_start3A_170 = arith.constant 9360 : i32
        %dma_start3A_171 = arith.constant 0 : i32
        %dma_start3A_172 = tpu.memref_slice %arg8[%dma_start3A_170, %dma_start3A_171] : memref<10008x128xf32, #tpu.memory_space<vmem_shared>> -> memref<648x128xf32, #tpu.memory_space<vmem_shared>>
        %dma_start3A_173 = arith.constant 9360 : i32
        %dma_start3A_174 = arith.constant 0 : i32
        %dma_start3A_175 = tpu.memref_slice %arg4[%dma_start3A_173, %dma_start3A_174] : memref<10008x128xf32, #tpu.memory_space<hbm>> -> memref<648x128xf32, #tpu.memory_space<hbm>>
        tpu.enqueue_dma source(%dma_start3A_175 : memref<648x128xf32, #tpu.memory_space<hbm>>) target(%dma_start3A_172 : memref<648x128xf32, #tpu.memory_space<vmem_shared>>) target_semaphore(%run_scoped3A_169 : memref<!tpu.dma_semaphore, #tpu.memory_space<semaphore_mem>>)
        %dma_wait3A_176 = arith.constant 9360 : i32
        %dma_wait3A_177 = arith.constant 0 : i32
        %dma_wait3A_178 = tpu.memref_slice %arg8[%dma_wait3A_176, %dma_wait3A_177] : memref<10008x128xf32, #tpu.memory_space<vmem_shared>> -> memref<648x128xf32, #tpu.memory_space<vmem_shared>>
        %dma_wait3A_179 = arith.constant 9360 : i32
        %dma_wait3A_180 = arith.constant 0 : i32
        %dma_wait3A_181 = tpu.memref_slice %arg4[%dma_wait3A_179, %dma_wait3A_180] : memref<10008x128xf32, #tpu.memory_space<hbm>> -> memref<648x128xf32, #tpu.memory_space<hbm>>
        tpu.wait_dma2 semaphore(%run_scoped3A_169 : memref<!tpu.dma_semaphore, #tpu.memory_space<semaphore_mem>>) src(%dma_wait3A_181 : memref<648x128xf32, #tpu.memory_space<hbm>>) dst(%dma_wait3A_178 : memref<648x128xf32, #tpu.memory_space<vmem_shared>>)
        tpu.yield
      }) : () -> ()
    } else {
    }
    %barrier3A = arith.constant 0 : index
    tpu.barrier barrier_id(%barrier3A)
    %run_scoped3A = arith.constant 0 : i32
    %run_scoped3A_9 = arith.constant 0 : i32
    "tpu.region"() ({
      %run_scoped3A_169 = tpu.sem_alloc : memref<!tpu.dma_semaphore, #tpu.memory_space<semaphore_mem>>
      %dma_start3A_170 = arith.constant 0 : i32
      %dma_start3A_171 = arith.constant 0 : i32
      %dma_start3A_172 = tpu.memref_slice %arg6[%run_scoped3A_9, %dma_start3A_170, %dma_start3A_171] : memref<6x2x128xi32, #tpu.memory_space<vmem>> -> memref<1x2x128xi32, #tpu.memory_space<vmem>>
      %dma_start3A_173 = tpu.memref_squeeze %dma_start3A_172 : memref<1x2x128xi32, #tpu.memory_space<vmem>> -> memref<2x128xi32, #tpu.memory_space<vmem>>
      %dma_start3A_174 = arith.constant 0 : i32
      %dma_start3A_175 = arith.constant 0 : i32
      %dma_start3A_176 = tpu.memref_slice %arg3[%add3A, %run_scoped3A, %dma_start3A_174, %dma_start3A_175] : memref<32x79x2x128xi32, #tpu.memory_space<hbm>> -> memref<1x1x2x128xi32, #tpu.memory_space<hbm>>
      %dma_start3A_177 = tpu.memref_squeeze %dma_start3A_176 : memref<1x1x2x128xi32, #tpu.memory_space<hbm>> -> memref<2x128xi32, #tpu.memory_space<hbm>>
      %dma_start3A_178 = arith.constant 0 : i32
      %dma_start3A_179 = arith.constant 0 : i32
      %dma_start3A_180 = tpu.memref_slice %arg6[%run_scoped3A_9, %dma_start3A_178, %dma_start3A_179] : memref<6x2x128xi32, #tpu.memory_space<vmem>> -> memref<1x2x128xi32, #tpu.memory_space<vmem>>
      %dma_start3A_181 = tpu.memref_squeeze %dma_start3A_180 : memref<1x2x128xi32, #tpu.memory_space<vmem>> -> memref<2x128xi32, #tpu.memory_space<vmem>>
      %dma_start3A_182 = arith.constant 0 : i32
      %dma_start3A_183 = arith.constant 0 : i32
      %dma_start3A_184 = tpu.memref_slice %arg3[%add3A, %run_scoped3A, %dma_start3A_182, %dma_start3A_183] : memref<32x79x2x128xi32, #tpu.memory_space<hbm>> -> memref<1x1x2x128xi32, #tpu.memory_space<hbm>>
      %dma_start3A_185 = tpu.memref_squeeze %dma_start3A_184 : memref<1x1x2x128xi32, #tpu.memory_space<hbm>> -> memref<2x128xi32, #tpu.memory_space<hbm>>
      tpu.enqueue_dma source(%dma_start3A_185 : memref<2x128xi32, #tpu.memory_space<hbm>>) target(%dma_start3A_181 : memref<2x128xi32, #tpu.memory_space<vmem>>) target_semaphore(%run_scoped3A_169 : memref<!tpu.dma_semaphore, #tpu.memory_space<semaphore_mem>>)
      %dma_wait3A_186 = arith.constant 0 : i32
      %dma_wait3A_187 = arith.constant 0 : i32
      %dma_wait3A_188 = tpu.memref_slice %arg6[%run_scoped3A_9, %dma_wait3A_186, %dma_wait3A_187] : memref<6x2x128xi32, #tpu.memory_space<vmem>> -> memref<1x2x128xi32, #tpu.memory_space<vmem>>
      %dma_wait3A_189 = tpu.memref_squeeze %dma_wait3A_188 : memref<1x2x128xi32, #tpu.memory_space<vmem>> -> memref<2x128xi32, #tpu.memory_space<vmem>>
      %dma_wait3A_190 = arith.constant 0 : i32
      %dma_wait3A_191 = arith.constant 0 : i32
      %dma_wait3A_192 = tpu.memref_slice %arg3[%add3A, %run_scoped3A, %dma_wait3A_190, %dma_wait3A_191] : memref<32x79x2x128xi32, #tpu.memory_space<hbm>> -> memref<1x1x2x128xi32, #tpu.memory_space<hbm>>
      %dma_wait3A_193 = tpu.memref_squeeze %dma_wait3A_192 : memref<1x1x2x128xi32, #tpu.memory_space<hbm>> -> memref<2x128xi32, #tpu.memory_space<hbm>>
      %dma_wait3A_194 = arith.constant 0 : i32
      %dma_wait3A_195 = arith.constant 0 : i32
      %dma_wait3A_196 = tpu.memref_slice %arg6[%run_scoped3A_9, %dma_wait3A_194, %dma_wait3A_195] : memref<6x2x128xi32, #tpu.memory_space<vmem>> -> memref<1x2x128xi32, #tpu.memory_space<vmem>>
      %dma_wait3A_197 = tpu.memref_squeeze %dma_wait3A_196 : memref<1x2x128xi32, #tpu.memory_space<vmem>> -> memref<2x128xi32, #tpu.memory_space<vmem>>
      %dma_wait3A_198 = arith.constant 0 : i32
      %dma_wait3A_199 = arith.constant 0 : i32
      %dma_wait3A_200 = tpu.memref_slice %arg3[%add3A, %run_scoped3A, %dma_wait3A_198, %dma_wait3A_199] : memref<32x79x2x128xi32, #tpu.memory_space<hbm>> -> memref<1x1x2x128xi32, #tpu.memory_space<hbm>>
      %dma_wait3A_201 = tpu.memref_squeeze %dma_wait3A_200 : memref<1x1x2x128xi32, #tpu.memory_space<hbm>> -> memref<2x128xi32, #tpu.memory_space<hbm>>
      tpu.wait_dma2 semaphore(%run_scoped3A_169 : memref<!tpu.dma_semaphore, #tpu.memory_space<semaphore_mem>>) src(%dma_wait3A_201 : memref<2x128xi32, #tpu.memory_space<hbm>>) dst(%dma_wait3A_197 : memref<2x128xi32, #tpu.memory_space<vmem>>)
      tpu.yield
    }) : () -> ()
    %run_scoped3A_10 = arith.constant 1 : i32
    %run_scoped3A_11 = arith.constant 1 : i32
    "tpu.region"() ({
      %run_scoped3A_169 = tpu.sem_alloc : memref<!tpu.dma_semaphore, #tpu.memory_space<semaphore_mem>>
      %dma_start3A_170 = arith.constant 0 : i32
      %dma_start3A_171 = arith.constant 0 : i32
      %dma_start3A_172 = tpu.memref_slice %arg6[%run_scoped3A_11, %dma_start3A_170, %dma_start3A_171] : memref<6x2x128xi32, #tpu.memory_space<vmem>> -> memref<1x2x128xi32, #tpu.memory_space<vmem>>
      %dma_start3A_173 = tpu.memref_squeeze %dma_start3A_172 : memref<1x2x128xi32, #tpu.memory_space<vmem>> -> memref<2x128xi32, #tpu.memory_space<vmem>>
      %dma_start3A_174 = arith.constant 0 : i32
      %dma_start3A_175 = arith.constant 0 : i32
      %dma_start3A_176 = tpu.memref_slice %arg3[%add3A, %run_scoped3A_10, %dma_start3A_174, %dma_start3A_175] : memref<32x79x2x128xi32, #tpu.memory_space<hbm>> -> memref<1x1x2x128xi32, #tpu.memory_space<hbm>>
      %dma_start3A_177 = tpu.memref_squeeze %dma_start3A_176 : memref<1x1x2x128xi32, #tpu.memory_space<hbm>> -> memref<2x128xi32, #tpu.memory_space<hbm>>
      %dma_start3A_178 = arith.constant 0 : i32
      %dma_start3A_179 = arith.constant 0 : i32
      %dma_start3A_180 = tpu.memref_slice %arg6[%run_scoped3A_11, %dma_start3A_178, %dma_start3A_179] : memref<6x2x128xi32, #tpu.memory_space<vmem>> -> memref<1x2x128xi32, #tpu.memory_space<vmem>>
      %dma_start3A_181 = tpu.memref_squeeze %dma_start3A_180 : memref<1x2x128xi32, #tpu.memory_space<vmem>> -> memref<2x128xi32, #tpu.memory_space<vmem>>
      %dma_start3A_182 = arith.constant 0 : i32
      %dma_start3A_183 = arith.constant 0 : i32
      %dma_start3A_184 = tpu.memref_slice %arg3[%add3A, %run_scoped3A_10, %dma_start3A_182, %dma_start3A_183] : memref<32x79x2x128xi32, #tpu.memory_space<hbm>> -> memref<1x1x2x128xi32, #tpu.memory_space<hbm>>
      %dma_start3A_185 = tpu.memref_squeeze %dma_start3A_184 : memref<1x1x2x128xi32, #tpu.memory_space<hbm>> -> memref<2x128xi32, #tpu.memory_space<hbm>>
      tpu.enqueue_dma source(%dma_start3A_185 : memref<2x128xi32, #tpu.memory_space<hbm>>) target(%dma_start3A_181 : memref<2x128xi32, #tpu.memory_space<vmem>>) target_semaphore(%run_scoped3A_169 : memref<!tpu.dma_semaphore, #tpu.memory_space<semaphore_mem>>)
      %dma_wait3A_186 = arith.constant 0 : i32
      %dma_wait3A_187 = arith.constant 0 : i32
      %dma_wait3A_188 = tpu.memref_slice %arg6[%run_scoped3A_11, %dma_wait3A_186, %dma_wait3A_187] : memref<6x2x128xi32, #tpu.memory_space<vmem>> -> memref<1x2x128xi32, #tpu.memory_space<vmem>>
      %dma_wait3A_189 = tpu.memref_squeeze %dma_wait3A_188 : memref<1x2x128xi32, #tpu.memory_space<vmem>> -> memref<2x128xi32, #tpu.memory_space<vmem>>
      %dma_wait3A_190 = arith.constant 0 : i32
      %dma_wait3A_191 = arith.constant 0 : i32
      %dma_wait3A_192 = tpu.memref_slice %arg3[%add3A, %run_scoped3A_10, %dma_wait3A_190, %dma_wait3A_191] : memref<32x79x2x128xi32, #tpu.memory_space<hbm>> -> memref<1x1x2x128xi32, #tpu.memory_space<hbm>>
      %dma_wait3A_193 = tpu.memref_squeeze %dma_wait3A_192 : memref<1x1x2x128xi32, #tpu.memory_space<hbm>> -> memref<2x128xi32, #tpu.memory_space<hbm>>
      %dma_wait3A_194 = arith.constant 0 : i32
      %dma_wait3A_195 = arith.constant 0 : i32
      %dma_wait3A_196 = tpu.memref_slice %arg6[%run_scoped3A_11, %dma_wait3A_194, %dma_wait3A_195] : memref<6x2x128xi32, #tpu.memory_space<vmem>> -> memref<1x2x128xi32, #tpu.memory_space<vmem>>
      %dma_wait3A_197 = tpu.memref_squeeze %dma_wait3A_196 : memref<1x2x128xi32, #tpu.memory_space<vmem>> -> memref<2x128xi32, #tpu.memory_space<vmem>>
      %dma_wait3A_198 = arith.constant 0 : i32
      %dma_wait3A_199 = arith.constant 0 : i32
      %dma_wait3A_200 = tpu.memref_slice %arg3[%add3A, %run_scoped3A_10, %dma_wait3A_198, %dma_wait3A_199] : memref<32x79x2x128xi32, #tpu.memory_space<hbm>> -> memref<1x1x2x128xi32, #tpu.memory_space<hbm>>
      %dma_wait3A_201 = tpu.memref_squeeze %dma_wait3A_200 : memref<1x1x2x128xi32, #tpu.memory_space<hbm>> -> memref<2x128xi32, #tpu.memory_space<hbm>>
      tpu.wait_dma2 semaphore(%run_scoped3A_169 : memref<!tpu.dma_semaphore, #tpu.memory_space<semaphore_mem>>) src(%dma_wait3A_201 : memref<2x128xi32, #tpu.memory_space<hbm>>) dst(%dma_wait3A_197 : memref<2x128xi32, #tpu.memory_space<vmem>>)
      tpu.yield
    }) : () -> ()
    %dma_start3A = arith.constant 0 : i32
    %dma_start3A_12 = arith.constant 0 : i32
    %dma_start3A_13 = arith.constant 0 : i32
    %dma_start3A_14 = arith.constant 0 : i32
    %dma_start3A_15 = arith.constant 0 : i32
    %dma_start3A_16 = arith.constant 0 : i32
    %dma_start3A_17 = tpu.memref_slice %arg7[%dma_start3A_13, %dma_start3A_15, %dma_start3A_16] : memref<3x128x128xf32, #tpu.memory_space<vmem>> -> memref<1x128x128xf32, #tpu.memory_space<vmem>>
    %dma_start3A_18 = tpu.memref_squeeze %dma_start3A_17 : memref<1x128x128xf32, #tpu.memory_space<vmem>> -> memref<128x128xf32, #tpu.memory_space<vmem>>
    %dma_start3A_19 = arith.constant 0 : i32
    %dma_start3A_20 = tpu.memref_slice %arg6[%dma_start3A, %dma_start3A_12, %dma_start3A_19] : memref<6x2x128xi32, #tpu.memory_space<vmem>> -> memref<1x1x128xi32, #tpu.memory_space<vmem>>
    %dma_start3A_21 = tpu.memref_squeeze %dma_start3A_20 : memref<1x1x128xi32, #tpu.memory_space<vmem>> -> memref<128xi32, #tpu.memory_space<vmem>>
    %dma_start3A_22 = arith.constant 0 : i32
    %dma_start3A_23 = arith.constant 0 : i32
    %dma_start3A_24 = tpu.memref_slice %arg2[%dma_start3A_22, %dma_start3A_23] : memref<10000x128xf32, #tpu.memory_space<hbm>> -> memref<10000x128xf32, #tpu.memory_space<hbm>>
    %dma_start3A_25 = tpu.memref_slice %arg10[%dma_start3A_14] : memref<3x!tpu.dma_semaphore, #tpu.memory_space<semaphore_mem>> -> memref<1x!tpu.dma_semaphore, #tpu.memory_space<semaphore_mem>>
    %dma_start3A_26 = tpu.memref_squeeze %dma_start3A_25 : memref<1x!tpu.dma_semaphore, #tpu.memory_space<semaphore_mem>> -> memref<!tpu.dma_semaphore, #tpu.memory_space<semaphore_mem>>
    tpu.enqueue_indirect_dma source(%dma_start3A_24 : memref<10000x128xf32, #tpu.memory_space<hbm>>) target(%dma_start3A_18 : memref<128x128xf32, #tpu.memory_space<vmem>>) offsets(%dma_start3A_21 : memref<128xi32, #tpu.memory_space<vmem>>) semaphore(%dma_start3A_26 : memref<!tpu.dma_semaphore, #tpu.memory_space<semaphore_mem>>)
    %dma_start3A_27 = arith.constant 1 : i32
    %dma_start3A_28 = arith.constant 0 : i32
    %dma_start3A_29 = arith.constant 1 : i32
    %dma_start3A_30 = arith.constant 1 : i32
    %dma_start3A_31 = arith.constant 0 : i32
    %dma_start3A_32 = arith.constant 0 : i32
    %dma_start3A_33 = tpu.memref_slice %arg7[%dma_start3A_29, %dma_start3A_31, %dma_start3A_32] : memref<3x128x128xf32, #tpu.memory_space<vmem>> -> memref<1x128x128xf32, #tpu.memory_space<vmem>>
    %dma_start3A_34 = tpu.memref_squeeze %dma_start3A_33 : memref<1x128x128xf32, #tpu.memory_space<vmem>> -> memref<128x128xf32, #tpu.memory_space<vmem>>
    %dma_start3A_35 = arith.constant 0 : i32
    %dma_start3A_36 = tpu.memref_slice %arg6[%dma_start3A_27, %dma_start3A_28, %dma_start3A_35] : memref<6x2x128xi32, #tpu.memory_space<vmem>> -> memref<1x1x128xi32, #tpu.memory_space<vmem>>
    %dma_start3A_37 = tpu.memref_squeeze %dma_start3A_36 : memref<1x1x128xi32, #tpu.memory_space<vmem>> -> memref<128xi32, #tpu.memory_space<vmem>>
    %dma_start3A_38 = arith.constant 0 : i32
    %dma_start3A_39 = arith.constant 0 : i32
    %dma_start3A_40 = tpu.memref_slice %arg2[%dma_start3A_38, %dma_start3A_39] : memref<10000x128xf32, #tpu.memory_space<hbm>> -> memref<10000x128xf32, #tpu.memory_space<hbm>>
    %dma_start3A_41 = tpu.memref_slice %arg10[%dma_start3A_30] : memref<3x!tpu.dma_semaphore, #tpu.memory_space<semaphore_mem>> -> memref<1x!tpu.dma_semaphore, #tpu.memory_space<semaphore_mem>>
    %dma_start3A_42 = tpu.memref_squeeze %dma_start3A_41 : memref<1x!tpu.dma_semaphore, #tpu.memory_space<semaphore_mem>> -> memref<!tpu.dma_semaphore, #tpu.memory_space<semaphore_mem>>
    tpu.enqueue_indirect_dma source(%dma_start3A_40 : memref<10000x128xf32, #tpu.memory_space<hbm>>) target(%dma_start3A_34 : memref<128x128xf32, #tpu.memory_space<vmem>>) offsets(%dma_start3A_37 : memref<128xi32, #tpu.memory_space<vmem>>) semaphore(%dma_start3A_42 : memref<!tpu.dma_semaphore, #tpu.memory_space<semaphore_mem>>)
    %dma_start3A_43 = arith.constant 2 : i32
    %dma_start3A_44 = arith.constant 2 : i32
    %dma_start3A_45 = arith.constant 2 : i32
    %dma_start3A_46 = arith.constant 0 : i32
    %dma_start3A_47 = arith.constant 0 : i32
    %dma_start3A_48 = tpu.memref_slice %arg6[%dma_start3A_44, %dma_start3A_46, %dma_start3A_47] : memref<6x2x128xi32, #tpu.memory_space<vmem>> -> memref<1x2x128xi32, #tpu.memory_space<vmem>>
    %dma_start3A_49 = tpu.memref_squeeze %dma_start3A_48 : memref<1x2x128xi32, #tpu.memory_space<vmem>> -> memref<2x128xi32, #tpu.memory_space<vmem>>
    %dma_start3A_50 = arith.constant 0 : i32
    %dma_start3A_51 = arith.constant 0 : i32
    %dma_start3A_52 = tpu.memref_slice %arg3[%add3A, %dma_start3A_43, %dma_start3A_50, %dma_start3A_51] : memref<32x79x2x128xi32, #tpu.memory_space<hbm>> -> memref<1x1x2x128xi32, #tpu.memory_space<hbm>>
    %dma_start3A_53 = tpu.memref_squeeze %dma_start3A_52 : memref<1x1x2x128xi32, #tpu.memory_space<hbm>> -> memref<2x128xi32, #tpu.memory_space<hbm>>
    %dma_start3A_54 = tpu.memref_slice %arg9[%dma_start3A_45] : memref<6x!tpu.dma_semaphore, #tpu.memory_space<semaphore_mem>> -> memref<1x!tpu.dma_semaphore, #tpu.memory_space<semaphore_mem>>
    %dma_start3A_55 = tpu.memref_squeeze %dma_start3A_54 : memref<1x!tpu.dma_semaphore, #tpu.memory_space<semaphore_mem>> -> memref<!tpu.dma_semaphore, #tpu.memory_space<semaphore_mem>>
    %dma_start3A_56 = arith.constant 0 : i32
    %dma_start3A_57 = arith.constant 0 : i32
    %dma_start3A_58 = tpu.memref_slice %arg6[%dma_start3A_44, %dma_start3A_56, %dma_start3A_57] : memref<6x2x128xi32, #tpu.memory_space<vmem>> -> memref<1x2x128xi32, #tpu.memory_space<vmem>>
    %dma_start3A_59 = tpu.memref_squeeze %dma_start3A_58 : memref<1x2x128xi32, #tpu.memory_space<vmem>> -> memref<2x128xi32, #tpu.memory_space<vmem>>
    %dma_start3A_60 = arith.constant 0 : i32
    %dma_start3A_61 = arith.constant 0 : i32
    %dma_start3A_62 = tpu.memref_slice %arg3[%add3A, %dma_start3A_43, %dma_start3A_60, %dma_start3A_61] : memref<32x79x2x128xi32, #tpu.memory_space<hbm>> -> memref<1x1x2x128xi32, #tpu.memory_space<hbm>>
    %dma_start3A_63 = tpu.memref_squeeze %dma_start3A_62 : memref<1x1x2x128xi32, #tpu.memory_space<hbm>> -> memref<2x128xi32, #tpu.memory_space<hbm>>
    tpu.enqueue_dma source(%dma_start3A_63 : memref<2x128xi32, #tpu.memory_space<hbm>>) target(%dma_start3A_59 : memref<2x128xi32, #tpu.memory_space<vmem>>) target_semaphore(%dma_start3A_55 : memref<!tpu.dma_semaphore, #tpu.memory_space<semaphore_mem>>)
    %dma_start3A_64 = arith.constant 3 : i32
    %dma_start3A_65 = arith.constant 3 : i32
    %dma_start3A_66 = arith.constant 3 : i32
    %dma_start3A_67 = arith.constant 0 : i32
    %dma_start3A_68 = arith.constant 0 : i32
    %dma_start3A_69 = tpu.memref_slice %arg6[%dma_start3A_65, %dma_start3A_67, %dma_start3A_68] : memref<6x2x128xi32, #tpu.memory_space<vmem>> -> memref<1x2x128xi32, #tpu.memory_space<vmem>>
    %dma_start3A_70 = tpu.memref_squeeze %dma_start3A_69 : memref<1x2x128xi32, #tpu.memory_space<vmem>> -> memref<2x128xi32, #tpu.memory_space<vmem>>
    %dma_start3A_71 = arith.constant 0 : i32
    %dma_start3A_72 = arith.constant 0 : i32
    %dma_start3A_73 = tpu.memref_slice %arg3[%add3A, %dma_start3A_64, %dma_start3A_71, %dma_start3A_72] : memref<32x79x2x128xi32, #tpu.memory_space<hbm>> -> memref<1x1x2x128xi32, #tpu.memory_space<hbm>>
    %dma_start3A_74 = tpu.memref_squeeze %dma_start3A_73 : memref<1x1x2x128xi32, #tpu.memory_space<hbm>> -> memref<2x128xi32, #tpu.memory_space<hbm>>
    %dma_start3A_75 = tpu.memref_slice %arg9[%dma_start3A_66] : memref<6x!tpu.dma_semaphore, #tpu.memory_space<semaphore_mem>> -> memref<1x!tpu.dma_semaphore, #tpu.memory_space<semaphore_mem>>
    %dma_start3A_76 = tpu.memref_squeeze %dma_start3A_75 : memref<1x!tpu.dma_semaphore, #tpu.memory_space<semaphore_mem>> -> memref<!tpu.dma_semaphore, #tpu.memory_space<semaphore_mem>>
    %dma_start3A_77 = arith.constant 0 : i32
    %dma_start3A_78 = arith.constant 0 : i32
    %dma_start3A_79 = tpu.memref_slice %arg6[%dma_start3A_65, %dma_start3A_77, %dma_start3A_78] : memref<6x2x128xi32, #tpu.memory_space<vmem>> -> memref<1x2x128xi32, #tpu.memory_space<vmem>>
    %dma_start3A_80 = tpu.memref_squeeze %dma_start3A_79 : memref<1x2x128xi32, #tpu.memory_space<vmem>> -> memref<2x128xi32, #tpu.memory_space<vmem>>
    %dma_start3A_81 = arith.constant 0 : i32
    %dma_start3A_82 = arith.constant 0 : i32
    %dma_start3A_83 = tpu.memref_slice %arg3[%add3A, %dma_start3A_64, %dma_start3A_81, %dma_start3A_82] : memref<32x79x2x128xi32, #tpu.memory_space<hbm>> -> memref<1x1x2x128xi32, #tpu.memory_space<hbm>>
    %dma_start3A_84 = tpu.memref_squeeze %dma_start3A_83 : memref<1x1x2x128xi32, #tpu.memory_space<hbm>> -> memref<2x128xi32, #tpu.memory_space<hbm>>
    tpu.enqueue_dma source(%dma_start3A_84 : memref<2x128xi32, #tpu.memory_space<hbm>>) target(%dma_start3A_80 : memref<2x128xi32, #tpu.memory_space<vmem>>) target_semaphore(%dma_start3A_76 : memref<!tpu.dma_semaphore, #tpu.memory_space<semaphore_mem>>)
    %dma_start3A_85 = arith.constant 4 : i32
    %dma_start3A_86 = arith.constant 4 : i32
    %dma_start3A_87 = arith.constant 4 : i32
    %dma_start3A_88 = arith.constant 0 : i32
    %dma_start3A_89 = arith.constant 0 : i32
    %dma_start3A_90 = tpu.memref_slice %arg6[%dma_start3A_86, %dma_start3A_88, %dma_start3A_89] : memref<6x2x128xi32, #tpu.memory_space<vmem>> -> memref<1x2x128xi32, #tpu.memory_space<vmem>>
    %dma_start3A_91 = tpu.memref_squeeze %dma_start3A_90 : memref<1x2x128xi32, #tpu.memory_space<vmem>> -> memref<2x128xi32, #tpu.memory_space<vmem>>
    %dma_start3A_92 = arith.constant 0 : i32
    %dma_start3A_93 = arith.constant 0 : i32
    %dma_start3A_94 = tpu.memref_slice %arg3[%add3A, %dma_start3A_85, %dma_start3A_92, %dma_start3A_93] : memref<32x79x2x128xi32, #tpu.memory_space<hbm>> -> memref<1x1x2x128xi32, #tpu.memory_space<hbm>>
    %dma_start3A_95 = tpu.memref_squeeze %dma_start3A_94 : memref<1x1x2x128xi32, #tpu.memory_space<hbm>> -> memref<2x128xi32, #tpu.memory_space<hbm>>
    %dma_start3A_96 = tpu.memref_slice %arg9[%dma_start3A_87] : memref<6x!tpu.dma_semaphore, #tpu.memory_space<semaphore_mem>> -> memref<1x!tpu.dma_semaphore, #tpu.memory_space<semaphore_mem>>
    %dma_start3A_97 = tpu.memref_squeeze %dma_start3A_96 : memref<1x!tpu.dma_semaphore, #tpu.memory_space<semaphore_mem>> -> memref<!tpu.dma_semaphore, #tpu.memory_space<semaphore_mem>>
    %dma_start3A_98 = arith.constant 0 : i32
    %dma_start3A_99 = arith.constant 0 : i32
    %dma_start3A_100 = tpu.memref_slice %arg6[%dma_start3A_86, %dma_start3A_98, %dma_start3A_99] : memref<6x2x128xi32, #tpu.memory_space<vmem>> -> memref<1x2x128xi32, #tpu.memory_space<vmem>>
    %dma_start3A_101 = tpu.memref_squeeze %dma_start3A_100 : memref<1x2x128xi32, #tpu.memory_space<vmem>> -> memref<2x128xi32, #tpu.memory_space<vmem>>
    %dma_start3A_102 = arith.constant 0 : i32
    %dma_start3A_103 = arith.constant 0 : i32
    %dma_start3A_104 = tpu.memref_slice %arg3[%add3A, %dma_start3A_85, %dma_start3A_102, %dma_start3A_103] : memref<32x79x2x128xi32, #tpu.memory_space<hbm>> -> memref<1x1x2x128xi32, #tpu.memory_space<hbm>>
    %dma_start3A_105 = tpu.memref_squeeze %dma_start3A_104 : memref<1x1x2x128xi32, #tpu.memory_space<hbm>> -> memref<2x128xi32, #tpu.memory_space<hbm>>
    tpu.enqueue_dma source(%dma_start3A_105 : memref<2x128xi32, #tpu.memory_space<hbm>>) target(%dma_start3A_101 : memref<2x128xi32, #tpu.memory_space<vmem>>) target_semaphore(%dma_start3A_97 : memref<!tpu.dma_semaphore, #tpu.memory_space<semaphore_mem>>)
    %scan3A = arith.constant 0 : i32
    %scan3A_106 = arith.constant 0 : i32
    %scan3A_107 = arith.constant 79 : i32
    %scan3A_108 = arith.addi %scan3A_106, %scan3A_107 : i32
    %scan3A_109 = arith.constant 1 : i32
    scf.for %scan3A_169 = %scan3A_106 to %scan3A_108 step %scan3A_109  : i32 {
      %rem3A = arith.constant 3 : i32
      %rem3A_170 = arith.remsi %scan3A_169, %rem3A : i32
      %add3A_171 = arith.constant 2 : i32
      %add3A_172 = arith.addi %scan3A_169, %add3A_171 : i32
      %rem3A_173 = arith.constant 3 : i32
      %rem3A_174 = arith.remsi %add3A_172, %rem3A_173 : i32
      %rem3A_175 = arith.constant 6 : i32
      %rem3A_176 = arith.remsi %scan3A_169, %rem3A_175 : i32
      %add3A_177 = arith.constant 2 : i32
      %add3A_178 = arith.addi %scan3A_169, %add3A_177 : i32
      %rem3A_179 = arith.constant 6 : i32
      %rem3A_180 = arith.remsi %add3A_178, %rem3A_179 : i32
      %add3A_181 = arith.constant 5 : i32
      %add3A_182 = arith.addi %scan3A_169, %add3A_181 : i32
      %rem3A_183 = arith.constant 6 : i32
      %rem3A_184 = arith.remsi %add3A_182, %rem3A_183 : i32
      %ge3A = arith.constant 1 : i32
      %ge3A_185 = arith.cmpi sge, %scan3A_169, %ge3A : i32
      %add3A_186 = arith.constant 2 : i32
      %add3A_187 = arith.addi %scan3A_169, %add3A_186 : i32
      %lt3A_188 = arith.constant 79 : i32
      %lt3A_189 = arith.cmpi slt, %add3A_187, %lt3A_188 : i32
      %and3A = arith.andi %ge3A_185, %lt3A_189 : i1
      %convert_element_type3A_190 = arith.extui %and3A : i1 to i32
      %cond3A_191 = arith.constant 0 : i32
      %cond3A_192 = arith.cmpi ne, %convert_element_type3A_190, %cond3A_191 : i32
      scf.if %cond3A_192 {
        %sub3A = arith.constant 1 : i32
        %sub3A_233 = arith.subi %scan3A_169, %sub3A : i32
        %rem3A_234 = arith.constant 6 : i32
        %rem3A_235 = arith.remsi %sub3A_233, %rem3A_234 : i32
        %dma_wait3A_236 = arith.constant 1 : i32
        %dma_wait3A_237 = arith.constant 0 : i32
        %dma_wait3A_238 = arith.constant 0 : i32
        %dma_wait3A_239 = tpu.memref_slice %arg7[%rem3A_174, %dma_wait3A_237, %dma_wait3A_238] : memref<3x128x128xf32, #tpu.memory_space<vmem>> -> memref<1x128x128xf32, #tpu.memory_space<vmem>>
        %dma_wait3A_240 = tpu.memref_squeeze %dma_wait3A_239 : memref<1x128x128xf32, #tpu.memory_space<vmem>> -> memref<128x128xf32, #tpu.memory_space<vmem>>
        %dma_wait3A_241 = arith.constant 0 : i32
        %dma_wait3A_242 = tpu.memref_slice %arg6[%rem3A_235, %dma_wait3A_236, %dma_wait3A_241] : memref<6x2x128xi32, #tpu.memory_space<vmem>> -> memref<1x1x128xi32, #tpu.memory_space<vmem>>
        %dma_wait3A_243 = tpu.memref_squeeze %dma_wait3A_242 : memref<1x1x128xi32, #tpu.memory_space<vmem>> -> memref<128xi32, #tpu.memory_space<vmem>>
        %dma_wait3A_244 = arith.constant 0 : i32
        %dma_wait3A_245 = arith.constant 0 : i32
        %dma_wait3A_246 = tpu.memref_slice %arg8[%dma_wait3A_244, %dma_wait3A_245] : memref<10008x128xf32, #tpu.memory_space<vmem_shared>> -> memref<10008x128xf32, #tpu.memory_space<vmem_shared>>
        %dma_wait3A_247 = tpu.memref_slice %arg11[%rem3A_174] : memref<3x!tpu.dma_semaphore, #tpu.memory_space<semaphore_mem>> -> memref<1x!tpu.dma_semaphore, #tpu.memory_space<semaphore_mem>>
        %dma_wait3A_248 = tpu.memref_squeeze %dma_wait3A_247 : memref<1x!tpu.dma_semaphore, #tpu.memory_space<semaphore_mem>> -> memref<!tpu.dma_semaphore, #tpu.memory_space<semaphore_mem>>
        tpu.wait_indirect_dma semaphore(%dma_wait3A_248 : memref<!tpu.dma_semaphore, #tpu.memory_space<semaphore_mem>>) src(%dma_wait3A_240 : memref<128x128xf32, #tpu.memory_space<vmem>>) dst(%dma_wait3A_246 : memref<10008x128xf32, #tpu.memory_space<vmem_shared>>)
      } else {
      }
      %add3A_193 = arith.constant 2 : i32
      %add3A_194 = arith.addi %scan3A_169, %add3A_193 : i32
      %lt3A_195 = arith.constant 79 : i32
      %lt3A_196 = arith.cmpi slt, %add3A_194, %lt3A_195 : i32
      %convert_element_type3A_197 = arith.extui %lt3A_196 : i1 to i32
      %cond3A_198 = arith.constant 0 : i32
      %cond3A_199 = arith.cmpi ne, %convert_element_type3A_197, %cond3A_198 : i32
      scf.if %cond3A_199 {
        %add3A_233 = arith.constant 2 : i32
        %add3A_234 = arith.addi %scan3A_169, %add3A_233 : i32
        %dma_wait3A_235 = arith.constant 0 : i32
        %dma_wait3A_236 = arith.constant 0 : i32
        %dma_wait3A_237 = tpu.memref_slice %arg6[%rem3A_180, %dma_wait3A_235, %dma_wait3A_236] : memref<6x2x128xi32, #tpu.memory_space<vmem>> -> memref<1x2x128xi32, #tpu.memory_space<vmem>>
        %dma_wait3A_238 = tpu.memref_squeeze %dma_wait3A_237 : memref<1x2x128xi32, #tpu.memory_space<vmem>> -> memref<2x128xi32, #tpu.memory_space<vmem>>
        %dma_wait3A_239 = arith.constant 0 : i32
        %dma_wait3A_240 = arith.constant 0 : i32
        %dma_wait3A_241 = tpu.memref_slice %arg3[%add3A, %add3A_234, %dma_wait3A_239, %dma_wait3A_240] : memref<32x79x2x128xi32, #tpu.memory_space<hbm>> -> memref<1x1x2x128xi32, #tpu.memory_space<hbm>>
        %dma_wait3A_242 = tpu.memref_squeeze %dma_wait3A_241 : memref<1x1x2x128xi32, #tpu.memory_space<hbm>> -> memref<2x128xi32, #tpu.memory_space<hbm>>
        %dma_wait3A_243 = tpu.memref_slice %arg9[%rem3A_180] : memref<6x!tpu.dma_semaphore, #tpu.memory_space<semaphore_mem>> -> memref<1x!tpu.dma_semaphore, #tpu.memory_space<semaphore_mem>>
        %dma_wait3A_244 = tpu.memref_squeeze %dma_wait3A_243 : memref<1x!tpu.dma_semaphore, #tpu.memory_space<semaphore_mem>> -> memref<!tpu.dma_semaphore, #tpu.memory_space<semaphore_mem>>
        %dma_wait3A_245 = arith.constant 0 : i32
        %dma_wait3A_246 = arith.constant 0 : i32
        %dma_wait3A_247 = tpu.memref_slice %arg6[%rem3A_180, %dma_wait3A_245, %dma_wait3A_246] : memref<6x2x128xi32, #tpu.memory_space<vmem>> -> memref<1x2x128xi32, #tpu.memory_space<vmem>>
        %dma_wait3A_248 = tpu.memref_squeeze %dma_wait3A_247 : memref<1x2x128xi32, #tpu.memory_space<vmem>> -> memref<2x128xi32, #tpu.memory_space<vmem>>
        %dma_wait3A_249 = arith.constant 0 : i32
        %dma_wait3A_250 = arith.constant 0 : i32
        %dma_wait3A_251 = tpu.memref_slice %arg3[%add3A, %add3A_234, %dma_wait3A_249, %dma_wait3A_250] : memref<32x79x2x128xi32, #tpu.memory_space<hbm>> -> memref<1x1x2x128xi32, #tpu.memory_space<hbm>>
        %dma_wait3A_252 = tpu.memref_squeeze %dma_wait3A_251 : memref<1x1x2x128xi32, #tpu.memory_space<hbm>> -> memref<2x128xi32, #tpu.memory_space<hbm>>
        tpu.wait_dma2 semaphore(%dma_wait3A_244 : memref<!tpu.dma_semaphore, #tpu.memory_space<semaphore_mem>>) src(%dma_wait3A_252 : memref<2x128xi32, #tpu.memory_space<hbm>>) dst(%dma_wait3A_248 : memref<2x128xi32, #tpu.memory_space<vmem>>)
        %dma_start3A_253 = arith.constant 0 : i32
        %dma_start3A_254 = arith.constant 0 : i32
        %dma_start3A_255 = arith.constant 0 : i32
        %dma_start3A_256 = tpu.memref_slice %arg7[%rem3A_174, %dma_start3A_254, %dma_start3A_255] : memref<3x128x128xf32, #tpu.memory_space<vmem>> -> memref<1x128x128xf32, #tpu.memory_space<vmem>>
        %dma_start3A_257 = tpu.memref_squeeze %dma_start3A_256 : memref<1x128x128xf32, #tpu.memory_space<vmem>> -> memref<128x128xf32, #tpu.memory_space<vmem>>
        %dma_start3A_258 = arith.constant 0 : i32
        %dma_start3A_259 = tpu.memref_slice %arg6[%rem3A_180, %dma_start3A_253, %dma_start3A_258] : memref<6x2x128xi32, #tpu.memory_space<vmem>> -> memref<1x1x128xi32, #tpu.memory_space<vmem>>
        %dma_start3A_260 = tpu.memref_squeeze %dma_start3A_259 : memref<1x1x128xi32, #tpu.memory_space<vmem>> -> memref<128xi32, #tpu.memory_space<vmem>>
        %dma_start3A_261 = arith.constant 0 : i32
        %dma_start3A_262 = arith.constant 0 : i32
        %dma_start3A_263 = tpu.memref_slice %arg2[%dma_start3A_261, %dma_start3A_262] : memref<10000x128xf32, #tpu.memory_space<hbm>> -> memref<10000x128xf32, #tpu.memory_space<hbm>>
        %dma_start3A_264 = tpu.memref_slice %arg10[%rem3A_174] : memref<3x!tpu.dma_semaphore, #tpu.memory_space<semaphore_mem>> -> memref<1x!tpu.dma_semaphore, #tpu.memory_space<semaphore_mem>>
        %dma_start3A_265 = tpu.memref_squeeze %dma_start3A_264 : memref<1x!tpu.dma_semaphore, #tpu.memory_space<semaphore_mem>> -> memref<!tpu.dma_semaphore, #tpu.memory_space<semaphore_mem>>
        tpu.enqueue_indirect_dma source(%dma_start3A_263 : memref<10000x128xf32, #tpu.memory_space<hbm>>) target(%dma_start3A_257 : memref<128x128xf32, #tpu.memory_space<vmem>>) offsets(%dma_start3A_260 : memref<128xi32, #tpu.memory_space<vmem>>) semaphore(%dma_start3A_265 : memref<!tpu.dma_semaphore, #tpu.memory_space<semaphore_mem>>)
      } else {
      }
      %add3A_200 = arith.constant 5 : i32
      %add3A_201 = arith.addi %scan3A_169, %add3A_200 : i32
      %lt3A_202 = arith.constant 79 : i32
      %lt3A_203 = arith.cmpi slt, %add3A_201, %lt3A_202 : i32
      %convert_element_type3A_204 = arith.extui %lt3A_203 : i1 to i32
      %cond3A_205 = arith.constant 0 : i32
      %cond3A_206 = arith.cmpi ne, %convert_element_type3A_204, %cond3A_205 : i32
      scf.if %cond3A_206 {
        %add3A_233 = arith.constant 5 : i32
        %add3A_234 = arith.addi %scan3A_169, %add3A_233 : i32
        %dma_start3A_235 = arith.constant 0 : i32
        %dma_start3A_236 = arith.constant 0 : i32
        %dma_start3A_237 = tpu.memref_slice %arg6[%rem3A_184, %dma_start3A_235, %dma_start3A_236] : memref<6x2x128xi32, #tpu.memory_space<vmem>> -> memref<1x2x128xi32, #tpu.memory_space<vmem>>
        %dma_start3A_238 = tpu.memref_squeeze %dma_start3A_237 : memref<1x2x128xi32, #tpu.memory_space<vmem>> -> memref<2x128xi32, #tpu.memory_space<vmem>>
        %dma_start3A_239 = arith.constant 0 : i32
        %dma_start3A_240 = arith.constant 0 : i32
        %dma_start3A_241 = tpu.memref_slice %arg3[%add3A, %add3A_234, %dma_start3A_239, %dma_start3A_240] : memref<32x79x2x128xi32, #tpu.memory_space<hbm>> -> memref<1x1x2x128xi32, #tpu.memory_space<hbm>>
        %dma_start3A_242 = tpu.memref_squeeze %dma_start3A_241 : memref<1x1x2x128xi32, #tpu.memory_space<hbm>> -> memref<2x128xi32, #tpu.memory_space<hbm>>
        %dma_start3A_243 = tpu.memref_slice %arg9[%rem3A_184] : memref<6x!tpu.dma_semaphore, #tpu.memory_space<semaphore_mem>> -> memref<1x!tpu.dma_semaphore, #tpu.memory_space<semaphore_mem>>
        %dma_start3A_244 = tpu.memref_squeeze %dma_start3A_243 : memref<1x!tpu.dma_semaphore, #tpu.memory_space<semaphore_mem>> -> memref<!tpu.dma_semaphore, #tpu.memory_space<semaphore_mem>>
        %dma_start3A_245 = arith.constant 0 : i32
        %dma_start3A_246 = arith.constant 0 : i32
        %dma_start3A_247 = tpu.memref_slice %arg6[%rem3A_184, %dma_start3A_245, %dma_start3A_246] : memref<6x2x128xi32, #tpu.memory_space<vmem>> -> memref<1x2x128xi32, #tpu.memory_space<vmem>>
        %dma_start3A_248 = tpu.memref_squeeze %dma_start3A_247 : memref<1x2x128xi32, #tpu.memory_space<vmem>> -> memref<2x128xi32, #tpu.memory_space<vmem>>
        %dma_start3A_249 = arith.constant 0 : i32
        %dma_start3A_250 = arith.constant 0 : i32
        %dma_start3A_251 = tpu.memref_slice %arg3[%add3A, %add3A_234, %dma_start3A_249, %dma_start3A_250] : memref<32x79x2x128xi32, #tpu.memory_space<hbm>> -> memref<1x1x2x128xi32, #tpu.memory_space<hbm>>
        %dma_start3A_252 = tpu.memref_squeeze %dma_start3A_251 : memref<1x1x2x128xi32, #tpu.memory_space<hbm>> -> memref<2x128xi32, #tpu.memory_space<hbm>>
        tpu.enqueue_dma source(%dma_start3A_252 : memref<2x128xi32, #tpu.memory_space<hbm>>) target(%dma_start3A_248 : memref<2x128xi32, #tpu.memory_space<vmem>>) target_semaphore(%dma_start3A_244 : memref<!tpu.dma_semaphore, #tpu.memory_space<semaphore_mem>>)
      } else {
      }
      %dma_wait3A_207 = arith.constant 0 : i32
      %dma_wait3A_208 = arith.constant 0 : i32
      %dma_wait3A_209 = arith.constant 0 : i32
      %dma_wait3A_210 = tpu.memref_slice %arg7[%rem3A_170, %dma_wait3A_208, %dma_wait3A_209] : memref<3x128x128xf32, #tpu.memory_space<vmem>> -> memref<1x128x128xf32, #tpu.memory_space<vmem>>
      %dma_wait3A_211 = tpu.memref_squeeze %dma_wait3A_210 : memref<1x128x128xf32, #tpu.memory_space<vmem>> -> memref<128x128xf32, #tpu.memory_space<vmem>>
      %dma_wait3A_212 = arith.constant 0 : i32
      %dma_wait3A_213 = tpu.memref_slice %arg6[%rem3A_176, %dma_wait3A_207, %dma_wait3A_212] : memref<6x2x128xi32, #tpu.memory_space<vmem>> -> memref<1x1x128xi32, #tpu.memory_space<vmem>>
      %dma_wait3A_214 = tpu.memref_squeeze %dma_wait3A_213 : memref<1x1x128xi32, #tpu.memory_space<vmem>> -> memref<128xi32, #tpu.memory_space<vmem>>
      %dma_wait3A_215 = arith.constant 0 : i32
      %dma_wait3A_216 = arith.constant 0 : i32
      %dma_wait3A_217 = tpu.memref_slice %arg2[%dma_wait3A_215, %dma_wait3A_216] : memref<10000x128xf32, #tpu.memory_space<hbm>> -> memref<10000x128xf32, #tpu.memory_space<hbm>>
      %dma_wait3A_218 = tpu.memref_slice %arg10[%rem3A_170] : memref<3x!tpu.dma_semaphore, #tpu.memory_space<semaphore_mem>> -> memref<1x!tpu.dma_semaphore, #tpu.memory_space<semaphore_mem>>
      %dma_wait3A_219 = tpu.memref_squeeze %dma_wait3A_218 : memref<1x!tpu.dma_semaphore, #tpu.memory_space<semaphore_mem>> -> memref<!tpu.dma_semaphore, #tpu.memory_space<semaphore_mem>>
      tpu.wait_indirect_dma semaphore(%dma_wait3A_219 : memref<!tpu.dma_semaphore, #tpu.memory_space<semaphore_mem>>) src(%dma_wait3A_217 : memref<10000x128xf32, #tpu.memory_space<hbm>>) dst(%dma_wait3A_211 : memref<128x128xf32, #tpu.memory_space<vmem>>)
      %dma_start3A_220 = arith.constant 1 : i32
      %dma_start3A_221 = arith.constant 0 : i32
      %dma_start3A_222 = arith.constant 0 : i32
      %dma_start3A_223 = tpu.memref_slice %arg7[%rem3A_170, %dma_start3A_221, %dma_start3A_222] : memref<3x128x128xf32, #tpu.memory_space<vmem>> -> memref<1x128x128xf32, #tpu.memory_space<vmem>>
      %dma_start3A_224 = tpu.memref_squeeze %dma_start3A_223 : memref<1x128x128xf32, #tpu.memory_space<vmem>> -> memref<128x128xf32, #tpu.memory_space<vmem>>
      %dma_start3A_225 = arith.constant 0 : i32
      %dma_start3A_226 = tpu.memref_slice %arg6[%rem3A_176, %dma_start3A_220, %dma_start3A_225] : memref<6x2x128xi32, #tpu.memory_space<vmem>> -> memref<1x1x128xi32, #tpu.memory_space<vmem>>
      %dma_start3A_227 = tpu.memref_squeeze %dma_start3A_226 : memref<1x1x128xi32, #tpu.memory_space<vmem>> -> memref<128xi32, #tpu.memory_space<vmem>>
      %dma_start3A_228 = arith.constant 0 : i32
      %dma_start3A_229 = arith.constant 0 : i32
      %dma_start3A_230 = tpu.memref_slice %arg8[%dma_start3A_228, %dma_start3A_229] : memref<10008x128xf32, #tpu.memory_space<vmem_shared>> -> memref<10008x128xf32, #tpu.memory_space<vmem_shared>>
      %dma_start3A_231 = tpu.memref_slice %arg11[%rem3A_170] : memref<3x!tpu.dma_semaphore, #tpu.memory_space<semaphore_mem>> -> memref<1x!tpu.dma_semaphore, #tpu.memory_space<semaphore_mem>>
      %dma_start3A_232 = tpu.memref_squeeze %dma_start3A_231 : memref<1x!tpu.dma_semaphore, #tpu.memory_space<semaphore_mem>> -> memref<!tpu.dma_semaphore, #tpu.memory_space<semaphore_mem>>
      tpu.enqueue_indirect_dma source(%dma_start3A_224 : memref<128x128xf32, #tpu.memory_space<vmem>>) target(%dma_start3A_230 : memref<10008x128xf32, #tpu.memory_space<vmem_shared>>) offsets(%dma_start3A_227 : memref<128xi32, #tpu.memory_space<vmem>>) semaphore(%dma_start3A_232 : memref<!tpu.dma_semaphore, #tpu.memory_space<semaphore_mem>>) {add = true}
    }
    %scan3A_110 = arith.constant 79 : i32
    %dma_wait3A = arith.constant 1 : i32
    %dma_wait3A_111 = arith.constant 4 : i32
    %dma_wait3A_112 = arith.constant 1 : i32
    %dma_wait3A_113 = arith.constant 1 : i32
    %dma_wait3A_114 = arith.constant 0 : i32
    %dma_wait3A_115 = arith.constant 0 : i32
    %dma_wait3A_116 = tpu.memref_slice %arg7[%dma_wait3A, %dma_wait3A_114, %dma_wait3A_115] : memref<3x128x128xf32, #tpu.memory_space<vmem>> -> memref<1x128x128xf32, #tpu.memory_space<vmem>>
    %dma_wait3A_117 = tpu.memref_squeeze %dma_wait3A_116 : memref<1x128x128xf32, #tpu.memory_space<vmem>> -> memref<128x128xf32, #tpu.memory_space<vmem>>
    %dma_wait3A_118 = arith.constant 0 : i32
    %dma_wait3A_119 = tpu.memref_slice %arg6[%dma_wait3A_111, %dma_wait3A_112, %dma_wait3A_118] : memref<6x2x128xi32, #tpu.memory_space<vmem>> -> memref<1x1x128xi32, #tpu.memory_space<vmem>>
    %dma_wait3A_120 = tpu.memref_squeeze %dma_wait3A_119 : memref<1x1x128xi32, #tpu.memory_space<vmem>> -> memref<128xi32, #tpu.memory_space<vmem>>
    %dma_wait3A_121 = arith.constant 0 : i32
    %dma_wait3A_122 = arith.constant 0 : i32
    %dma_wait3A_123 = tpu.memref_slice %arg8[%dma_wait3A_121, %dma_wait3A_122] : memref<10008x128xf32, #tpu.memory_space<vmem_shared>> -> memref<10008x128xf32, #tpu.memory_space<vmem_shared>>
    %dma_wait3A_124 = tpu.memref_slice %arg11[%dma_wait3A_113] : memref<3x!tpu.dma_semaphore, #tpu.memory_space<semaphore_mem>> -> memref<1x!tpu.dma_semaphore, #tpu.memory_space<semaphore_mem>>
    %dma_wait3A_125 = tpu.memref_squeeze %dma_wait3A_124 : memref<1x!tpu.dma_semaphore, #tpu.memory_space<semaphore_mem>> -> memref<!tpu.dma_semaphore, #tpu.memory_space<semaphore_mem>>
    tpu.wait_indirect_dma semaphore(%dma_wait3A_125 : memref<!tpu.dma_semaphore, #tpu.memory_space<semaphore_mem>>) src(%dma_wait3A_117 : memref<128x128xf32, #tpu.memory_space<vmem>>) dst(%dma_wait3A_123 : memref<10008x128xf32, #tpu.memory_space<vmem_shared>>)
    %dma_wait3A_126 = arith.constant 2 : i32
    %dma_wait3A_127 = arith.constant 5 : i32
    %dma_wait3A_128 = arith.constant 1 : i32
    %dma_wait3A_129 = arith.constant 2 : i32
    %dma_wait3A_130 = arith.constant 0 : i32
    %dma_wait3A_131 = arith.constant 0 : i32
    %dma_wait3A_132 = tpu.memref_slice %arg7[%dma_wait3A_126, %dma_wait3A_130, %dma_wait3A_131] : memref<3x128x128xf32, #tpu.memory_space<vmem>> -> memref<1x128x128xf32, #tpu.memory_space<vmem>>
    %dma_wait3A_133 = tpu.memref_squeeze %dma_wait3A_132 : memref<1x128x128xf32, #tpu.memory_space<vmem>> -> memref<128x128xf32, #tpu.memory_space<vmem>>
    %dma_wait3A_134 = arith.constant 0 : i32
    %dma_wait3A_135 = tpu.memref_slice %arg6[%dma_wait3A_127, %dma_wait3A_128, %dma_wait3A_134] : memref<6x2x128xi32, #tpu.memory_space<vmem>> -> memref<1x1x128xi32, #tpu.memory_space<vmem>>
    %dma_wait3A_136 = tpu.memref_squeeze %dma_wait3A_135 : memref<1x1x128xi32, #tpu.memory_space<vmem>> -> memref<128xi32, #tpu.memory_space<vmem>>
    %dma_wait3A_137 = arith.constant 0 : i32
    %dma_wait3A_138 = arith.constant 0 : i32
    %dma_wait3A_139 = tpu.memref_slice %arg8[%dma_wait3A_137, %dma_wait3A_138] : memref<10008x128xf32, #tpu.memory_space<vmem_shared>> -> memref<10008x128xf32, #tpu.memory_space<vmem_shared>>
    %dma_wait3A_140 = tpu.memref_slice %arg11[%dma_wait3A_129] : memref<3x!tpu.dma_semaphore, #tpu.memory_space<semaphore_mem>> -> memref<1x!tpu.dma_semaphore, #tpu.memory_space<semaphore_mem>>
    %dma_wait3A_141 = tpu.memref_squeeze %dma_wait3A_140 : memref<1x!tpu.dma_semaphore, #tpu.memory_space<semaphore_mem>> -> memref<!tpu.dma_semaphore, #tpu.memory_space<semaphore_mem>>
    tpu.wait_indirect_dma semaphore(%dma_wait3A_141 : memref<!tpu.dma_semaphore, #tpu.memory_space<semaphore_mem>>) src(%dma_wait3A_133 : memref<128x128xf32, #tpu.memory_space<vmem>>) dst(%dma_wait3A_139 : memref<10008x128xf32, #tpu.memory_space<vmem_shared>>)
    %dma_wait3A_142 = arith.constant 0 : i32
    %dma_wait3A_143 = arith.constant 0 : i32
    %dma_wait3A_144 = arith.constant 1 : i32
    %dma_wait3A_145 = arith.constant 0 : i32
    %dma_wait3A_146 = arith.constant 0 : i32
    %dma_wait3A_147 = arith.constant 0 : i32
    %dma_wait3A_148 = tpu.memref_slice %arg7[%dma_wait3A_142, %dma_wait3A_146, %dma_wait3A_147] : memref<3x128x128xf32, #tpu.memory_space<vmem>> -> memref<1x128x128xf32, #tpu.memory_space<vmem>>
    %dma_wait3A_149 = tpu.memref_squeeze %dma_wait3A_148 : memref<1x128x128xf32, #tpu.memory_space<vmem>> -> memref<128x128xf32, #tpu.memory_space<vmem>>
    %dma_wait3A_150 = arith.constant 0 : i32
    %dma_wait3A_151 = tpu.memref_slice %arg6[%dma_wait3A_143, %dma_wait3A_144, %dma_wait3A_150] : memref<6x2x128xi32, #tpu.memory_space<vmem>> -> memref<1x1x128xi32, #tpu.memory_space<vmem>>
    %dma_wait3A_152 = tpu.memref_squeeze %dma_wait3A_151 : memref<1x1x128xi32, #tpu.memory_space<vmem>> -> memref<128xi32, #tpu.memory_space<vmem>>
    %dma_wait3A_153 = arith.constant 0 : i32
    %dma_wait3A_154 = arith.constant 0 : i32
    %dma_wait3A_155 = tpu.memref_slice %arg8[%dma_wait3A_153, %dma_wait3A_154] : memref<10008x128xf32, #tpu.memory_space<vmem_shared>> -> memref<10008x128xf32, #tpu.memory_space<vmem_shared>>
    %dma_wait3A_156 = tpu.memref_slice %arg11[%dma_wait3A_145] : memref<3x!tpu.dma_semaphore, #tpu.memory_space<semaphore_mem>> -> memref<1x!tpu.dma_semaphore, #tpu.memory_space<semaphore_mem>>
    %dma_wait3A_157 = tpu.memref_squeeze %dma_wait3A_156 : memref<1x!tpu.dma_semaphore, #tpu.memory_space<semaphore_mem>> -> memref<!tpu.dma_semaphore, #tpu.memory_space<semaphore_mem>>
    tpu.wait_indirect_dma semaphore(%dma_wait3A_157 : memref<!tpu.dma_semaphore, #tpu.memory_space<semaphore_mem>>) src(%dma_wait3A_149 : memref<128x128xf32, #tpu.memory_space<vmem>>) dst(%dma_wait3A_155 : memref<10008x128xf32, #tpu.memory_space<vmem_shared>>)
    %barrier3A_158 = arith.constant 0 : index
    tpu.barrier barrier_id(%barrier3A_158)
    %lt3A_159 = arith.constant 15 : i32
    %lt3A_160 = arith.cmpi slt, %arg1, %lt3A_159 : i32
    %convert_element_type3A_161 = arith.extui %lt3A_160 : i1 to i32
    %cond3A_162 = arith.constant 0 : i32
    %cond3A_163 = arith.cmpi ne, %convert_element_type3A_161, %cond3A_162 : i32
    scf.if %cond3A_163 {
      "tpu.region"() ({
        %run_scoped3A_169 = tpu.sem_alloc : memref<!tpu.dma_semaphore, #tpu.memory_space<semaphore_mem>>
        %dma_start3A_170 = arith.constant 0 : i32
        %dma_start3A_171 = tpu.memref_slice %arg5[%arg0, %mul3A_2, %dma_start3A_170] : memref<2x10008x128xf32, #tpu.memory_space<hbm>> -> memref<1x624x128xf32, #tpu.memory_space<hbm>>
        %dma_start3A_172 = tpu.memref_squeeze %dma_start3A_171 : memref<1x624x128xf32, #tpu.memory_space<hbm>> -> memref<624x128xf32, #tpu.memory_space<hbm>>
        %dma_start3A_173 = arith.constant 0 : i32
        %dma_start3A_174 = tpu.memref_slice %arg8[%mul3A_2, %dma_start3A_173] : memref<10008x128xf32, #tpu.memory_space<vmem_shared>> -> memref<624x128xf32, #tpu.memory_space<vmem_shared>>
        tpu.enqueue_dma source(%dma_start3A_174 : memref<624x128xf32, #tpu.memory_space<vmem_shared>>) target(%dma_start3A_172 : memref<624x128xf32, #tpu.memory_space<hbm>>) target_semaphore(%run_scoped3A_169 : memref<!tpu.dma_semaphore, #tpu.memory_space<semaphore_mem>>)
        %dma_wait3A_175 = arith.constant 0 : i32
        %dma_wait3A_176 = tpu.memref_slice %arg5[%arg0, %mul3A_2, %dma_wait3A_175] : memref<2x10008x128xf32, #tpu.memory_space<hbm>> -> memref<1x624x128xf32, #tpu.memory_space<hbm>>
        %dma_wait3A_177 = tpu.memref_squeeze %dma_wait3A_176 : memref<1x624x128xf32, #tpu.memory_space<hbm>> -> memref<624x128xf32, #tpu.memory_space<hbm>>
        %dma_wait3A_178 = arith.constant 0 : i32
        %dma_wait3A_179 = tpu.memref_slice %arg8[%mul3A_2, %dma_wait3A_178] : memref<10008x128xf32, #tpu.memory_space<vmem_shared>> -> memref<624x128xf32, #tpu.memory_space<vmem_shared>>
        tpu.wait_dma2 semaphore(%run_scoped3A_169 : memref<!tpu.dma_semaphore, #tpu.memory_space<semaphore_mem>>) src(%dma_wait3A_179 : memref<624x128xf32, #tpu.memory_space<vmem_shared>>) dst(%dma_wait3A_177 : memref<624x128xf32, #tpu.memory_space<hbm>>)
        tpu.yield
      }) : () -> ()
    } else {
    }
    %eq3A_164 = arith.constant 15 : i32
    %eq3A_165 = arith.cmpi eq, %arg1, %eq3A_164 : i32
    %convert_element_type3A_166 = arith.extui %eq3A_165 : i1 to i32
    %cond3A_167 = arith.constant 0 : i32
    %cond3A_168 = arith.cmpi ne, %convert_element_type3A_166, %cond3A_167 : i32
    scf.if %cond3A_168 {
      "tpu.region"() ({
        %run_scoped3A_169 = tpu.sem_alloc : memref<!tpu.dma_semaphore, #tpu.memory_space<semaphore_mem>>
        %dma_start3A_170 = arith.constant 9360 : i32
        %dma_start3A_171 = arith.constant 0 : i32
        %dma_start3A_172 = tpu.memref_slice %arg5[%arg0, %dma_start3A_170, %dma_start3A_171] : memref<2x10008x128xf32, #tpu.memory_space<hbm>> -> memref<1x648x128xf32, #tpu.memory_space<hbm>>
        %dma_start3A_173 = tpu.memref_squeeze %dma_start3A_172 : memref<1x648x128xf32, #tpu.memory_space<hbm>> -> memref<648x128xf32, #tpu.memory_space<hbm>>
        %dma_start3A_174 = arith.constant 9360 : i32
        %dma_start3A_175 = arith.constant 0 : i32
        %dma_start3A_176 = tpu.memref_slice %arg8[%dma_start3A_174, %dma_start3A_175] : memref<10008x128xf32, #tpu.memory_space<vmem_shared>> -> memref<648x128xf32, #tpu.memory_space<vmem_shared>>
        tpu.enqueue_dma source(%dma_start3A_176 : memref<648x128xf32, #tpu.memory_space<vmem_shared>>) target(%dma_start3A_173 : memref<648x128xf32, #tpu.memory_space<hbm>>) target_semaphore(%run_scoped3A_169 : memref<!tpu.dma_semaphore, #tpu.memory_space<semaphore_mem>>)
        %dma_wait3A_177 = arith.constant 9360 : i32
        %dma_wait3A_178 = arith.constant 0 : i32
        %dma_wait3A_179 = tpu.memref_slice %arg5[%arg0, %dma_wait3A_177, %dma_wait3A_178] : memref<2x10008x128xf32, #tpu.memory_space<hbm>> -> memref<1x648x128xf32, #tpu.memory_space<hbm>>
        %dma_wait3A_180 = tpu.memref_squeeze %dma_wait3A_179 : memref<1x648x128xf32, #tpu.memory_space<hbm>> -> memref<648x128xf32, #tpu.memory_space<hbm>>
        %dma_wait3A_181 = arith.constant 9360 : i32
        %dma_wait3A_182 = arith.constant 0 : i32
        %dma_wait3A_183 = tpu.memref_slice %arg8[%dma_wait3A_181, %dma_wait3A_182] : memref<10008x128xf32, #tpu.memory_space<vmem_shared>> -> memref<648x128xf32, #tpu.memory_space<vmem_shared>>
        tpu.wait_dma2 semaphore(%run_scoped3A_169 : memref<!tpu.dma_semaphore, #tpu.memory_space<semaphore_mem>>) src(%dma_wait3A_183 : memref<648x128xf32, #tpu.memory_space<vmem_shared>>) dst(%dma_wait3A_180 : memref<648x128xf32, #tpu.memory_space<hbm>>)
        tpu.yield
      }) : () -> ()
    } else {
    }
    return
  }
}

#map = affine_map<(d0, d1) -> (0, 0)>
#map1 = affine_map<(d0, d1) -> (0, 0, 0, 0)>
#map2 = affine_map<(d0, d1) -> (0, 0, 0)>
module attributes {stable_mosaic.version = 14 : i64} {
  func.func @_spmm(%arg0: i32, %arg1: i32, %arg2: memref<10000x128xf32, #tpu.memory_space<hbm>>, %arg3: memref<32x79x2x128xi32, #tpu.memory_space<hbm>>, %arg4: memref<10008x128xf32, #tpu.memory_space<hbm>>, %arg5: memref<2x10008x128xf32, #tpu.memory_space<hbm>>, %arg6: memref<6x2x128xi32, #tpu.memory_space<vmem>>, %arg7: memref<3x128x128xf32, #tpu.memory_space<vmem>>, %arg8: memref<10008x128xf32, #tpu.memory_space<vmem_shared>>, %arg9: memref<6x!tpu.dma_semaphore, #tpu.memory_space<semaphore_mem>>, %arg10: memref<3x!tpu.dma_semaphore, #tpu.memory_space<semaphore_mem>>, %arg11: memref<3x!tpu.dma_semaphore, #tpu.memory_space<semaphore_mem>>) attributes {dimension_semantics = [#tpu.dimension_semantics<core_parallel>, #tpu.dimension_semantics<subcore_parallel>], iteration_bounds = array<i64: 2, 16>, scalar_prefetch = 0 : i64, scratch_operands = 6 : i64, tpu.core_type = #tpu.core_type<sc_vector_subcore>, window_params = [{transform_indices = #map}, {transform_indices = #map1}, {transform_indices = #map}, {transform_indices = #map2}]} {
    %mul3A = arith.constant 16 : i32
    %mul3A_0 = arith.muli %arg0, %mul3A : i32
    %add3A = arith.addi %mul3A_0, %arg1 : i32
    %mul3A_1 = arith.constant 624 : i32
    %mul3A_2 = arith.muli %arg1, %mul3A_1 : i32
    %lt3A = arith.constant 15 : i32
    %lt3A_3 = arith.cmpi slt, %arg1, %lt3A : i32
    %convert_element_type3A = arith.extui %lt3A_3 : i1 to i32
    %cond3A = arith.constant 0 : i32
    %cond3A_4 = arith.cmpi ne, %convert_element_type3A, %cond3A : i32
    scf.if %cond3A_4 {
      "tpu.region"() ({
        %run_scoped3A_169 = tpu.sem_alloc : memref<!tpu.dma_semaphore, #tpu.memory_space<semaphore_mem>>
        %dma_start3A_170 = arith.constant 0 : i32
        %dma_start3A_171 = tpu.memref_slice %arg8[%mul3A_2, %dma_start3A_170] : memref<10008x128xf32, #tpu.memory_space<vmem_shared>> -> memref<624x128xf32, #tpu.memory_space<vmem_shared>>
        %dma_start3A_172 = arith.constant 0 : i32
        %dma_start3A_173 = tpu.memref_slice %arg4[%mul3A_2, %dma_start3A_172] : memref<10008x128xf32, #tpu.memory_space<hbm>> -> memref<624x128xf32, #tpu.memory_space<hbm>>
        tpu.enqueue_dma source(%dma_start3A_173 : memref<624x128xf32, #tpu.memory_space<hbm>>) target(%dma_start3A_171 : memref<624x128xf32, #tpu.memory_space<vmem_shared>>) target_semaphore(%run_scoped3A_169 : memref<!tpu.dma_semaphore, #tpu.memory_space<semaphore_mem>>)
        %dma_wait3A_174 = arith.constant 0 : i32
        %dma_wait3A_175 = tpu.memref_slice %arg8[%mul3A_2, %dma_wait3A_174] : memref<10008x128xf32, #tpu.memory_space<vmem_shared>> -> memref<624x128xf32, #tpu.memory_space<vmem_shared>>
        %dma_wait3A_176 = arith.constant 0 : i32
        %dma_wait3A_177 = tpu.memref_slice %arg4[%mul3A_2, %dma_wait3A_176] : memref<10008x128xf32, #tpu.memory_space<hbm>> -> memref<624x128xf32, #tpu.memory_space<hbm>>
        tpu.wait_dma2 semaphore(%run_scoped3A_169 : memref<!tpu.dma_semaphore, #tpu.memory_space<semaphore_mem>>) src(%dma_wait3A_177 : memref<624x128xf32, #tpu.memory_space<hbm>>) dst(%dma_wait3A_175 : memref<624x128xf32, #tpu.memory_space<vmem_shared>>)
        tpu.yield
      }) : () -> ()
    } else {
    }
    %eq3A = arith.constant 15 : i32
    %eq3A_5 = arith.cmpi eq, %arg1, %eq3A : i32
    %convert_element_type3A_6 = arith.extui %eq3A_5 : i1 to i32
    %cond3A_7 = arith.constant 0 : i32
    %cond3A_8 = arith.cmpi ne, %convert_element_type3A_6, %cond3A_7 : i32
    scf.if %cond3A_8 {
      "tpu.region"() ({
        %run_scoped3A_169 = tpu.sem_alloc : memref<!tpu.dma_semaphore, #tpu.memory_space<semaphore_mem>>
        %dma_start3A_170 = arith.constant 9360 : i32
        %dma_start3A_171 = arith.constant 0 : i32
        %dma_start3A_172 = tpu.memref_slice %arg8[%dma_start3A_170, %dma_start3A_171] : memref<10008x128xf32, #tpu.memory_space<vmem_shared>> -> memref<648x128xf32, #tpu.memory_space<vmem_shared>>
        %dma_start3A_173 = arith.constant 9360 : i32
        %dma_start3A_174 = arith.constant 0 : i32
        %dma_start3A_175 = tpu.memref_slice %arg4[%dma_start3A_173, %dma_start3A_174] : memref<10008x128xf32, #tpu.memory_space<hbm>> -> memref<648x128xf32, #tpu.memory_space<hbm>>
        tpu.enqueue_dma source(%dma_start3A_175 : memref<648x128xf32, #tpu.memory_space<hbm>>) target(%dma_start3A_172 : memref<648x128xf32, #tpu.memory_space<vmem_shared>>) target_semaphore(%run_scoped3A_169 : memref<!tpu.dma_semaphore, #tpu.memory_space<semaphore_mem>>)
        %dma_wait3A_176 = arith.constant 9360 : i32
        %dma_wait3A_177 = arith.constant 0 : i32
        %dma_wait3A_178 = tpu.memref_slice %arg8[%dma_wait3A_176, %dma_wait3A_177] : memref<10008x128xf32, #tpu.memory_space<vmem_shared>> -> memref<648x128xf32, #tpu.memory_space<vmem_shared>>
        %dma_wait3A_179 = arith.constant 9360 : i32
        %dma_wait3A_180 = arith.constant 0 : i32
        %dma_wait3A_181 = tpu.memref_slice %arg4[%dma_wait3A_179, %dma_wait3A_180] : memref<10008x128xf32, #tpu.memory_space<hbm>> -> memref<648x128xf32, #tpu.memory_space<hbm>>
        tpu.wait_dma2 semaphore(%run_scoped3A_169 : memref<!tpu.dma_semaphore, #tpu.memory_space<semaphore_mem>>) src(%dma_wait3A_181 : memref<648x128xf32, #tpu.memory_space<hbm>>) dst(%dma_wait3A_178 : memref<648x128xf32, #tpu.memory_space<vmem_shared>>)
        tpu.yield
      }) : () -> ()
    } else {
    }
    %barrier3A = arith.constant 0 : index
    tpu.barrier barrier_id(%barrier3A)
    %run_scoped3A = arith.constant 0 : i32
    %run_scoped3A_9 = arith.constant 0 : i32
    "tpu.region"() ({
      %run_scoped3A_169 = tpu.sem_alloc : memref<!tpu.dma_semaphore, #tpu.memory_space<semaphore_mem>>
      %dma_start3A_170 = arith.constant 0 : i32
      %dma_start3A_171 = arith.constant 0 : i32
      %dma_start3A_172 = tpu.memref_slice %arg6[%run_scoped3A_9, %dma_start3A_170, %dma_start3A_171] : memref<6x2x128xi32, #tpu.memory_space<vmem>> -> memref<1x2x128xi32, #tpu.memory_space<vmem>>
      %dma_start3A_173 = tpu.memref_squeeze %dma_start3A_172 : memref<1x2x128xi32, #tpu.memory_space<vmem>> -> memref<2x128xi32, #tpu.memory_space<vmem>>
      %dma_start3A_174 = arith.constant 0 : i32
      %dma_start3A_175 = arith.constant 0 : i32
      %dma_start3A_176 = tpu.memref_slice %arg3[%add3A, %run_scoped3A, %dma_start3A_174, %dma_start3A_175] : memref<32x79x2x128xi32, #tpu.memory_space<hbm>> -> memref<1x1x2x128xi32, #tpu.memory_space<hbm>>
      %dma_start3A_177 = tpu.memref_squeeze %dma_start3A_176 : memref<1x1x2x128xi32, #tpu.memory_space<hbm>> -> memref<2x128xi32, #tpu.memory_space<hbm>>
      %dma_start3A_178 = arith.constant 0 : i32
      %dma_start3A_179 = arith.constant 0 : i32
      %dma_start3A_180 = tpu.memref_slice %arg6[%run_scoped3A_9, %dma_start3A_178, %dma_start3A_179] : memref<6x2x128xi32, #tpu.memory_space<vmem>> -> memref<1x2x128xi32, #tpu.memory_space<vmem>>
      %dma_start3A_181 = tpu.memref_squeeze %dma_start3A_180 : memref<1x2x128xi32, #tpu.memory_space<vmem>> -> memref<2x128xi32, #tpu.memory_space<vmem>>
      %dma_start3A_182 = arith.constant 0 : i32
      %dma_start3A_183 = arith.constant 0 : i32
      %dma_start3A_184 = tpu.memref_slice %arg3[%add3A, %run_scoped3A, %dma_start3A_182, %dma_start3A_183] : memref<32x79x2x128xi32, #tpu.memory_space<hbm>> -> memref<1x1x2x128xi32, #tpu.memory_space<hbm>>
      %dma_start3A_185 = tpu.memref_squeeze %dma_start3A_184 : memref<1x1x2x128xi32, #tpu.memory_space<hbm>> -> memref<2x128xi32, #tpu.memory_space<hbm>>
      tpu.enqueue_dma source(%dma_start3A_185 : memref<2x128xi32, #tpu.memory_space<hbm>>) target(%dma_start3A_181 : memref<2x128xi32, #tpu.memory_space<vmem>>) target_semaphore(%run_scoped3A_169 : memref<!tpu.dma_semaphore, #tpu.memory_space<semaphore_mem>>)
      %dma_wait3A_186 = arith.constant 0 : i32
      %dma_wait3A_187 = arith.constant 0 : i32
      %dma_wait3A_188 = tpu.memref_slice %arg6[%run_scoped3A_9, %dma_wait3A_186, %dma_wait3A_187] : memref<6x2x128xi32, #tpu.memory_space<vmem>> -> memref<1x2x128xi32, #tpu.memory_space<vmem>>
      %dma_wait3A_189 = tpu.memref_squeeze %dma_wait3A_188 : memref<1x2x128xi32, #tpu.memory_space<vmem>> -> memref<2x128xi32, #tpu.memory_space<vmem>>
      %dma_wait3A_190 = arith.constant 0 : i32
      %dma_wait3A_191 = arith.constant 0 : i32
      %dma_wait3A_192 = tpu.memref_slice %arg3[%add3A, %run_scoped3A, %dma_wait3A_190, %dma_wait3A_191] : memref<32x79x2x128xi32, #tpu.memory_space<hbm>> -> memref<1x1x2x128xi32, #tpu.memory_space<hbm>>
      %dma_wait3A_193 = tpu.memref_squeeze %dma_wait3A_192 : memref<1x1x2x128xi32, #tpu.memory_space<hbm>> -> memref<2x128xi32, #tpu.memory_space<hbm>>
      %dma_wait3A_194 = arith.constant 0 : i32
      %dma_wait3A_195 = arith.constant 0 : i32
      %dma_wait3A_196 = tpu.memref_slice %arg6[%run_scoped3A_9, %dma_wait3A_194, %dma_wait3A_195] : memref<6x2x128xi32, #tpu.memory_space<vmem>> -> memref<1x2x128xi32, #tpu.memory_space<vmem>>
      %dma_wait3A_197 = tpu.memref_squeeze %dma_wait3A_196 : memref<1x2x128xi32, #tpu.memory_space<vmem>> -> memref<2x128xi32, #tpu.memory_space<vmem>>
      %dma_wait3A_198 = arith.constant 0 : i32
      %dma_wait3A_199 = arith.constant 0 : i32
      %dma_wait3A_200 = tpu.memref_slice %arg3[%add3A, %run_scoped3A, %dma_wait3A_198, %dma_wait3A_199] : memref<32x79x2x128xi32, #tpu.memory_space<hbm>> -> memref<1x1x2x128xi32, #tpu.memory_space<hbm>>
      %dma_wait3A_201 = tpu.memref_squeeze %dma_wait3A_200 : memref<1x1x2x128xi32, #tpu.memory_space<hbm>> -> memref<2x128xi32, #tpu.memory_space<hbm>>
      tpu.wait_dma2 semaphore(%run_scoped3A_169 : memref<!tpu.dma_semaphore, #tpu.memory_space<semaphore_mem>>) src(%dma_wait3A_201 : memref<2x128xi32, #tpu.memory_space<hbm>>) dst(%dma_wait3A_197 : memref<2x128xi32, #tpu.memory_space<vmem>>)
      tpu.yield
    }) : () -> ()
    %run_scoped3A_10 = arith.constant 1 : i32
    %run_scoped3A_11 = arith.constant 1 : i32
    "tpu.region"() ({
      %run_scoped3A_169 = tpu.sem_alloc : memref<!tpu.dma_semaphore, #tpu.memory_space<semaphore_mem>>
      %dma_start3A_170 = arith.constant 0 : i32
      %dma_start3A_171 = arith.constant 0 : i32
      %dma_start3A_172 = tpu.memref_slice %arg6[%run_scoped3A_11, %dma_start3A_170, %dma_start3A_171] : memref<6x2x128xi32, #tpu.memory_space<vmem>> -> memref<1x2x128xi32, #tpu.memory_space<vmem>>
      %dma_start3A_173 = tpu.memref_squeeze %dma_start3A_172 : memref<1x2x128xi32, #tpu.memory_space<vmem>> -> memref<2x128xi32, #tpu.memory_space<vmem>>
      %dma_start3A_174 = arith.constant 0 : i32
      %dma_start3A_175 = arith.constant 0 : i32
      %dma_start3A_176 = tpu.memref_slice %arg3[%add3A, %run_scoped3A_10, %dma_start3A_174, %dma_start3A_175] : memref<32x79x2x128xi32, #tpu.memory_space<hbm>> -> memref<1x1x2x128xi32, #tpu.memory_space<hbm>>
      %dma_start3A_177 = tpu.memref_squeeze %dma_start3A_176 : memref<1x1x2x128xi32, #tpu.memory_space<hbm>> -> memref<2x128xi32, #tpu.memory_space<hbm>>
      %dma_start3A_178 = arith.constant 0 : i32
      %dma_start3A_179 = arith.constant 0 : i32
      %dma_start3A_180 = tpu.memref_slice %arg6[%run_scoped3A_11, %dma_start3A_178, %dma_start3A_179] : memref<6x2x128xi32, #tpu.memory_space<vmem>> -> memref<1x2x128xi32, #tpu.memory_space<vmem>>
      %dma_start3A_181 = tpu.memref_squeeze %dma_start3A_180 : memref<1x2x128xi32, #tpu.memory_space<vmem>> -> memref<2x128xi32, #tpu.memory_space<vmem>>
      %dma_start3A_182 = arith.constant 0 : i32
      %dma_start3A_183 = arith.constant 0 : i32
      %dma_start3A_184 = tpu.memref_slice %arg3[%add3A, %run_scoped3A_10, %dma_start3A_182, %dma_start3A_183] : memref<32x79x2x128xi32, #tpu.memory_space<hbm>> -> memref<1x1x2x128xi32, #tpu.memory_space<hbm>>
      %dma_start3A_185 = tpu.memref_squeeze %dma_start3A_184 : memref<1x1x2x128xi32, #tpu.memory_space<hbm>> -> memref<2x128xi32, #tpu.memory_space<hbm>>
      tpu.enqueue_dma source(%dma_start3A_185 : memref<2x128xi32, #tpu.memory_space<hbm>>) target(%dma_start3A_181 : memref<2x128xi32, #tpu.memory_space<vmem>>) target_semaphore(%run_scoped3A_169 : memref<!tpu.dma_semaphore, #tpu.memory_space<semaphore_mem>>)
      %dma_wait3A_186 = arith.constant 0 : i32
      %dma_wait3A_187 = arith.constant 0 : i32
      %dma_wait3A_188 = tpu.memref_slice %arg6[%run_scoped3A_11, %dma_wait3A_186, %dma_wait3A_187] : memref<6x2x128xi32, #tpu.memory_space<vmem>> -> memref<1x2x128xi32, #tpu.memory_space<vmem>>
      %dma_wait3A_189 = tpu.memref_squeeze %dma_wait3A_188 : memref<1x2x128xi32, #tpu.memory_space<vmem>> -> memref<2x128xi32, #tpu.memory_space<vmem>>
      %dma_wait3A_190 = arith.constant 0 : i32
      %dma_wait3A_191 = arith.constant 0 : i32
      %dma_wait3A_192 = tpu.memref_slice %arg3[%add3A, %run_scoped3A_10, %dma_wait3A_190, %dma_wait3A_191] : memref<32x79x2x128xi32, #tpu.memory_space<hbm>> -> memref<1x1x2x128xi32, #tpu.memory_space<hbm>>
      %dma_wait3A_193 = tpu.memref_squeeze %dma_wait3A_192 : memref<1x1x2x128xi32, #tpu.memory_space<hbm>> -> memref<2x128xi32, #tpu.memory_space<hbm>>
      %dma_wait3A_194 = arith.constant 0 : i32
      %dma_wait3A_195 = arith.constant 0 : i32
      %dma_wait3A_196 = tpu.memref_slice %arg6[%run_scoped3A_11, %dma_wait3A_194, %dma_wait3A_195] : memref<6x2x128xi32, #tpu.memory_space<vmem>> -> memref<1x2x128xi32, #tpu.memory_space<vmem>>
      %dma_wait3A_197 = tpu.memref_squeeze %dma_wait3A_196 : memref<1x2x128xi32, #tpu.memory_space<vmem>> -> memref<2x128xi32, #tpu.memory_space<vmem>>
      %dma_wait3A_198 = arith.constant 0 : i32
      %dma_wait3A_199 = arith.constant 0 : i32
      %dma_wait3A_200 = tpu.memref_slice %arg3[%add3A, %run_scoped3A_10, %dma_wait3A_198, %dma_wait3A_199] : memref<32x79x2x128xi32, #tpu.memory_space<hbm>> -> memref<1x1x2x128xi32, #tpu.memory_space<hbm>>
      %dma_wait3A_201 = tpu.memref_squeeze %dma_wait3A_200 : memref<1x1x2x128xi32, #tpu.memory_space<hbm>> -> memref<2x128xi32, #tpu.memory_space<hbm>>
      tpu.wait_dma2 semaphore(%run_scoped3A_169 : memref<!tpu.dma_semaphore, #tpu.memory_space<semaphore_mem>>) src(%dma_wait3A_201 : memref<2x128xi32, #tpu.memory_space<hbm>>) dst(%dma_wait3A_197 : memref<2x128xi32, #tpu.memory_space<vmem>>)
      tpu.yield
    }) : () -> ()
    %dma_start3A = arith.constant 0 : i32
    %dma_start3A_12 = arith.constant 0 : i32
    %dma_start3A_13 = arith.constant 0 : i32
    %dma_start3A_14 = arith.constant 0 : i32
    %dma_start3A_15 = arith.constant 0 : i32
    %dma_start3A_16 = arith.constant 0 : i32
    %dma_start3A_17 = tpu.memref_slice %arg7[%dma_start3A_13, %dma_start3A_15, %dma_start3A_16] : memref<3x128x128xf32, #tpu.memory_space<vmem>> -> memref<1x128x128xf32, #tpu.memory_space<vmem>>
    %dma_start3A_18 = tpu.memref_squeeze %dma_start3A_17 : memref<1x128x128xf32, #tpu.memory_space<vmem>> -> memref<128x128xf32, #tpu.memory_space<vmem>>
    %dma_start3A_19 = arith.constant 0 : i32
    %dma_start3A_20 = tpu.memref_slice %arg6[%dma_start3A, %dma_start3A_12, %dma_start3A_19] : memref<6x2x128xi32, #tpu.memory_space<vmem>> -> memref<1x1x128xi32, #tpu.memory_space<vmem>>
    %dma_start3A_21 = tpu.memref_squeeze %dma_start3A_20 : memref<1x1x128xi32, #tpu.memory_space<vmem>> -> memref<128xi32, #tpu.memory_space<vmem>>
    %dma_start3A_22 = arith.constant 0 : i32
    %dma_start3A_23 = arith.constant 0 : i32
    %dma_start3A_24 = tpu.memref_slice %arg2[%dma_start3A_22, %dma_start3A_23] : memref<10000x128xf32, #tpu.memory_space<hbm>> -> memref<10000x128xf32, #tpu.memory_space<hbm>>
    %dma_start3A_25 = tpu.memref_slice %arg10[%dma_start3A_14] : memref<3x!tpu.dma_semaphore, #tpu.memory_space<semaphore_mem>> -> memref<1x!tpu.dma_semaphore, #tpu.memory_space<semaphore_mem>>
    %dma_start3A_26 = tpu.memref_squeeze %dma_start3A_25 : memref<1x!tpu.dma_semaphore, #tpu.memory_space<semaphore_mem>> -> memref<!tpu.dma_semaphore, #tpu.memory_space<semaphore_mem>>
    tpu.enqueue_indirect_dma source(%dma_start3A_24 : memref<10000x128xf32, #tpu.memory_space<hbm>>) target(%dma_start3A_18 : memref<128x128xf32, #tpu.memory_space<vmem>>) offsets(%dma_start3A_21 : memref<128xi32, #tpu.memory_space<vmem>>) semaphore(%dma_start3A_26 : memref<!tpu.dma_semaphore, #tpu.memory_space<semaphore_mem>>)
    %dma_start3A_27 = arith.constant 1 : i32
    %dma_start3A_28 = arith.constant 0 : i32
    %dma_start3A_29 = arith.constant 1 : i32
    %dma_start3A_30 = arith.constant 1 : i32
    %dma_start3A_31 = arith.constant 0 : i32
    %dma_start3A_32 = arith.constant 0 : i32
    %dma_start3A_33 = tpu.memref_slice %arg7[%dma_start3A_29, %dma_start3A_31, %dma_start3A_32] : memref<3x128x128xf32, #tpu.memory_space<vmem>> -> memref<1x128x128xf32, #tpu.memory_space<vmem>>
    %dma_start3A_34 = tpu.memref_squeeze %dma_start3A_33 : memref<1x128x128xf32, #tpu.memory_space<vmem>> -> memref<128x128xf32, #tpu.memory_space<vmem>>
    %dma_start3A_35 = arith.constant 0 : i32
    %dma_start3A_36 = tpu.memref_slice %arg6[%dma_start3A_27, %dma_start3A_28, %dma_start3A_35] : memref<6x2x128xi32, #tpu.memory_space<vmem>> -> memref<1x1x128xi32, #tpu.memory_space<vmem>>
    %dma_start3A_37 = tpu.memref_squeeze %dma_start3A_36 : memref<1x1x128xi32, #tpu.memory_space<vmem>> -> memref<128xi32, #tpu.memory_space<vmem>>
    %dma_start3A_38 = arith.constant 0 : i32
    %dma_start3A_39 = arith.constant 0 : i32
    %dma_start3A_40 = tpu.memref_slice %arg2[%dma_start3A_38, %dma_start3A_39] : memref<10000x128xf32, #tpu.memory_space<hbm>> -> memref<10000x128xf32, #tpu.memory_space<hbm>>
    %dma_start3A_41 = tpu.memref_slice %arg10[%dma_start3A_30] : memref<3x!tpu.dma_semaphore, #tpu.memory_space<semaphore_mem>> -> memref<1x!tpu.dma_semaphore, #tpu.memory_space<semaphore_mem>>
    %dma_start3A_42 = tpu.memref_squeeze %dma_start3A_41 : memref<1x!tpu.dma_semaphore, #tpu.memory_space<semaphore_mem>> -> memref<!tpu.dma_semaphore, #tpu.memory_space<semaphore_mem>>
    tpu.enqueue_indirect_dma source(%dma_start3A_40 : memref<10000x128xf32, #tpu.memory_space<hbm>>) target(%dma_start3A_34 : memref<128x128xf32, #tpu.memory_space<vmem>>) offsets(%dma_start3A_37 : memref<128xi32, #tpu.memory_space<vmem>>) semaphore(%dma_start3A_42 : memref<!tpu.dma_semaphore, #tpu.memory_space<semaphore_mem>>)
    %dma_start3A_43 = arith.constant 2 : i32
    %dma_start3A_44 = arith.constant 2 : i32
    %dma_start3A_45 = arith.constant 2 : i32
    %dma_start3A_46 = arith.constant 0 : i32
    %dma_start3A_47 = arith.constant 0 : i32
    %dma_start3A_48 = tpu.memref_slice %arg6[%dma_start3A_44, %dma_start3A_46, %dma_start3A_47] : memref<6x2x128xi32, #tpu.memory_space<vmem>> -> memref<1x2x128xi32, #tpu.memory_space<vmem>>
    %dma_start3A_49 = tpu.memref_squeeze %dma_start3A_48 : memref<1x2x128xi32, #tpu.memory_space<vmem>> -> memref<2x128xi32, #tpu.memory_space<vmem>>
    %dma_start3A_50 = arith.constant 0 : i32
    %dma_start3A_51 = arith.constant 0 : i32
    %dma_start3A_52 = tpu.memref_slice %arg3[%add3A, %dma_start3A_43, %dma_start3A_50, %dma_start3A_51] : memref<32x79x2x128xi32, #tpu.memory_space<hbm>> -> memref<1x1x2x128xi32, #tpu.memory_space<hbm>>
    %dma_start3A_53 = tpu.memref_squeeze %dma_start3A_52 : memref<1x1x2x128xi32, #tpu.memory_space<hbm>> -> memref<2x128xi32, #tpu.memory_space<hbm>>
    %dma_start3A_54 = tpu.memref_slice %arg9[%dma_start3A_45] : memref<6x!tpu.dma_semaphore, #tpu.memory_space<semaphore_mem>> -> memref<1x!tpu.dma_semaphore, #tpu.memory_space<semaphore_mem>>
    %dma_start3A_55 = tpu.memref_squeeze %dma_start3A_54 : memref<1x!tpu.dma_semaphore, #tpu.memory_space<semaphore_mem>> -> memref<!tpu.dma_semaphore, #tpu.memory_space<semaphore_mem>>
    %dma_start3A_56 = arith.constant 0 : i32
    %dma_start3A_57 = arith.constant 0 : i32
    %dma_start3A_58 = tpu.memref_slice %arg6[%dma_start3A_44, %dma_start3A_56, %dma_start3A_57] : memref<6x2x128xi32, #tpu.memory_space<vmem>> -> memref<1x2x128xi32, #tpu.memory_space<vmem>>
    %dma_start3A_59 = tpu.memref_squeeze %dma_start3A_58 : memref<1x2x128xi32, #tpu.memory_space<vmem>> -> memref<2x128xi32, #tpu.memory_space<vmem>>
    %dma_start3A_60 = arith.constant 0 : i32
    %dma_start3A_61 = arith.constant 0 : i32
    %dma_start3A_62 = tpu.memref_slice %arg3[%add3A, %dma_start3A_43, %dma_start3A_60, %dma_start3A_61] : memref<32x79x2x128xi32, #tpu.memory_space<hbm>> -> memref<1x1x2x128xi32, #tpu.memory_space<hbm>>
    %dma_start3A_63 = tpu.memref_squeeze %dma_start3A_62 : memref<1x1x2x128xi32, #tpu.memory_space<hbm>> -> memref<2x128xi32, #tpu.memory_space<hbm>>
    tpu.enqueue_dma source(%dma_start3A_63 : memref<2x128xi32, #tpu.memory_space<hbm>>) target(%dma_start3A_59 : memref<2x128xi32, #tpu.memory_space<vmem>>) target_semaphore(%dma_start3A_55 : memref<!tpu.dma_semaphore, #tpu.memory_space<semaphore_mem>>)
    %dma_start3A_64 = arith.constant 3 : i32
    %dma_start3A_65 = arith.constant 3 : i32
    %dma_start3A_66 = arith.constant 3 : i32
    %dma_start3A_67 = arith.constant 0 : i32
    %dma_start3A_68 = arith.constant 0 : i32
    %dma_start3A_69 = tpu.memref_slice %arg6[%dma_start3A_65, %dma_start3A_67, %dma_start3A_68] : memref<6x2x128xi32, #tpu.memory_space<vmem>> -> memref<1x2x128xi32, #tpu.memory_space<vmem>>
    %dma_start3A_70 = tpu.memref_squeeze %dma_start3A_69 : memref<1x2x128xi32, #tpu.memory_space<vmem>> -> memref<2x128xi32, #tpu.memory_space<vmem>>
    %dma_start3A_71 = arith.constant 0 : i32
    %dma_start3A_72 = arith.constant 0 : i32
    %dma_start3A_73 = tpu.memref_slice %arg3[%add3A, %dma_start3A_64, %dma_start3A_71, %dma_start3A_72] : memref<32x79x2x128xi32, #tpu.memory_space<hbm>> -> memref<1x1x2x128xi32, #tpu.memory_space<hbm>>
    %dma_start3A_74 = tpu.memref_squeeze %dma_start3A_73 : memref<1x1x2x128xi32, #tpu.memory_space<hbm>> -> memref<2x128xi32, #tpu.memory_space<hbm>>
    %dma_start3A_75 = tpu.memref_slice %arg9[%dma_start3A_66] : memref<6x!tpu.dma_semaphore, #tpu.memory_space<semaphore_mem>> -> memref<1x!tpu.dma_semaphore, #tpu.memory_space<semaphore_mem>>
    %dma_start3A_76 = tpu.memref_squeeze %dma_start3A_75 : memref<1x!tpu.dma_semaphore, #tpu.memory_space<semaphore_mem>> -> memref<!tpu.dma_semaphore, #tpu.memory_space<semaphore_mem>>
    %dma_start3A_77 = arith.constant 0 : i32
    %dma_start3A_78 = arith.constant 0 : i32
    %dma_start3A_79 = tpu.memref_slice %arg6[%dma_start3A_65, %dma_start3A_77, %dma_start3A_78] : memref<6x2x128xi32, #tpu.memory_space<vmem>> -> memref<1x2x128xi32, #tpu.memory_space<vmem>>
    %dma_start3A_80 = tpu.memref_squeeze %dma_start3A_79 : memref<1x2x128xi32, #tpu.memory_space<vmem>> -> memref<2x128xi32, #tpu.memory_space<vmem>>
    %dma_start3A_81 = arith.constant 0 : i32
    %dma_start3A_82 = arith.constant 0 : i32
    %dma_start3A_83 = tpu.memref_slice %arg3[%add3A, %dma_start3A_64, %dma_start3A_81, %dma_start3A_82] : memref<32x79x2x128xi32, #tpu.memory_space<hbm>> -> memref<1x1x2x128xi32, #tpu.memory_space<hbm>>
    %dma_start3A_84 = tpu.memref_squeeze %dma_start3A_83 : memref<1x1x2x128xi32, #tpu.memory_space<hbm>> -> memref<2x128xi32, #tpu.memory_space<hbm>>
    tpu.enqueue_dma source(%dma_start3A_84 : memref<2x128xi32, #tpu.memory_space<hbm>>) target(%dma_start3A_80 : memref<2x128xi32, #tpu.memory_space<vmem>>) target_semaphore(%dma_start3A_76 : memref<!tpu.dma_semaphore, #tpu.memory_space<semaphore_mem>>)
    %dma_start3A_85 = arith.constant 4 : i32
    %dma_start3A_86 = arith.constant 4 : i32
    %dma_start3A_87 = arith.constant 4 : i32
    %dma_start3A_88 = arith.constant 0 : i32
    %dma_start3A_89 = arith.constant 0 : i32
    %dma_start3A_90 = tpu.memref_slice %arg6[%dma_start3A_86, %dma_start3A_88, %dma_start3A_89] : memref<6x2x128xi32, #tpu.memory_space<vmem>> -> memref<1x2x128xi32, #tpu.memory_space<vmem>>
    %dma_start3A_91 = tpu.memref_squeeze %dma_start3A_90 : memref<1x2x128xi32, #tpu.memory_space<vmem>> -> memref<2x128xi32, #tpu.memory_space<vmem>>
    %dma_start3A_92 = arith.constant 0 : i32
    %dma_start3A_93 = arith.constant 0 : i32
    %dma_start3A_94 = tpu.memref_slice %arg3[%add3A, %dma_start3A_85, %dma_start3A_92, %dma_start3A_93] : memref<32x79x2x128xi32, #tpu.memory_space<hbm>> -> memref<1x1x2x128xi32, #tpu.memory_space<hbm>>
    %dma_start3A_95 = tpu.memref_squeeze %dma_start3A_94 : memref<1x1x2x128xi32, #tpu.memory_space<hbm>> -> memref<2x128xi32, #tpu.memory_space<hbm>>
    %dma_start3A_96 = tpu.memref_slice %arg9[%dma_start3A_87] : memref<6x!tpu.dma_semaphore, #tpu.memory_space<semaphore_mem>> -> memref<1x!tpu.dma_semaphore, #tpu.memory_space<semaphore_mem>>
    %dma_start3A_97 = tpu.memref_squeeze %dma_start3A_96 : memref<1x!tpu.dma_semaphore, #tpu.memory_space<semaphore_mem>> -> memref<!tpu.dma_semaphore, #tpu.memory_space<semaphore_mem>>
    %dma_start3A_98 = arith.constant 0 : i32
    %dma_start3A_99 = arith.constant 0 : i32
    %dma_start3A_100 = tpu.memref_slice %arg6[%dma_start3A_86, %dma_start3A_98, %dma_start3A_99] : memref<6x2x128xi32, #tpu.memory_space<vmem>> -> memref<1x2x128xi32, #tpu.memory_space<vmem>>
    %dma_start3A_101 = tpu.memref_squeeze %dma_start3A_100 : memref<1x2x128xi32, #tpu.memory_space<vmem>> -> memref<2x128xi32, #tpu.memory_space<vmem>>
    %dma_start3A_102 = arith.constant 0 : i32
    %dma_start3A_103 = arith.constant 0 : i32
    %dma_start3A_104 = tpu.memref_slice %arg3[%add3A, %dma_start3A_85, %dma_start3A_102, %dma_start3A_103] : memref<32x79x2x128xi32, #tpu.memory_space<hbm>> -> memref<1x1x2x128xi32, #tpu.memory_space<hbm>>
    %dma_start3A_105 = tpu.memref_squeeze %dma_start3A_104 : memref<1x1x2x128xi32, #tpu.memory_space<hbm>> -> memref<2x128xi32, #tpu.memory_space<hbm>>
    tpu.enqueue_dma source(%dma_start3A_105 : memref<2x128xi32, #tpu.memory_space<hbm>>) target(%dma_start3A_101 : memref<2x128xi32, #tpu.memory_space<vmem>>) target_semaphore(%dma_start3A_97 : memref<!tpu.dma_semaphore, #tpu.memory_space<semaphore_mem>>)
    %scan3A = arith.constant 0 : i32
    %scan3A_106 = arith.constant 0 : i32
    %scan3A_107 = arith.constant 79 : i32
    %scan3A_108 = arith.addi %scan3A_106, %scan3A_107 : i32
    %scan3A_109 = arith.constant 1 : i32
    scf.for %scan3A_169 = %scan3A_106 to %scan3A_108 step %scan3A_109  : i32 {
      %rem3A = arith.constant 3 : i32
      %rem3A_170 = arith.remsi %scan3A_169, %rem3A : i32
      %add3A_171 = arith.constant 2 : i32
      %add3A_172 = arith.addi %scan3A_169, %add3A_171 : i32
      %rem3A_173 = arith.constant 3 : i32
      %rem3A_174 = arith.remsi %add3A_172, %rem3A_173 : i32
      %rem3A_175 = arith.constant 6 : i32
      %rem3A_176 = arith.remsi %scan3A_169, %rem3A_175 : i32
      %add3A_177 = arith.constant 2 : i32
      %add3A_178 = arith.addi %scan3A_169, %add3A_177 : i32
      %rem3A_179 = arith.constant 6 : i32
      %rem3A_180 = arith.remsi %add3A_178, %rem3A_179 : i32
      %add3A_181 = arith.constant 5 : i32
      %add3A_182 = arith.addi %scan3A_169, %add3A_181 : i32
      %rem3A_183 = arith.constant 6 : i32
      %rem3A_184 = arith.remsi %add3A_182, %rem3A_183 : i32
      %ge3A = arith.constant 1 : i32
      %ge3A_185 = arith.cmpi sge, %scan3A_169, %ge3A : i32
      %add3A_186 = arith.constant 2 : i32
      %add3A_187 = arith.addi %scan3A_169, %add3A_186 : i32
      %lt3A_188 = arith.constant 79 : i32
      %lt3A_189 = arith.cmpi slt, %add3A_187, %lt3A_188 : i32
      %and3A = arith.andi %ge3A_185, %lt3A_189 : i1
      %convert_element_type3A_190 = arith.extui %and3A : i1 to i32
      %cond3A_191 = arith.constant 0 : i32
      %cond3A_192 = arith.cmpi ne, %convert_element_type3A_190, %cond3A_191 : i32
      scf.if %cond3A_192 {
        %sub3A = arith.constant 1 : i32
        %sub3A_233 = arith.subi %scan3A_169, %sub3A : i32
        %rem3A_234 = arith.constant 6 : i32
        %rem3A_235 = arith.remsi %sub3A_233, %rem3A_234 : i32
        %dma_wait3A_236 = arith.constant 1 : i32
        %dma_wait3A_237 = arith.constant 0 : i32
        %dma_wait3A_238 = arith.constant 0 : i32
        %dma_wait3A_239 = tpu.memref_slice %arg7[%rem3A_174, %dma_wait3A_237, %dma_wait3A_238] : memref<3x128x128xf32, #tpu.memory_space<vmem>> -> memref<1x128x128xf32, #tpu.memory_space<vmem>>
        %dma_wait3A_240 = tpu.memref_squeeze %dma_wait3A_239 : memref<1x128x128xf32, #tpu.memory_space<vmem>> -> memref<128x128xf32, #tpu.memory_space<vmem>>
        %dma_wait3A_241 = arith.constant 0 : i32
        %dma_wait3A_242 = tpu.memref_slice %arg6[%rem3A_235, %dma_wait3A_236, %dma_wait3A_241] : memref<6x2x128xi32, #tpu.memory_space<vmem>> -> memref<1x1x128xi32, #tpu.memory_space<vmem>>
        %dma_wait3A_243 = tpu.memref_squeeze %dma_wait3A_242 : memref<1x1x128xi32, #tpu.memory_space<vmem>> -> memref<128xi32, #tpu.memory_space<vmem>>
        %dma_wait3A_244 = arith.constant 0 : i32
        %dma_wait3A_245 = arith.constant 0 : i32
        %dma_wait3A_246 = tpu.memref_slice %arg8[%dma_wait3A_244, %dma_wait3A_245] : memref<10008x128xf32, #tpu.memory_space<vmem_shared>> -> memref<10008x128xf32, #tpu.memory_space<vmem_shared>>
        %dma_wait3A_247 = tpu.memref_slice %arg11[%rem3A_174] : memref<3x!tpu.dma_semaphore, #tpu.memory_space<semaphore_mem>> -> memref<1x!tpu.dma_semaphore, #tpu.memory_space<semaphore_mem>>
        %dma_wait3A_248 = tpu.memref_squeeze %dma_wait3A_247 : memref<1x!tpu.dma_semaphore, #tpu.memory_space<semaphore_mem>> -> memref<!tpu.dma_semaphore, #tpu.memory_space<semaphore_mem>>
        tpu.wait_indirect_dma semaphore(%dma_wait3A_248 : memref<!tpu.dma_semaphore, #tpu.memory_space<semaphore_mem>>) src(%dma_wait3A_240 : memref<128x128xf32, #tpu.memory_space<vmem>>) dst(%dma_wait3A_246 : memref<10008x128xf32, #tpu.memory_space<vmem_shared>>)
      } else {
      }
      %add3A_193 = arith.constant 2 : i32
      %add3A_194 = arith.addi %scan3A_169, %add3A_193 : i32
      %lt3A_195 = arith.constant 79 : i32
      %lt3A_196 = arith.cmpi slt, %add3A_194, %lt3A_195 : i32
      %convert_element_type3A_197 = arith.extui %lt3A_196 : i1 to i32
      %cond3A_198 = arith.constant 0 : i32
      %cond3A_199 = arith.cmpi ne, %convert_element_type3A_197, %cond3A_198 : i32
      scf.if %cond3A_199 {
        %add3A_233 = arith.constant 2 : i32
        %add3A_234 = arith.addi %scan3A_169, %add3A_233 : i32
        %dma_wait3A_235 = arith.constant 0 : i32
        %dma_wait3A_236 = arith.constant 0 : i32
        %dma_wait3A_237 = tpu.memref_slice %arg6[%rem3A_180, %dma_wait3A_235, %dma_wait3A_236] : memref<6x2x128xi32, #tpu.memory_space<vmem>> -> memref<1x2x128xi32, #tpu.memory_space<vmem>>
        %dma_wait3A_238 = tpu.memref_squeeze %dma_wait3A_237 : memref<1x2x128xi32, #tpu.memory_space<vmem>> -> memref<2x128xi32, #tpu.memory_space<vmem>>
        %dma_wait3A_239 = arith.constant 0 : i32
        %dma_wait3A_240 = arith.constant 0 : i32
        %dma_wait3A_241 = tpu.memref_slice %arg3[%add3A, %add3A_234, %dma_wait3A_239, %dma_wait3A_240] : memref<32x79x2x128xi32, #tpu.memory_space<hbm>> -> memref<1x1x2x128xi32, #tpu.memory_space<hbm>>
        %dma_wait3A_242 = tpu.memref_squeeze %dma_wait3A_241 : memref<1x1x2x128xi32, #tpu.memory_space<hbm>> -> memref<2x128xi32, #tpu.memory_space<hbm>>
        %dma_wait3A_243 = tpu.memref_slice %arg9[%rem3A_180] : memref<6x!tpu.dma_semaphore, #tpu.memory_space<semaphore_mem>> -> memref<1x!tpu.dma_semaphore, #tpu.memory_space<semaphore_mem>>
        %dma_wait3A_244 = tpu.memref_squeeze %dma_wait3A_243 : memref<1x!tpu.dma_semaphore, #tpu.memory_space<semaphore_mem>> -> memref<!tpu.dma_semaphore, #tpu.memory_space<semaphore_mem>>
        %dma_wait3A_245 = arith.constant 0 : i32
        %dma_wait3A_246 = arith.constant 0 : i32
        %dma_wait3A_247 = tpu.memref_slice %arg6[%rem3A_180, %dma_wait3A_245, %dma_wait3A_246] : memref<6x2x128xi32, #tpu.memory_space<vmem>> -> memref<1x2x128xi32, #tpu.memory_space<vmem>>
        %dma_wait3A_248 = tpu.memref_squeeze %dma_wait3A_247 : memref<1x2x128xi32, #tpu.memory_space<vmem>> -> memref<2x128xi32, #tpu.memory_space<vmem>>
        %dma_wait3A_249 = arith.constant 0 : i32
        %dma_wait3A_250 = arith.constant 0 : i32
        %dma_wait3A_251 = tpu.memref_slice %arg3[%add3A, %add3A_234, %dma_wait3A_249, %dma_wait3A_250] : memref<32x79x2x128xi32, #tpu.memory_space<hbm>> -> memref<1x1x2x128xi32, #tpu.memory_space<hbm>>
        %dma_wait3A_252 = tpu.memref_squeeze %dma_wait3A_251 : memref<1x1x2x128xi32, #tpu.memory_space<hbm>> -> memref<2x128xi32, #tpu.memory_space<hbm>>
        tpu.wait_dma2 semaphore(%dma_wait3A_244 : memref<!tpu.dma_semaphore, #tpu.memory_space<semaphore_mem>>) src(%dma_wait3A_252 : memref<2x128xi32, #tpu.memory_space<hbm>>) dst(%dma_wait3A_248 : memref<2x128xi32, #tpu.memory_space<vmem>>)
        %dma_start3A_253 = arith.constant 0 : i32
        %dma_start3A_254 = arith.constant 0 : i32
        %dma_start3A_255 = arith.constant 0 : i32
        %dma_start3A_256 = tpu.memref_slice %arg7[%rem3A_174, %dma_start3A_254, %dma_start3A_255] : memref<3x128x128xf32, #tpu.memory_space<vmem>> -> memref<1x128x128xf32, #tpu.memory_space<vmem>>
        %dma_start3A_257 = tpu.memref_squeeze %dma_start3A_256 : memref<1x128x128xf32, #tpu.memory_space<vmem>> -> memref<128x128xf32, #tpu.memory_space<vmem>>
        %dma_start3A_258 = arith.constant 0 : i32
        %dma_start3A_259 = tpu.memref_slice %arg6[%rem3A_180, %dma_start3A_253, %dma_start3A_258] : memref<6x2x128xi32, #tpu.memory_space<vmem>> -> memref<1x1x128xi32, #tpu.memory_space<vmem>>
        %dma_start3A_260 = tpu.memref_squeeze %dma_start3A_259 : memref<1x1x128xi32, #tpu.memory_space<vmem>> -> memref<128xi32, #tpu.memory_space<vmem>>
        %dma_start3A_261 = arith.constant 0 : i32
        %dma_start3A_262 = arith.constant 0 : i32
        %dma_start3A_263 = tpu.memref_slice %arg2[%dma_start3A_261, %dma_start3A_262] : memref<10000x128xf32, #tpu.memory_space<hbm>> -> memref<10000x128xf32, #tpu.memory_space<hbm>>
        %dma_start3A_264 = tpu.memref_slice %arg10[%rem3A_174] : memref<3x!tpu.dma_semaphore, #tpu.memory_space<semaphore_mem>> -> memref<1x!tpu.dma_semaphore, #tpu.memory_space<semaphore_mem>>
        %dma_start3A_265 = tpu.memref_squeeze %dma_start3A_264 : memref<1x!tpu.dma_semaphore, #tpu.memory_space<semaphore_mem>> -> memref<!tpu.dma_semaphore, #tpu.memory_space<semaphore_mem>>
        tpu.enqueue_indirect_dma source(%dma_start3A_263 : memref<10000x128xf32, #tpu.memory_space<hbm>>) target(%dma_start3A_257 : memref<128x128xf32, #tpu.memory_space<vmem>>) offsets(%dma_start3A_260 : memref<128xi32, #tpu.memory_space<vmem>>) semaphore(%dma_start3A_265 : memref<!tpu.dma_semaphore, #tpu.memory_space<semaphore_mem>>)
      } else {
      }
      %add3A_200 = arith.constant 5 : i32
      %add3A_201 = arith.addi %scan3A_169, %add3A_200 : i32
      %lt3A_202 = arith.constant 79 : i32
      %lt3A_203 = arith.cmpi slt, %add3A_201, %lt3A_202 : i32
      %convert_element_type3A_204 = arith.extui %lt3A_203 : i1 to i32
      %cond3A_205 = arith.constant 0 : i32
      %cond3A_206 = arith.cmpi ne, %convert_element_type3A_204, %cond3A_205 : i32
      scf.if %cond3A_206 {
        %add3A_233 = arith.constant 5 : i32
        %add3A_234 = arith.addi %scan3A_169, %add3A_233 : i32
        %dma_start3A_235 = arith.constant 0 : i32
        %dma_start3A_236 = arith.constant 0 : i32
        %dma_start3A_237 = tpu.memref_slice %arg6[%rem3A_184, %dma_start3A_235, %dma_start3A_236] : memref<6x2x128xi32, #tpu.memory_space<vmem>> -> memref<1x2x128xi32, #tpu.memory_space<vmem>>
        %dma_start3A_238 = tpu.memref_squeeze %dma_start3A_237 : memref<1x2x128xi32, #tpu.memory_space<vmem>> -> memref<2x128xi32, #tpu.memory_space<vmem>>
        %dma_start3A_239 = arith.constant 0 : i32
        %dma_start3A_240 = arith.constant 0 : i32
        %dma_start3A_241 = tpu.memref_slice %arg3[%add3A, %add3A_234, %dma_start3A_239, %dma_start3A_240] : memref<32x79x2x128xi32, #tpu.memory_space<hbm>> -> memref<1x1x2x128xi32, #tpu.memory_space<hbm>>
        %dma_start3A_242 = tpu.memref_squeeze %dma_start3A_241 : memref<1x1x2x128xi32, #tpu.memory_space<hbm>> -> memref<2x128xi32, #tpu.memory_space<hbm>>
        %dma_start3A_243 = tpu.memref_slice %arg9[%rem3A_184] : memref<6x!tpu.dma_semaphore, #tpu.memory_space<semaphore_mem>> -> memref<1x!tpu.dma_semaphore, #tpu.memory_space<semaphore_mem>>
        %dma_start3A_244 = tpu.memref_squeeze %dma_start3A_243 : memref<1x!tpu.dma_semaphore, #tpu.memory_space<semaphore_mem>> -> memref<!tpu.dma_semaphore, #tpu.memory_space<semaphore_mem>>
        %dma_start3A_245 = arith.constant 0 : i32
        %dma_start3A_246 = arith.constant 0 : i32
        %dma_start3A_247 = tpu.memref_slice %arg6[%rem3A_184, %dma_start3A_245, %dma_start3A_246] : memref<6x2x128xi32, #tpu.memory_space<vmem>> -> memref<1x2x128xi32, #tpu.memory_space<vmem>>
        %dma_start3A_248 = tpu.memref_squeeze %dma_start3A_247 : memref<1x2x128xi32, #tpu.memory_space<vmem>> -> memref<2x128xi32, #tpu.memory_space<vmem>>
        %dma_start3A_249 = arith.constant 0 : i32
        %dma_start3A_250 = arith.constant 0 : i32
        %dma_start3A_251 = tpu.memref_slice %arg3[%add3A, %add3A_234, %dma_start3A_249, %dma_start3A_250] : memref<32x79x2x128xi32, #tpu.memory_space<hbm>> -> memref<1x1x2x128xi32, #tpu.memory_space<hbm>>
        %dma_start3A_252 = tpu.memref_squeeze %dma_start3A_251 : memref<1x1x2x128xi32, #tpu.memory_space<hbm>> -> memref<2x128xi32, #tpu.memory_space<hbm>>
        tpu.enqueue_dma source(%dma_start3A_252 : memref<2x128xi32, #tpu.memory_space<hbm>>) target(%dma_start3A_248 : memref<2x128xi32, #tpu.memory_space<vmem>>) target_semaphore(%dma_start3A_244 : memref<!tpu.dma_semaphore, #tpu.memory_space<semaphore_mem>>)
      } else {
      }
      %dma_wait3A_207 = arith.constant 0 : i32
      %dma_wait3A_208 = arith.constant 0 : i32
      %dma_wait3A_209 = arith.constant 0 : i32
      %dma_wait3A_210 = tpu.memref_slice %arg7[%rem3A_170, %dma_wait3A_208, %dma_wait3A_209] : memref<3x128x128xf32, #tpu.memory_space<vmem>> -> memref<1x128x128xf32, #tpu.memory_space<vmem>>
      %dma_wait3A_211 = tpu.memref_squeeze %dma_wait3A_210 : memref<1x128x128xf32, #tpu.memory_space<vmem>> -> memref<128x128xf32, #tpu.memory_space<vmem>>
      %dma_wait3A_212 = arith.constant 0 : i32
      %dma_wait3A_213 = tpu.memref_slice %arg6[%rem3A_176, %dma_wait3A_207, %dma_wait3A_212] : memref<6x2x128xi32, #tpu.memory_space<vmem>> -> memref<1x1x128xi32, #tpu.memory_space<vmem>>
      %dma_wait3A_214 = tpu.memref_squeeze %dma_wait3A_213 : memref<1x1x128xi32, #tpu.memory_space<vmem>> -> memref<128xi32, #tpu.memory_space<vmem>>
      %dma_wait3A_215 = arith.constant 0 : i32
      %dma_wait3A_216 = arith.constant 0 : i32
      %dma_wait3A_217 = tpu.memref_slice %arg2[%dma_wait3A_215, %dma_wait3A_216] : memref<10000x128xf32, #tpu.memory_space<hbm>> -> memref<10000x128xf32, #tpu.memory_space<hbm>>
      %dma_wait3A_218 = tpu.memref_slice %arg10[%rem3A_170] : memref<3x!tpu.dma_semaphore, #tpu.memory_space<semaphore_mem>> -> memref<1x!tpu.dma_semaphore, #tpu.memory_space<semaphore_mem>>
      %dma_wait3A_219 = tpu.memref_squeeze %dma_wait3A_218 : memref<1x!tpu.dma_semaphore, #tpu.memory_space<semaphore_mem>> -> memref<!tpu.dma_semaphore, #tpu.memory_space<semaphore_mem>>
      tpu.wait_indirect_dma semaphore(%dma_wait3A_219 : memref<!tpu.dma_semaphore, #tpu.memory_space<semaphore_mem>>) src(%dma_wait3A_217 : memref<10000x128xf32, #tpu.memory_space<hbm>>) dst(%dma_wait3A_211 : memref<128x128xf32, #tpu.memory_space<vmem>>)
      %dma_start3A_220 = arith.constant 1 : i32
      %dma_start3A_221 = arith.constant 0 : i32
      %dma_start3A_222 = arith.constant 0 : i32
      %dma_start3A_223 = tpu.memref_slice %arg7[%rem3A_170, %dma_start3A_221, %dma_start3A_222] : memref<3x128x128xf32, #tpu.memory_space<vmem>> -> memref<1x128x128xf32, #tpu.memory_space<vmem>>
      %dma_start3A_224 = tpu.memref_squeeze %dma_start3A_223 : memref<1x128x128xf32, #tpu.memory_space<vmem>> -> memref<128x128xf32, #tpu.memory_space<vmem>>
      %dma_start3A_225 = arith.constant 0 : i32
      %dma_start3A_226 = tpu.memref_slice %arg6[%rem3A_176, %dma_start3A_220, %dma_start3A_225] : memref<6x2x128xi32, #tpu.memory_space<vmem>> -> memref<1x1x128xi32, #tpu.memory_space<vmem>>
      %dma_start3A_227 = tpu.memref_squeeze %dma_start3A_226 : memref<1x1x128xi32, #tpu.memory_space<vmem>> -> memref<128xi32, #tpu.memory_space<vmem>>
      %dma_start3A_228 = arith.constant 0 : i32
      %dma_start3A_229 = arith.constant 0 : i32
      %dma_start3A_230 = tpu.memref_slice %arg8[%dma_start3A_228, %dma_start3A_229] : memref<10008x128xf32, #tpu.memory_space<vmem_shared>> -> memref<10008x128xf32, #tpu.memory_space<vmem_shared>>
      %dma_start3A_231 = tpu.memref_slice %arg11[%rem3A_170] : memref<3x!tpu.dma_semaphore, #tpu.memory_space<semaphore_mem>> -> memref<1x!tpu.dma_semaphore, #tpu.memory_space<semaphore_mem>>
      %dma_start3A_232 = tpu.memref_squeeze %dma_start3A_231 : memref<1x!tpu.dma_semaphore, #tpu.memory_space<semaphore_mem>> -> memref<!tpu.dma_semaphore, #tpu.memory_space<semaphore_mem>>
      tpu.enqueue_indirect_dma source(%dma_start3A_224 : memref<128x128xf32, #tpu.memory_space<vmem>>) target(%dma_start3A_230 : memref<10008x128xf32, #tpu.memory_space<vmem_shared>>) offsets(%dma_start3A_227 : memref<128xi32, #tpu.memory_space<vmem>>) semaphore(%dma_start3A_232 : memref<!tpu.dma_semaphore, #tpu.memory_space<semaphore_mem>>) {add = true}
    }
    %scan3A_110 = arith.constant 79 : i32
    %dma_wait3A = arith.constant 1 : i32
    %dma_wait3A_111 = arith.constant 4 : i32
    %dma_wait3A_112 = arith.constant 1 : i32
    %dma_wait3A_113 = arith.constant 1 : i32
    %dma_wait3A_114 = arith.constant 0 : i32
    %dma_wait3A_115 = arith.constant 0 : i32
    %dma_wait3A_116 = tpu.memref_slice %arg7[%dma_wait3A, %dma_wait3A_114, %dma_wait3A_115] : memref<3x128x128xf32, #tpu.memory_space<vmem>> -> memref<1x128x128xf32, #tpu.memory_space<vmem>>
    %dma_wait3A_117 = tpu.memref_squeeze %dma_wait3A_116 : memref<1x128x128xf32, #tpu.memory_space<vmem>> -> memref<128x128xf32, #tpu.memory_space<vmem>>
    %dma_wait3A_118 = arith.constant 0 : i32
    %dma_wait3A_119 = tpu.memref_slice %arg6[%dma_wait3A_111, %dma_wait3A_112, %dma_wait3A_118] : memref<6x2x128xi32, #tpu.memory_space<vmem>> -> memref<1x1x128xi32, #tpu.memory_space<vmem>>
    %dma_wait3A_120 = tpu.memref_squeeze %dma_wait3A_119 : memref<1x1x128xi32, #tpu.memory_space<vmem>> -> memref<128xi32, #tpu.memory_space<vmem>>
    %dma_wait3A_121 = arith.constant 0 : i32
    %dma_wait3A_122 = arith.constant 0 : i32
    %dma_wait3A_123 = tpu.memref_slice %arg8[%dma_wait3A_121, %dma_wait3A_122] : memref<10008x128xf32, #tpu.memory_space<vmem_shared>> -> memref<10008x128xf32, #tpu.memory_space<vmem_shared>>
    %dma_wait3A_124 = tpu.memref_slice %arg11[%dma_wait3A_113] : memref<3x!tpu.dma_semaphore, #tpu.memory_space<semaphore_mem>> -> memref<1x!tpu.dma_semaphore, #tpu.memory_space<semaphore_mem>>
    %dma_wait3A_125 = tpu.memref_squeeze %dma_wait3A_124 : memref<1x!tpu.dma_semaphore, #tpu.memory_space<semaphore_mem>> -> memref<!tpu.dma_semaphore, #tpu.memory_space<semaphore_mem>>
    tpu.wait_indirect_dma semaphore(%dma_wait3A_125 : memref<!tpu.dma_semaphore, #tpu.memory_space<semaphore_mem>>) src(%dma_wait3A_117 : memref<128x128xf32, #tpu.memory_space<vmem>>) dst(%dma_wait3A_123 : memref<10008x128xf32, #tpu.memory_space<vmem_shared>>)
    %dma_wait3A_126 = arith.constant 2 : i32
    %dma_wait3A_127 = arith.constant 5 : i32
    %dma_wait3A_128 = arith.constant 1 : i32
    %dma_wait3A_129 = arith.constant 2 : i32
    %dma_wait3A_130 = arith.constant 0 : i32
    %dma_wait3A_131 = arith.constant 0 : i32
    %dma_wait3A_132 = tpu.memref_slice %arg7[%dma_wait3A_126, %dma_wait3A_130, %dma_wait3A_131] : memref<3x128x128xf32, #tpu.memory_space<vmem>> -> memref<1x128x128xf32, #tpu.memory_space<vmem>>
    %dma_wait3A_133 = tpu.memref_squeeze %dma_wait3A_132 : memref<1x128x128xf32, #tpu.memory_space<vmem>> -> memref<128x128xf32, #tpu.memory_space<vmem>>
    %dma_wait3A_134 = arith.constant 0 : i32
    %dma_wait3A_135 = tpu.memref_slice %arg6[%dma_wait3A_127, %dma_wait3A_128, %dma_wait3A_134] : memref<6x2x128xi32, #tpu.memory_space<vmem>> -> memref<1x1x128xi32, #tpu.memory_space<vmem>>
    %dma_wait3A_136 = tpu.memref_squeeze %dma_wait3A_135 : memref<1x1x128xi32, #tpu.memory_space<vmem>> -> memref<128xi32, #tpu.memory_space<vmem>>
    %dma_wait3A_137 = arith.constant 0 : i32
    %dma_wait3A_138 = arith.constant 0 : i32
    %dma_wait3A_139 = tpu.memref_slice %arg8[%dma_wait3A_137, %dma_wait3A_138] : memref<10008x128xf32, #tpu.memory_space<vmem_shared>> -> memref<10008x128xf32, #tpu.memory_space<vmem_shared>>
    %dma_wait3A_140 = tpu.memref_slice %arg11[%dma_wait3A_129] : memref<3x!tpu.dma_semaphore, #tpu.memory_space<semaphore_mem>> -> memref<1x!tpu.dma_semaphore, #tpu.memory_space<semaphore_mem>>
    %dma_wait3A_141 = tpu.memref_squeeze %dma_wait3A_140 : memref<1x!tpu.dma_semaphore, #tpu.memory_space<semaphore_mem>> -> memref<!tpu.dma_semaphore, #tpu.memory_space<semaphore_mem>>
    tpu.wait_indirect_dma semaphore(%dma_wait3A_141 : memref<!tpu.dma_semaphore, #tpu.memory_space<semaphore_mem>>) src(%dma_wait3A_133 : memref<128x128xf32, #tpu.memory_space<vmem>>) dst(%dma_wait3A_139 : memref<10008x128xf32, #tpu.memory_space<vmem_shared>>)
    %dma_wait3A_142 = arith.constant 0 : i32
    %dma_wait3A_143 = arith.constant 0 : i32
    %dma_wait3A_144 = arith.constant 1 : i32
    %dma_wait3A_145 = arith.constant 0 : i32
    %dma_wait3A_146 = arith.constant 0 : i32
    %dma_wait3A_147 = arith.constant 0 : i32
    %dma_wait3A_148 = tpu.memref_slice %arg7[%dma_wait3A_142, %dma_wait3A_146, %dma_wait3A_147] : memref<3x128x128xf32, #tpu.memory_space<vmem>> -> memref<1x128x128xf32, #tpu.memory_space<vmem>>
    %dma_wait3A_149 = tpu.memref_squeeze %dma_wait3A_148 : memref<1x128x128xf32, #tpu.memory_space<vmem>> -> memref<128x128xf32, #tpu.memory_space<vmem>>
    %dma_wait3A_150 = arith.constant 0 : i32
    %dma_wait3A_151 = tpu.memref_slice %arg6[%dma_wait3A_143, %dma_wait3A_144, %dma_wait3A_150] : memref<6x2x128xi32, #tpu.memory_space<vmem>> -> memref<1x1x128xi32, #tpu.memory_space<vmem>>
    %dma_wait3A_152 = tpu.memref_squeeze %dma_wait3A_151 : memref<1x1x128xi32, #tpu.memory_space<vmem>> -> memref<128xi32, #tpu.memory_space<vmem>>
    %dma_wait3A_153 = arith.constant 0 : i32
    %dma_wait3A_154 = arith.constant 0 : i32
    %dma_wait3A_155 = tpu.memref_slice %arg8[%dma_wait3A_153, %dma_wait3A_154] : memref<10008x128xf32, #tpu.memory_space<vmem_shared>> -> memref<10008x128xf32, #tpu.memory_space<vmem_shared>>
    %dma_wait3A_156 = tpu.memref_slice %arg11[%dma_wait3A_145] : memref<3x!tpu.dma_semaphore, #tpu.memory_space<semaphore_mem>> -> memref<1x!tpu.dma_semaphore, #tpu.memory_space<semaphore_mem>>
    %dma_wait3A_157 = tpu.memref_squeeze %dma_wait3A_156 : memref<1x!tpu.dma_semaphore, #tpu.memory_space<semaphore_mem>> -> memref<!tpu.dma_semaphore, #tpu.memory_space<semaphore_mem>>
    tpu.wait_indirect_dma semaphore(%dma_wait3A_157 : memref<!tpu.dma_semaphore, #tpu.memory_space<semaphore_mem>>) src(%dma_wait3A_149 : memref<128x128xf32, #tpu.memory_space<vmem>>) dst(%dma_wait3A_155 : memref<10008x128xf32, #tpu.memory_space<vmem_shared>>)
    %barrier3A_158 = arith.constant 0 : index
    tpu.barrier barrier_id(%barrier3A_158)
    %lt3A_159 = arith.constant 15 : i32
    %lt3A_160 = arith.cmpi slt, %arg1, %lt3A_159 : i32
    %convert_element_type3A_161 = arith.extui %lt3A_160 : i1 to i32
    %cond3A_162 = arith.constant 0 : i32
    %cond3A_163 = arith.cmpi ne, %convert_element_type3A_161, %cond3A_162 : i32
    scf.if %cond3A_163 {
      "tpu.region"() ({
        %run_scoped3A_169 = tpu.sem_alloc : memref<!tpu.dma_semaphore, #tpu.memory_space<semaphore_mem>>
        %dma_start3A_170 = arith.constant 0 : i32
        %dma_start3A_171 = tpu.memref_slice %arg5[%arg0, %mul3A_2, %dma_start3A_170] : memref<2x10008x128xf32, #tpu.memory_space<hbm>> -> memref<1x624x128xf32, #tpu.memory_space<hbm>>
        %dma_start3A_172 = tpu.memref_squeeze %dma_start3A_171 : memref<1x624x128xf32, #tpu.memory_space<hbm>> -> memref<624x128xf32, #tpu.memory_space<hbm>>
        %dma_start3A_173 = arith.constant 0 : i32
        %dma_start3A_174 = tpu.memref_slice %arg8[%mul3A_2, %dma_start3A_173] : memref<10008x128xf32, #tpu.memory_space<vmem_shared>> -> memref<624x128xf32, #tpu.memory_space<vmem_shared>>
        tpu.enqueue_dma source(%dma_start3A_174 : memref<624x128xf32, #tpu.memory_space<vmem_shared>>) target(%dma_start3A_172 : memref<624x128xf32, #tpu.memory_space<hbm>>) target_semaphore(%run_scoped3A_169 : memref<!tpu.dma_semaphore, #tpu.memory_space<semaphore_mem>>)
        %dma_wait3A_175 = arith.constant 0 : i32
        %dma_wait3A_176 = tpu.memref_slice %arg5[%arg0, %mul3A_2, %dma_wait3A_175] : memref<2x10008x128xf32, #tpu.memory_space<hbm>> -> memref<1x624x128xf32, #tpu.memory_space<hbm>>
        %dma_wait3A_177 = tpu.memref_squeeze %dma_wait3A_176 : memref<1x624x128xf32, #tpu.memory_space<hbm>> -> memref<624x128xf32, #tpu.memory_space<hbm>>
        %dma_wait3A_178 = arith.constant 0 : i32
        %dma_wait3A_179 = tpu.memref_slice %arg8[%mul3A_2, %dma_wait3A_178] : memref<10008x128xf32, #tpu.memory_space<vmem_shared>> -> memref<624x128xf32, #tpu.memory_space<vmem_shared>>
        tpu.wait_dma2 semaphore(%run_scoped3A_169 : memref<!tpu.dma_semaphore, #tpu.memory_space<semaphore_mem>>) src(%dma_wait3A_179 : memref<624x128xf32, #tpu.memory_space<vmem_shared>>) dst(%dma_wait3A_177 : memref<624x128xf32, #tpu.memory_space<hbm>>)
        tpu.yield
      }) : () -> ()
    } else {
    }
    %eq3A_164 = arith.constant 15 : i32
    %eq3A_165 = arith.cmpi eq, %arg1, %eq3A_164 : i32
    %convert_element_type3A_166 = arith.extui %eq3A_165 : i1 to i32
    %cond3A_167 = arith.constant 0 : i32
    %cond3A_168 = arith.cmpi ne, %convert_element_type3A_166, %cond3A_167 : i32
    scf.if %cond3A_168 {
      "tpu.region"() ({
        %run_scoped3A_169 = tpu.sem_alloc : memref<!tpu.dma_semaphore, #tpu.memory_space<semaphore_mem>>
        %dma_start3A_170 = arith.constant 9360 : i32
        %dma_start3A_171 = arith.constant 0 : i32
        %dma_start3A_172 = tpu.memref_slice %arg5[%arg0, %dma_start3A_170, %dma_start3A_171] : memref<2x10008x128xf32, #tpu.memory_space<hbm>> -> memref<1x648x128xf32, #tpu.memory_space<hbm>>
        %dma_start3A_173 = tpu.memref_squeeze %dma_start3A_172 : memref<1x648x128xf32, #tpu.memory_space<hbm>> -> memref<648x128xf32, #tpu.memory_space<hbm>>
        %dma_start3A_174 = arith.constant 9360 : i32
        %dma_start3A_175 = arith.constant 0 : i32
        %dma_start3A_176 = tpu.memref_slice %arg8[%dma_start3A_174, %dma_start3A_175] : memref<10008x128xf32, #tpu.memory_space<vmem_shared>> -> memref<648x128xf32, #tpu.memory_space<vmem_shared>>
        tpu.enqueue_dma source(%dma_start3A_176 : memref<648x128xf32, #tpu.memory_space<vmem_shared>>) target(%dma_start3A_173 : memref<648x128xf32, #tpu.memory_space<hbm>>) target_semaphore(%run_scoped3A_169 : memref<!tpu.dma_semaphore, #tpu.memory_space<semaphore_mem>>)
        %dma_wait3A_177 = arith.constant 9360 : i32
        %dma_wait3A_178 = arith.constant 0 : i32
        %dma_wait3A_179 = tpu.memref_slice %arg5[%arg0, %dma_wait3A_177, %dma_wait3A_178] : memref<2x10008x128xf32, #tpu.memory_space<hbm>> -> memref<1x648x128xf32, #tpu.memory_space<hbm>>
        %dma_wait3A_180 = tpu.memref_squeeze %dma_wait3A_179 : memref<1x648x128xf32, #tpu.memory_space<hbm>> -> memref<648x128xf32, #tpu.memory_space<hbm>>
        %dma_wait3A_181 = arith.constant 9360 : i32
        %dma_wait3A_182 = arith.constant 0 : i32
        %dma_wait3A_183 = tpu.memref_slice %arg8[%dma_wait3A_181, %dma_wait3A_182] : memref<10008x128xf32, #tpu.memory_space<vmem_shared>> -> memref<648x128xf32, #tpu.memory_space<vmem_shared>>
        tpu.wait_dma2 semaphore(%run_scoped3A_169 : memref<!tpu.dma_semaphore, #tpu.memory_space<semaphore_mem>>) src(%dma_wait3A_183 : memref<648x128xf32, #tpu.memory_space<vmem_shared>>) dst(%dma_wait3A_180 : memref<648x128xf32, #tpu.memory_space<hbm>>)
        tpu.yield
      }) : () -> ()
    } else {
    }
    return
  }
}

#map = affine_map<(d0, d1) -> (0, 0)>
#map1 = affine_map<(d0, d1) -> (0, 0, 0, 0)>
#map2 = affine_map<(d0, d1) -> (0, 0, 0)>
module attributes {stable_mosaic.version = 14 : i64} {
  func.func @_spmm(%arg0: i32, %arg1: i32, %arg2: memref<10000x128xf32, #tpu.memory_space<hbm>>, %arg3: memref<32x79x2x128xi32, #tpu.memory_space<hbm>>, %arg4: memref<10008x128xf32, #tpu.memory_space<hbm>>, %arg5: memref<2x10008x128xf32, #tpu.memory_space<hbm>>, %arg6: memref<6x2x128xi32, #tpu.memory_space<vmem>>, %arg7: memref<3x128x128xf32, #tpu.memory_space<vmem>>, %arg8: memref<10008x128xf32, #tpu.memory_space<vmem_shared>>, %arg9: memref<6x!tpu.dma_semaphore, #tpu.memory_space<semaphore_mem>>, %arg10: memref<3x!tpu.dma_semaphore, #tpu.memory_space<semaphore_mem>>, %arg11: memref<3x!tpu.dma_semaphore, #tpu.memory_space<semaphore_mem>>) attributes {dimension_semantics = [#tpu.dimension_semantics<core_parallel>, #tpu.dimension_semantics<subcore_parallel>], iteration_bounds = array<i64: 2, 16>, scalar_prefetch = 0 : i64, scratch_operands = 6 : i64, tpu.core_type = #tpu.core_type<sc_vector_subcore>, window_params = [{transform_indices = #map}, {transform_indices = #map1}, {transform_indices = #map}, {transform_indices = #map2}]} {
    %mul3A = arith.constant 16 : i32
    %mul3A_0 = arith.muli %arg0, %mul3A : i32
    %add3A = arith.addi %mul3A_0, %arg1 : i32
    %mul3A_1 = arith.constant 624 : i32
    %mul3A_2 = arith.muli %arg1, %mul3A_1 : i32
    %lt3A = arith.constant 15 : i32
    %lt3A_3 = arith.cmpi slt, %arg1, %lt3A : i32
    %convert_element_type3A = arith.extui %lt3A_3 : i1 to i32
    %cond3A = arith.constant 0 : i32
    %cond3A_4 = arith.cmpi ne, %convert_element_type3A, %cond3A : i32
    scf.if %cond3A_4 {
      "tpu.region"() ({
        %run_scoped3A_169 = tpu.sem_alloc : memref<!tpu.dma_semaphore, #tpu.memory_space<semaphore_mem>>
        %dma_start3A_170 = arith.constant 0 : i32
        %dma_start3A_171 = tpu.memref_slice %arg8[%mul3A_2, %dma_start3A_170] : memref<10008x128xf32, #tpu.memory_space<vmem_shared>> -> memref<624x128xf32, #tpu.memory_space<vmem_shared>>
        %dma_start3A_172 = arith.constant 0 : i32
        %dma_start3A_173 = tpu.memref_slice %arg4[%mul3A_2, %dma_start3A_172] : memref<10008x128xf32, #tpu.memory_space<hbm>> -> memref<624x128xf32, #tpu.memory_space<hbm>>
        tpu.enqueue_dma source(%dma_start3A_173 : memref<624x128xf32, #tpu.memory_space<hbm>>) target(%dma_start3A_171 : memref<624x128xf32, #tpu.memory_space<vmem_shared>>) target_semaphore(%run_scoped3A_169 : memref<!tpu.dma_semaphore, #tpu.memory_space<semaphore_mem>>)
        %dma_wait3A_174 = arith.constant 0 : i32
        %dma_wait3A_175 = tpu.memref_slice %arg8[%mul3A_2, %dma_wait3A_174] : memref<10008x128xf32, #tpu.memory_space<vmem_shared>> -> memref<624x128xf32, #tpu.memory_space<vmem_shared>>
        %dma_wait3A_176 = arith.constant 0 : i32
        %dma_wait3A_177 = tpu.memref_slice %arg4[%mul3A_2, %dma_wait3A_176] : memref<10008x128xf32, #tpu.memory_space<hbm>> -> memref<624x128xf32, #tpu.memory_space<hbm>>
        tpu.wait_dma2 semaphore(%run_scoped3A_169 : memref<!tpu.dma_semaphore, #tpu.memory_space<semaphore_mem>>) src(%dma_wait3A_177 : memref<624x128xf32, #tpu.memory_space<hbm>>) dst(%dma_wait3A_175 : memref<624x128xf32, #tpu.memory_space<vmem_shared>>)
        tpu.yield
      }) : () -> ()
    } else {
    }
    %eq3A = arith.constant 15 : i32
    %eq3A_5 = arith.cmpi eq, %arg1, %eq3A : i32
    %convert_element_type3A_6 = arith.extui %eq3A_5 : i1 to i32
    %cond3A_7 = arith.constant 0 : i32
    %cond3A_8 = arith.cmpi ne, %convert_element_type3A_6, %cond3A_7 : i32
    scf.if %cond3A_8 {
      "tpu.region"() ({
        %run_scoped3A_169 = tpu.sem_alloc : memref<!tpu.dma_semaphore, #tpu.memory_space<semaphore_mem>>
        %dma_start3A_170 = arith.constant 9360 : i32
        %dma_start3A_171 = arith.constant 0 : i32
        %dma_start3A_172 = tpu.memref_slice %arg8[%dma_start3A_170, %dma_start3A_171] : memref<10008x128xf32, #tpu.memory_space<vmem_shared>> -> memref<648x128xf32, #tpu.memory_space<vmem_shared>>
        %dma_start3A_173 = arith.constant 9360 : i32
        %dma_start3A_174 = arith.constant 0 : i32
        %dma_start3A_175 = tpu.memref_slice %arg4[%dma_start3A_173, %dma_start3A_174] : memref<10008x128xf32, #tpu.memory_space<hbm>> -> memref<648x128xf32, #tpu.memory_space<hbm>>
        tpu.enqueue_dma source(%dma_start3A_175 : memref<648x128xf32, #tpu.memory_space<hbm>>) target(%dma_start3A_172 : memref<648x128xf32, #tpu.memory_space<vmem_shared>>) target_semaphore(%run_scoped3A_169 : memref<!tpu.dma_semaphore, #tpu.memory_space<semaphore_mem>>)
        %dma_wait3A_176 = arith.constant 9360 : i32
        %dma_wait3A_177 = arith.constant 0 : i32
        %dma_wait3A_178 = tpu.memref_slice %arg8[%dma_wait3A_176, %dma_wait3A_177] : memref<10008x128xf32, #tpu.memory_space<vmem_shared>> -> memref<648x128xf32, #tpu.memory_space<vmem_shared>>
        %dma_wait3A_179 = arith.constant 9360 : i32
        %dma_wait3A_180 = arith.constant 0 : i32
        %dma_wait3A_181 = tpu.memref_slice %arg4[%dma_wait3A_179, %dma_wait3A_180] : memref<10008x128xf32, #tpu.memory_space<hbm>> -> memref<648x128xf32, #tpu.memory_space<hbm>>
        tpu.wait_dma2 semaphore(%run_scoped3A_169 : memref<!tpu.dma_semaphore, #tpu.memory_space<semaphore_mem>>) src(%dma_wait3A_181 : memref<648x128xf32, #tpu.memory_space<hbm>>) dst(%dma_wait3A_178 : memref<648x128xf32, #tpu.memory_space<vmem_shared>>)
        tpu.yield
      }) : () -> ()
    } else {
    }
    %barrier3A = arith.constant 0 : index
    tpu.barrier barrier_id(%barrier3A)
    %run_scoped3A = arith.constant 0 : i32
    %run_scoped3A_9 = arith.constant 0 : i32
    "tpu.region"() ({
      %run_scoped3A_169 = tpu.sem_alloc : memref<!tpu.dma_semaphore, #tpu.memory_space<semaphore_mem>>
      %dma_start3A_170 = arith.constant 0 : i32
      %dma_start3A_171 = arith.constant 0 : i32
      %dma_start3A_172 = tpu.memref_slice %arg6[%run_scoped3A_9, %dma_start3A_170, %dma_start3A_171] : memref<6x2x128xi32, #tpu.memory_space<vmem>> -> memref<1x2x128xi32, #tpu.memory_space<vmem>>
      %dma_start3A_173 = tpu.memref_squeeze %dma_start3A_172 : memref<1x2x128xi32, #tpu.memory_space<vmem>> -> memref<2x128xi32, #tpu.memory_space<vmem>>
      %dma_start3A_174 = arith.constant 0 : i32
      %dma_start3A_175 = arith.constant 0 : i32
      %dma_start3A_176 = tpu.memref_slice %arg3[%add3A, %run_scoped3A, %dma_start3A_174, %dma_start3A_175] : memref<32x79x2x128xi32, #tpu.memory_space<hbm>> -> memref<1x1x2x128xi32, #tpu.memory_space<hbm>>
      %dma_start3A_177 = tpu.memref_squeeze %dma_start3A_176 : memref<1x1x2x128xi32, #tpu.memory_space<hbm>> -> memref<2x128xi32, #tpu.memory_space<hbm>>
      %dma_start3A_178 = arith.constant 0 : i32
      %dma_start3A_179 = arith.constant 0 : i32
      %dma_start3A_180 = tpu.memref_slice %arg6[%run_scoped3A_9, %dma_start3A_178, %dma_start3A_179] : memref<6x2x128xi32, #tpu.memory_space<vmem>> -> memref<1x2x128xi32, #tpu.memory_space<vmem>>
      %dma_start3A_181 = tpu.memref_squeeze %dma_start3A_180 : memref<1x2x128xi32, #tpu.memory_space<vmem>> -> memref<2x128xi32, #tpu.memory_space<vmem>>
      %dma_start3A_182 = arith.constant 0 : i32
      %dma_start3A_183 = arith.constant 0 : i32
      %dma_start3A_184 = tpu.memref_slice %arg3[%add3A, %run_scoped3A, %dma_start3A_182, %dma_start3A_183] : memref<32x79x2x128xi32, #tpu.memory_space<hbm>> -> memref<1x1x2x128xi32, #tpu.memory_space<hbm>>
      %dma_start3A_185 = tpu.memref_squeeze %dma_start3A_184 : memref<1x1x2x128xi32, #tpu.memory_space<hbm>> -> memref<2x128xi32, #tpu.memory_space<hbm>>
      tpu.enqueue_dma source(%dma_start3A_185 : memref<2x128xi32, #tpu.memory_space<hbm>>) target(%dma_start3A_181 : memref<2x128xi32, #tpu.memory_space<vmem>>) target_semaphore(%run_scoped3A_169 : memref<!tpu.dma_semaphore, #tpu.memory_space<semaphore_mem>>)
      %dma_wait3A_186 = arith.constant 0 : i32
      %dma_wait3A_187 = arith.constant 0 : i32
      %dma_wait3A_188 = tpu.memref_slice %arg6[%run_scoped3A_9, %dma_wait3A_186, %dma_wait3A_187] : memref<6x2x128xi32, #tpu.memory_space<vmem>> -> memref<1x2x128xi32, #tpu.memory_space<vmem>>
      %dma_wait3A_189 = tpu.memref_squeeze %dma_wait3A_188 : memref<1x2x128xi32, #tpu.memory_space<vmem>> -> memref<2x128xi32, #tpu.memory_space<vmem>>
      %dma_wait3A_190 = arith.constant 0 : i32
      %dma_wait3A_191 = arith.constant 0 : i32
      %dma_wait3A_192 = tpu.memref_slice %arg3[%add3A, %run_scoped3A, %dma_wait3A_190, %dma_wait3A_191] : memref<32x79x2x128xi32, #tpu.memory_space<hbm>> -> memref<1x1x2x128xi32, #tpu.memory_space<hbm>>
      %dma_wait3A_193 = tpu.memref_squeeze %dma_wait3A_192 : memref<1x1x2x128xi32, #tpu.memory_space<hbm>> -> memref<2x128xi32, #tpu.memory_space<hbm>>
      %dma_wait3A_194 = arith.constant 0 : i32
      %dma_wait3A_195 = arith.constant 0 : i32
      %dma_wait3A_196 = tpu.memref_slice %arg6[%run_scoped3A_9, %dma_wait3A_194, %dma_wait3A_195] : memref<6x2x128xi32, #tpu.memory_space<vmem>> -> memref<1x2x128xi32, #tpu.memory_space<vmem>>
      %dma_wait3A_197 = tpu.memref_squeeze %dma_wait3A_196 : memref<1x2x128xi32, #tpu.memory_space<vmem>> -> memref<2x128xi32, #tpu.memory_space<vmem>>
      %dma_wait3A_198 = arith.constant 0 : i32
      %dma_wait3A_199 = arith.constant 0 : i32
      %dma_wait3A_200 = tpu.memref_slice %arg3[%add3A, %run_scoped3A, %dma_wait3A_198, %dma_wait3A_199] : memref<32x79x2x128xi32, #tpu.memory_space<hbm>> -> memref<1x1x2x128xi32, #tpu.memory_space<hbm>>
      %dma_wait3A_201 = tpu.memref_squeeze %dma_wait3A_200 : memref<1x1x2x128xi32, #tpu.memory_space<hbm>> -> memref<2x128xi32, #tpu.memory_space<hbm>>
      tpu.wait_dma2 semaphore(%run_scoped3A_169 : memref<!tpu.dma_semaphore, #tpu.memory_space<semaphore_mem>>) src(%dma_wait3A_201 : memref<2x128xi32, #tpu.memory_space<hbm>>) dst(%dma_wait3A_197 : memref<2x128xi32, #tpu.memory_space<vmem>>)
      tpu.yield
    }) : () -> ()
    %run_scoped3A_10 = arith.constant 1 : i32
    %run_scoped3A_11 = arith.constant 1 : i32
    "tpu.region"() ({
      %run_scoped3A_169 = tpu.sem_alloc : memref<!tpu.dma_semaphore, #tpu.memory_space<semaphore_mem>>
      %dma_start3A_170 = arith.constant 0 : i32
      %dma_start3A_171 = arith.constant 0 : i32
      %dma_start3A_172 = tpu.memref_slice %arg6[%run_scoped3A_11, %dma_start3A_170, %dma_start3A_171] : memref<6x2x128xi32, #tpu.memory_space<vmem>> -> memref<1x2x128xi32, #tpu.memory_space<vmem>>
      %dma_start3A_173 = tpu.memref_squeeze %dma_start3A_172 : memref<1x2x128xi32, #tpu.memory_space<vmem>> -> memref<2x128xi32, #tpu.memory_space<vmem>>
      %dma_start3A_174 = arith.constant 0 : i32
      %dma_start3A_175 = arith.constant 0 : i32
      %dma_start3A_176 = tpu.memref_slice %arg3[%add3A, %run_scoped3A_10, %dma_start3A_174, %dma_start3A_175] : memref<32x79x2x128xi32, #tpu.memory_space<hbm>> -> memref<1x1x2x128xi32, #tpu.memory_space<hbm>>
      %dma_start3A_177 = tpu.memref_squeeze %dma_start3A_176 : memref<1x1x2x128xi32, #tpu.memory_space<hbm>> -> memref<2x128xi32, #tpu.memory_space<hbm>>
      %dma_start3A_178 = arith.constant 0 : i32
      %dma_start3A_179 = arith.constant 0 : i32
      %dma_start3A_180 = tpu.memref_slice %arg6[%run_scoped3A_11, %dma_start3A_178, %dma_start3A_179] : memref<6x2x128xi32, #tpu.memory_space<vmem>> -> memref<1x2x128xi32, #tpu.memory_space<vmem>>
      %dma_start3A_181 = tpu.memref_squeeze %dma_start3A_180 : memref<1x2x128xi32, #tpu.memory_space<vmem>> -> memref<2x128xi32, #tpu.memory_space<vmem>>
      %dma_start3A_182 = arith.constant 0 : i32
      %dma_start3A_183 = arith.constant 0 : i32
      %dma_start3A_184 = tpu.memref_slice %arg3[%add3A, %run_scoped3A_10, %dma_start3A_182, %dma_start3A_183] : memref<32x79x2x128xi32, #tpu.memory_space<hbm>> -> memref<1x1x2x128xi32, #tpu.memory_space<hbm>>
      %dma_start3A_185 = tpu.memref_squeeze %dma_start3A_184 : memref<1x1x2x128xi32, #tpu.memory_space<hbm>> -> memref<2x128xi32, #tpu.memory_space<hbm>>
      tpu.enqueue_dma source(%dma_start3A_185 : memref<2x128xi32, #tpu.memory_space<hbm>>) target(%dma_start3A_181 : memref<2x128xi32, #tpu.memory_space<vmem>>) target_semaphore(%run_scoped3A_169 : memref<!tpu.dma_semaphore, #tpu.memory_space<semaphore_mem>>)
      %dma_wait3A_186 = arith.constant 0 : i32
      %dma_wait3A_187 = arith.constant 0 : i32
      %dma_wait3A_188 = tpu.memref_slice %arg6[%run_scoped3A_11, %dma_wait3A_186, %dma_wait3A_187] : memref<6x2x128xi32, #tpu.memory_space<vmem>> -> memref<1x2x128xi32, #tpu.memory_space<vmem>>
      %dma_wait3A_189 = tpu.memref_squeeze %dma_wait3A_188 : memref<1x2x128xi32, #tpu.memory_space<vmem>> -> memref<2x128xi32, #tpu.memory_space<vmem>>
      %dma_wait3A_190 = arith.constant 0 : i32
      %dma_wait3A_191 = arith.constant 0 : i32
      %dma_wait3A_192 = tpu.memref_slice %arg3[%add3A, %run_scoped3A_10, %dma_wait3A_190, %dma_wait3A_191] : memref<32x79x2x128xi32, #tpu.memory_space<hbm>> -> memref<1x1x2x128xi32, #tpu.memory_space<hbm>>
      %dma_wait3A_193 = tpu.memref_squeeze %dma_wait3A_192 : memref<1x1x2x128xi32, #tpu.memory_space<hbm>> -> memref<2x128xi32, #tpu.memory_space<hbm>>
      %dma_wait3A_194 = arith.constant 0 : i32
      %dma_wait3A_195 = arith.constant 0 : i32
      %dma_wait3A_196 = tpu.memref_slice %arg6[%run_scoped3A_11, %dma_wait3A_194, %dma_wait3A_195] : memref<6x2x128xi32, #tpu.memory_space<vmem>> -> memref<1x2x128xi32, #tpu.memory_space<vmem>>
      %dma_wait3A_197 = tpu.memref_squeeze %dma_wait3A_196 : memref<1x2x128xi32, #tpu.memory_space<vmem>> -> memref<2x128xi32, #tpu.memory_space<vmem>>
      %dma_wait3A_198 = arith.constant 0 : i32
      %dma_wait3A_199 = arith.constant 0 : i32
      %dma_wait3A_200 = tpu.memref_slice %arg3[%add3A, %run_scoped3A_10, %dma_wait3A_198, %dma_wait3A_199] : memref<32x79x2x128xi32, #tpu.memory_space<hbm>> -> memref<1x1x2x128xi32, #tpu.memory_space<hbm>>
      %dma_wait3A_201 = tpu.memref_squeeze %dma_wait3A_200 : memref<1x1x2x128xi32, #tpu.memory_space<hbm>> -> memref<2x128xi32, #tpu.memory_space<hbm>>
      tpu.wait_dma2 semaphore(%run_scoped3A_169 : memref<!tpu.dma_semaphore, #tpu.memory_space<semaphore_mem>>) src(%dma_wait3A_201 : memref<2x128xi32, #tpu.memory_space<hbm>>) dst(%dma_wait3A_197 : memref<2x128xi32, #tpu.memory_space<vmem>>)
      tpu.yield
    }) : () -> ()
    %dma_start3A = arith.constant 0 : i32
    %dma_start3A_12 = arith.constant 0 : i32
    %dma_start3A_13 = arith.constant 0 : i32
    %dma_start3A_14 = arith.constant 0 : i32
    %dma_start3A_15 = arith.constant 0 : i32
    %dma_start3A_16 = arith.constant 0 : i32
    %dma_start3A_17 = tpu.memref_slice %arg7[%dma_start3A_13, %dma_start3A_15, %dma_start3A_16] : memref<3x128x128xf32, #tpu.memory_space<vmem>> -> memref<1x128x128xf32, #tpu.memory_space<vmem>>
    %dma_start3A_18 = tpu.memref_squeeze %dma_start3A_17 : memref<1x128x128xf32, #tpu.memory_space<vmem>> -> memref<128x128xf32, #tpu.memory_space<vmem>>
    %dma_start3A_19 = arith.constant 0 : i32
    %dma_start3A_20 = tpu.memref_slice %arg6[%dma_start3A, %dma_start3A_12, %dma_start3A_19] : memref<6x2x128xi32, #tpu.memory_space<vmem>> -> memref<1x1x128xi32, #tpu.memory_space<vmem>>
    %dma_start3A_21 = tpu.memref_squeeze %dma_start3A_20 : memref<1x1x128xi32, #tpu.memory_space<vmem>> -> memref<128xi32, #tpu.memory_space<vmem>>
    %dma_start3A_22 = arith.constant 0 : i32
    %dma_start3A_23 = arith.constant 0 : i32
    %dma_start3A_24 = tpu.memref_slice %arg2[%dma_start3A_22, %dma_start3A_23] : memref<10000x128xf32, #tpu.memory_space<hbm>> -> memref<10000x128xf32, #tpu.memory_space<hbm>>
    %dma_start3A_25 = tpu.memref_slice %arg10[%dma_start3A_14] : memref<3x!tpu.dma_semaphore, #tpu.memory_space<semaphore_mem>> -> memref<1x!tpu.dma_semaphore, #tpu.memory_space<semaphore_mem>>
    %dma_start3A_26 = tpu.memref_squeeze %dma_start3A_25 : memref<1x!tpu.dma_semaphore, #tpu.memory_space<semaphore_mem>> -> memref<!tpu.dma_semaphore, #tpu.memory_space<semaphore_mem>>
    tpu.enqueue_indirect_dma source(%dma_start3A_24 : memref<10000x128xf32, #tpu.memory_space<hbm>>) target(%dma_start3A_18 : memref<128x128xf32, #tpu.memory_space<vmem>>) offsets(%dma_start3A_21 : memref<128xi32, #tpu.memory_space<vmem>>) semaphore(%dma_start3A_26 : memref<!tpu.dma_semaphore, #tpu.memory_space<semaphore_mem>>)
    %dma_start3A_27 = arith.constant 1 : i32
    %dma_start3A_28 = arith.constant 0 : i32
    %dma_start3A_29 = arith.constant 1 : i32
    %dma_start3A_30 = arith.constant 1 : i32
    %dma_start3A_31 = arith.constant 0 : i32
    %dma_start3A_32 = arith.constant 0 : i32
    %dma_start3A_33 = tpu.memref_slice %arg7[%dma_start3A_29, %dma_start3A_31, %dma_start3A_32] : memref<3x128x128xf32, #tpu.memory_space<vmem>> -> memref<1x128x128xf32, #tpu.memory_space<vmem>>
    %dma_start3A_34 = tpu.memref_squeeze %dma_start3A_33 : memref<1x128x128xf32, #tpu.memory_space<vmem>> -> memref<128x128xf32, #tpu.memory_space<vmem>>
    %dma_start3A_35 = arith.constant 0 : i32
    %dma_start3A_36 = tpu.memref_slice %arg6[%dma_start3A_27, %dma_start3A_28, %dma_start3A_35] : memref<6x2x128xi32, #tpu.memory_space<vmem>> -> memref<1x1x128xi32, #tpu.memory_space<vmem>>
    %dma_start3A_37 = tpu.memref_squeeze %dma_start3A_36 : memref<1x1x128xi32, #tpu.memory_space<vmem>> -> memref<128xi32, #tpu.memory_space<vmem>>
    %dma_start3A_38 = arith.constant 0 : i32
    %dma_start3A_39 = arith.constant 0 : i32
    %dma_start3A_40 = tpu.memref_slice %arg2[%dma_start3A_38, %dma_start3A_39] : memref<10000x128xf32, #tpu.memory_space<hbm>> -> memref<10000x128xf32, #tpu.memory_space<hbm>>
    %dma_start3A_41 = tpu.memref_slice %arg10[%dma_start3A_30] : memref<3x!tpu.dma_semaphore, #tpu.memory_space<semaphore_mem>> -> memref<1x!tpu.dma_semaphore, #tpu.memory_space<semaphore_mem>>
    %dma_start3A_42 = tpu.memref_squeeze %dma_start3A_41 : memref<1x!tpu.dma_semaphore, #tpu.memory_space<semaphore_mem>> -> memref<!tpu.dma_semaphore, #tpu.memory_space<semaphore_mem>>
    tpu.enqueue_indirect_dma source(%dma_start3A_40 : memref<10000x128xf32, #tpu.memory_space<hbm>>) target(%dma_start3A_34 : memref<128x128xf32, #tpu.memory_space<vmem>>) offsets(%dma_start3A_37 : memref<128xi32, #tpu.memory_space<vmem>>) semaphore(%dma_start3A_42 : memref<!tpu.dma_semaphore, #tpu.memory_space<semaphore_mem>>)
    %dma_start3A_43 = arith.constant 2 : i32
    %dma_start3A_44 = arith.constant 2 : i32
    %dma_start3A_45 = arith.constant 2 : i32
    %dma_start3A_46 = arith.constant 0 : i32
    %dma_start3A_47 = arith.constant 0 : i32
    %dma_start3A_48 = tpu.memref_slice %arg6[%dma_start3A_44, %dma_start3A_46, %dma_start3A_47] : memref<6x2x128xi32, #tpu.memory_space<vmem>> -> memref<1x2x128xi32, #tpu.memory_space<vmem>>
    %dma_start3A_49 = tpu.memref_squeeze %dma_start3A_48 : memref<1x2x128xi32, #tpu.memory_space<vmem>> -> memref<2x128xi32, #tpu.memory_space<vmem>>
    %dma_start3A_50 = arith.constant 0 : i32
    %dma_start3A_51 = arith.constant 0 : i32
    %dma_start3A_52 = tpu.memref_slice %arg3[%add3A, %dma_start3A_43, %dma_start3A_50, %dma_start3A_51] : memref<32x79x2x128xi32, #tpu.memory_space<hbm>> -> memref<1x1x2x128xi32, #tpu.memory_space<hbm>>
    %dma_start3A_53 = tpu.memref_squeeze %dma_start3A_52 : memref<1x1x2x128xi32, #tpu.memory_space<hbm>> -> memref<2x128xi32, #tpu.memory_space<hbm>>
    %dma_start3A_54 = tpu.memref_slice %arg9[%dma_start3A_45] : memref<6x!tpu.dma_semaphore, #tpu.memory_space<semaphore_mem>> -> memref<1x!tpu.dma_semaphore, #tpu.memory_space<semaphore_mem>>
    %dma_start3A_55 = tpu.memref_squeeze %dma_start3A_54 : memref<1x!tpu.dma_semaphore, #tpu.memory_space<semaphore_mem>> -> memref<!tpu.dma_semaphore, #tpu.memory_space<semaphore_mem>>
    %dma_start3A_56 = arith.constant 0 : i32
    %dma_start3A_57 = arith.constant 0 : i32
    %dma_start3A_58 = tpu.memref_slice %arg6[%dma_start3A_44, %dma_start3A_56, %dma_start3A_57] : memref<6x2x128xi32, #tpu.memory_space<vmem>> -> memref<1x2x128xi32, #tpu.memory_space<vmem>>
    %dma_start3A_59 = tpu.memref_squeeze %dma_start3A_58 : memref<1x2x128xi32, #tpu.memory_space<vmem>> -> memref<2x128xi32, #tpu.memory_space<vmem>>
    %dma_start3A_60 = arith.constant 0 : i32
    %dma_start3A_61 = arith.constant 0 : i32
    %dma_start3A_62 = tpu.memref_slice %arg3[%add3A, %dma_start3A_43, %dma_start3A_60, %dma_start3A_61] : memref<32x79x2x128xi32, #tpu.memory_space<hbm>> -> memref<1x1x2x128xi32, #tpu.memory_space<hbm>>
    %dma_start3A_63 = tpu.memref_squeeze %dma_start3A_62 : memref<1x1x2x128xi32, #tpu.memory_space<hbm>> -> memref<2x128xi32, #tpu.memory_space<hbm>>
    tpu.enqueue_dma source(%dma_start3A_63 : memref<2x128xi32, #tpu.memory_space<hbm>>) target(%dma_start3A_59 : memref<2x128xi32, #tpu.memory_space<vmem>>) target_semaphore(%dma_start3A_55 : memref<!tpu.dma_semaphore, #tpu.memory_space<semaphore_mem>>)
    %dma_start3A_64 = arith.constant 3 : i32
    %dma_start3A_65 = arith.constant 3 : i32
    %dma_start3A_66 = arith.constant 3 : i32
    %dma_start3A_67 = arith.constant 0 : i32
    %dma_start3A_68 = arith.constant 0 : i32
    %dma_start3A_69 = tpu.memref_slice %arg6[%dma_start3A_65, %dma_start3A_67, %dma_start3A_68] : memref<6x2x128xi32, #tpu.memory_space<vmem>> -> memref<1x2x128xi32, #tpu.memory_space<vmem>>
    %dma_start3A_70 = tpu.memref_squeeze %dma_start3A_69 : memref<1x2x128xi32, #tpu.memory_space<vmem>> -> memref<2x128xi32, #tpu.memory_space<vmem>>
    %dma_start3A_71 = arith.constant 0 : i32
    %dma_start3A_72 = arith.constant 0 : i32
    %dma_start3A_73 = tpu.memref_slice %arg3[%add3A, %dma_start3A_64, %dma_start3A_71, %dma_start3A_72] : memref<32x79x2x128xi32, #tpu.memory_space<hbm>> -> memref<1x1x2x128xi32, #tpu.memory_space<hbm>>
    %dma_start3A_74 = tpu.memref_squeeze %dma_start3A_73 : memref<1x1x2x128xi32, #tpu.memory_space<hbm>> -> memref<2x128xi32, #tpu.memory_space<hbm>>
    %dma_start3A_75 = tpu.memref_slice %arg9[%dma_start3A_66] : memref<6x!tpu.dma_semaphore, #tpu.memory_space<semaphore_mem>> -> memref<1x!tpu.dma_semaphore, #tpu.memory_space<semaphore_mem>>
    %dma_start3A_76 = tpu.memref_squeeze %dma_start3A_75 : memref<1x!tpu.dma_semaphore, #tpu.memory_space<semaphore_mem>> -> memref<!tpu.dma_semaphore, #tpu.memory_space<semaphore_mem>>
    %dma_start3A_77 = arith.constant 0 : i32
    %dma_start3A_78 = arith.constant 0 : i32
    %dma_start3A_79 = tpu.memref_slice %arg6[%dma_start3A_65, %dma_start3A_77, %dma_start3A_78] : memref<6x2x128xi32, #tpu.memory_space<vmem>> -> memref<1x2x128xi32, #tpu.memory_space<vmem>>
    %dma_start3A_80 = tpu.memref_squeeze %dma_start3A_79 : memref<1x2x128xi32, #tpu.memory_space<vmem>> -> memref<2x128xi32, #tpu.memory_space<vmem>>
    %dma_start3A_81 = arith.constant 0 : i32
    %dma_start3A_82 = arith.constant 0 : i32
    %dma_start3A_83 = tpu.memref_slice %arg3[%add3A, %dma_start3A_64, %dma_start3A_81, %dma_start3A_82] : memref<32x79x2x128xi32, #tpu.memory_space<hbm>> -> memref<1x1x2x128xi32, #tpu.memory_space<hbm>>
    %dma_start3A_84 = tpu.memref_squeeze %dma_start3A_83 : memref<1x1x2x128xi32, #tpu.memory_space<hbm>> -> memref<2x128xi32, #tpu.memory_space<hbm>>
    tpu.enqueue_dma source(%dma_start3A_84 : memref<2x128xi32, #tpu.memory_space<hbm>>) target(%dma_start3A_80 : memref<2x128xi32, #tpu.memory_space<vmem>>) target_semaphore(%dma_start3A_76 : memref<!tpu.dma_semaphore, #tpu.memory_space<semaphore_mem>>)
    %dma_start3A_85 = arith.constant 4 : i32
    %dma_start3A_86 = arith.constant 4 : i32
    %dma_start3A_87 = arith.constant 4 : i32
    %dma_start3A_88 = arith.constant 0 : i32
    %dma_start3A_89 = arith.constant 0 : i32
    %dma_start3A_90 = tpu.memref_slice %arg6[%dma_start3A_86, %dma_start3A_88, %dma_start3A_89] : memref<6x2x128xi32, #tpu.memory_space<vmem>> -> memref<1x2x128xi32, #tpu.memory_space<vmem>>
    %dma_start3A_91 = tpu.memref_squeeze %dma_start3A_90 : memref<1x2x128xi32, #tpu.memory_space<vmem>> -> memref<2x128xi32, #tpu.memory_space<vmem>>
    %dma_start3A_92 = arith.constant 0 : i32
    %dma_start3A_93 = arith.constant 0 : i32
    %dma_start3A_94 = tpu.memref_slice %arg3[%add3A, %dma_start3A_85, %dma_start3A_92, %dma_start3A_93] : memref<32x79x2x128xi32, #tpu.memory_space<hbm>> -> memref<1x1x2x128xi32, #tpu.memory_space<hbm>>
    %dma_start3A_95 = tpu.memref_squeeze %dma_start3A_94 : memref<1x1x2x128xi32, #tpu.memory_space<hbm>> -> memref<2x128xi32, #tpu.memory_space<hbm>>
    %dma_start3A_96 = tpu.memref_slice %arg9[%dma_start3A_87] : memref<6x!tpu.dma_semaphore, #tpu.memory_space<semaphore_mem>> -> memref<1x!tpu.dma_semaphore, #tpu.memory_space<semaphore_mem>>
    %dma_start3A_97 = tpu.memref_squeeze %dma_start3A_96 : memref<1x!tpu.dma_semaphore, #tpu.memory_space<semaphore_mem>> -> memref<!tpu.dma_semaphore, #tpu.memory_space<semaphore_mem>>
    %dma_start3A_98 = arith.constant 0 : i32
    %dma_start3A_99 = arith.constant 0 : i32
    %dma_start3A_100 = tpu.memref_slice %arg6[%dma_start3A_86, %dma_start3A_98, %dma_start3A_99] : memref<6x2x128xi32, #tpu.memory_space<vmem>> -> memref<1x2x128xi32, #tpu.memory_space<vmem>>
    %dma_start3A_101 = tpu.memref_squeeze %dma_start3A_100 : memref<1x2x128xi32, #tpu.memory_space<vmem>> -> memref<2x128xi32, #tpu.memory_space<vmem>>
    %dma_start3A_102 = arith.constant 0 : i32
    %dma_start3A_103 = arith.constant 0 : i32
    %dma_start3A_104 = tpu.memref_slice %arg3[%add3A, %dma_start3A_85, %dma_start3A_102, %dma_start3A_103] : memref<32x79x2x128xi32, #tpu.memory_space<hbm>> -> memref<1x1x2x128xi32, #tpu.memory_space<hbm>>
    %dma_start3A_105 = tpu.memref_squeeze %dma_start3A_104 : memref<1x1x2x128xi32, #tpu.memory_space<hbm>> -> memref<2x128xi32, #tpu.memory_space<hbm>>
    tpu.enqueue_dma source(%dma_start3A_105 : memref<2x128xi32, #tpu.memory_space<hbm>>) target(%dma_start3A_101 : memref<2x128xi32, #tpu.memory_space<vmem>>) target_semaphore(%dma_start3A_97 : memref<!tpu.dma_semaphore, #tpu.memory_space<semaphore_mem>>)
    %scan3A = arith.constant 0 : i32
    %scan3A_106 = arith.constant 0 : i32
    %scan3A_107 = arith.constant 79 : i32
    %scan3A_108 = arith.addi %scan3A_106, %scan3A_107 : i32
    %scan3A_109 = arith.constant 1 : i32
    scf.for %scan3A_169 = %scan3A_106 to %scan3A_108 step %scan3A_109  : i32 {
      %rem3A = arith.constant 3 : i32
      %rem3A_170 = arith.remsi %scan3A_169, %rem3A : i32
      %add3A_171 = arith.constant 2 : i32
      %add3A_172 = arith.addi %scan3A_169, %add3A_171 : i32
      %rem3A_173 = arith.constant 3 : i32
      %rem3A_174 = arith.remsi %add3A_172, %rem3A_173 : i32
      %rem3A_175 = arith.constant 6 : i32
      %rem3A_176 = arith.remsi %scan3A_169, %rem3A_175 : i32
      %add3A_177 = arith.constant 2 : i32
      %add3A_178 = arith.addi %scan3A_169, %add3A_177 : i32
      %rem3A_179 = arith.constant 6 : i32
      %rem3A_180 = arith.remsi %add3A_178, %rem3A_179 : i32
      %add3A_181 = arith.constant 5 : i32
      %add3A_182 = arith.addi %scan3A_169, %add3A_181 : i32
      %rem3A_183 = arith.constant 6 : i32
      %rem3A_184 = arith.remsi %add3A_182, %rem3A_183 : i32
      %ge3A = arith.constant 1 : i32
      %ge3A_185 = arith.cmpi sge, %scan3A_169, %ge3A : i32
      %add3A_186 = arith.constant 2 : i32
      %add3A_187 = arith.addi %scan3A_169, %add3A_186 : i32
      %lt3A_188 = arith.constant 79 : i32
      %lt3A_189 = arith.cmpi slt, %add3A_187, %lt3A_188 : i32
      %and3A = arith.andi %ge3A_185, %lt3A_189 : i1
      %convert_element_type3A_190 = arith.extui %and3A : i1 to i32
      %cond3A_191 = arith.constant 0 : i32
      %cond3A_192 = arith.cmpi ne, %convert_element_type3A_190, %cond3A_191 : i32
      scf.if %cond3A_192 {
        %sub3A = arith.constant 1 : i32
        %sub3A_233 = arith.subi %scan3A_169, %sub3A : i32
        %rem3A_234 = arith.constant 6 : i32
        %rem3A_235 = arith.remsi %sub3A_233, %rem3A_234 : i32
        %dma_wait3A_236 = arith.constant 1 : i32
        %dma_wait3A_237 = arith.constant 0 : i32
        %dma_wait3A_238 = arith.constant 0 : i32
        %dma_wait3A_239 = tpu.memref_slice %arg7[%rem3A_174, %dma_wait3A_237, %dma_wait3A_238] : memref<3x128x128xf32, #tpu.memory_space<vmem>> -> memref<1x128x128xf32, #tpu.memory_space<vmem>>
        %dma_wait3A_240 = tpu.memref_squeeze %dma_wait3A_239 : memref<1x128x128xf32, #tpu.memory_space<vmem>> -> memref<128x128xf32, #tpu.memory_space<vmem>>
        %dma_wait3A_241 = arith.constant 0 : i32
        %dma_wait3A_242 = tpu.memref_slice %arg6[%rem3A_235, %dma_wait3A_236, %dma_wait3A_241] : memref<6x2x128xi32, #tpu.memory_space<vmem>> -> memref<1x1x128xi32, #tpu.memory_space<vmem>>
        %dma_wait3A_243 = tpu.memref_squeeze %dma_wait3A_242 : memref<1x1x128xi32, #tpu.memory_space<vmem>> -> memref<128xi32, #tpu.memory_space<vmem>>
        %dma_wait3A_244 = arith.constant 0 : i32
        %dma_wait3A_245 = arith.constant 0 : i32
        %dma_wait3A_246 = tpu.memref_slice %arg8[%dma_wait3A_244, %dma_wait3A_245] : memref<10008x128xf32, #tpu.memory_space<vmem_shared>> -> memref<10008x128xf32, #tpu.memory_space<vmem_shared>>
        %dma_wait3A_247 = tpu.memref_slice %arg11[%rem3A_174] : memref<3x!tpu.dma_semaphore, #tpu.memory_space<semaphore_mem>> -> memref<1x!tpu.dma_semaphore, #tpu.memory_space<semaphore_mem>>
        %dma_wait3A_248 = tpu.memref_squeeze %dma_wait3A_247 : memref<1x!tpu.dma_semaphore, #tpu.memory_space<semaphore_mem>> -> memref<!tpu.dma_semaphore, #tpu.memory_space<semaphore_mem>>
        tpu.wait_indirect_dma semaphore(%dma_wait3A_248 : memref<!tpu.dma_semaphore, #tpu.memory_space<semaphore_mem>>) src(%dma_wait3A_240 : memref<128x128xf32, #tpu.memory_space<vmem>>) dst(%dma_wait3A_246 : memref<10008x128xf32, #tpu.memory_space<vmem_shared>>)
      } else {
      }
      %add3A_193 = arith.constant 2 : i32
      %add3A_194 = arith.addi %scan3A_169, %add3A_193 : i32
      %lt3A_195 = arith.constant 79 : i32
      %lt3A_196 = arith.cmpi slt, %add3A_194, %lt3A_195 : i32
      %convert_element_type3A_197 = arith.extui %lt3A_196 : i1 to i32
      %cond3A_198 = arith.constant 0 : i32
      %cond3A_199 = arith.cmpi ne, %convert_element_type3A_197, %cond3A_198 : i32
      scf.if %cond3A_199 {
        %add3A_233 = arith.constant 2 : i32
        %add3A_234 = arith.addi %scan3A_169, %add3A_233 : i32
        %dma_wait3A_235 = arith.constant 0 : i32
        %dma_wait3A_236 = arith.constant 0 : i32
        %dma_wait3A_237 = tpu.memref_slice %arg6[%rem3A_180, %dma_wait3A_235, %dma_wait3A_236] : memref<6x2x128xi32, #tpu.memory_space<vmem>> -> memref<1x2x128xi32, #tpu.memory_space<vmem>>
        %dma_wait3A_238 = tpu.memref_squeeze %dma_wait3A_237 : memref<1x2x128xi32, #tpu.memory_space<vmem>> -> memref<2x128xi32, #tpu.memory_space<vmem>>
        %dma_wait3A_239 = arith.constant 0 : i32
        %dma_wait3A_240 = arith.constant 0 : i32
        %dma_wait3A_241 = tpu.memref_slice %arg3[%add3A, %add3A_234, %dma_wait3A_239, %dma_wait3A_240] : memref<32x79x2x128xi32, #tpu.memory_space<hbm>> -> memref<1x1x2x128xi32, #tpu.memory_space<hbm>>
        %dma_wait3A_242 = tpu.memref_squeeze %dma_wait3A_241 : memref<1x1x2x128xi32, #tpu.memory_space<hbm>> -> memref<2x128xi32, #tpu.memory_space<hbm>>
        %dma_wait3A_243 = tpu.memref_slice %arg9[%rem3A_180] : memref<6x!tpu.dma_semaphore, #tpu.memory_space<semaphore_mem>> -> memref<1x!tpu.dma_semaphore, #tpu.memory_space<semaphore_mem>>
        %dma_wait3A_244 = tpu.memref_squeeze %dma_wait3A_243 : memref<1x!tpu.dma_semaphore, #tpu.memory_space<semaphore_mem>> -> memref<!tpu.dma_semaphore, #tpu.memory_space<semaphore_mem>>
        %dma_wait3A_245 = arith.constant 0 : i32
        %dma_wait3A_246 = arith.constant 0 : i32
        %dma_wait3A_247 = tpu.memref_slice %arg6[%rem3A_180, %dma_wait3A_245, %dma_wait3A_246] : memref<6x2x128xi32, #tpu.memory_space<vmem>> -> memref<1x2x128xi32, #tpu.memory_space<vmem>>
        %dma_wait3A_248 = tpu.memref_squeeze %dma_wait3A_247 : memref<1x2x128xi32, #tpu.memory_space<vmem>> -> memref<2x128xi32, #tpu.memory_space<vmem>>
        %dma_wait3A_249 = arith.constant 0 : i32
        %dma_wait3A_250 = arith.constant 0 : i32
        %dma_wait3A_251 = tpu.memref_slice %arg3[%add3A, %add3A_234, %dma_wait3A_249, %dma_wait3A_250] : memref<32x79x2x128xi32, #tpu.memory_space<hbm>> -> memref<1x1x2x128xi32, #tpu.memory_space<hbm>>
        %dma_wait3A_252 = tpu.memref_squeeze %dma_wait3A_251 : memref<1x1x2x128xi32, #tpu.memory_space<hbm>> -> memref<2x128xi32, #tpu.memory_space<hbm>>
        tpu.wait_dma2 semaphore(%dma_wait3A_244 : memref<!tpu.dma_semaphore, #tpu.memory_space<semaphore_mem>>) src(%dma_wait3A_252 : memref<2x128xi32, #tpu.memory_space<hbm>>) dst(%dma_wait3A_248 : memref<2x128xi32, #tpu.memory_space<vmem>>)
        %dma_start3A_253 = arith.constant 0 : i32
        %dma_start3A_254 = arith.constant 0 : i32
        %dma_start3A_255 = arith.constant 0 : i32
        %dma_start3A_256 = tpu.memref_slice %arg7[%rem3A_174, %dma_start3A_254, %dma_start3A_255] : memref<3x128x128xf32, #tpu.memory_space<vmem>> -> memref<1x128x128xf32, #tpu.memory_space<vmem>>
        %dma_start3A_257 = tpu.memref_squeeze %dma_start3A_256 : memref<1x128x128xf32, #tpu.memory_space<vmem>> -> memref<128x128xf32, #tpu.memory_space<vmem>>
        %dma_start3A_258 = arith.constant 0 : i32
        %dma_start3A_259 = tpu.memref_slice %arg6[%rem3A_180, %dma_start3A_253, %dma_start3A_258] : memref<6x2x128xi32, #tpu.memory_space<vmem>> -> memref<1x1x128xi32, #tpu.memory_space<vmem>>
        %dma_start3A_260 = tpu.memref_squeeze %dma_start3A_259 : memref<1x1x128xi32, #tpu.memory_space<vmem>> -> memref<128xi32, #tpu.memory_space<vmem>>
        %dma_start3A_261 = arith.constant 0 : i32
        %dma_start3A_262 = arith.constant 0 : i32
        %dma_start3A_263 = tpu.memref_slice %arg2[%dma_start3A_261, %dma_start3A_262] : memref<10000x128xf32, #tpu.memory_space<hbm>> -> memref<10000x128xf32, #tpu.memory_space<hbm>>
        %dma_start3A_264 = tpu.memref_slice %arg10[%rem3A_174] : memref<3x!tpu.dma_semaphore, #tpu.memory_space<semaphore_mem>> -> memref<1x!tpu.dma_semaphore, #tpu.memory_space<semaphore_mem>>
        %dma_start3A_265 = tpu.memref_squeeze %dma_start3A_264 : memref<1x!tpu.dma_semaphore, #tpu.memory_space<semaphore_mem>> -> memref<!tpu.dma_semaphore, #tpu.memory_space<semaphore_mem>>
        tpu.enqueue_indirect_dma source(%dma_start3A_263 : memref<10000x128xf32, #tpu.memory_space<hbm>>) target(%dma_start3A_257 : memref<128x128xf32, #tpu.memory_space<vmem>>) offsets(%dma_start3A_260 : memref<128xi32, #tpu.memory_space<vmem>>) semaphore(%dma_start3A_265 : memref<!tpu.dma_semaphore, #tpu.memory_space<semaphore_mem>>)
      } else {
      }
      %add3A_200 = arith.constant 5 : i32
      %add3A_201 = arith.addi %scan3A_169, %add3A_200 : i32
      %lt3A_202 = arith.constant 79 : i32
      %lt3A_203 = arith.cmpi slt, %add3A_201, %lt3A_202 : i32
      %convert_element_type3A_204 = arith.extui %lt3A_203 : i1 to i32
      %cond3A_205 = arith.constant 0 : i32
      %cond3A_206 = arith.cmpi ne, %convert_element_type3A_204, %cond3A_205 : i32
      scf.if %cond3A_206 {
        %add3A_233 = arith.constant 5 : i32
        %add3A_234 = arith.addi %scan3A_169, %add3A_233 : i32
        %dma_start3A_235 = arith.constant 0 : i32
        %dma_start3A_236 = arith.constant 0 : i32
        %dma_start3A_237 = tpu.memref_slice %arg6[%rem3A_184, %dma_start3A_235, %dma_start3A_236] : memref<6x2x128xi32, #tpu.memory_space<vmem>> -> memref<1x2x128xi32, #tpu.memory_space<vmem>>
        %dma_start3A_238 = tpu.memref_squeeze %dma_start3A_237 : memref<1x2x128xi32, #tpu.memory_space<vmem>> -> memref<2x128xi32, #tpu.memory_space<vmem>>
        %dma_start3A_239 = arith.constant 0 : i32
        %dma_start3A_240 = arith.constant 0 : i32
        %dma_start3A_241 = tpu.memref_slice %arg3[%add3A, %add3A_234, %dma_start3A_239, %dma_start3A_240] : memref<32x79x2x128xi32, #tpu.memory_space<hbm>> -> memref<1x1x2x128xi32, #tpu.memory_space<hbm>>
        %dma_start3A_242 = tpu.memref_squeeze %dma_start3A_241 : memref<1x1x2x128xi32, #tpu.memory_space<hbm>> -> memref<2x128xi32, #tpu.memory_space<hbm>>
        %dma_start3A_243 = tpu.memref_slice %arg9[%rem3A_184] : memref<6x!tpu.dma_semaphore, #tpu.memory_space<semaphore_mem>> -> memref<1x!tpu.dma_semaphore, #tpu.memory_space<semaphore_mem>>
        %dma_start3A_244 = tpu.memref_squeeze %dma_start3A_243 : memref<1x!tpu.dma_semaphore, #tpu.memory_space<semaphore_mem>> -> memref<!tpu.dma_semaphore, #tpu.memory_space<semaphore_mem>>
        %dma_start3A_245 = arith.constant 0 : i32
        %dma_start3A_246 = arith.constant 0 : i32
        %dma_start3A_247 = tpu.memref_slice %arg6[%rem3A_184, %dma_start3A_245, %dma_start3A_246] : memref<6x2x128xi32, #tpu.memory_space<vmem>> -> memref<1x2x128xi32, #tpu.memory_space<vmem>>
        %dma_start3A_248 = tpu.memref_squeeze %dma_start3A_247 : memref<1x2x128xi32, #tpu.memory_space<vmem>> -> memref<2x128xi32, #tpu.memory_space<vmem>>
        %dma_start3A_249 = arith.constant 0 : i32
        %dma_start3A_250 = arith.constant 0 : i32
        %dma_start3A_251 = tpu.memref_slice %arg3[%add3A, %add3A_234, %dma_start3A_249, %dma_start3A_250] : memref<32x79x2x128xi32, #tpu.memory_space<hbm>> -> memref<1x1x2x128xi32, #tpu.memory_space<hbm>>
        %dma_start3A_252 = tpu.memref_squeeze %dma_start3A_251 : memref<1x1x2x128xi32, #tpu.memory_space<hbm>> -> memref<2x128xi32, #tpu.memory_space<hbm>>
        tpu.enqueue_dma source(%dma_start3A_252 : memref<2x128xi32, #tpu.memory_space<hbm>>) target(%dma_start3A_248 : memref<2x128xi32, #tpu.memory_space<vmem>>) target_semaphore(%dma_start3A_244 : memref<!tpu.dma_semaphore, #tpu.memory_space<semaphore_mem>>)
      } else {
      }
      %dma_wait3A_207 = arith.constant 0 : i32
      %dma_wait3A_208 = arith.constant 0 : i32
      %dma_wait3A_209 = arith.constant 0 : i32
      %dma_wait3A_210 = tpu.memref_slice %arg7[%rem3A_170, %dma_wait3A_208, %dma_wait3A_209] : memref<3x128x128xf32, #tpu.memory_space<vmem>> -> memref<1x128x128xf32, #tpu.memory_space<vmem>>
      %dma_wait3A_211 = tpu.memref_squeeze %dma_wait3A_210 : memref<1x128x128xf32, #tpu.memory_space<vmem>> -> memref<128x128xf32, #tpu.memory_space<vmem>>
      %dma_wait3A_212 = arith.constant 0 : i32
      %dma_wait3A_213 = tpu.memref_slice %arg6[%rem3A_176, %dma_wait3A_207, %dma_wait3A_212] : memref<6x2x128xi32, #tpu.memory_space<vmem>> -> memref<1x1x128xi32, #tpu.memory_space<vmem>>
      %dma_wait3A_214 = tpu.memref_squeeze %dma_wait3A_213 : memref<1x1x128xi32, #tpu.memory_space<vmem>> -> memref<128xi32, #tpu.memory_space<vmem>>
      %dma_wait3A_215 = arith.constant 0 : i32
      %dma_wait3A_216 = arith.constant 0 : i32
      %dma_wait3A_217 = tpu.memref_slice %arg2[%dma_wait3A_215, %dma_wait3A_216] : memref<10000x128xf32, #tpu.memory_space<hbm>> -> memref<10000x128xf32, #tpu.memory_space<hbm>>
      %dma_wait3A_218 = tpu.memref_slice %arg10[%rem3A_170] : memref<3x!tpu.dma_semaphore, #tpu.memory_space<semaphore_mem>> -> memref<1x!tpu.dma_semaphore, #tpu.memory_space<semaphore_mem>>
      %dma_wait3A_219 = tpu.memref_squeeze %dma_wait3A_218 : memref<1x!tpu.dma_semaphore, #tpu.memory_space<semaphore_mem>> -> memref<!tpu.dma_semaphore, #tpu.memory_space<semaphore_mem>>
      tpu.wait_indirect_dma semaphore(%dma_wait3A_219 : memref<!tpu.dma_semaphore, #tpu.memory_space<semaphore_mem>>) src(%dma_wait3A_217 : memref<10000x128xf32, #tpu.memory_space<hbm>>) dst(%dma_wait3A_211 : memref<128x128xf32, #tpu.memory_space<vmem>>)
      %dma_start3A_220 = arith.constant 1 : i32
      %dma_start3A_221 = arith.constant 0 : i32
      %dma_start3A_222 = arith.constant 0 : i32
      %dma_start3A_223 = tpu.memref_slice %arg7[%rem3A_170, %dma_start3A_221, %dma_start3A_222] : memref<3x128x128xf32, #tpu.memory_space<vmem>> -> memref<1x128x128xf32, #tpu.memory_space<vmem>>
      %dma_start3A_224 = tpu.memref_squeeze %dma_start3A_223 : memref<1x128x128xf32, #tpu.memory_space<vmem>> -> memref<128x128xf32, #tpu.memory_space<vmem>>
      %dma_start3A_225 = arith.constant 0 : i32
      %dma_start3A_226 = tpu.memref_slice %arg6[%rem3A_176, %dma_start3A_220, %dma_start3A_225] : memref<6x2x128xi32, #tpu.memory_space<vmem>> -> memref<1x1x128xi32, #tpu.memory_space<vmem>>
      %dma_start3A_227 = tpu.memref_squeeze %dma_start3A_226 : memref<1x1x128xi32, #tpu.memory_space<vmem>> -> memref<128xi32, #tpu.memory_space<vmem>>
      %dma_start3A_228 = arith.constant 0 : i32
      %dma_start3A_229 = arith.constant 0 : i32
      %dma_start3A_230 = tpu.memref_slice %arg8[%dma_start3A_228, %dma_start3A_229] : memref<10008x128xf32, #tpu.memory_space<vmem_shared>> -> memref<10008x128xf32, #tpu.memory_space<vmem_shared>>
      %dma_start3A_231 = tpu.memref_slice %arg11[%rem3A_170] : memref<3x!tpu.dma_semaphore, #tpu.memory_space<semaphore_mem>> -> memref<1x!tpu.dma_semaphore, #tpu.memory_space<semaphore_mem>>
      %dma_start3A_232 = tpu.memref_squeeze %dma_start3A_231 : memref<1x!tpu.dma_semaphore, #tpu.memory_space<semaphore_mem>> -> memref<!tpu.dma_semaphore, #tpu.memory_space<semaphore_mem>>
      tpu.enqueue_indirect_dma source(%dma_start3A_224 : memref<128x128xf32, #tpu.memory_space<vmem>>) target(%dma_start3A_230 : memref<10008x128xf32, #tpu.memory_space<vmem_shared>>) offsets(%dma_start3A_227 : memref<128xi32, #tpu.memory_space<vmem>>) semaphore(%dma_start3A_232 : memref<!tpu.dma_semaphore, #tpu.memory_space<semaphore_mem>>) {add = true}
    }
    %scan3A_110 = arith.constant 79 : i32
    %dma_wait3A = arith.constant 1 : i32
    %dma_wait3A_111 = arith.constant 4 : i32
    %dma_wait3A_112 = arith.constant 1 : i32
    %dma_wait3A_113 = arith.constant 1 : i32
    %dma_wait3A_114 = arith.constant 0 : i32
    %dma_wait3A_115 = arith.constant 0 : i32
    %dma_wait3A_116 = tpu.memref_slice %arg7[%dma_wait3A, %dma_wait3A_114, %dma_wait3A_115] : memref<3x128x128xf32, #tpu.memory_space<vmem>> -> memref<1x128x128xf32, #tpu.memory_space<vmem>>
    %dma_wait3A_117 = tpu.memref_squeeze %dma_wait3A_116 : memref<1x128x128xf32, #tpu.memory_space<vmem>> -> memref<128x128xf32, #tpu.memory_space<vmem>>
    %dma_wait3A_118 = arith.constant 0 : i32
    %dma_wait3A_119 = tpu.memref_slice %arg6[%dma_wait3A_111, %dma_wait3A_112, %dma_wait3A_118] : memref<6x2x128xi32, #tpu.memory_space<vmem>> -> memref<1x1x128xi32, #tpu.memory_space<vmem>>
    %dma_wait3A_120 = tpu.memref_squeeze %dma_wait3A_119 : memref<1x1x128xi32, #tpu.memory_space<vmem>> -> memref<128xi32, #tpu.memory_space<vmem>>
    %dma_wait3A_121 = arith.constant 0 : i32
    %dma_wait3A_122 = arith.constant 0 : i32
    %dma_wait3A_123 = tpu.memref_slice %arg8[%dma_wait3A_121, %dma_wait3A_122] : memref<10008x128xf32, #tpu.memory_space<vmem_shared>> -> memref<10008x128xf32, #tpu.memory_space<vmem_shared>>
    %dma_wait3A_124 = tpu.memref_slice %arg11[%dma_wait3A_113] : memref<3x!tpu.dma_semaphore, #tpu.memory_space<semaphore_mem>> -> memref<1x!tpu.dma_semaphore, #tpu.memory_space<semaphore_mem>>
    %dma_wait3A_125 = tpu.memref_squeeze %dma_wait3A_124 : memref<1x!tpu.dma_semaphore, #tpu.memory_space<semaphore_mem>> -> memref<!tpu.dma_semaphore, #tpu.memory_space<semaphore_mem>>
    tpu.wait_indirect_dma semaphore(%dma_wait3A_125 : memref<!tpu.dma_semaphore, #tpu.memory_space<semaphore_mem>>) src(%dma_wait3A_117 : memref<128x128xf32, #tpu.memory_space<vmem>>) dst(%dma_wait3A_123 : memref<10008x128xf32, #tpu.memory_space<vmem_shared>>)
    %dma_wait3A_126 = arith.constant 2 : i32
    %dma_wait3A_127 = arith.constant 5 : i32
    %dma_wait3A_128 = arith.constant 1 : i32
    %dma_wait3A_129 = arith.constant 2 : i32
    %dma_wait3A_130 = arith.constant 0 : i32
    %dma_wait3A_131 = arith.constant 0 : i32
    %dma_wait3A_132 = tpu.memref_slice %arg7[%dma_wait3A_126, %dma_wait3A_130, %dma_wait3A_131] : memref<3x128x128xf32, #tpu.memory_space<vmem>> -> memref<1x128x128xf32, #tpu.memory_space<vmem>>
    %dma_wait3A_133 = tpu.memref_squeeze %dma_wait3A_132 : memref<1x128x128xf32, #tpu.memory_space<vmem>> -> memref<128x128xf32, #tpu.memory_space<vmem>>
    %dma_wait3A_134 = arith.constant 0 : i32
    %dma_wait3A_135 = tpu.memref_slice %arg6[%dma_wait3A_127, %dma_wait3A_128, %dma_wait3A_134] : memref<6x2x128xi32, #tpu.memory_space<vmem>> -> memref<1x1x128xi32, #tpu.memory_space<vmem>>
    %dma_wait3A_136 = tpu.memref_squeeze %dma_wait3A_135 : memref<1x1x128xi32, #tpu.memory_space<vmem>> -> memref<128xi32, #tpu.memory_space<vmem>>
    %dma_wait3A_137 = arith.constant 0 : i32
    %dma_wait3A_138 = arith.constant 0 : i32
    %dma_wait3A_139 = tpu.memref_slice %arg8[%dma_wait3A_137, %dma_wait3A_138] : memref<10008x128xf32, #tpu.memory_space<vmem_shared>> -> memref<10008x128xf32, #tpu.memory_space<vmem_shared>>
    %dma_wait3A_140 = tpu.memref_slice %arg11[%dma_wait3A_129] : memref<3x!tpu.dma_semaphore, #tpu.memory_space<semaphore_mem>> -> memref<1x!tpu.dma_semaphore, #tpu.memory_space<semaphore_mem>>
    %dma_wait3A_141 = tpu.memref_squeeze %dma_wait3A_140 : memref<1x!tpu.dma_semaphore, #tpu.memory_space<semaphore_mem>> -> memref<!tpu.dma_semaphore, #tpu.memory_space<semaphore_mem>>
    tpu.wait_indirect_dma semaphore(%dma_wait3A_141 : memref<!tpu.dma_semaphore, #tpu.memory_space<semaphore_mem>>) src(%dma_wait3A_133 : memref<128x128xf32, #tpu.memory_space<vmem>>) dst(%dma_wait3A_139 : memref<10008x128xf32, #tpu.memory_space<vmem_shared>>)
    %dma_wait3A_142 = arith.constant 0 : i32
    %dma_wait3A_143 = arith.constant 0 : i32
    %dma_wait3A_144 = arith.constant 1 : i32
    %dma_wait3A_145 = arith.constant 0 : i32
    %dma_wait3A_146 = arith.constant 0 : i32
    %dma_wait3A_147 = arith.constant 0 : i32
    %dma_wait3A_148 = tpu.memref_slice %arg7[%dma_wait3A_142, %dma_wait3A_146, %dma_wait3A_147] : memref<3x128x128xf32, #tpu.memory_space<vmem>> -> memref<1x128x128xf32, #tpu.memory_space<vmem>>
    %dma_wait3A_149 = tpu.memref_squeeze %dma_wait3A_148 : memref<1x128x128xf32, #tpu.memory_space<vmem>> -> memref<128x128xf32, #tpu.memory_space<vmem>>
    %dma_wait3A_150 = arith.constant 0 : i32
    %dma_wait3A_151 = tpu.memref_slice %arg6[%dma_wait3A_143, %dma_wait3A_144, %dma_wait3A_150] : memref<6x2x128xi32, #tpu.memory_space<vmem>> -> memref<1x1x128xi32, #tpu.memory_space<vmem>>
    %dma_wait3A_152 = tpu.memref_squeeze %dma_wait3A_151 : memref<1x1x128xi32, #tpu.memory_space<vmem>> -> memref<128xi32, #tpu.memory_space<vmem>>
    %dma_wait3A_153 = arith.constant 0 : i32
    %dma_wait3A_154 = arith.constant 0 : i32
    %dma_wait3A_155 = tpu.memref_slice %arg8[%dma_wait3A_153, %dma_wait3A_154] : memref<10008x128xf32, #tpu.memory_space<vmem_shared>> -> memref<10008x128xf32, #tpu.memory_space<vmem_shared>>
    %dma_wait3A_156 = tpu.memref_slice %arg11[%dma_wait3A_145] : memref<3x!tpu.dma_semaphore, #tpu.memory_space<semaphore_mem>> -> memref<1x!tpu.dma_semaphore, #tpu.memory_space<semaphore_mem>>
    %dma_wait3A_157 = tpu.memref_squeeze %dma_wait3A_156 : memref<1x!tpu.dma_semaphore, #tpu.memory_space<semaphore_mem>> -> memref<!tpu.dma_semaphore, #tpu.memory_space<semaphore_mem>>
    tpu.wait_indirect_dma semaphore(%dma_wait3A_157 : memref<!tpu.dma_semaphore, #tpu.memory_space<semaphore_mem>>) src(%dma_wait3A_149 : memref<128x128xf32, #tpu.memory_space<vmem>>) dst(%dma_wait3A_155 : memref<10008x128xf32, #tpu.memory_space<vmem_shared>>)
    %barrier3A_158 = arith.constant 0 : index
    tpu.barrier barrier_id(%barrier3A_158)
    %lt3A_159 = arith.constant 15 : i32
    %lt3A_160 = arith.cmpi slt, %arg1, %lt3A_159 : i32
    %convert_element_type3A_161 = arith.extui %lt3A_160 : i1 to i32
    %cond3A_162 = arith.constant 0 : i32
    %cond3A_163 = arith.cmpi ne, %convert_element_type3A_161, %cond3A_162 : i32
    scf.if %cond3A_163 {
      "tpu.region"() ({
        %run_scoped3A_169 = tpu.sem_alloc : memref<!tpu.dma_semaphore, #tpu.memory_space<semaphore_mem>>
        %dma_start3A_170 = arith.constant 0 : i32
        %dma_start3A_171 = tpu.memref_slice %arg5[%arg0, %mul3A_2, %dma_start3A_170] : memref<2x10008x128xf32, #tpu.memory_space<hbm>> -> memref<1x624x128xf32, #tpu.memory_space<hbm>>
        %dma_start3A_172 = tpu.memref_squeeze %dma_start3A_171 : memref<1x624x128xf32, #tpu.memory_space<hbm>> -> memref<624x128xf32, #tpu.memory_space<hbm>>
        %dma_start3A_173 = arith.constant 0 : i32
        %dma_start3A_174 = tpu.memref_slice %arg8[%mul3A_2, %dma_start3A_173] : memref<10008x128xf32, #tpu.memory_space<vmem_shared>> -> memref<624x128xf32, #tpu.memory_space<vmem_shared>>
        tpu.enqueue_dma source(%dma_start3A_174 : memref<624x128xf32, #tpu.memory_space<vmem_shared>>) target(%dma_start3A_172 : memref<624x128xf32, #tpu.memory_space<hbm>>) target_semaphore(%run_scoped3A_169 : memref<!tpu.dma_semaphore, #tpu.memory_space<semaphore_mem>>)
        %dma_wait3A_175 = arith.constant 0 : i32
        %dma_wait3A_176 = tpu.memref_slice %arg5[%arg0, %mul3A_2, %dma_wait3A_175] : memref<2x10008x128xf32, #tpu.memory_space<hbm>> -> memref<1x624x128xf32, #tpu.memory_space<hbm>>
        %dma_wait3A_177 = tpu.memref_squeeze %dma_wait3A_176 : memref<1x624x128xf32, #tpu.memory_space<hbm>> -> memref<624x128xf32, #tpu.memory_space<hbm>>
        %dma_wait3A_178 = arith.constant 0 : i32
        %dma_wait3A_179 = tpu.memref_slice %arg8[%mul3A_2, %dma_wait3A_178] : memref<10008x128xf32, #tpu.memory_space<vmem_shared>> -> memref<624x128xf32, #tpu.memory_space<vmem_shared>>
        tpu.wait_dma2 semaphore(%run_scoped3A_169 : memref<!tpu.dma_semaphore, #tpu.memory_space<semaphore_mem>>) src(%dma_wait3A_179 : memref<624x128xf32, #tpu.memory_space<vmem_shared>>) dst(%dma_wait3A_177 : memref<624x128xf32, #tpu.memory_space<hbm>>)
        tpu.yield
      }) : () -> ()
    } else {
    }
    %eq3A_164 = arith.constant 15 : i32
    %eq3A_165 = arith.cmpi eq, %arg1, %eq3A_164 : i32
    %convert_element_type3A_166 = arith.extui %eq3A_165 : i1 to i32
    %cond3A_167 = arith.constant 0 : i32
    %cond3A_168 = arith.cmpi ne, %convert_element_type3A_166, %cond3A_167 : i32
    scf.if %cond3A_168 {
      "tpu.region"() ({
        %run_scoped3A_169 = tpu.sem_alloc : memref<!tpu.dma_semaphore, #tpu.memory_space<semaphore_mem>>
        %dma_start3A_170 = arith.constant 9360 : i32
        %dma_start3A_171 = arith.constant 0 : i32
        %dma_start3A_172 = tpu.memref_slice %arg5[%arg0, %dma_start3A_170, %dma_start3A_171] : memref<2x10008x128xf32, #tpu.memory_space<hbm>> -> memref<1x648x128xf32, #tpu.memory_space<hbm>>
        %dma_start3A_173 = tpu.memref_squeeze %dma_start3A_172 : memref<1x648x128xf32, #tpu.memory_space<hbm>> -> memref<648x128xf32, #tpu.memory_space<hbm>>
        %dma_start3A_174 = arith.constant 9360 : i32
        %dma_start3A_175 = arith.constant 0 : i32
        %dma_start3A_176 = tpu.memref_slice %arg8[%dma_start3A_174, %dma_start3A_175] : memref<10008x128xf32, #tpu.memory_space<vmem_shared>> -> memref<648x128xf32, #tpu.memory_space<vmem_shared>>
        tpu.enqueue_dma source(%dma_start3A_176 : memref<648x128xf32, #tpu.memory_space<vmem_shared>>) target(%dma_start3A_173 : memref<648x128xf32, #tpu.memory_space<hbm>>) target_semaphore(%run_scoped3A_169 : memref<!tpu.dma_semaphore, #tpu.memory_space<semaphore_mem>>)
        %dma_wait3A_177 = arith.constant 9360 : i32
        %dma_wait3A_178 = arith.constant 0 : i32
        %dma_wait3A_179 = tpu.memref_slice %arg5[%arg0, %dma_wait3A_177, %dma_wait3A_178] : memref<2x10008x128xf32, #tpu.memory_space<hbm>> -> memref<1x648x128xf32, #tpu.memory_space<hbm>>
        %dma_wait3A_180 = tpu.memref_squeeze %dma_wait3A_179 : memref<1x648x128xf32, #tpu.memory_space<hbm>> -> memref<648x128xf32, #tpu.memory_space<hbm>>
        %dma_wait3A_181 = arith.constant 9360 : i32
        %dma_wait3A_182 = arith.constant 0 : i32
        %dma_wait3A_183 = tpu.memref_slice %arg8[%dma_wait3A_181, %dma_wait3A_182] : memref<10008x128xf32, #tpu.memory_space<vmem_shared>> -> memref<648x128xf32, #tpu.memory_space<vmem_shared>>
        tpu.wait_dma2 semaphore(%run_scoped3A_169 : memref<!tpu.dma_semaphore, #tpu.memory_space<semaphore_mem>>) src(%dma_wait3A_183 : memref<648x128xf32, #tpu.memory_space<vmem_shared>>) dst(%dma_wait3A_180 : memref<648x128xf32, #tpu.memory_space<hbm>>)
        tpu.yield
      }) : () -> ()
    } else {
    }
    return
  }
}

module attributes {stable_mosaic.version = 14 : i64} {
  func.func @_body2(%arg0: i32, %arg1: memref<10000x128xf32, #tpu.memory_space<vmem>>, %arg2: memref<8x128xf32, #tpu.memory_space<vmem>>, %arg3: memref<128x128xf32, #tpu.memory_space<vmem>>, %arg4: memref<1x128xf32, #tpu.memory_space<vmem>>, %arg5: memref<1x128xf32, #tpu.memory_space<vmem>>, %arg6: memref<1x128xf32, #tpu.memory_space<vmem>>, %arg7: memref<10000x128xf32, #tpu.memory_space<vmem>>, %arg8: memref<8x128xf32, #tpu.memory_space<vmem>>) attributes {dimension_semantics = [#tpu.dimension_semantics<arbitrary>], iteration_bounds = array<i64: 1>, scalar_prefetch = 0 : i64, scratch_operands = 0 : i64, tpu.core_type = #tpu.core_type<tc>, window_params = [{transform_indices = @transform_0, window_bounds = array<i64: 10000, 128>}, {pipeline_mode = #tpu.pipeline_mode<synchronous>, transform_indices = @transform_1, window_bounds = array<i64: 8, 128>}, {pipeline_mode = #tpu.pipeline_mode<synchronous>, transform_indices = @transform_2, window_bounds = array<i64: 128, 128>}, {pipeline_mode = #tpu.pipeline_mode<synchronous>, transform_indices = @transform_3, window_bounds = array<i64: 1, 128>}, {pipeline_mode = #tpu.pipeline_mode<synchronous>, transform_indices = @transform_4, window_bounds = array<i64: 1, 128>}, {pipeline_mode = #tpu.pipeline_mode<synchronous>, transform_indices = @transform_5, window_bounds = array<i64: 1, 128>}, {transform_indices = @transform_6, window_bounds = array<i64: 10000, 128>}, {pipeline_mode = #tpu.pipeline_mode<synchronous>, transform_indices = @transform_7, window_bounds = array<i64: 8, 128>}]} {
    %get3A = arith.constant 0 : index
    %get3A_0 = arith.constant 0 : index
    %get3A_1 = vector.load %arg2[%get3A, %get3A_0] : memref<8x128xf32, #tpu.memory_space<vmem>>, vector<1x128xf32>
    %mul3A = arith.constant 9.99999974E-5 : f32
    %mul3A_2 = vector.broadcast %mul3A : f32 to vector<1x128xf32>
    %mul3A_3 = arith.mulf %get3A_1, %mul3A_2 : vector<1x128xf32>
    %get3A_4 = arith.constant 1 : index
    %get3A_5 = arith.constant 0 : index
    %get3A_6 = vector.load %arg2[%get3A_4, %get3A_5] : memref<8x128xf32, #tpu.memory_space<vmem>>, vector<1x128xf32>
    %mul3A_7 = arith.constant 9.99999974E-5 : f32
    %mul3A_8 = vector.broadcast %mul3A_7 : f32 to vector<1x128xf32>
    %mul3A_9 = arith.mulf %get3A_6, %mul3A_8 : vector<1x128xf32>
    %mul3A_10 = arith.mulf %mul3A_3, %mul3A_3 : vector<1x128xf32>
    %sub3A = arith.subf %mul3A_9, %mul3A_10 : vector<1x128xf32>
    %add3A = arith.constant 9.99999974E-6 : f32
    %add3A_11 = vector.broadcast %add3A : f32 to vector<1x128xf32>
    %add3A_12 = arith.addf %sub3A, %add3A_11 : vector<1x128xf32>
    %rsqrt3A = math.rsqrt %add3A_12 : vector<1x128xf32>
    %get3A_13 = arith.constant 0 : index
    %get3A_14 = arith.constant 0 : index
    %get3A_15 = vector.load %arg1[%get3A_13, %get3A_14] : memref<10000x128xf32, #tpu.memory_space<vmem>>, vector<10000x128xf32>
    %sub3A_16 = vector.broadcast %mul3A_3 : vector<1x128xf32> to vector<10000x128xf32>
    %sub3A_17 = arith.subf %get3A_15, %sub3A_16 : vector<10000x128xf32>
    %mul3A_18 = vector.broadcast %rsqrt3A : vector<1x128xf32> to vector<10000x128xf32>
    %mul3A_19 = arith.mulf %sub3A_17, %mul3A_18 : vector<10000x128xf32>
    %get3A_20 = arith.constant 0 : index
    %get3A_21 = arith.constant 0 : index
    %get3A_22 = vector.load %arg5[%get3A_20, %get3A_21] : memref<1x128xf32, #tpu.memory_space<vmem>>, vector<1x128xf32>
    %mul3A_23 = vector.broadcast %get3A_22 : vector<1x128xf32> to vector<10000x128xf32>
    %mul3A_24 = arith.mulf %mul3A_19, %mul3A_23 : vector<10000x128xf32>
    %get3A_25 = arith.constant 0 : index
    %get3A_26 = arith.constant 0 : index
    %get3A_27 = vector.load %arg6[%get3A_25, %get3A_26] : memref<1x128xf32, #tpu.memory_space<vmem>>, vector<1x128xf32>
    %add3A_28 = vector.broadcast %get3A_27 : vector<1x128xf32> to vector<10000x128xf32>
    %add3A_29 = arith.addf %mul3A_24, %add3A_28 : vector<10000x128xf32>
    %max3A = arith.constant 0.000000e+00 : f32
    %max3A_30 = vector.broadcast %max3A : f32 to vector<10000x128xf32>
    %max3A_31 = arith.maximumf %add3A_29, %max3A_30 : vector<10000x128xf32>
    %get3A_32 = arith.constant 0 : index
    %get3A_33 = arith.constant 0 : index
    %get3A_34 = vector.load %arg3[%get3A_32, %get3A_33] : memref<128x128xf32, #tpu.memory_space<vmem>>, vector<128x128xf32>
    %dot_general3A = arith.constant dense<0.000000e+00> : vector<10000x128xf32>
    %dot_general3A_35 = tpu.matmul %max3A_31, %get3A_34, %dot_general3A {dimension_numbers = #tpu.dot_dimension_numbers<[1], [0], [0], [1], [0, 0, 1, 1], [], []>, transpose_lhs_hint = false} : vector<10000x128xf32>, vector<128x128xf32>, vector<10000x128xf32> -> vector<10000x128xf32>
    %get3A_36 = arith.constant 0 : index
    %get3A_37 = arith.constant 0 : index
    %get3A_38 = vector.load %arg4[%get3A_36, %get3A_37] : memref<1x128xf32, #tpu.memory_space<vmem>>, vector<1x128xf32>
    %add3A_39 = vector.broadcast %get3A_38 : vector<1x128xf32> to vector<10000x128xf32>
    %add3A_40 = arith.addf %dot_general3A_35, %add3A_39 : vector<10000x128xf32>
    %swap3A = arith.constant 0 : index
    %swap3A_41 = arith.constant 0 : index
    %swap3A_42 = vector.load %arg7[%swap3A, %swap3A_41] : memref<10000x128xf32, #tpu.memory_space<vmem>>, vector<10000x128xf32>
    tpu.vector_store %arg7[%swap3A, %swap3A_41], %add3A_40 {strides = array<i32>} : memref<10000x128xf32, #tpu.memory_space<vmem>>, vector<10000x128xf32>,
    %eq3A = arith.constant 0 : i32
    %eq3A_43 = arith.cmpi eq, %arg0, %eq3A : i32
    %convert_element_type3A = arith.extui %eq3A_43 : i1 to i32
    %cond3A = arith.constant 0 : i32
    %cond3A_44 = arith.cmpi ne, %convert_element_type3A, %cond3A : i32
    scf.if %cond3A_44 {
      %broadcast_in_dim3A_64 = arith.constant 0.000000e+00 : f32
      %broadcast_in_dim3A_65 = vector.broadcast %broadcast_in_dim3A_64 : f32 to vector<8x128xf32>
      %swap3A_66 = arith.constant 0 : index
      %swap3A_67 = arith.constant 0 : index
      %swap3A_68 = vector.load %arg8[%swap3A_66, %swap3A_67] : memref<8x128xf32, #tpu.memory_space<vmem>>, vector<8x128xf32>
      tpu.vector_store %arg8[%swap3A_66, %swap3A_67], %broadcast_in_dim3A_65 {strides = array<i32>} : memref<8x128xf32, #tpu.memory_space<vmem>>, vector<8x128xf32>,
    } else {
    }
    %get3A_45 = arith.constant 0 : index
    %get3A_46 = arith.constant 0 : index
    %get3A_47 = vector.load %arg8[%get3A_45, %get3A_46] : memref<8x128xf32, #tpu.memory_space<vmem>>, vector<1x128xf32>
    %reduce_sum3A = arith.constant dense<0.000000e+00> : vector<128xf32>
    %reduce_sum3A_48 = vector.multi_reduction <add>, %add3A_40, %reduce_sum3A [0] : vector<10000x128xf32> to vector<128xf32>
    %broadcast_in_dim3A = vector.shape_cast %reduce_sum3A_48 : vector<128xf32> to vector<1x128xf32>
    %add3A_49 = arith.addf %get3A_47, %broadcast_in_dim3A : vector<1x128xf32>
    %swap3A_50 = arith.constant 0 : index
    %swap3A_51 = arith.constant 0 : index
    %swap3A_52 = vector.load %arg8[%swap3A_50, %swap3A_51] : memref<8x128xf32, #tpu.memory_space<vmem>>, vector<1x128xf32>
    tpu.vector_store %arg8[%swap3A_50, %swap3A_51], %add3A_49 {strides = array<i32>} : memref<8x128xf32, #tpu.memory_space<vmem>>, vector<1x128xf32>,
    %get3A_53 = arith.constant 1 : index
    %get3A_54 = arith.constant 0 : index
    %get3A_55 = vector.load %arg8[%get3A_53, %get3A_54] : memref<8x128xf32, #tpu.memory_space<vmem>>, vector<1x128xf32>
    %mul3A_56 = arith.mulf %add3A_40, %add3A_40 : vector<10000x128xf32>
    %reduce_sum3A_57 = arith.constant dense<0.000000e+00> : vector<128xf32>
    %reduce_sum3A_58 = vector.multi_reduction <add>, %mul3A_56, %reduce_sum3A_57 [0] : vector<10000x128xf32> to vector<128xf32>
    %broadcast_in_dim3A_59 = vector.shape_cast %reduce_sum3A_58 : vector<128xf32> to vector<1x128xf32>
    %add3A_60 = arith.addf %get3A_55, %broadcast_in_dim3A_59 : vector<1x128xf32>
    %swap3A_61 = arith.constant 1 : index
    %swap3A_62 = arith.constant 0 : index
    %swap3A_63 = vector.load %arg8[%swap3A_61, %swap3A_62] : memref<8x128xf32, #tpu.memory_space<vmem>>, vector<1x128xf32>
    tpu.vector_store %arg8[%swap3A_61, %swap3A_62], %add3A_60 {strides = array<i32>} : memref<8x128xf32, #tpu.memory_space<vmem>>, vector<1x128xf32>,
    return
  }
  func.func @transform_0(%arg0: i32) -> (i32, i32) {
    %c0_i32 = arith.constant 0 : i32
    %c0_i32_0 = arith.constant 0 : i32
    return %arg0, %c0_i32 : i32, i32
  }
  func.func @transform_1(%arg0: i32) -> (i32, i32) {
    %c0_i32 = arith.constant 0 : i32
    %c0_i32_0 = arith.constant 0 : i32
    %c0_i32_1 = arith.constant 0 : i32
    return %c0_i32, %c0_i32_0 : i32, i32
  }
  func.func @transform_2(%arg0: i32) -> (i32, i32) {
    %c0_i32 = arith.constant 0 : i32
    %c0_i32_0 = arith.constant 0 : i32
    %c0_i32_1 = arith.constant 0 : i32
    return %c0_i32, %c0_i32_0 : i32, i32
  }
  func.func @transform_3(%arg0: i32) -> (i32, i32) {
    %c0_i32 = arith.constant 0 : i32
    %c0_i32_0 = arith.constant 0 : i32
    %c0_i32_1 = arith.constant 0 : i32
    return %c0_i32, %c0_i32_0 : i32, i32
  }
  func.func @transform_4(%arg0: i32) -> (i32, i32) {
    %c0_i32 = arith.constant 0 : i32
    %c0_i32_0 = arith.constant 0 : i32
    %c0_i32_1 = arith.constant 0 : i32
    return %c0_i32, %c0_i32_0 : i32, i32
  }
  func.func @transform_5(%arg0: i32) -> (i32, i32) {
    %c0_i32 = arith.constant 0 : i32
    %c0_i32_0 = arith.constant 0 : i32
    %c0_i32_1 = arith.constant 0 : i32
    return %c0_i32, %c0_i32_0 : i32, i32
  }
  func.func @transform_6(%arg0: i32) -> (i32, i32) {
    %c0_i32 = arith.constant 0 : i32
    %c0_i32_0 = arith.constant 0 : i32
    return %arg0, %c0_i32 : i32, i32
  }
  func.func @transform_7(%arg0: i32) -> (i32, i32) {
    %c0_i32 = arith.constant 0 : i32
    %c0_i32_0 = arith.constant 0 : i32
    %c0_i32_1 = arith.constant 0 : i32
    return %c0_i32, %c0_i32_0 : i32, i32
  }
}

module attributes {stable_mosaic.version = 14 : i64} {
  func.func @_body1(%arg0: i32, %arg1: memref<2x10000x128xf32, #tpu.memory_space<vmem>>, %arg2: memref<10000x128xf32, #tpu.memory_space<vmem>>, %arg3: memref<128x128xf32, #tpu.memory_space<vmem>>, %arg4: memref<1x128xf32, #tpu.memory_space<vmem>>, %arg5: memref<1x1xf32, #tpu.memory_space<smem>>, %arg6: memref<10000x128xf32, #tpu.memory_space<vmem>>, %arg7: memref<8x128xf32, #tpu.memory_space<vmem>>) attributes {dimension_semantics = [#tpu.dimension_semantics<arbitrary>], iteration_bounds = array<i64: 1>, scalar_prefetch = 0 : i64, scratch_operands = 0 : i64, tpu.core_type = #tpu.core_type<tc>, window_params = [{transform_indices = @transform_0, window_bounds = array<i64: 2, 10000, 128>}, {transform_indices = @transform_1, window_bounds = array<i64: 10000, 128>}, {pipeline_mode = #tpu.pipeline_mode<synchronous>, transform_indices = @transform_2, window_bounds = array<i64: 128, 128>}, {pipeline_mode = #tpu.pipeline_mode<synchronous>, transform_indices = @transform_3, window_bounds = array<i64: 1, 128>}, {transform_indices = @transform_4, window_bounds = array<i64: 1, 1>}, {transform_indices = @transform_5, window_bounds = array<i64: 10000, 128>}, {pipeline_mode = #tpu.pipeline_mode<synchronous>, transform_indices = @transform_6, window_bounds = array<i64: 8, 128>}]} {
    %get3A = arith.constant 0 : index
    %get3A_0 = arith.constant 0 : index
    %get3A_1 = arith.constant 0 : index
    %get3A_2 = vector.load %arg1[%get3A, %get3A_0, %get3A_1] : memref<2x10000x128xf32, #tpu.memory_space<vmem>>, vector<1x10000x128xf32>
    %get3A_3 = vector.shape_cast %get3A_2 : vector<1x10000x128xf32> to vector<10000x128xf32>
    %get3A_4 = arith.constant 1 : index
    %get3A_5 = arith.constant 0 : index
    %get3A_6 = arith.constant 0 : index
    %get3A_7 = vector.load %arg1[%get3A_4, %get3A_5, %get3A_6] : memref<2x10000x128xf32, #tpu.memory_space<vmem>>, vector<1x10000x128xf32>
    %get3A_8 = vector.shape_cast %get3A_7 : vector<1x10000x128xf32> to vector<10000x128xf32>
    %add3A = arith.addf %get3A_3, %get3A_8 : vector<10000x128xf32>
    %get3A_9 = arith.constant 0 : index
    %get3A_10 = arith.constant 0 : index
    %get3A_11 = memref.load %arg5[%get3A_9, %get3A_10] : memref<1x1xf32, #tpu.memory_space<smem>>
    %get3A_12 = arith.constant 0 : index
    %get3A_13 = arith.constant 0 : index
    %get3A_14 = vector.load %arg2[%get3A_12, %get3A_13] : memref<10000x128xf32, #tpu.memory_space<vmem>>, vector<10000x128xf32>
    %mul3A = vector.broadcast %get3A_11 : f32 to vector<10000x128xf32>
    %mul3A_15 = arith.mulf %mul3A, %get3A_14 : vector<10000x128xf32>
    %add3A_16 = arith.addf %add3A, %mul3A_15 : vector<10000x128xf32>
    %get3A_17 = arith.constant 0 : index
    %get3A_18 = arith.constant 0 : index
    %get3A_19 = vector.load %arg3[%get3A_17, %get3A_18] : memref<128x128xf32, #tpu.memory_space<vmem>>, vector<128x128xf32>
    %dot_general3A = arith.constant dense<0.000000e+00> : vector<10000x128xf32>
    %dot_general3A_20 = tpu.matmul %add3A_16, %get3A_19, %dot_general3A {dimension_numbers = #tpu.dot_dimension_numbers<[1], [0], [0], [1], [0, 0, 1, 1], [], []>, transpose_lhs_hint = false} : vector<10000x128xf32>, vector<128x128xf32>, vector<10000x128xf32> -> vector<10000x128xf32>
    %get3A_21 = arith.constant 0 : index
    %get3A_22 = arith.constant 0 : index
    %get3A_23 = vector.load %arg4[%get3A_21, %get3A_22] : memref<1x128xf32, #tpu.memory_space<vmem>>, vector<1x128xf32>
    %add3A_24 = vector.broadcast %get3A_23 : vector<1x128xf32> to vector<10000x128xf32>
    %add3A_25 = arith.addf %dot_general3A_20, %add3A_24 : vector<10000x128xf32>
    %swap3A = arith.constant 0 : index
    %swap3A_26 = arith.constant 0 : index
    %swap3A_27 = vector.load %arg6[%swap3A, %swap3A_26] : memref<10000x128xf32, #tpu.memory_space<vmem>>, vector<10000x128xf32>
    tpu.vector_store %arg6[%swap3A, %swap3A_26], %add3A_25 {strides = array<i32>} : memref<10000x128xf32, #tpu.memory_space<vmem>>, vector<10000x128xf32>,
    %eq3A = arith.constant 0 : i32
    %eq3A_28 = arith.cmpi eq, %arg0, %eq3A : i32
    %convert_element_type3A = arith.extui %eq3A_28 : i1 to i32
    %cond3A = arith.constant 0 : i32
    %cond3A_29 = arith.cmpi ne, %convert_element_type3A, %cond3A : i32
    scf.if %cond3A_29 {
      %broadcast_in_dim3A_49 = arith.constant 0.000000e+00 : f32
      %broadcast_in_dim3A_50 = vector.broadcast %broadcast_in_dim3A_49 : f32 to vector<8x128xf32>
      %swap3A_51 = arith.constant 0 : index
      %swap3A_52 = arith.constant 0 : index
      %swap3A_53 = vector.load %arg7[%swap3A_51, %swap3A_52] : memref<8x128xf32, #tpu.memory_space<vmem>>, vector<8x128xf32>
      tpu.vector_store %arg7[%swap3A_51, %swap3A_52], %broadcast_in_dim3A_50 {strides = array<i32>} : memref<8x128xf32, #tpu.memory_space<vmem>>, vector<8x128xf32>,
    } else {
    }
    %get3A_30 = arith.constant 0 : index
    %get3A_31 = arith.constant 0 : index
    %get3A_32 = vector.load %arg7[%get3A_30, %get3A_31] : memref<8x128xf32, #tpu.memory_space<vmem>>, vector<1x128xf32>
    %reduce_sum3A = arith.constant dense<0.000000e+00> : vector<128xf32>
    %reduce_sum3A_33 = vector.multi_reduction <add>, %add3A_25, %reduce_sum3A [0] : vector<10000x128xf32> to vector<128xf32>
    %broadcast_in_dim3A = vector.shape_cast %reduce_sum3A_33 : vector<128xf32> to vector<1x128xf32>
    %add3A_34 = arith.addf %get3A_32, %broadcast_in_dim3A : vector<1x128xf32>
    %swap3A_35 = arith.constant 0 : index
    %swap3A_36 = arith.constant 0 : index
    %swap3A_37 = vector.load %arg7[%swap3A_35, %swap3A_36] : memref<8x128xf32, #tpu.memory_space<vmem>>, vector<1x128xf32>
    tpu.vector_store %arg7[%swap3A_35, %swap3A_36], %add3A_34 {strides = array<i32>} : memref<8x128xf32, #tpu.memory_space<vmem>>, vector<1x128xf32>,
    %get3A_38 = arith.constant 1 : index
    %get3A_39 = arith.constant 0 : index
    %get3A_40 = vector.load %arg7[%get3A_38, %get3A_39] : memref<8x128xf32, #tpu.memory_space<vmem>>, vector<1x128xf32>
    %mul3A_41 = arith.mulf %add3A_25, %add3A_25 : vector<10000x128xf32>
    %reduce_sum3A_42 = arith.constant dense<0.000000e+00> : vector<128xf32>
    %reduce_sum3A_43 = vector.multi_reduction <add>, %mul3A_41, %reduce_sum3A_42 [0] : vector<10000x128xf32> to vector<128xf32>
    %broadcast_in_dim3A_44 = vector.shape_cast %reduce_sum3A_43 : vector<128xf32> to vector<1x128xf32>
    %add3A_45 = arith.addf %get3A_40, %broadcast_in_dim3A_44 : vector<1x128xf32>
    %swap3A_46 = arith.constant 1 : index
    %swap3A_47 = arith.constant 0 : index
    %swap3A_48 = vector.load %arg7[%swap3A_46, %swap3A_47] : memref<8x128xf32, #tpu.memory_space<vmem>>, vector<1x128xf32>
    tpu.vector_store %arg7[%swap3A_46, %swap3A_47], %add3A_45 {strides = array<i32>} : memref<8x128xf32, #tpu.memory_space<vmem>>, vector<1x128xf32>,
    return
  }
  func.func @transform_0(%arg0: i32) -> (i32, i32, i32) {
    %c0_i32 = arith.constant 0 : i32
    %c0_i32_0 = arith.constant 0 : i32
    %c0_i32_1 = arith.constant 0 : i32
    return %c0_i32, %arg0, %c0_i32_0 : i32, i32, i32
  }
  func.func @transform_1(%arg0: i32) -> (i32, i32) {
    %c0_i32 = arith.constant 0 : i32
    %c0_i32_0 = arith.constant 0 : i32
    return %arg0, %c0_i32 : i32, i32
  }
  func.func @transform_2(%arg0: i32) -> (i32, i32) {
    %c0_i32 = arith.constant 0 : i32
    %c0_i32_0 = arith.constant 0 : i32
    %c0_i32_1 = arith.constant 0 : i32
    return %c0_i32, %c0_i32_0 : i32, i32
  }
  func.func @transform_3(%arg0: i32) -> (i32, i32) {
    %c0_i32 = arith.constant 0 : i32
    %c0_i32_0 = arith.constant 0 : i32
    %c0_i32_1 = arith.constant 0 : i32
    return %c0_i32, %c0_i32_0 : i32, i32
  }
  func.func @transform_4(%arg0: i32) -> (i32, i32) {
    %c0_i32 = arith.constant 0 : i32
    %c0_i32_0 = arith.constant 0 : i32
    %c0_i32_1 = arith.constant 0 : i32
    return %c0_i32, %c0_i32_0 : i32, i32
  }
  func.func @transform_5(%arg0: i32) -> (i32, i32) {
    %c0_i32 = arith.constant 0 : i32
    %c0_i32_0 = arith.constant 0 : i32
    return %arg0, %c0_i32 : i32, i32
  }
  func.func @transform_6(%arg0: i32) -> (i32, i32) {
    %c0_i32 = arith.constant 0 : i32
    %c0_i32_0 = arith.constant 0 : i32
    %c0_i32_1 = arith.constant 0 : i32
    return %c0_i32, %c0_i32_0 : i32, i32
  }
}

module attributes {stable_mosaic.version = 14 : i64} {
  func.func @_body3(%arg0: i32, %arg1: memref<10000x128xf32, #tpu.memory_space<vmem>>, %arg2: memref<8x128xf32, #tpu.memory_space<vmem>>, %arg3: memref<1x128xf32, #tpu.memory_space<vmem>>, %arg4: memref<1x128xf32, #tpu.memory_space<vmem>>, %arg5: memref<10000x128xf32, #tpu.memory_space<vmem>>) attributes {dimension_semantics = [#tpu.dimension_semantics<arbitrary>], iteration_bounds = array<i64: 1>, scalar_prefetch = 0 : i64, scratch_operands = 0 : i64, tpu.core_type = #tpu.core_type<tc>, window_params = [{transform_indices = @transform_0, window_bounds = array<i64: 10000, 128>}, {pipeline_mode = #tpu.pipeline_mode<synchronous>, transform_indices = @transform_1, window_bounds = array<i64: 8, 128>}, {pipeline_mode = #tpu.pipeline_mode<synchronous>, transform_indices = @transform_2, window_bounds = array<i64: 1, 128>}, {pipeline_mode = #tpu.pipeline_mode<synchronous>, transform_indices = @transform_3, window_bounds = array<i64: 1, 128>}, {transform_indices = @transform_4, window_bounds = array<i64: 10000, 128>}]} {
    %get3A = arith.constant 0 : index
    %get3A_0 = arith.constant 0 : index
    %get3A_1 = vector.load %arg2[%get3A, %get3A_0] : memref<8x128xf32, #tpu.memory_space<vmem>>, vector<1x128xf32>
    %mul3A = arith.constant 9.99999974E-5 : f32
    %mul3A_2 = vector.broadcast %mul3A : f32 to vector<1x128xf32>
    %mul3A_3 = arith.mulf %get3A_1, %mul3A_2 : vector<1x128xf32>
    %get3A_4 = arith.constant 1 : index
    %get3A_5 = arith.constant 0 : index
    %get3A_6 = vector.load %arg2[%get3A_4, %get3A_5] : memref<8x128xf32, #tpu.memory_space<vmem>>, vector<1x128xf32>
    %mul3A_7 = arith.constant 9.99999974E-5 : f32
    %mul3A_8 = vector.broadcast %mul3A_7 : f32 to vector<1x128xf32>
    %mul3A_9 = arith.mulf %get3A_6, %mul3A_8 : vector<1x128xf32>
    %mul3A_10 = arith.mulf %mul3A_3, %mul3A_3 : vector<1x128xf32>
    %sub3A = arith.subf %mul3A_9, %mul3A_10 : vector<1x128xf32>
    %add3A = arith.constant 9.99999974E-6 : f32
    %add3A_11 = vector.broadcast %add3A : f32 to vector<1x128xf32>
    %add3A_12 = arith.addf %sub3A, %add3A_11 : vector<1x128xf32>
    %rsqrt3A = math.rsqrt %add3A_12 : vector<1x128xf32>
    %get3A_13 = arith.constant 0 : index
    %get3A_14 = arith.constant 0 : index
    %get3A_15 = vector.load %arg1[%get3A_13, %get3A_14] : memref<10000x128xf32, #tpu.memory_space<vmem>>, vector<10000x128xf32>
    %sub3A_16 = vector.broadcast %mul3A_3 : vector<1x128xf32> to vector<10000x128xf32>
    %sub3A_17 = arith.subf %get3A_15, %sub3A_16 : vector<10000x128xf32>
    %mul3A_18 = vector.broadcast %rsqrt3A : vector<1x128xf32> to vector<10000x128xf32>
    %mul3A_19 = arith.mulf %sub3A_17, %mul3A_18 : vector<10000x128xf32>
    %get3A_20 = arith.constant 0 : index
    %get3A_21 = arith.constant 0 : index
    %get3A_22 = vector.load %arg3[%get3A_20, %get3A_21] : memref<1x128xf32, #tpu.memory_space<vmem>>, vector<1x128xf32>
    %mul3A_23 = vector.broadcast %get3A_22 : vector<1x128xf32> to vector<10000x128xf32>
    %mul3A_24 = arith.mulf %mul3A_19, %mul3A_23 : vector<10000x128xf32>
    %get3A_25 = arith.constant 0 : index
    %get3A_26 = arith.constant 0 : index
    %get3A_27 = vector.load %arg4[%get3A_25, %get3A_26] : memref<1x128xf32, #tpu.memory_space<vmem>>, vector<1x128xf32>
    %add3A_28 = vector.broadcast %get3A_27 : vector<1x128xf32> to vector<10000x128xf32>
    %add3A_29 = arith.addf %mul3A_24, %add3A_28 : vector<10000x128xf32>
    %max3A = arith.constant 0.000000e+00 : f32
    %max3A_30 = vector.broadcast %max3A : f32 to vector<10000x128xf32>
    %max3A_31 = arith.maximumf %add3A_29, %max3A_30 : vector<10000x128xf32>
    %swap3A = arith.constant 0 : index
    %swap3A_32 = arith.constant 0 : index
    %swap3A_33 = vector.load %arg5[%swap3A, %swap3A_32] : memref<10000x128xf32, #tpu.memory_space<vmem>>, vector<10000x128xf32>
    tpu.vector_store %arg5[%swap3A, %swap3A_32], %max3A_31 {strides = array<i32>} : memref<10000x128xf32, #tpu.memory_space<vmem>>, vector<10000x128xf32>,
    return
  }
  func.func @transform_0(%arg0: i32) -> (i32, i32) {
    %c0_i32 = arith.constant 0 : i32
    %c0_i32_0 = arith.constant 0 : i32
    return %arg0, %c0_i32 : i32, i32
  }
  func.func @transform_1(%arg0: i32) -> (i32, i32) {
    %c0_i32 = arith.constant 0 : i32
    %c0_i32_0 = arith.constant 0 : i32
    %c0_i32_1 = arith.constant 0 : i32
    return %c0_i32, %c0_i32_0 : i32, i32
  }
  func.func @transform_2(%arg0: i32) -> (i32, i32) {
    %c0_i32 = arith.constant 0 : i32
    %c0_i32_0 = arith.constant 0 : i32
    %c0_i32_1 = arith.constant 0 : i32
    return %c0_i32, %c0_i32_0 : i32, i32
  }
  func.func @transform_3(%arg0: i32) -> (i32, i32) {
    %c0_i32 = arith.constant 0 : i32
    %c0_i32_0 = arith.constant 0 : i32
    %c0_i32_1 = arith.constant 0 : i32
    return %c0_i32, %c0_i32_0 : i32, i32
  }
  func.func @transform_4(%arg0: i32) -> (i32, i32) {
    %c0_i32 = arith.constant 0 : i32
    %c0_i32_0 = arith.constant 0 : i32
    return %arg0, %c0_i32 : i32, i32
  }
}

module attributes {stable_mosaic.version = 14 : i64} {
  func.func @_body4(%arg0: i32, %arg1: memref<10000x128xf32, #tpu.memory_space<vmem>>, %arg2: memref<8x128xf32, #tpu.memory_space<vmem>>, %arg3: memref<1x128xf32, #tpu.memory_space<vmem>>, %arg4: memref<1x128xf32, #tpu.memory_space<vmem>>, %arg5: memref<10000x1xi32, #tpu.memory_space<vmem>>, %arg6: memref<8x128xf32, #tpu.memory_space<vmem>>) attributes {dimension_semantics = [#tpu.dimension_semantics<arbitrary>], iteration_bounds = array<i64: 1>, scalar_prefetch = 0 : i64, scratch_operands = 0 : i64, tpu.core_type = #tpu.core_type<tc>, window_params = [{transform_indices = @transform_0, window_bounds = array<i64: 10000, 128>}, {pipeline_mode = #tpu.pipeline_mode<synchronous>, transform_indices = @transform_1, window_bounds = array<i64: 8, 128>}, {pipeline_mode = #tpu.pipeline_mode<synchronous>, transform_indices = @transform_2, window_bounds = array<i64: 1, 128>}, {pipeline_mode = #tpu.pipeline_mode<synchronous>, transform_indices = @transform_3, window_bounds = array<i64: 1, 128>}, {transform_indices = @transform_4, window_bounds = array<i64: 10000, 1>}, {pipeline_mode = #tpu.pipeline_mode<synchronous>, transform_indices = @transform_5, window_bounds = array<i64: 8, 128>}]} {
    %get3A = arith.constant 0 : index
    %get3A_0 = arith.constant 0 : index
    %get3A_1 = vector.load %arg2[%get3A, %get3A_0] : memref<8x128xf32, #tpu.memory_space<vmem>>, vector<1x128xf32>
    %mul3A = arith.constant 9.99999974E-5 : f32
    %mul3A_2 = vector.broadcast %mul3A : f32 to vector<1x128xf32>
    %mul3A_3 = arith.mulf %get3A_1, %mul3A_2 : vector<1x128xf32>
    %get3A_4 = arith.constant 1 : index
    %get3A_5 = arith.constant 0 : index
    %get3A_6 = vector.load %arg2[%get3A_4, %get3A_5] : memref<8x128xf32, #tpu.memory_space<vmem>>, vector<1x128xf32>
    %mul3A_7 = arith.constant 9.99999974E-5 : f32
    %mul3A_8 = vector.broadcast %mul3A_7 : f32 to vector<1x128xf32>
    %mul3A_9 = arith.mulf %get3A_6, %mul3A_8 : vector<1x128xf32>
    %mul3A_10 = arith.mulf %mul3A_3, %mul3A_3 : vector<1x128xf32>
    %sub3A = arith.subf %mul3A_9, %mul3A_10 : vector<1x128xf32>
    %add3A = arith.constant 9.99999974E-6 : f32
    %add3A_11 = vector.broadcast %add3A : f32 to vector<1x128xf32>
    %add3A_12 = arith.addf %sub3A, %add3A_11 : vector<1x128xf32>
    %rsqrt3A = math.rsqrt %add3A_12 : vector<1x128xf32>
    %get3A_13 = arith.constant 0 : index
    %get3A_14 = arith.constant 0 : index
    %get3A_15 = vector.load %arg1[%get3A_13, %get3A_14] : memref<10000x128xf32, #tpu.memory_space<vmem>>, vector<10000x128xf32>
    %sub3A_16 = vector.broadcast %mul3A_3 : vector<1x128xf32> to vector<10000x128xf32>
    %sub3A_17 = arith.subf %get3A_15, %sub3A_16 : vector<10000x128xf32>
    %mul3A_18 = vector.broadcast %rsqrt3A : vector<1x128xf32> to vector<10000x128xf32>
    %mul3A_19 = arith.mulf %sub3A_17, %mul3A_18 : vector<10000x128xf32>
    %get3A_20 = arith.constant 0 : index
    %get3A_21 = arith.constant 0 : index
    %get3A_22 = vector.load %arg3[%get3A_20, %get3A_21] : memref<1x128xf32, #tpu.memory_space<vmem>>, vector<1x128xf32>
    %mul3A_23 = vector.broadcast %get3A_22 : vector<1x128xf32> to vector<10000x128xf32>
    %mul3A_24 = arith.mulf %mul3A_19, %mul3A_23 : vector<10000x128xf32>
    %get3A_25 = arith.constant 0 : index
    %get3A_26 = arith.constant 0 : index
    %get3A_27 = vector.load %arg4[%get3A_25, %get3A_26] : memref<1x128xf32, #tpu.memory_space<vmem>>, vector<1x128xf32>
    %add3A_28 = vector.broadcast %get3A_27 : vector<1x128xf32> to vector<10000x128xf32>
    %add3A_29 = arith.addf %mul3A_24, %add3A_28 : vector<10000x128xf32>
    %max3A = arith.constant 0.000000e+00 : f32
    %max3A_30 = vector.broadcast %max3A : f32 to vector<10000x128xf32>
    %max3A_31 = arith.maximumf %add3A_29, %max3A_30 : vector<10000x128xf32>
    %eq3A = arith.constant 0 : i32
    %eq3A_32 = arith.cmpi eq, %arg0, %eq3A : i32
    %convert_element_type3A = arith.extui %eq3A_32 : i1 to i32
    %cond3A = arith.constant 0 : i32
    %cond3A_33 = arith.cmpi ne, %convert_element_type3A, %cond3A : i32
    scf.if %cond3A_33 {
      %broadcast_in_dim3A_121 = arith.constant 0.000000e+00 : f32
      %broadcast_in_dim3A_122 = vector.broadcast %broadcast_in_dim3A_121 : f32 to vector<8x128xf32>
      %swap3A_123 = arith.constant 0 : index
      %swap3A_124 = arith.constant 0 : index
      %swap3A_125 = vector.load %arg6[%swap3A_123, %swap3A_124] : memref<8x128xf32, #tpu.memory_space<vmem>>, vector<8x128xf32>
      tpu.vector_store %arg6[%swap3A_123, %swap3A_124], %broadcast_in_dim3A_122 {strides = array<i32>} : memref<8x128xf32, #tpu.memory_space<vmem>>, vector<8x128xf32>,
    } else {
    }
    %get3A_34 = arith.constant 0 : index
    %get3A_35 = arith.constant 0 : index
    %get3A_36 = vector.load %arg5[%get3A_34, %get3A_35] : memref<10000x1xi32, #tpu.memory_space<vmem>>, vector<10000x1xi32>
    %eq3A_37 = arith.constant 0 : i32
    %eq3A_38 = vector.broadcast %eq3A_37 : i32 to vector<10000x1xi32>
    %eq3A_39 = arith.cmpi eq, %get3A_36, %eq3A_38 : vector<10000x1xi32>
    %convert_element_type3A_40 = arith.extui %eq3A_39 : vector<10000x1xi1> to vector<10000x1xi32>
    %convert_element_type3A_41 = arith.sitofp %convert_element_type3A_40 : vector<10000x1xi32> to vector<10000x1xf32>
    %mul3A_42 = vector.broadcast %convert_element_type3A_41 : vector<10000x1xf32> to vector<10000x128xf32>
    %mul3A_43 = arith.mulf %max3A_31, %mul3A_42 : vector<10000x128xf32>
    %reduce_sum3A = arith.constant dense<0.000000e+00> : vector<128xf32>
    %reduce_sum3A_44 = vector.multi_reduction <add>, %mul3A_43, %reduce_sum3A [0] : vector<10000x128xf32> to vector<128xf32>
    %broadcast_in_dim3A = vector.shape_cast %reduce_sum3A_44 : vector<128xf32> to vector<1x128xf32>
    %eq3A_45 = arith.constant 1 : i32
    %eq3A_46 = vector.broadcast %eq3A_45 : i32 to vector<10000x1xi32>
    %eq3A_47 = arith.cmpi eq, %get3A_36, %eq3A_46 : vector<10000x1xi32>
    %convert_element_type3A_48 = arith.extui %eq3A_47 : vector<10000x1xi1> to vector<10000x1xi32>
    %convert_element_type3A_49 = arith.sitofp %convert_element_type3A_48 : vector<10000x1xi32> to vector<10000x1xf32>
    %mul3A_50 = vector.broadcast %convert_element_type3A_49 : vector<10000x1xf32> to vector<10000x128xf32>
    %mul3A_51 = arith.mulf %max3A_31, %mul3A_50 : vector<10000x128xf32>
    %reduce_sum3A_52 = arith.constant dense<0.000000e+00> : vector<128xf32>
    %reduce_sum3A_53 = vector.multi_reduction <add>, %mul3A_51, %reduce_sum3A_52 [0] : vector<10000x128xf32> to vector<128xf32>
    %broadcast_in_dim3A_54 = vector.shape_cast %reduce_sum3A_53 : vector<128xf32> to vector<1x128xf32>
    %eq3A_55 = arith.constant 2 : i32
    %eq3A_56 = vector.broadcast %eq3A_55 : i32 to vector<10000x1xi32>
    %eq3A_57 = arith.cmpi eq, %get3A_36, %eq3A_56 : vector<10000x1xi32>
    %convert_element_type3A_58 = arith.extui %eq3A_57 : vector<10000x1xi1> to vector<10000x1xi32>
    %convert_element_type3A_59 = arith.sitofp %convert_element_type3A_58 : vector<10000x1xi32> to vector<10000x1xf32>
    %mul3A_60 = vector.broadcast %convert_element_type3A_59 : vector<10000x1xf32> to vector<10000x128xf32>
    %mul3A_61 = arith.mulf %max3A_31, %mul3A_60 : vector<10000x128xf32>
    %reduce_sum3A_62 = arith.constant dense<0.000000e+00> : vector<128xf32>
    %reduce_sum3A_63 = vector.multi_reduction <add>, %mul3A_61, %reduce_sum3A_62 [0] : vector<10000x128xf32> to vector<128xf32>
    %broadcast_in_dim3A_64 = vector.shape_cast %reduce_sum3A_63 : vector<128xf32> to vector<1x128xf32>
    %eq3A_65 = arith.constant 3 : i32
    %eq3A_66 = vector.broadcast %eq3A_65 : i32 to vector<10000x1xi32>
    %eq3A_67 = arith.cmpi eq, %get3A_36, %eq3A_66 : vector<10000x1xi32>
    %convert_element_type3A_68 = arith.extui %eq3A_67 : vector<10000x1xi1> to vector<10000x1xi32>
    %convert_element_type3A_69 = arith.sitofp %convert_element_type3A_68 : vector<10000x1xi32> to vector<10000x1xf32>
    %mul3A_70 = vector.broadcast %convert_element_type3A_69 : vector<10000x1xf32> to vector<10000x128xf32>
    %mul3A_71 = arith.mulf %max3A_31, %mul3A_70 : vector<10000x128xf32>
    %reduce_sum3A_72 = arith.constant dense<0.000000e+00> : vector<128xf32>
    %reduce_sum3A_73 = vector.multi_reduction <add>, %mul3A_71, %reduce_sum3A_72 [0] : vector<10000x128xf32> to vector<128xf32>
    %broadcast_in_dim3A_74 = vector.shape_cast %reduce_sum3A_73 : vector<128xf32> to vector<1x128xf32>
    %eq3A_75 = arith.constant 4 : i32
    %eq3A_76 = vector.broadcast %eq3A_75 : i32 to vector<10000x1xi32>
    %eq3A_77 = arith.cmpi eq, %get3A_36, %eq3A_76 : vector<10000x1xi32>
    %convert_element_type3A_78 = arith.extui %eq3A_77 : vector<10000x1xi1> to vector<10000x1xi32>
    %convert_element_type3A_79 = arith.sitofp %convert_element_type3A_78 : vector<10000x1xi32> to vector<10000x1xf32>
    %mul3A_80 = vector.broadcast %convert_element_type3A_79 : vector<10000x1xf32> to vector<10000x128xf32>
    %mul3A_81 = arith.mulf %max3A_31, %mul3A_80 : vector<10000x128xf32>
    %reduce_sum3A_82 = arith.constant dense<0.000000e+00> : vector<128xf32>
    %reduce_sum3A_83 = vector.multi_reduction <add>, %mul3A_81, %reduce_sum3A_82 [0] : vector<10000x128xf32> to vector<128xf32>
    %broadcast_in_dim3A_84 = vector.shape_cast %reduce_sum3A_83 : vector<128xf32> to vector<1x128xf32>
    %eq3A_85 = arith.constant 5 : i32
    %eq3A_86 = vector.broadcast %eq3A_85 : i32 to vector<10000x1xi32>
    %eq3A_87 = arith.cmpi eq, %get3A_36, %eq3A_86 : vector<10000x1xi32>
    %convert_element_type3A_88 = arith.extui %eq3A_87 : vector<10000x1xi1> to vector<10000x1xi32>
    %convert_element_type3A_89 = arith.sitofp %convert_element_type3A_88 : vector<10000x1xi32> to vector<10000x1xf32>
    %mul3A_90 = vector.broadcast %convert_element_type3A_89 : vector<10000x1xf32> to vector<10000x128xf32>
    %mul3A_91 = arith.mulf %max3A_31, %mul3A_90 : vector<10000x128xf32>
    %reduce_sum3A_92 = arith.constant dense<0.000000e+00> : vector<128xf32>
    %reduce_sum3A_93 = vector.multi_reduction <add>, %mul3A_91, %reduce_sum3A_92 [0] : vector<10000x128xf32> to vector<128xf32>
    %broadcast_in_dim3A_94 = vector.shape_cast %reduce_sum3A_93 : vector<128xf32> to vector<1x128xf32>
    %eq3A_95 = arith.constant 6 : i32
    %eq3A_96 = vector.broadcast %eq3A_95 : i32 to vector<10000x1xi32>
    %eq3A_97 = arith.cmpi eq, %get3A_36, %eq3A_96 : vector<10000x1xi32>
    %convert_element_type3A_98 = arith.extui %eq3A_97 : vector<10000x1xi1> to vector<10000x1xi32>
    %convert_element_type3A_99 = arith.sitofp %convert_element_type3A_98 : vector<10000x1xi32> to vector<10000x1xf32>
    %mul3A_100 = vector.broadcast %convert_element_type3A_99 : vector<10000x1xf32> to vector<10000x128xf32>
    %mul3A_101 = arith.mulf %max3A_31, %mul3A_100 : vector<10000x128xf32>
    %reduce_sum3A_102 = arith.constant dense<0.000000e+00> : vector<128xf32>
    %reduce_sum3A_103 = vector.multi_reduction <add>, %mul3A_101, %reduce_sum3A_102 [0] : vector<10000x128xf32> to vector<128xf32>
    %broadcast_in_dim3A_104 = vector.shape_cast %reduce_sum3A_103 : vector<128xf32> to vector<1x128xf32>
    %eq3A_105 = arith.constant 7 : i32
    %eq3A_106 = vector.broadcast %eq3A_105 : i32 to vector<10000x1xi32>
    %eq3A_107 = arith.cmpi eq, %get3A_36, %eq3A_106 : vector<10000x1xi32>
    %convert_element_type3A_108 = arith.extui %eq3A_107 : vector<10000x1xi1> to vector<10000x1xi32>
    %convert_element_type3A_109 = arith.sitofp %convert_element_type3A_108 : vector<10000x1xi32> to vector<10000x1xf32>
    %mul3A_110 = vector.broadcast %convert_element_type3A_109 : vector<10000x1xf32> to vector<10000x128xf32>
    %mul3A_111 = arith.mulf %max3A_31, %mul3A_110 : vector<10000x128xf32>
    %reduce_sum3A_112 = arith.constant dense<0.000000e+00> : vector<128xf32>
    %reduce_sum3A_113 = vector.multi_reduction <add>, %mul3A_111, %reduce_sum3A_112 [0] : vector<10000x128xf32> to vector<128xf32>
    %broadcast_in_dim3A_114 = vector.shape_cast %reduce_sum3A_113 : vector<128xf32> to vector<1x128xf32>
    %get3A_115 = arith.constant 0 : index
    %get3A_116 = arith.constant 0 : index
    %get3A_117 = vector.load %arg6[%get3A_115, %get3A_116] : memref<8x128xf32, #tpu.memory_space<vmem>>, vector<8x128xf32>
    %concatenate3A = tpu.concatenate %broadcast_in_dim3A, %broadcast_in_dim3A_54, %broadcast_in_dim3A_64, %broadcast_in_dim3A_74, %broadcast_in_dim3A_84, %broadcast_in_dim3A_94, %broadcast_in_dim3A_104, %broadcast_in_dim3A_114 in 0 : vector<1x128xf32>, vector<1x128xf32>, vector<1x128xf32>, vector<1x128xf32>, vector<1x128xf32>, vector<1x128xf32>, vector<1x128xf32>, vector<1x128xf32> -> vector<8x128xf32>
    %add3A_118 = arith.addf %get3A_117, %concatenate3A : vector<8x128xf32>
    %swap3A = arith.constant 0 : index
    %swap3A_119 = arith.constant 0 : index
    %swap3A_120 = vector.load %arg6[%swap3A, %swap3A_119] : memref<8x128xf32, #tpu.memory_space<vmem>>, vector<8x128xf32>
    tpu.vector_store %arg6[%swap3A, %swap3A_119], %add3A_118 {strides = array<i32>} : memref<8x128xf32, #tpu.memory_space<vmem>>, vector<8x128xf32>,
    return
  }
  func.func @transform_0(%arg0: i32) -> (i32, i32) {
    %c0_i32 = arith.constant 0 : i32
    %c0_i32_0 = arith.constant 0 : i32
    return %arg0, %c0_i32 : i32, i32
  }
  func.func @transform_1(%arg0: i32) -> (i32, i32) {
    %c0_i32 = arith.constant 0 : i32
    %c0_i32_0 = arith.constant 0 : i32
    %c0_i32_1 = arith.constant 0 : i32
    return %c0_i32, %c0_i32_0 : i32, i32
  }
  func.func @transform_2(%arg0: i32) -> (i32, i32) {
    %c0_i32 = arith.constant 0 : i32
    %c0_i32_0 = arith.constant 0 : i32
    %c0_i32_1 = arith.constant 0 : i32
    return %c0_i32, %c0_i32_0 : i32, i32
  }
  func.func @transform_3(%arg0: i32) -> (i32, i32) {
    %c0_i32 = arith.constant 0 : i32
    %c0_i32_0 = arith.constant 0 : i32
    %c0_i32_1 = arith.constant 0 : i32
    return %c0_i32, %c0_i32_0 : i32, i32
  }
  func.func @transform_4(%arg0: i32) -> (i32, i32) {
    %c0_i32 = arith.constant 0 : i32
    %c0_i32_0 = arith.constant 0 : i32
    return %arg0, %c0_i32 : i32, i32
  }
  func.func @transform_5(%arg0: i32) -> (i32, i32) {
    %c0_i32 = arith.constant 0 : i32
    %c0_i32_0 = arith.constant 0 : i32
    %c0_i32_1 = arith.constant 0 : i32
    return %c0_i32, %c0_i32_0 : i32, i32
  }
}

</mosaic_0001>

<sc_bundles>
// kernel: kernel.18.cloned.1.call-start
scs
__scs_entry_jumppad:
0x0: {  	(pc) =	sbr.rel $0x88, $3  }
0x1: {  	(tag) =	ssettag $0x0;
	lr =	simm.s32 $0x1  }
0x2: {  	[smem:$0x3F95] =	sst lr;
	_ =	strace $0xD0000000  }
0x3: {  	_ = 	snop  }
0x4: {  	_ = 	snop  }
0x5: {  	_ = 	snop  }
0x6: {  	_ = 	snop  }
0x7: {  	_ = 	snop  }
__scs_overlays_trampoline_lowered:
0x8: {  	[smem:$0x3FA4] =	sst s0  }
0x9: {  	[smem:$0x3FA5] =	sst s1  }
0xa: {  	[smem:$0x3FA6] =	sst s2  }
0xb: {  	[smem:$0x3FA7] =	sst s3  }
0xc: {  	[smem:$0x3FA8] =	sst s4  }
0xd: {  	[smem:$0x3FA9] =	sst s5  }
0xe: {  	[smem:$0x3FAA] =	sst s6  }
0xf: {  	[smem:$0x3FAB] =	sst s7  }
0x10: {  	[smem:$0x3FAC] =	sst s8  }
0x11: {  	[smem:$0x3FAD] =	sst s9;
	s0 =	simm.s32 @!p0 $0x0  }
0x12: {  	s1 =	sld [smem:$0x3F93];
	s0 =	simm.s32 @p0 $0x1  }
0x13: {  	[smem:$0x3FAE] =	sst s0;
	s0 =	simm.s32 @!p1 $0x0  }
0x14: {  	s2 =	sld [smem:$0x3F92];
	s0 =	simm.s32 @p1 $0x1  }
0x15: {  	[smem:$0x3FAF] =	sst s0;
	s0 =	simm.s32 @!p2 $0x0  }
0x16: {  	s3 =	sld [smem:$0x3FDB];
	s0 =	simm.s32 @p2 $0x1  }
0x17: {  	s4 =	simm.s32 $0x1BF5;
	[smem:$0x3FB1] =	sst s0  }
0x18: {  	s0 =	sld [smem:$0x3F94];
	_ =	swait.ge [sflag:s4], $0x0  }
0x19: {  	s7 =	sld [smem:$0x3F95]  }
0x1a: {  	s8 =	sadd.s32 $0xFFFFE003, lr  }
0x1b: {  	s9 =	sadd.s32 $0xFFFFFEF7, lr;
	s5 =	simm.s32 $0xFFFFFFFF;
	p2 =	slt.u32 s8, $0xFFFFF086  }
0x1c: {  	p1 =	slt.u32 s9, $0xF7A;
	s5 =	simm.s32 @!p2 $0x0  }
0x1d: {  	s5 =	simm.s32 @p1 $0x1;
	p0 =	seq.s32 s7, s2  }
0x1e: {  	s7 =	smul.u32 @!p0 $0xF7A, s2;
	p2 =	seq.s32 @!p0 s5, $0x0  }
0x1f: {  	s9 =	smul.u32 $0xF7A, s1;
	s8 =	simm.s32 @!p0 $0x1BF5;
	p2 =	por !p2, p0  }
0x20: {  	[sflag:s8] =	ssyncset.s32 @!p0 $0xFFFFF086;
	s6 =	sadd.s32 @!p0 s3, s7;
	s7 =	simm.s32 @!p0 $0x108  }
0x21: {  	s3 =	sadd.s32 s3, s9;
	s6 =	sadd.s32 @!p0 $0x88, s6;
	s7 =	simm.s32 @p2 $0x1082  }
0x22: {  	[simem:s7], [sflag:s8] =	dma.local @!p0 [hbm:s6], $0xF7A  }
0x23: {  	s9 =	sor.u32 $0xD0000000, s2;
	s6 =	simm.s32 $0x108;
	_ =	swait.ge @!p0 [sflag:s8], $0x0  }
0x24: {  	s3 =	sadd.s32 $0x88, s3;
	s6 =	simm.s32 @!p1 $0x1082;
	[sflag:s4] =	ssyncset.s32 $0xFFFFF086  }
0x25: {  	[simem:s6], [sflag:s4] =	dma.local [hbm:s3], $0xF7A  }
0x26: {  	[smem:$0x3F95] =	sst s1;
	(tag) =	ssettag s2;
	_ =	strace s9  }
0x27: {  	s1 =	sld [smem:$0x3FA5]  }
0x28: {  	s2 =	sld [smem:$0x3FA6]  }
0x29: {  	s4 =	sld [smem:$0x3FA8]  }
0x2a: {  	p0 =	seq.s32 s5, $0x0;
	s5 =	sld [smem:$0x3FA9]  }
0x2b: {  	s6 =	sld [smem:$0x3FAA]  }
0x2c: {  	s7 =	sld [smem:$0x3FAB]  }
0x2d: {  	s3 =	simm.s32 $0x108;
	s8 =	sld [smem:$0x3FAC]  }
0x2e: {  	s3 =	simm.s32 @!p0 $0x1082;
	s9 =	sld [smem:$0x3FAD]  }
0x2f: {  	lr =	sadd.s32 s0, s3;
	s0 =	sld [smem:$0x3FA4]  }
0x30: {  	s3 =	sld [smem:$0x3FA7]  }
0x31: {  	[smem:$0x3FB0] =	sst s10  }
0x32: {  	s10 =	sld [smem:$0x3FAE];
	_ =	sdelay $0x3  }
0x33: {  	p0 =	seq.s32 s10, $0x1;
	s10 =	sld [smem:$0x3FB0];
	_ =	sdelay $0x3  }
0x34: {  	[smem:$0x3FB0] =	sst s10  }
0x35: {  	s10 =	sld [smem:$0x3FAF];
	_ =	sdelay $0x3  }
0x36: {  	p1 =	seq.s32 s10, $0x1;
	s10 =	sld [smem:$0x3FB0];
	_ =	sdelay $0x3  }
0x37: {  	[smem:$0x3FB0] =	sst s10  }
0x38: {  	s10 =	sld [smem:$0x3FB1]  }
0x39: {  	_ = 	snop;
	(pc) =	sbr.ind lr, $3  }
0x3a: {  	_ = 	snop  }
0x3b: {  	_ = 	snop  }
0x3c: {  	p2 =	seq.s32 s10, $0x1;
	s10 =	sld [smem:$0x3FB0]  }
0x3d: {  	_ =	shalt  }
0x3e: {  	_ =	shalt  }
0x3f: {  	_ =	shalt  }
0x40: {  	_ =	shalt  }
0x41: {  	_ =	shalt  }
0x42: {  	_ =	shalt  }
0x43: {  	_ =	shalt  }
0x44: {  	_ =	shalt  }
0x45: {  	_ =	shalt  }
0x46: {  	_ =	shalt  }
0x47: {  	_ =	shalt  }
0x48: {  	_ =	shalt  }
0x49: {  	_ =	shalt  }
0x4a: {  	_ =	shalt  }
0x4b: {  	_ =	shalt  }
0x4c: {  	_ =	shalt  }
0x4d: {  	_ =	shalt  }
0x4e: {  	_ =	shalt  }
0x4f: {  	_ =	shalt  }
0x50: {  	_ =	shalt  }
0x51: {  	_ =	shalt  }
0x52: {  	_ =	shalt  }
0x53: {  	_ =	shalt  }
0x54: {  	_ =	shalt  }
0x55: {  	_ =	shalt  }
0x56: {  	_ =	shalt  }
0x57: {  	_ =	shalt  }
0x58: {  	_ =	shalt  }
0x59: {  	_ =	shalt  }
0x5a: {  	_ =	shalt  }
0x5b: {  	_ =	shalt  }
0x5c: {  	_ =	shalt  }
0x5d: {  	_ =	shalt  }
0x5e: {  	_ =	shalt  }
0x5f: {  	_ =	shalt  }
0x60: {  	_ =	shalt  }
0x61: {  	_ =	shalt  }
0x62: {  	_ =	shalt  }
0x63: {  	_ =	shalt  }
0x64: {  	_ =	shalt  }
0x65: {  	_ =	shalt  }
0x66: {  	_ =	shalt  }
0x67: {  	_ =	shalt  }
0x68: {  	_ =	shalt  }
0x69: {  	_ =	shalt  }
0x6a: {  	_ =	shalt  }
0x6b: {  	_ =	shalt  }
0x6c: {  	_ =	shalt  }
0x6d: {  	_ =	shalt  }
0x6e: {  	_ =	shalt  }
0x6f: {  	_ =	shalt  }
0x70: {  	_ =	shalt  }
0x71: {  	_ =	shalt  }
0x72: {  	_ =	shalt  }
0x73: {  	_ =	shalt  }
0x74: {  	_ =	shalt  }
0x75: {  	_ =	shalt  }
0x76: {  	_ =	shalt  }
0x77: {  	_ =	shalt  }
0x78: {  	_ =	shalt  }
0x79: {  	_ =	shalt  }
0x7a: {  	_ =	shalt  }
0x7b: {  	_ =	shalt  }
0x7c: {  	_ =	shalt  }
0x7d: {  	_ =	shalt  }
0x7e: {  	_ =	shalt  }
0x7f: {  	_ =	shalt  }
0x80: {  	_ =	shalt  }
0x81: {  	_ =	shalt  }
0x82: {  	_ =	shalt  }
0x83: {  	_ =	shalt  }
0x84: {  	_ =	shalt  }
0x85: {  	_ =	shalt  }
0x86: {  	_ =	shalt  }
0x87: {  	_ =	shalt  }
.Lfunc_end0:
.L_simem_size_0:
called_computation_lowered:
.L_overlay_start_0:
0x88: {  	s2 =	sld [smem:$0x3FD9]  }
0x89: {  	s3 =	sld [smem:$0x3FFE];
	_ =	sdelay $0x1  }
0x8a: {  	s1 =	srdreg.scid  }
0x8b: {  	s0 =	sand.u32 $0x1, s1  }
0x8c: {  	s17 =	sshll.u32 s0, $0xA;
	s2 =	sadd.s32 s3, s2  }
0x8d: {  	s2 =	sadd.s32 s2, s17  }
0x8e: {  	[smem:$0x3FBC] =	sst s2  }
0x8f: {  	_ = 	snop  }
0x90: {  	s2 =	sld [smem:$0x3FC9];
	(tm) =	ssettm $0x1  }
0x91: {  	s18 =	sld [smem:$0x3FFB];
	_ =	sdelay $0x3  }
0x92: {  	_ =	strace s18  }
0x93: {  	s3 =	sld [smem:$0x3FFC];
	_ =	sdelay $0x3  }
0x94: {  	_ =	strace s3  }
0x95: {  	s3 =	sld [smem:$0x3FFD];
	_ =	sdelay $0x3  }
0x96: {  	_ =	strace s3  }
0x97: {  	_ =	strace $0x8FFFFFFF  }
0x98: {  	s19 =	sld [smem:$0x3FDB];
	_ =	sdelay $0x1  }
0x99: {  	s4 =	simm.s32 $_scs_section_size  }
0x9a: {  	s5 =	simm.s32 $_size__tile_overlayer_lowered;
	s6 =	simm.s32 $_tile_overlayer_lowered  }
0x9b: {  	s22 =	simm.s32 $0x1BFF;
	s21 =	sshll.u32 s6, $0x1;
	s3 =	sadd.s32 s4, s19  }
0x9c: {  	s7 =	simm.s32 $0x0;
	s20 =	sshll.u32 s5, $0x1;
	s5 =	sadd.s32 s21, s3  }
0x9d: {  	[timem:s7], [sflag:s22] =	dma.local [hbm:s5], s20  }
0x9e: {  	_ =	swait.ge [sflag:s22], s20  }
0x9f: {  	s4 =	ssub.s32 $0x0, s20;
	[sflag:s22] =	ssyncset.done $0x0  }
0xa0: {  	[sflag:s22] =	ssyncadd.s32 s4;
	_ =	sdelay $0x1  }
0xa1: {  	s23 =	simm.s32 $0x1B8B  }
0xa2: {  	_ =	swait.ge [sflag:s23], $0x1  }
0xa3: {  	[sflag:s23] =	ssyncset.done $0x0  }
0xa4: {  	s25 =	simm.s32 $0x1B8E;
	s24 =	sld [smem:$0x3FFE];
	[sflag:s23] =	ssyncadd.s32 $0xFFFFFFFF  }
0xa5: {  	s26 =	simm.s32 $execute0_lowered;
	[smem:$0x3FD2] =	sst s25  }
0xa6: {  	s5 =	sshll.u32 s26, $0x1;
	_ =	strace $0x80000046;
	[dreg:$0x1] =	wrdreg $0xFFFFFFFF  }
0xa7: {  	s28 =	simm.s32 $_size_execute0_lowered;
	s3 =	sadd.s32 s3, s5;
	[dreg:$0x0] =	wrdreg $0x0  }
0xa8: {  	s5 =	sshll.u32 s28, $0x1;
	[dreg:$0x2] =	wrdreg s3  }
0xa9: {  	[dreg:$0x3] =	wrdreg s5  }
0xaa: {  	[dreg:$0x4] =	wrdreg $0xC0  }
0xab: {  	_ =	task [dreg:s7], $0x5FFFF  }
0xac: {  	[dreg:$0x1] =	wrdreg $0xFFFFFFFF  }
0xad: {  	[dreg:$0x0] =	wrdreg $0x60  }
0xae: {  	[dreg:$0x2] =	wrdreg s2  }
0xaf: {  	[dreg:$0x3] =	wrdreg s24  }
0xb0: {  	[dreg:$0x4] =	wrdreg $0xC6000  }
0xb1: {  	[dreg:$0x5] =	wrdreg $0x9  }
0xb2: {  	_ =	task.clear_ibuf [dreg:s7], $0x6FFFF;
	_ =	strace $0x90000046  }
0xb3: {  	s29 =	simm.s32 $0x9;
	_ =	strace $0x80000048  }
0xb4: {  	_ =	swait.ge [sflag:s29], $0x1  }
0xb5: {  	[sflag:s29] =	ssyncadd.s32 $0xFFFFFFFF  }
0xb6: {  	_ =	strace $0x90000048  }
0xb7: {  	_ =	sfence  }
0xb8: {  	s30 =	sld [smem:$0x0];
	_ =	sdelay $0x2  }
0xb9: {  	s31 =	sshll.u32 s1, $0xD;
	s1 =	sshrl.u32 s1, $0x2  }
0xba: {  	s3 =	sand.u32 $0x4000, s31;
	s1 =	sadd.s32 s1, s30  }
0xbb: {  	s0 =	sor.u32 s3, s0;
	s1 =	sshll.u32 s1, $0x11  }
0xbc: {  	s0 =	sor.u32 s1, s0  }
0xbd: {  	s0 =	sadd.s32 $0x8F2B, s0  }
0xbe: {  	[sflag:s0] =	ssyncadd.remote.s32 $0x1  }
0xbf: {  	_ =	sfence.sel $0xFFFF  }
0xc0: {  	[dreg:$0x0] =	wrdreg $0xFFFFFFFF;
	(pc) =	sbr.abs _section_cstart, $3  }
0xc1: {  	[dreg:$0x1] =	wrdreg $0xFFFFFFFF  }
0xc2: {  	_ =	task.clear_ibuf [dreg:s7], $0x2FFFF;
	_ =	strace $0x9FFFFFFF  }
0xc3: {  	(tm) =	ssettm $0x7FFFFFFF  }
tec
execute0_lowered:
.L_overlay_start_1:
0x0: {  	(tag) =	ssettag $0x1  }
0x1: {  	s1 =	rddreg [dreg:$0x0]  }
0x2: {  	s0 =	rddreg [dreg:$0x1]  }
0x3: {  	s3 =	rddreg [dreg:$0x2];
	s4 =	simm.s32 $0x0;
	s19 =	stileid.u32  }
0x4: {  	s5 =	srdreg.scid;
	s20 =	simm.s32 $0x100;
	s21 =	simm.s32 $0x80  }
0x5: {  	s28 =	simm.s32 $0xB;
	s29 =	simm.s32 $0xC;
	s30 =	simm.s32 $0xA  }
0x6: {  	s31 =	simm.s32 $0x0;
	[smem:$0x7FF] =	sst s4;
	s2 =	smul.u32 $0x2700, s19  }
0x7: {  	s15 =	sadd.s32 $0x5600, s0;
	s8 =	sand.u32 $0x1, s5;
	s7 =	smul.u32 $0x4E000, s19  }
0x8: {  	s13 =	sadd.s32 $0x40400, s0;
	s16 =	sadd.s32 $0x124800, s3;
	s12 =	smul.u32 $0x13800, s19  }
0x9: {  	s17 =	smul.u32 $0x4F00, s19;
	p0 =	seq.s32 s19, $0xF;
	_ =	strace $0x80000047  }
0xa: {  	s5 =	ssub.s32 $0x2, s8;
	s6 =	sshll.u32 s8, $0x4;
	s24 =	smul.u32 $0x138C00, s8  }
0xb: {  	s26 =	smul.u32 $0x4F000, s8;
	s16 =	sshrl.u32 @p0 s16, $0x3;
	s2 =	sadd.s32 s2, s0  }
0xc: {  	s9 =	sshrl.u32 s5, $0x1;
	s6 =	sor.u32 s19, s6;
	s23 =	sshrl.u32 s7, $0x2  }
0xd: {  	s14 =	ssub.s32 s5, s9;
	s6 =	smul.u32 $0x4F00, s6;
	s18 =	sadd.s32 s23, s3  }
0xe: {  	s5 =	sadd.s32 $0x19200, s2;
	s12 =	sadd.s32 s12, s24;
	s2 =	sshrl.u32 s24, $0x3  }
0xf: {  	s12 =	sshrl.u32 s12, $0x3;
	s2 =	sadd.s32 s13, s2;
	s14 =	smax.u32 s14, $0x1  }
0x10: {  	s18 =	sshrl.u32 @!p0 s18, $0x3;
	s25 =	sshrl.u32 s6, $0x3;
	s6 =	sadd.s32 $0x3DB00, s0  }
.Ltmp0:
0x11: {  	s0 =	sadd.s32 s17, s26;
	s12 =	sadd.s32 s13, s12;
	(pc) =	sbr.rel .LBB2_1-.Ltmp0, $4  }
0x12: {  	s13 =	sadd.s32 $0x24900, s2;
	s2 =	sshll.u32 @!p0 s19, $0x6;
	s19 =	simm.s32 $0xD  }
0x13: {  	s7 =	sadd.s32 s15, s25;
	s0 =	sadd.s32 $0x500, s0;
	s17 =	sor.u32 @!p0 $0x1C0D, s2  }
0x14: {  	s8 =	sadd.s32 $0x20, s7;
	s9 =	sadd.s32 $0x40, s7;
	s0 =	sshrl.u32 s0, $0x3  }
0x15: {  	s10 =	sadd.s32 $0x60, s7;
	s11 =	sadd.s32 $0x80, s7;
	s0 =	sadd.s32 s0, s15  }
.LBB2_7:
0x16: {  	_ =	swait.ge [sflag:s28], $0x4000  }
0x17: {  	[sflag:s28] =	ssyncset.done $0x0  }
0x18: {  	[sflag:s28] =	ssyncadd.s32 $0xFFFFC000  }
0x19: {  	_ =	swait.ge [sflag:s29], $0x4000  }
0x1a: {  	[sflag:s29] =	ssyncset.done $0x0  }
0x1b: {  	[sflag:s29] =	ssyncadd.s32 $0xFFFFC000  }
0x1c: {  	_ =	swait.ge [sflag:s30], $0x4000  }
0x1d: {  	[sflag:s30] =	ssyncset.done $0x0  }
0x1e: {  	[sflag:s30] =	ssyncadd.s32 $0xFFFFC000  }
0x1f: {  	s2 =	simm.s32 @p0 $0x1FCD;
	[bflag:$0x0] =	sbarrier.arrive $0xFFFF  }
0x20: {  	[hbm:s13], [sflag:s2] =	dma.local @p0 [spmem:s16], $0x2880  }
0x21: {  	s2 =	simm.s32 @p0 $0xD  }
0x22: {  	s31 =	sadd.s32 $0x1, s31;
	_ =	swait.ge @p0 [sflag:s2], $0x2880  }
0x23: {  	p1 =	sne.s32 s31, s14;
	[sflag:s2] =	ssyncset.done @p0 $0x0  }
.Ltmp1:
0x24: {  	[sflag:s2] =	ssyncadd.s32 @p0 $0xFFFFD780;
	s2 =	simm.s32 @!p0 $0xD;
	(pc) =	sbr.rel @!p1 .LBB2_8-.Ltmp1, $4  }
0x25: {  	[hbm:s12], [sflag:s17] =	dma.local @!p0 [spmem:s18], $0x2700  }
0x26: {  	_ =	swait.ge @!p0 [sflag:s2], $0x2700  }
0x27: {  	[sflag:s2] =	ssyncset.done @!p0 $0x0  }
0x28: {  	[sflag:s2] =	ssyncadd.s32 @!p0 $0xFFFFD900  }
.LBB2_1:
0x29: {  	s2 =	simm.s32 @p0 $0x1FCD  }
0x2a: {  	[spmem:s16], [sflag:s2] =	dma.local @p0 [hbm:s6], $0x2880  }
0x2b: {  	s2 =	simm.s32 @p0 $0xD  }
0x2c: {  	_ =	swait.ge @p0 [sflag:s2], $0x2880  }
0x2d: {  	[sflag:s2] =	ssyncset.done @p0 $0x0  }
0x2e: {  	[sflag:s2] =	ssyncadd.s32 @p0 $0xFFFFD780;
	s2 =	simm.s32 @!p0 $0xD  }
0x2f: {  	[spmem:s18], [sflag:s17] =	dma.local @!p0 [hbm:s5], $0x2700  }
0x30: {  	_ =	swait.ge @!p0 [sflag:s2], $0x2700  }
0x31: {  	[sflag:s2] =	ssyncset.done @!p0 $0x0  }
0x32: {  	[sflag:s2] =	ssyncadd.s32 @!p0 $0xFFFFD900  }
0x33: {  	[bflag:$0x0] =	sbarrier.arrive $0xFFFF  }
0x34: {  	[tilespmem:s4], [sflag:$0xD] =	stream.linear.gather [hbm4b:s7+s4], $0x100, $0x38;
	[tilespmem:$0x1FEC0] =	vst v63  }
0x35: {  	_ =	swait.ge [sflag:s19], $0x100  }
0x36: {  	[sflag:s19] =	ssyncset.done $0x0  }
0x37: {  	[sflag:s19] =	ssyncadd.s32 $0xFFFFFF00  }
0x38: {  	[tilespmem:s20], [sflag:$0xD] =	stream.linear.gather [hbm4b:s8+s4], $0x100, $0x38;
	[tilespmem:$0x1FEC0] =	vst v63  }
0x39: {  	_ =	swait.ge [sflag:s19], $0x100  }
0x3a: {  	[sflag:s19] =	ssyncset.done $0x0  }
0x3b: {  	s22 =	simm.s32 $0x600;
	[sflag:s19] =	ssyncadd.s32 $0xFFFFFF00  }
0x3c: {  	[tilespmem:s22], [sflag:$0x7] =	stream.indirect.gather [hbm4b:s1+s21], $0x80, s4, s21, $0xb8;
	[tilespmem:$0x1FEC0] =	vst v63  }
0x3d: {  	s23 =	simm.s32 $0x4600  }
0x3e: {  	[tilespmem:s23], [sflag:$0x8] =	stream.indirect.gather [hbm4b:s1+s21], $0x80, s20, s21, $0xb8;
	[tilespmem:$0x1FEC0] =	vst v63  }
0x3f: {  	s24 =	simm.s32 $0x200  }
0x40: {  	[tilespmem:s24], [sflag:$0x3] =	stream.linear.gather [hbm4b:s9+s4], $0x100, $0x38;
	[tilespmem:$0x1FEC0] =	vst v63  }
.Ltmp2:
0x41: {  	_ = 	snop;
	(pc) =	sbr.rel .LBB2_2-.Ltmp2, $4  }
0x42: {  	s25 =	simm.s32 $0x300  }
0x43: {  	[tilespmem:s25], [sflag:$0x4] =	stream.linear.gather [hbm4b:s10+s4], $0x100, $0x38;
	[tilespmem:$0x1FEC0] =	vst v63  }
0x44: {  	s26 =	simm.s32 $0x400;
	s15 =	smov.u32 s0;
	s2 =	simm.s32 $0xFFFFFFFF  }
0x45: {  	[tilespmem:s26], [sflag:$0x5] =	stream.linear.gather [hbm4b:s11+s4], $0x100, $0x38;
	[tilespmem:$0x1FEC0] =	vst v63  }
.LBB2_3:
0x46: {  	s26 =	sadd.s32 $0xA, s22  }
0x47: {  	_ =	swait.ge [sflag:s26], $0x4000  }
0x48: {  	[sflag:s26] =	ssyncset.done $0x0  }
0x49: {  	[sflag:s26] =	ssyncadd.s32 $0xFFFFC000  }
.LBB2_5:
0x4a: {  	s25 =	sshrl.u32 s25, $0xA  }
0x4b: {  	s2 =	sadd.s32 $0x6, s2;
	s25 =	smul.u32 $0x6, s25  }
0x4c: {  	s26 =	smul.u32 $0xAB, s2  }
0x4d: {  	s24 =	ssub.s32 s24, s25  }
0x4e: {  	s26 =	sshrl.u32 s26, $0xA;
	s24 =	sand.u32 $0xFF, s24  }
0x4f: {  	s25 =	sand.u32 $0x3F, s26;
	s26 =	sadd.s32 $0x1, s24  }
0x50: {  	s25 =	smul.u32 $0x6, s25;
	_ =	swait.ge [sflag:s26], $0x100  }
0x51: {  	p1 =	sgt.u32 s23, $0x49;
	s24 =	sshll.u32 s24, $0x8;
	[sflag:s26] =	ssyncset.done $0x0  }
0x52: {  	s2 =	ssub.s32 s2, s25;
	[sflag:s26] =	ssyncadd.s32 $0xFFFFFF00;
	s26 =	sshll.u32 s22, $0xE  }
0x53: {  	s2 =	sand.u32 $0xFF, s2;
	s25 =	sor.u32 $0x600, s26;
	s26 =	sadd.s32 $0x7, s22  }
0x54: {  	[tilespmem:s25], [sflag:s26] =	stream.indirect.gather [hbm4b:s1+s21], $0x80, s24, s21, $0xb8;
	[tilespmem:$0x1FEC0] =	vst v63  }
0x55: {  	s22 =	sshll.u32 @!p1 s2, $0x8;
	s2 =	sadd.s32 @!p1 $0x1, s2;
	s24 =	simm.s32 @!p1 $0x0  }
0x56: {  	[tilespmem:s22], [sflag:s2] =	stream.linear.gather @!p1 [hbm4b:s15+s24], $0x100, $0x38;
	[tilespmem:$0x1FEC0] =	vst v63  }
.LBB2_6:
0x57: {  	s2 =	sand.u32 $0xFF, s23  }
0x58: {  	s2 =	smul.u32 $0xAB, s2;
	_ =	sdelay $0x1  }
0x59: {  	s22 =	sshrl.u32 s2, $0x9  }
0x5a: {  	s2 =	sshrl.u32 s2, $0xA;
	s22 =	smul.u32 $0x3, s22  }
0x5b: {  	s2 =	smul.u32 $0x6, s2  }
0x5c: {  	s22 =	ssub.s32 s23, s22  }
0x5d: {  	s2 =	ssub.s32 s23, s2;
	s22 =	sand.u32 $0xFF, s22  }
0x5e: {  	p1 =	sne.s32 s23, $0x4E;
	s2 =	sand.u32 $0xFF, s2;
	s24 =	sadd.s32 $0x7, s22  }
.Ltmp3:
0x5f: {  	s25 =	sshll.u32 s22, $0xE;
	_ =	swait.ge [sflag:s24], $0x4000;
	(pc) =	sbr.rel @!p1 .LBB2_7-.Ltmp3, $4  }
0x60: {  	s2 =	sshll.u32 s2, $0x8;
	s22 =	sadd.s32 $0xA, s22;
	[sflag:s24] =	ssyncset.done $0x0  }
0x61: {  	s25 =	sor.u32 $0x600, s25;
	s2 =	sor.u32 $0x80, s2;
	[sflag:s24] =	ssyncadd.s32 $0xFFFFC000  }
0x62: {  	[spmem:s3] =	stream.indirect.scatter.add.f32 [tilespmem:s25], [sflag:s22], $0x80, s2, s21, $0xb8;
	[tilespmem:$0x1FEC0] =	vst v63  }
0x63: {  	s15 =	sadd.s32 $0x20, s15;
	s2 =	smov.u32 s23  }
.LBB2_2:
0x64: {  	s24 =	sadd.s32 $0x3, s2  }
0x65: {  	s22 =	sand.u32 $0xFF, s24  }
0x66: {  	s25 =	smul.u32 $0xAB, s22  }
0x67: {  	p1 =	sgt.u32 s2, $0x4B  }
.Ltmp4:
0x68: {  	s22 =	sshrl.u32 s25, $0x9;
	(pc) =	sbr.rel @!p1 .LBB2_3-.Ltmp4, $3  }
0x69: {  	s22 =	smul.u32 $0x3, s22;
	_ =	sdelay $0x1  }
0x6a: {  	s22 =	ssub.s32 s24, s22  }
0x6b: {  	s23 =	sadd.s32 $0x1, s2;
	s22 =	sand.u32 $0xFF, s22  }
0x6c: {  	p1 =	sgt.u32 s23, $0x4C  }
.Ltmp5:
0x6d: {  	_ = 	snop;
	(pc) =	sbr.rel @p1 .LBB2_6-.Ltmp5, $4  }
.Ltmp6:
0x6e: {  	_ = 	snop;
	(pc) =	sbr.rel @!p1 .LBB2_5-.Ltmp6, $4  }
0x6f: {  	_ = 	snop  }
0x70: {  	_ = 	snop  }
0x71: {  	_ = 	snop  }
0x72: {  	_ = 	snop  }
.LBB2_8:
0x73: {  	_ =	sfence.sel $0x180000  }
0x74: {  	[bflag:$0x0] =	sbarrier.arrive $0xFFFF  }
0x75: {  	_ =	strace $0x90000047  }
0x76: {  	s0 =	stileid.u32;
	[bflag:$0x2] =	sbarrier.arrive $0xFFFF  }
0x77: {  	p0 =	sne.s32 s0, $0x0;
	s0 =	rddreg [dreg:$0x3]  }
0x78: {  	s0 =	sadd.s32 @!p0 $0x100000, s0  }
0x79: {  	[sflag:s0] =	ssyncadd.tile.s32 @!p0 $0x1;
	_ =	shalt  }
.Lfunc_end2:
_tile_overlayer_lowered:
.L_overlay_start_2:
0x7a: {  	(tag) =	ssettag $0x2  }
0x7b: {  	s0 =	rddreg [dreg:$0x0];
	s2 =	stileid.u32  }
0x7c: {  	s1 =	rddreg [dreg:$0x1];
	p0 =	sne.s32 s2, $0x0  }
0x7d: {  	s3 =	rddreg [dreg:$0x2];
	[bflag:$0x3] =	sbarrier.arrive $0xFFFF;
	s2 =	simm.s32 @!p0 $0x1C0D  }
0x7e: {  	[timem:s3], [sflag:s2] =	dma.local @!p0 [hbm:s0], s1  }
0x7f: {  	s0 =	simm.s32 @!p0 $0xD  }
0x80: {  	_ =	swait.ge @!p0 [sflag:s0], s1  }
0x81: {  	s1 =	ssub.s32 @!p0 $0x0, s1;
	[sflag:s0] =	ssyncset.done @!p0 $0x0  }
0x82: {  	[sflag:s0] =	ssyncadd.s32 @!p0 s1  }
0x83: {  	[bflag:$0x3] =	sbarrier.arrive $0xFFFF  }
0x84: {  	_ =	shalt  }

// kernel: kernel.21.cloned.1.call-start
scs
__scs_entry_jumppad:
0x0: {  	(pc) =	sbr.rel $0x88, $3  }
0x1: {  	(tag) =	ssettag $0x0;
	lr =	simm.s32 $0x1  }
0x2: {  	[smem:$0x3F95] =	sst lr;
	_ =	strace $0xD0000000  }
0x3: {  	_ = 	snop  }
0x4: {  	_ = 	snop  }
0x5: {  	_ = 	snop  }
0x6: {  	_ = 	snop  }
0x7: {  	_ = 	snop  }
__scs_overlays_trampoline_lowered:
0x8: {  	[smem:$0x3FA4] =	sst s0  }
0x9: {  	[smem:$0x3FA5] =	sst s1  }
0xa: {  	[smem:$0x3FA6] =	sst s2  }
0xb: {  	[smem:$0x3FA7] =	sst s3  }
0xc: {  	[smem:$0x3FA8] =	sst s4  }
0xd: {  	[smem:$0x3FA9] =	sst s5  }
0xe: {  	[smem:$0x3FAA] =	sst s6  }
0xf: {  	[smem:$0x3FAB] =	sst s7  }
0x10: {  	[smem:$0x3FAC] =	sst s8  }
0x11: {  	[smem:$0x3FAD] =	sst s9;
	s0 =	simm.s32 @!p0 $0x0  }
0x12: {  	s1 =	sld [smem:$0x3F93];
	s0 =	simm.s32 @p0 $0x1  }
0x13: {  	[smem:$0x3FAE] =	sst s0;
	s0 =	simm.s32 @!p1 $0x0  }
0x14: {  	s2 =	sld [smem:$0x3F92];
	s0 =	simm.s32 @p1 $0x1  }
0x15: {  	[smem:$0x3FAF] =	sst s0;
	s0 =	simm.s32 @!p2 $0x0  }
0x16: {  	s3 =	sld [smem:$0x3FDB];
	s0 =	simm.s32 @p2 $0x1  }
0x17: {  	s4 =	simm.s32 $0x1BF5;
	[smem:$0x3FB1] =	sst s0  }
0x18: {  	s0 =	sld [smem:$0x3F94];
	_ =	swait.ge [sflag:s4], $0x0  }
0x19: {  	s7 =	sld [smem:$0x3F95]  }
0x1a: {  	s8 =	sadd.s32 $0xFFFFE003, lr  }
0x1b: {  	s9 =	sadd.s32 $0xFFFFFEF7, lr;
	s5 =	simm.s32 $0xFFFFFFFF;
	p2 =	slt.u32 s8, $0xFFFFF086  }
0x1c: {  	p1 =	slt.u32 s9, $0xF7A;
	s5 =	simm.s32 @!p2 $0x0  }
0x1d: {  	s5 =	simm.s32 @p1 $0x1;
	p0 =	seq.s32 s7, s2  }
0x1e: {  	s7 =	smul.u32 @!p0 $0xF7A, s2;
	p2 =	seq.s32 @!p0 s5, $0x0  }
0x1f: {  	s9 =	smul.u32 $0xF7A, s1;
	s8 =	simm.s32 @!p0 $0x1BF5;
	p2 =	por !p2, p0  }
0x20: {  	[sflag:s8] =	ssyncset.s32 @!p0 $0xFFFFF086;
	s6 =	sadd.s32 @!p0 s3, s7;
	s7 =	simm.s32 @!p0 $0x108  }
0x21: {  	s3 =	sadd.s32 s3, s9;
	s6 =	sadd.s32 @!p0 $0x88, s6;
	s7 =	simm.s32 @p2 $0x1082  }
0x22: {  	[simem:s7], [sflag:s8] =	dma.local @!p0 [hbm:s6], $0xF7A  }
0x23: {  	s9 =	sor.u32 $0xD0000000, s2;
	s6 =	simm.s32 $0x108;
	_ =	swait.ge @!p0 [sflag:s8], $0x0  }
0x24: {  	s3 =	sadd.s32 $0x88, s3;
	s6 =	simm.s32 @!p1 $0x1082;
	[sflag:s4] =	ssyncset.s32 $0xFFFFF086  }
0x25: {  	[simem:s6], [sflag:s4] =	dma.local [hbm:s3], $0xF7A  }
0x26: {  	[smem:$0x3F95] =	sst s1;
	(tag) =	ssettag s2;
	_ =	strace s9  }
0x27: {  	s1 =	sld [smem:$0x3FA5]  }
0x28: {  	s2 =	sld [smem:$0x3FA6]  }
0x29: {  	s4 =	sld [smem:$0x3FA8]  }
0x2a: {  	p0 =	seq.s32 s5, $0x0;
	s5 =	sld [smem:$0x3FA9]  }
0x2b: {  	s6 =	sld [smem:$0x3FAA]  }
0x2c: {  	s7 =	sld [smem:$0x3FAB]  }
0x2d: {  	s3 =	simm.s32 $0x108;
	s8 =	sld [smem:$0x3FAC]  }
0x2e: {  	s3 =	simm.s32 @!p0 $0x1082;
	s9 =	sld [smem:$0x3FAD]  }
0x2f: {  	lr =	sadd.s32 s0, s3;
	s0 =	sld [smem:$0x3FA4]  }
0x30: {  	s3 =	sld [smem:$0x3FA7]  }
0x31: {  	[smem:$0x3FB0] =	sst s10  }
0x32: {  	s10 =	sld [smem:$0x3FAE];
	_ =	sdelay $0x3  }
0x33: {  	p0 =	seq.s32 s10, $0x1;
	s10 =	sld [smem:$0x3FB0];
	_ =	sdelay $0x3  }
0x34: {  	[smem:$0x3FB0] =	sst s10  }
0x35: {  	s10 =	sld [smem:$0x3FAF];
	_ =	sdelay $0x3  }
0x36: {  	p1 =	seq.s32 s10, $0x1;
	s10 =	sld [smem:$0x3FB0];
	_ =	sdelay $0x3  }
0x37: {  	[smem:$0x3FB0] =	sst s10  }
0x38: {  	s10 =	sld [smem:$0x3FB1]  }
0x39: {  	_ = 	snop;
	(pc) =	sbr.ind lr, $3  }
0x3a: {  	_ = 	snop  }
0x3b: {  	_ = 	snop  }
0x3c: {  	p2 =	seq.s32 s10, $0x1;
	s10 =	sld [smem:$0x3FB0]  }
0x3d: {  	_ =	shalt  }
0x3e: {  	_ =	shalt  }
0x3f: {  	_ =	shalt  }
0x40: {  	_ =	shalt  }
0x41: {  	_ =	shalt  }
0x42: {  	_ =	shalt  }
0x43: {  	_ =	shalt  }
0x44: {  	_ =	shalt  }
0x45: {  	_ =	shalt  }
0x46: {  	_ =	shalt  }
0x47: {  	_ =	shalt  }
0x48: {  	_ =	shalt  }
0x49: {  	_ =	shalt  }
0x4a: {  	_ =	shalt  }
0x4b: {  	_ =	shalt  }
0x4c: {  	_ =	shalt  }
0x4d: {  	_ =	shalt  }
0x4e: {  	_ =	shalt  }
0x4f: {  	_ =	shalt  }
0x50: {  	_ =	shalt  }
0x51: {  	_ =	shalt  }
0x52: {  	_ =	shalt  }
0x53: {  	_ =	shalt  }
0x54: {  	_ =	shalt  }
0x55: {  	_ =	shalt  }
0x56: {  	_ =	shalt  }
0x57: {  	_ =	shalt  }
0x58: {  	_ =	shalt  }
0x59: {  	_ =	shalt  }
0x5a: {  	_ =	shalt  }
0x5b: {  	_ =	shalt  }
0x5c: {  	_ =	shalt  }
0x5d: {  	_ =	shalt  }
0x5e: {  	_ =	shalt  }
0x5f: {  	_ =	shalt  }
0x60: {  	_ =	shalt  }
0x61: {  	_ =	shalt  }
0x62: {  	_ =	shalt  }
0x63: {  	_ =	shalt  }
0x64: {  	_ =	shalt  }
0x65: {  	_ =	shalt  }
0x66: {  	_ =	shalt  }
0x67: {  	_ =	shalt  }
0x68: {  	_ =	shalt  }
0x69: {  	_ =	shalt  }
0x6a: {  	_ =	shalt  }
0x6b: {  	_ =	shalt  }
0x6c: {  	_ =	shalt  }
0x6d: {  	_ =	shalt  }
0x6e: {  	_ =	shalt  }
0x6f: {  	_ =	shalt  }
0x70: {  	_ =	shalt  }
0x71: {  	_ =	shalt  }
0x72: {  	_ =	shalt  }
0x73: {  	_ =	shalt  }
0x74: {  	_ =	shalt  }
0x75: {  	_ =	shalt  }
0x76: {  	_ =	shalt  }
0x77: {  	_ =	shalt  }
0x78: {  	_ =	shalt  }
0x79: {  	_ =	shalt  }
0x7a: {  	_ =	shalt  }
0x7b: {  	_ =	shalt  }
0x7c: {  	_ =	shalt  }
0x7d: {  	_ =	shalt  }
0x7e: {  	_ =	shalt  }
0x7f: {  	_ =	shalt  }
0x80: {  	_ =	shalt  }
0x81: {  	_ =	shalt  }
0x82: {  	_ =	shalt  }
0x83: {  	_ =	shalt  }
0x84: {  	_ =	shalt  }
0x85: {  	_ =	shalt  }
0x86: {  	_ =	shalt  }
0x87: {  	_ =	shalt  }
.Lfunc_end0:
.L_simem_size_0:
called_computation.1_lowered:
.L_overlay_start_0:
0x88: {  	s2 =	sld [smem:$0x3FD9]  }
0x89: {  	s3 =	sld [smem:$0x3FFE];
	_ =	sdelay $0x1  }
0x8a: {  	s1 =	srdreg.scid  }
0x8b: {  	s0 =	sand.u32 $0x1, s1  }
0x8c: {  	s16 =	sshll.u32 s0, $0xA;
	s2 =	sadd.s32 s3, s2  }
0x8d: {  	s2 =	sadd.s32 s2, s16  }
0x8e: {  	[smem:$0x3FBC] =	sst s2  }
0x8f: {  	_ = 	snop  }
0x90: {  	(tm) =	ssettm $0x1  }
0x91: {  	s17 =	sld [smem:$0x3FFB];
	_ =	sdelay $0x3  }
0x92: {  	_ =	strace s17  }
0x93: {  	s2 =	sld [smem:$0x3FFC];
	_ =	sdelay $0x3  }
0x94: {  	_ =	strace s2  }
0x95: {  	s2 =	sld [smem:$0x3FFD];
	_ =	sdelay $0x3  }
0x96: {  	_ =	strace s2  }
0x97: {  	_ =	strace $0x8FFFFFFF  }
0x98: {  	s18 =	sld [smem:$0x3FDB];
	_ =	sdelay $0x1  }
0x99: {  	s19 =	simm.s32 $_scs_section_size  }
0x9a: {  	s4 =	simm.s32 $_size__tile_overlayer_lowered;
	s5 =	simm.s32 $_tile_overlayer_lowered  }
0x9b: {  	s22 =	simm.s32 $0x1BFF;
	s21 =	sshll.u32 s5, $0x1;
	s2 =	sadd.s32 s19, s18  }
0x9c: {  	s6 =	simm.s32 $0x0;
	s20 =	sshll.u32 s4, $0x1;
	s4 =	sadd.s32 s21, s2  }
0x9d: {  	[timem:s6], [sflag:s22] =	dma.local [hbm:s4], s20  }
0x9e: {  	_ =	swait.ge [sflag:s22], s20  }
0x9f: {  	s3 =	ssub.s32 $0x0, s20;
	[sflag:s22] =	ssyncset.done $0x0  }
0xa0: {  	[sflag:s22] =	ssyncadd.s32 s3;
	_ =	sdelay $0x1  }
0xa1: {  	s23 =	simm.s32 $0x1B8B  }
0xa2: {  	_ =	swait.ge [sflag:s23], $0x1  }
0xa3: {  	[sflag:s23] =	ssyncset.done $0x0  }
0xa4: {  	s25 =	simm.s32 $0x1B8E;
	s24 =	sld [smem:$0x3FFE];
	[sflag:s23] =	ssyncadd.s32 $0xFFFFFFFF  }
0xa5: {  	s26 =	simm.s32 $execute0_lowered;
	[smem:$0x3FD2] =	sst s25  }
0xa6: {  	s4 =	sshll.u32 s26, $0x1;
	_ =	strace $0x80000049;
	[dreg:$0x1] =	wrdreg $0xFFFFFFFF  }
0xa7: {  	s28 =	simm.s32 $_size_execute0_lowered;
	s2 =	sadd.s32 s2, s4;
	[dreg:$0x0] =	wrdreg $0x0  }
0xa8: {  	s4 =	sshll.u32 s28, $0x1;
	[dreg:$0x2] =	wrdreg s2  }
0xa9: {  	[dreg:$0x3] =	wrdreg s4  }
0xaa: {  	[dreg:$0x4] =	wrdreg $0xC0  }
0xab: {  	_ =	task [dreg:s6], $0x5FFFF  }
0xac: {  	[dreg:$0x1] =	wrdreg $0xFFFFFFFF  }
0xad: {  	[dreg:$0x0] =	wrdreg $0x60  }
0xae: {  	[dreg:$0x2] =	wrdreg s24  }
0xaf: {  	[dreg:$0x3] =	wrdreg $0xC6000  }
0xb0: {  	[dreg:$0x4] =	wrdreg $0x9  }
0xb1: {  	_ =	task.clear_ibuf [dreg:s6], $0x5FFFF;
	_ =	strace $0x90000049  }
0xb2: {  	s29 =	simm.s32 $0x9;
	_ =	strace $0x8000004B  }
0xb3: {  	_ =	swait.ge [sflag:s29], $0x1  }
0xb4: {  	[sflag:s29] =	ssyncadd.s32 $0xFFFFFFFF  }
0xb5: {  	_ =	strace $0x9000004B  }
0xb6: {  	_ =	sfence  }
0xb7: {  	s30 =	sld [smem:$0x0];
	_ =	sdelay $0x2  }
0xb8: {  	s31 =	sshll.u32 s1, $0xD;
	s1 =	sshrl.u32 s1, $0x2  }
0xb9: {  	s3 =	sand.u32 $0x4000, s31;
	s1 =	sadd.s32 s1, s30  }
0xba: {  	s0 =	sor.u32 s3, s0;
	s1 =	sshll.u32 s1, $0x11  }
0xbb: {  	s0 =	sor.u32 s1, s0  }
0xbc: {  	s0 =	sadd.s32 $0x8F2B, s0  }
0xbd: {  	[sflag:s0] =	ssyncadd.remote.s32 $0x1  }
0xbe: {  	_ =	sfence.sel $0xFFFF  }
0xbf: {  	[dreg:$0x0] =	wrdreg $0xFFFFFFFF;
	(pc) =	sbr.abs _section_cstart, $3  }
0xc0: {  	[dreg:$0x1] =	wrdreg $0xFFFFFFFF  }
0xc1: {  	_ =	task.clear_ibuf [dreg:s6], $0x2FFFF;
	_ =	strace $0x9FFFFFFF  }
0xc2: {  	(tm) =	ssettm $0x7FFFFFFF  }
0xc3: {  	_ =	shalt  }
tec
execute0_lowered:
.L_overlay_start_1:
0x0: {  	(tag) =	ssettag $0x1  }
0x1: {  	s0 =	rddreg [dreg:$0x0]  }
0x2: {  	s2 =	rddreg [dreg:$0x1]  }
0x3: {  	s3 =	simm.s32 $0x0;
	s19 =	stileid.u32;
	s5 =	srdreg.scid  }
0x4: {  	s20 =	simm.s32 $0x100;
	s21 =	simm.s32 $0x80;
	s28 =	simm.s32 $0xB  }
0x5: {  	s29 =	simm.s32 $0xC;
	s30 =	simm.s32 $0xA;
	s31 =	simm.s32 $0x0  }
0x6: {  	[smem:$0x7FF] =	sst s3;
	s1 =	smul.u32 $0x2700, s19;
	s4 =	sadd.s32 $0x40400, s0  }
0x7: {  	s15 =	sadd.s32 $0x5600, s0;
	s8 =	sand.u32 $0x1, s5;
	s7 =	smul.u32 $0x4E000, s19  }
0x8: {  	s13 =	sadd.s32 $0x8EE00, s0;
	s16 =	sadd.s32 $0x124800, s2;
	s12 =	smul.u32 $0x13800, s19  }
0x9: {  	s17 =	smul.u32 $0x4F00, s19;
	p0 =	seq.s32 s19, $0xF;
	_ =	strace $0x8000004A  }
0xa: {  	s5 =	ssub.s32 $0x2, s8;
	s6 =	sshll.u32 s8, $0x4;
	s24 =	smul.u32 $0x138C00, s8  }
0xb: {  	s26 =	smul.u32 $0x4F000, s8;
	s16 =	sshrl.u32 @p0 s16, $0x3;
	s1 =	sadd.s32 s1, s0  }
0xc: {  	s9 =	sshrl.u32 s5, $0x1;
	s6 =	sor.u32 s19, s6;
	s23 =	sshrl.u32 s7, $0x2  }
0xd: {  	s14 =	ssub.s32 s5, s9;
	s6 =	smul.u32 $0x4F00, s6;
	s18 =	sadd.s32 s23, s2  }
0xe: {  	s5 =	sadd.s32 $0x19200, s1;
	s12 =	sadd.s32 s12, s24;
	s1 =	sshrl.u32 s24, $0x3  }
0xf: {  	s12 =	sshrl.u32 s12, $0x3;
	s1 =	sadd.s32 s13, s1;
	s14 =	smax.u32 s14, $0x1  }
0x10: {  	s18 =	sshrl.u32 @!p0 s18, $0x3;
	s25 =	sshrl.u32 s6, $0x3;
	s6 =	sadd.s32 $0x3DB00, s0  }
.Ltmp0:
0x11: {  	s0 =	sadd.s32 s17, s26;
	s12 =	sadd.s32 s13, s12;
	(pc) =	sbr.rel .LBB2_1-.Ltmp0, $4  }
0x12: {  	s13 =	sadd.s32 $0x24900, s1;
	s1 =	sshll.u32 @!p0 s19, $0x6;
	s19 =	simm.s32 $0xD  }
0x13: {  	s7 =	sadd.s32 s15, s25;
	s0 =	sadd.s32 $0x500, s0;
	s17 =	sor.u32 @!p0 $0x1C0D, s1  }
0x14: {  	s8 =	sadd.s32 $0x20, s7;
	s9 =	sadd.s32 $0x40, s7;
	s0 =	sshrl.u32 s0, $0x3  }
0x15: {  	s10 =	sadd.s32 $0x60, s7;
	s11 =	sadd.s32 $0x80, s7;
	s0 =	sadd.s32 s0, s15  }
.LBB2_7:
0x16: {  	_ =	swait.ge [sflag:s28], $0x4000  }
0x17: {  	[sflag:s28] =	ssyncset.done $0x0  }
0x18: {  	[sflag:s28] =	ssyncadd.s32 $0xFFFFC000  }
0x19: {  	_ =	swait.ge [sflag:s29], $0x4000  }
0x1a: {  	[sflag:s29] =	ssyncset.done $0x0  }
0x1b: {  	[sflag:s29] =	ssyncadd.s32 $0xFFFFC000  }
0x1c: {  	_ =	swait.ge [sflag:s30], $0x4000  }
0x1d: {  	[sflag:s30] =	ssyncset.done $0x0  }
0x1e: {  	[sflag:s30] =	ssyncadd.s32 $0xFFFFC000  }
0x1f: {  	s1 =	simm.s32 @p0 $0x1FCD;
	[bflag:$0x0] =	sbarrier.arrive $0xFFFF  }
0x20: {  	[hbm:s13], [sflag:s1] =	dma.local @p0 [spmem:s16], $0x2880  }
0x21: {  	s1 =	simm.s32 @p0 $0xD  }
0x22: {  	s31 =	sadd.s32 $0x1, s31;
	_ =	swait.ge @p0 [sflag:s1], $0x2880  }
0x23: {  	p1 =	sne.s32 s31, s14;
	[sflag:s1] =	ssyncset.done @p0 $0x0  }
.Ltmp1:
0x24: {  	[sflag:s1] =	ssyncadd.s32 @p0 $0xFFFFD780;
	s1 =	simm.s32 @!p0 $0xD;
	(pc) =	sbr.rel @!p1 .LBB2_8-.Ltmp1, $4  }
0x25: {  	[hbm:s12], [sflag:s17] =	dma.local @!p0 [spmem:s18], $0x2700  }
0x26: {  	_ =	swait.ge @!p0 [sflag:s1], $0x2700  }
0x27: {  	[sflag:s1] =	ssyncset.done @!p0 $0x0  }
0x28: {  	[sflag:s1] =	ssyncadd.s32 @!p0 $0xFFFFD900  }
.LBB2_1:
0x29: {  	s1 =	simm.s32 @p0 $0x1FCD  }
0x2a: {  	[spmem:s16], [sflag:s1] =	dma.local @p0 [hbm:s6], $0x2880  }
0x2b: {  	s1 =	simm.s32 @p0 $0xD  }
0x2c: {  	_ =	swait.ge @p0 [sflag:s1], $0x2880  }
0x2d: {  	[sflag:s1] =	ssyncset.done @p0 $0x0  }
0x2e: {  	[sflag:s1] =	ssyncadd.s32 @p0 $0xFFFFD780;
	s1 =	simm.s32 @!p0 $0xD  }
0x2f: {  	[spmem:s18], [sflag:s17] =	dma.local @!p0 [hbm:s5], $0x2700  }
0x30: {  	_ =	swait.ge @!p0 [sflag:s1], $0x2700  }
0x31: {  	[sflag:s1] =	ssyncset.done @!p0 $0x0  }
0x32: {  	[sflag:s1] =	ssyncadd.s32 @!p0 $0xFFFFD900  }
0x33: {  	[bflag:$0x0] =	sbarrier.arrive $0xFFFF  }
0x34: {  	[tilespmem:s3], [sflag:$0xD] =	stream.linear.gather [hbm4b:s7+s3], $0x100, $0x38;
	[tilespmem:$0x1FEC0] =	vst v63  }
0x35: {  	_ =	swait.ge [sflag:s19], $0x100  }
0x36: {  	[sflag:s19] =	ssyncset.done $0x0  }
0x37: {  	[sflag:s19] =	ssyncadd.s32 $0xFFFFFF00  }
0x38: {  	[tilespmem:s20], [sflag:$0xD] =	stream.linear.gather [hbm4b:s8+s3], $0x100, $0x38;
	[tilespmem:$0x1FEC0] =	vst v63  }
0x39: {  	_ =	swait.ge [sflag:s19], $0x100  }
0x3a: {  	[sflag:s19] =	ssyncset.done $0x0  }
0x3b: {  	s22 =	simm.s32 $0x600;
	[sflag:s19] =	ssyncadd.s32 $0xFFFFFF00  }
0x3c: {  	[tilespmem:s22], [sflag:$0x7] =	stream.indirect.gather [hbm4b:s4+s21], $0x80, s3, s21, $0xb8;
	[tilespmem:$0x1FEC0] =	vst v63  }
0x3d: {  	s23 =	simm.s32 $0x4600  }
0x3e: {  	[tilespmem:s23], [sflag:$0x8] =	stream.indirect.gather [hbm4b:s4+s21], $0x80, s20, s21, $0xb8;
	[tilespmem:$0x1FEC0] =	vst v63  }
0x3f: {  	s24 =	simm.s32 $0x200  }
0x40: {  	[tilespmem:s24], [sflag:$0x3] =	stream.linear.gather [hbm4b:s9+s3], $0x100, $0x38;
	[tilespmem:$0x1FEC0] =	vst v63  }
.Ltmp2:
0x41: {  	_ = 	snop;
	(pc) =	sbr.rel .LBB2_2-.Ltmp2, $4  }
0x42: {  	s25 =	simm.s32 $0x300  }
0x43: {  	[tilespmem:s25], [sflag:$0x4] =	stream.linear.gather [hbm4b:s10+s3], $0x100, $0x38;
	[tilespmem:$0x1FEC0] =	vst v63  }
0x44: {  	s26 =	simm.s32 $0x400;
	s15 =	smov.u32 s0;
	s1 =	simm.s32 $0xFFFFFFFF  }
0x45: {  	[tilespmem:s26], [sflag:$0x5] =	stream.linear.gather [hbm4b:s11+s3], $0x100, $0x38;
	[tilespmem:$0x1FEC0] =	vst v63  }
.LBB2_3:
0x46: {  	s26 =	sadd.s32 $0xA, s22  }
0x47: {  	_ =	swait.ge [sflag:s26], $0x4000  }
0x48: {  	[sflag:s26] =	ssyncset.done $0x0  }
0x49: {  	[sflag:s26] =	ssyncadd.s32 $0xFFFFC000  }
.LBB2_5:
0x4a: {  	s25 =	sshrl.u32 s25, $0xA  }
0x4b: {  	s1 =	sadd.s32 $0x6, s1;
	s25 =	smul.u32 $0x6, s25  }
0x4c: {  	s26 =	smul.u32 $0xAB, s1  }
0x4d: {  	s24 =	ssub.s32 s24, s25  }
0x4e: {  	s26 =	sshrl.u32 s26, $0xA;
	s24 =	sand.u32 $0xFF, s24  }
0x4f: {  	s25 =	sand.u32 $0x3F, s26;
	s26 =	sadd.s32 $0x1, s24  }
0x50: {  	s25 =	smul.u32 $0x6, s25;
	_ =	swait.ge [sflag:s26], $0x100  }
0x51: {  	p1 =	sgt.u32 s23, $0x49;
	s24 =	sshll.u32 s24, $0x8;
	[sflag:s26] =	ssyncset.done $0x0  }
0x52: {  	s1 =	ssub.s32 s1, s25;
	[sflag:s26] =	ssyncadd.s32 $0xFFFFFF00;
	s26 =	sshll.u32 s22, $0xE  }
0x53: {  	s1 =	sand.u32 $0xFF, s1;
	s25 =	sor.u32 $0x600, s26;
	s26 =	sadd.s32 $0x7, s22  }
0x54: {  	[tilespmem:s25], [sflag:s26] =	stream.indirect.gather [hbm4b:s4+s21], $0x80, s24, s21, $0xb8;
	[tilespmem:$0x1FEC0] =	vst v63  }
0x55: {  	s22 =	sshll.u32 @!p1 s1, $0x8;
	s1 =	sadd.s32 @!p1 $0x1, s1;
	s24 =	simm.s32 @!p1 $0x0  }
0x56: {  	[tilespmem:s22], [sflag:s1] =	stream.linear.gather @!p1 [hbm4b:s15+s24], $0x100, $0x38;
	[tilespmem:$0x1FEC0] =	vst v63  }
.LBB2_6:
0x57: {  	s1 =	sand.u32 $0xFF, s23  }
0x58: {  	s1 =	smul.u32 $0xAB, s1;
	_ =	sdelay $0x1  }
0x59: {  	s22 =	sshrl.u32 s1, $0x9  }
0x5a: {  	s1 =	sshrl.u32 s1, $0xA;
	s22 =	smul.u32 $0x3, s22  }
0x5b: {  	s1 =	smul.u32 $0x6, s1  }
0x5c: {  	s22 =	ssub.s32 s23, s22  }
0x5d: {  	s1 =	ssub.s32 s23, s1;
	s22 =	sand.u32 $0xFF, s22  }
0x5e: {  	p1 =	sne.s32 s23, $0x4E;
	s1 =	sand.u32 $0xFF, s1;
	s24 =	sadd.s32 $0x7, s22  }
.Ltmp3:
0x5f: {  	s25 =	sshll.u32 s22, $0xE;
	_ =	swait.ge [sflag:s24], $0x4000;
	(pc) =	sbr.rel @!p1 .LBB2_7-.Ltmp3, $4  }
0x60: {  	s1 =	sshll.u32 s1, $0x8;
	s22 =	sadd.s32 $0xA, s22;
	[sflag:s24] =	ssyncset.done $0x0  }
0x61: {  	s25 =	sor.u32 $0x600, s25;
	s1 =	sor.u32 $0x80, s1;
	[sflag:s24] =	ssyncadd.s32 $0xFFFFC000  }
0x62: {  	[spmem:s2] =	stream.indirect.scatter.add.f32 [tilespmem:s25], [sflag:s22], $0x80, s1, s21, $0xb8;
	[tilespmem:$0x1FEC0] =	vst v63  }
0x63: {  	s15 =	sadd.s32 $0x20, s15;
	s1 =	smov.u32 s23  }
.LBB2_2:
0x64: {  	s24 =	sadd.s32 $0x3, s1  }
0x65: {  	s22 =	sand.u32 $0xFF, s24  }
0x66: {  	s25 =	smul.u32 $0xAB, s22  }
0x67: {  	p1 =	sgt.u32 s1, $0x4B  }
.Ltmp4:
0x68: {  	s22 =	sshrl.u32 s25, $0x9;
	(pc) =	sbr.rel @!p1 .LBB2_3-.Ltmp4, $3  }
0x69: {  	s22 =	smul.u32 $0x3, s22;
	_ =	sdelay $0x1  }
0x6a: {  	s22 =	ssub.s32 s24, s22  }
0x6b: {  	s23 =	sadd.s32 $0x1, s1;
	s22 =	sand.u32 $0xFF, s22  }
0x6c: {  	p1 =	sgt.u32 s23, $0x4C  }
.Ltmp5:
0x6d: {  	_ = 	snop;
	(pc) =	sbr.rel @p1 .LBB2_6-.Ltmp5, $4  }
.Ltmp6:
0x6e: {  	_ = 	snop;
	(pc) =	sbr.rel @!p1 .LBB2_5-.Ltmp6, $4  }
0x6f: {  	_ = 	snop  }
0x70: {  	_ = 	snop  }
0x71: {  	_ = 	snop  }
0x72: {  	_ = 	snop  }
.LBB2_8:
0x73: {  	_ =	sfence.sel $0x180000  }
0x74: {  	[bflag:$0x0] =	sbarrier.arrive $0xFFFF  }
0x75: {  	_ =	strace $0x9000004A  }
0x76: {  	s0 =	stileid.u32;
	[bflag:$0x2] =	sbarrier.arrive $0xFFFF  }
0x77: {  	p0 =	sne.s32 s0, $0x0;
	s0 =	rddreg [dreg:$0x2]  }
0x78: {  	s0 =	sadd.s32 @!p0 $0x100000, s0  }
0x79: {  	[sflag:s0] =	ssyncadd.tile.s32 @!p0 $0x1;
	_ =	shalt  }
.Lfunc_end2:
_tile_overlayer_lowered:
.L_overlay_start_2:
0x7a: {  	(tag) =	ssettag $0x2  }
0x7b: {  	s0 =	rddreg [dreg:$0x0];
	s2 =	stileid.u32  }
0x7c: {  	s1 =	rddreg [dreg:$0x1];
	p0 =	sne.s32 s2, $0x0  }
0x7d: {  	s3 =	rddreg [dreg:$0x2];
	[bflag:$0x3] =	sbarrier.arrive $0xFFFF;
	s2 =	simm.s32 @!p0 $0x1C0D  }
0x7e: {  	[timem:s3], [sflag:s2] =	dma.local @!p0 [hbm:s0], s1  }
0x7f: {  	s0 =	simm.s32 @!p0 $0xD  }
0x80: {  	_ =	swait.ge @!p0 [sflag:s0], s1  }
0x81: {  	s1 =	ssub.s32 @!p0 $0x0, s1;
	[sflag:s0] =	ssyncset.done @!p0 $0x0  }
0x82: {  	[sflag:s0] =	ssyncadd.s32 @!p0 s1  }
0x83: {  	[bflag:$0x3] =	sbarrier.arrive $0xFFFF  }
0x84: {  	_ =	shalt  }

// kernel: kernel.24.cloned.1.call-start
scs
__scs_entry_jumppad:
0x0: {  	(pc) =	sbr.rel $0x88, $3  }
0x1: {  	(tag) =	ssettag $0x0;
	lr =	simm.s32 $0x1  }
0x2: {  	[smem:$0x3F95] =	sst lr;
	_ =	strace $0xD0000000  }
0x3: {  	_ = 	snop  }
0x4: {  	_ = 	snop  }
0x5: {  	_ = 	snop  }
0x6: {  	_ = 	snop  }
0x7: {  	_ = 	snop  }
__scs_overlays_trampoline_lowered:
0x8: {  	[smem:$0x3FA4] =	sst s0  }
0x9: {  	[smem:$0x3FA5] =	sst s1  }
0xa: {  	[smem:$0x3FA6] =	sst s2  }
0xb: {  	[smem:$0x3FA7] =	sst s3  }
0xc: {  	[smem:$0x3FA8] =	sst s4  }
0xd: {  	[smem:$0x3FA9] =	sst s5  }
0xe: {  	[smem:$0x3FAA] =	sst s6  }
0xf: {  	[smem:$0x3FAB] =	sst s7  }
0x10: {  	[smem:$0x3FAC] =	sst s8  }
0x11: {  	[smem:$0x3FAD] =	sst s9;
	s0 =	simm.s32 @!p0 $0x0  }
0x12: {  	s1 =	sld [smem:$0x3F93];
	s0 =	simm.s32 @p0 $0x1  }
0x13: {  	[smem:$0x3FAE] =	sst s0;
	s0 =	simm.s32 @!p1 $0x0  }
0x14: {  	s2 =	sld [smem:$0x3F92];
	s0 =	simm.s32 @p1 $0x1  }
0x15: {  	[smem:$0x3FAF] =	sst s0;
	s0 =	simm.s32 @!p2 $0x0  }
0x16: {  	s3 =	sld [smem:$0x3FDB];
	s0 =	simm.s32 @p2 $0x1  }
0x17: {  	s4 =	simm.s32 $0x1BF5;
	[smem:$0x3FB1] =	sst s0  }
0x18: {  	s0 =	sld [smem:$0x3F94];
	_ =	swait.ge [sflag:s4], $0x0  }
0x19: {  	s7 =	sld [smem:$0x3F95]  }
0x1a: {  	s8 =	sadd.s32 $0xFFFFE003, lr  }
0x1b: {  	s9 =	sadd.s32 $0xFFFFFEF7, lr;
	s5 =	simm.s32 $0xFFFFFFFF;
	p2 =	slt.u32 s8, $0xFFFFF086  }
0x1c: {  	p1 =	slt.u32 s9, $0xF7A;
	s5 =	simm.s32 @!p2 $0x0  }
0x1d: {  	s5 =	simm.s32 @p1 $0x1;
	p0 =	seq.s32 s7, s2  }
0x1e: {  	s7 =	smul.u32 @!p0 $0xF7A, s2;
	p2 =	seq.s32 @!p0 s5, $0x0  }
0x1f: {  	s9 =	smul.u32 $0xF7A, s1;
	s8 =	simm.s32 @!p0 $0x1BF5;
	p2 =	por !p2, p0  }
0x20: {  	[sflag:s8] =	ssyncset.s32 @!p0 $0xFFFFF086;
	s6 =	sadd.s32 @!p0 s3, s7;
	s7 =	simm.s32 @!p0 $0x108  }
0x21: {  	s3 =	sadd.s32 s3, s9;
	s6 =	sadd.s32 @!p0 $0x88, s6;
	s7 =	simm.s32 @p2 $0x1082  }
0x22: {  	[simem:s7], [sflag:s8] =	dma.local @!p0 [hbm:s6], $0xF7A  }
0x23: {  	s9 =	sor.u32 $0xD0000000, s2;
	s6 =	simm.s32 $0x108;
	_ =	swait.ge @!p0 [sflag:s8], $0x0  }
0x24: {  	s3 =	sadd.s32 $0x88, s3;
	s6 =	simm.s32 @!p1 $0x1082;
	[sflag:s4] =	ssyncset.s32 $0xFFFFF086  }
0x25: {  	[simem:s6], [sflag:s4] =	dma.local [hbm:s3], $0xF7A  }
0x26: {  	[smem:$0x3F95] =	sst s1;
	(tag) =	ssettag s2;
	_ =	strace s9  }
0x27: {  	s1 =	sld [smem:$0x3FA5]  }
0x28: {  	s2 =	sld [smem:$0x3FA6]  }
0x29: {  	s4 =	sld [smem:$0x3FA8]  }
0x2a: {  	p0 =	seq.s32 s5, $0x0;
	s5 =	sld [smem:$0x3FA9]  }
0x2b: {  	s6 =	sld [smem:$0x3FAA]  }
0x2c: {  	s7 =	sld [smem:$0x3FAB]  }
0x2d: {  	s3 =	simm.s32 $0x108;
	s8 =	sld [smem:$0x3FAC]  }
0x2e: {  	s3 =	simm.s32 @!p0 $0x1082;
	s9 =	sld [smem:$0x3FAD]  }
0x2f: {  	lr =	sadd.s32 s0, s3;
	s0 =	sld [smem:$0x3FA4]  }
0x30: {  	s3 =	sld [smem:$0x3FA7]  }
0x31: {  	[smem:$0x3FB0] =	sst s10  }
0x32: {  	s10 =	sld [smem:$0x3FAE];
	_ =	sdelay $0x3  }
0x33: {  	p0 =	seq.s32 s10, $0x1;
	s10 =	sld [smem:$0x3FB0];
	_ =	sdelay $0x3  }
0x34: {  	[smem:$0x3FB0] =	sst s10  }
0x35: {  	s10 =	sld [smem:$0x3FAF];
	_ =	sdelay $0x3  }
0x36: {  	p1 =	seq.s32 s10, $0x1;
	s10 =	sld [smem:$0x3FB0];
	_ =	sdelay $0x3  }
0x37: {  	[smem:$0x3FB0] =	sst s10  }
0x38: {  	s10 =	sld [smem:$0x3FB1]  }
0x39: {  	_ = 	snop;
	(pc) =	sbr.ind lr, $3  }
0x3a: {  	_ = 	snop  }
0x3b: {  	_ = 	snop  }
0x3c: {  	p2 =	seq.s32 s10, $0x1;
	s10 =	sld [smem:$0x3FB0]  }
0x3d: {  	_ =	shalt  }
0x3e: {  	_ =	shalt  }
0x3f: {  	_ =	shalt  }
0x40: {  	_ =	shalt  }
0x41: {  	_ =	shalt  }
0x42: {  	_ =	shalt  }
0x43: {  	_ =	shalt  }
0x44: {  	_ =	shalt  }
0x45: {  	_ =	shalt  }
0x46: {  	_ =	shalt  }
0x47: {  	_ =	shalt  }
0x48: {  	_ =	shalt  }
0x49: {  	_ =	shalt  }
0x4a: {  	_ =	shalt  }
0x4b: {  	_ =	shalt  }
0x4c: {  	_ =	shalt  }
0x4d: {  	_ =	shalt  }
0x4e: {  	_ =	shalt  }
0x4f: {  	_ =	shalt  }
0x50: {  	_ =	shalt  }
0x51: {  	_ =	shalt  }
0x52: {  	_ =	shalt  }
0x53: {  	_ =	shalt  }
0x54: {  	_ =	shalt  }
0x55: {  	_ =	shalt  }
0x56: {  	_ =	shalt  }
0x57: {  	_ =	shalt  }
0x58: {  	_ =	shalt  }
0x59: {  	_ =	shalt  }
0x5a: {  	_ =	shalt  }
0x5b: {  	_ =	shalt  }
0x5c: {  	_ =	shalt  }
0x5d: {  	_ =	shalt  }
0x5e: {  	_ =	shalt  }
0x5f: {  	_ =	shalt  }
0x60: {  	_ =	shalt  }
0x61: {  	_ =	shalt  }
0x62: {  	_ =	shalt  }
0x63: {  	_ =	shalt  }
0x64: {  	_ =	shalt  }
0x65: {  	_ =	shalt  }
0x66: {  	_ =	shalt  }
0x67: {  	_ =	shalt  }
0x68: {  	_ =	shalt  }
0x69: {  	_ =	shalt  }
0x6a: {  	_ =	shalt  }
0x6b: {  	_ =	shalt  }
0x6c: {  	_ =	shalt  }
0x6d: {  	_ =	shalt  }
0x6e: {  	_ =	shalt  }
0x6f: {  	_ =	shalt  }
0x70: {  	_ =	shalt  }
0x71: {  	_ =	shalt  }
0x72: {  	_ =	shalt  }
0x73: {  	_ =	shalt  }
0x74: {  	_ =	shalt  }
0x75: {  	_ =	shalt  }
0x76: {  	_ =	shalt  }
0x77: {  	_ =	shalt  }
0x78: {  	_ =	shalt  }
0x79: {  	_ =	shalt  }
0x7a: {  	_ =	shalt  }
0x7b: {  	_ =	shalt  }
0x7c: {  	_ =	shalt  }
0x7d: {  	_ =	shalt  }
0x7e: {  	_ =	shalt  }
0x7f: {  	_ =	shalt  }
0x80: {  	_ =	shalt  }
0x81: {  	_ =	shalt  }
0x82: {  	_ =	shalt  }
0x83: {  	_ =	shalt  }
0x84: {  	_ =	shalt  }
0x85: {  	_ =	shalt  }
0x86: {  	_ =	shalt  }
0x87: {  	_ =	shalt  }
.Lfunc_end0:
.L_simem_size_0:
called_computation.2_lowered:
.L_overlay_start_0:
0x88: {  	s2 =	sld [smem:$0x3FD9]  }
0x89: {  	s3 =	sld [smem:$0x3FFE];
	_ =	sdelay $0x1  }
0x8a: {  	s1 =	srdreg.scid  }
0x8b: {  	s0 =	sand.u32 $0x1, s1  }
0x8c: {  	s16 =	sshll.u32 s0, $0xA;
	s2 =	sadd.s32 s3, s2  }
0x8d: {  	s2 =	sadd.s32 s2, s16  }
0x8e: {  	[smem:$0x3FBC] =	sst s2  }
0x8f: {  	_ = 	snop  }
0x90: {  	(tm) =	ssettm $0x1  }
0x91: {  	s17 =	sld [smem:$0x3FFB];
	_ =	sdelay $0x3  }
0x92: {  	_ =	strace s17  }
0x93: {  	s2 =	sld [smem:$0x3FFC];
	_ =	sdelay $0x3  }
0x94: {  	_ =	strace s2  }
0x95: {  	s2 =	sld [smem:$0x3FFD];
	_ =	sdelay $0x3  }
0x96: {  	_ =	strace s2  }
0x97: {  	_ =	strace $0x8FFFFFFF  }
0x98: {  	s18 =	sld [smem:$0x3FDB];
	_ =	sdelay $0x1  }
0x99: {  	s19 =	simm.s32 $_scs_section_size  }
0x9a: {  	s4 =	simm.s32 $_size__tile_overlayer_lowered;
	s5 =	simm.s32 $_tile_overlayer_lowered  }
0x9b: {  	s22 =	simm.s32 $0x1BFF;
	s21 =	sshll.u32 s5, $0x1;
	s2 =	sadd.s32 s19, s18  }
0x9c: {  	s6 =	simm.s32 $0x0;
	s20 =	sshll.u32 s4, $0x1;
	s4 =	sadd.s32 s21, s2  }
0x9d: {  	[timem:s6], [sflag:s22] =	dma.local [hbm:s4], s20  }
0x9e: {  	_ =	swait.ge [sflag:s22], s20  }
0x9f: {  	s3 =	ssub.s32 $0x0, s20;
	[sflag:s22] =	ssyncset.done $0x0  }
0xa0: {  	[sflag:s22] =	ssyncadd.s32 s3;
	_ =	sdelay $0x1  }
0xa1: {  	s23 =	simm.s32 $0x1B8B  }
0xa2: {  	_ =	swait.ge [sflag:s23], $0x1  }
0xa3: {  	[sflag:s23] =	ssyncset.done $0x0  }
0xa4: {  	s25 =	simm.s32 $0x1B8E;
	s24 =	sld [smem:$0x3FFE];
	[sflag:s23] =	ssyncadd.s32 $0xFFFFFFFF  }
0xa5: {  	s26 =	simm.s32 $execute0_lowered;
	[smem:$0x3FD2] =	sst s25  }
0xa6: {  	s4 =	sshll.u32 s26, $0x1;
	_ =	strace $0x8000004C;
	[dreg:$0x1] =	wrdreg $0xFFFFFFFF  }
0xa7: {  	s28 =	simm.s32 $_size_execute0_lowered;
	s2 =	sadd.s32 s2, s4;
	[dreg:$0x0] =	wrdreg $0x0  }
0xa8: {  	s4 =	sshll.u32 s28, $0x1;
	[dreg:$0x2] =	wrdreg s2  }
0xa9: {  	[dreg:$0x3] =	wrdreg s4  }
0xaa: {  	[dreg:$0x4] =	wrdreg $0xC0  }
0xab: {  	_ =	task [dreg:s6], $0x5FFFF  }
0xac: {  	[dreg:$0x1] =	wrdreg $0xFFFFFFFF  }
0xad: {  	[dreg:$0x0] =	wrdreg $0x60  }
0xae: {  	[dreg:$0x2] =	wrdreg s24  }
0xaf: {  	[dreg:$0x3] =	wrdreg $0xC6000  }
0xb0: {  	[dreg:$0x4] =	wrdreg $0x9  }
0xb1: {  	_ =	task.clear_ibuf [dreg:s6], $0x5FFFF;
	_ =	strace $0x9000004C  }
0xb2: {  	s29 =	simm.s32 $0x9;
	_ =	strace $0x8000004E  }
0xb3: {  	_ =	swait.ge [sflag:s29], $0x1  }
0xb4: {  	[sflag:s29] =	ssyncadd.s32 $0xFFFFFFFF  }
0xb5: {  	_ =	strace $0x9000004E  }
0xb6: {  	_ =	sfence  }
0xb7: {  	s30 =	sld [smem:$0x0];
	_ =	sdelay $0x2  }
0xb8: {  	s31 =	sshll.u32 s1, $0xD;
	s1 =	sshrl.u32 s1, $0x2  }
0xb9: {  	s3 =	sand.u32 $0x4000, s31;
	s1 =	sadd.s32 s1, s30  }
0xba: {  	s0 =	sor.u32 s3, s0;
	s1 =	sshll.u32 s1, $0x11  }
0xbb: {  	s0 =	sor.u32 s1, s0  }
0xbc: {  	s0 =	sadd.s32 $0x8F2B, s0  }
0xbd: {  	[sflag:s0] =	ssyncadd.remote.s32 $0x1  }
0xbe: {  	_ =	sfence.sel $0xFFFF  }
0xbf: {  	[dreg:$0x0] =	wrdreg $0xFFFFFFFF;
	(pc) =	sbr.abs _section_cstart, $3  }
0xc0: {  	[dreg:$0x1] =	wrdreg $0xFFFFFFFF  }
0xc1: {  	_ =	task.clear_ibuf [dreg:s6], $0x2FFFF;
	_ =	strace $0x9FFFFFFF  }
0xc2: {  	(tm) =	ssettm $0x7FFFFFFF  }
0xc3: {  	_ =	shalt  }
tec
execute0_lowered:
.L_overlay_start_1:
0x0: {  	(tag) =	ssettag $0x1  }
0x1: {  	s0 =	rddreg [dreg:$0x0]  }
0x2: {  	s2 =	rddreg [dreg:$0x1]  }
0x3: {  	s3 =	simm.s32 $0x0;
	s19 =	stileid.u32;
	s5 =	srdreg.scid  }
0x4: {  	s20 =	simm.s32 $0x100;
	s21 =	simm.s32 $0x80;
	s28 =	simm.s32 $0xB  }
0x5: {  	s29 =	simm.s32 $0xC;
	s30 =	simm.s32 $0xA;
	s31 =	simm.s32 $0x0  }
0x6: {  	[smem:$0x7FF] =	sst s3;
	s1 =	smul.u32 $0x2700, s19;
	s4 =	sadd.s32 $0x40400, s0  }
0x7: {  	s15 =	sadd.s32 $0x5600, s0;
	s8 =	sand.u32 $0x1, s5;
	s7 =	smul.u32 $0x4E000, s19  }
0x8: {  	s13 =	sadd.s32 $0x8EE00, s0;
	s16 =	sadd.s32 $0x124800, s2;
	s12 =	smul.u32 $0x13800, s19  }
0x9: {  	s17 =	smul.u32 $0x4F00, s19;
	p0 =	seq.s32 s19, $0xF;
	_ =	strace $0x8000004D  }
0xa: {  	s5 =	ssub.s32 $0x2, s8;
	s6 =	sshll.u32 s8, $0x4;
	s24 =	smul.u32 $0x138C00, s8  }
0xb: {  	s26 =	smul.u32 $0x4F000, s8;
	s16 =	sshrl.u32 @p0 s16, $0x3;
	s1 =	sadd.s32 s1, s0  }
0xc: {  	s9 =	sshrl.u32 s5, $0x1;
	s6 =	sor.u32 s19, s6;
	s23 =	sshrl.u32 s7, $0x2  }
0xd: {  	s14 =	ssub.s32 s5, s9;
	s6 =	smul.u32 $0x4F00, s6;
	s18 =	sadd.s32 s23, s2  }
0xe: {  	s5 =	sadd.s32 $0x19200, s1;
	s12 =	sadd.s32 s12, s24;
	s1 =	sshrl.u32 s24, $0x3  }
0xf: {  	s12 =	sshrl.u32 s12, $0x3;
	s1 =	sadd.s32 s13, s1;
	s14 =	smax.u32 s14, $0x1  }
0x10: {  	s18 =	sshrl.u32 @!p0 s18, $0x3;
	s25 =	sshrl.u32 s6, $0x3;
	s6 =	sadd.s32 $0x3DB00, s0  }
.Ltmp0:
0x11: {  	s0 =	sadd.s32 s17, s26;
	s12 =	sadd.s32 s13, s12;
	(pc) =	sbr.rel .LBB2_1-.Ltmp0, $4  }
0x12: {  	s13 =	sadd.s32 $0x24900, s1;
	s1 =	sshll.u32 @!p0 s19, $0x6;
	s19 =	simm.s32 $0xD  }
0x13: {  	s7 =	sadd.s32 s15, s25;
	s0 =	sadd.s32 $0x500, s0;
	s17 =	sor.u32 @!p0 $0x1C0D, s1  }
0x14: {  	s8 =	sadd.s32 $0x20, s7;
	s9 =	sadd.s32 $0x40, s7;
	s0 =	sshrl.u32 s0, $0x3  }
0x15: {  	s10 =	sadd.s32 $0x60, s7;
	s11 =	sadd.s32 $0x80, s7;
	s0 =	sadd.s32 s0, s15  }
.LBB2_7:
0x16: {  	_ =	swait.ge [sflag:s28], $0x4000  }
0x17: {  	[sflag:s28] =	ssyncset.done $0x0  }
0x18: {  	[sflag:s28] =	ssyncadd.s32 $0xFFFFC000  }
0x19: {  	_ =	swait.ge [sflag:s29], $0x4000  }
0x1a: {  	[sflag:s29] =	ssyncset.done $0x0  }
0x1b: {  	[sflag:s29] =	ssyncadd.s32 $0xFFFFC000  }
0x1c: {  	_ =	swait.ge [sflag:s30], $0x4000  }
0x1d: {  	[sflag:s30] =	ssyncset.done $0x0  }
0x1e: {  	[sflag:s30] =	ssyncadd.s32 $0xFFFFC000  }
0x1f: {  	s1 =	simm.s32 @p0 $0x1FCD;
	[bflag:$0x0] =	sbarrier.arrive $0xFFFF  }
0x20: {  	[hbm:s13], [sflag:s1] =	dma.local @p0 [spmem:s16], $0x2880  }
0x21: {  	s1 =	simm.s32 @p0 $0xD  }
0x22: {  	s31 =	sadd.s32 $0x1, s31;
	_ =	swait.ge @p0 [sflag:s1], $0x2880  }
0x23: {  	p1 =	sne.s32 s31, s14;
	[sflag:s1] =	ssyncset.done @p0 $0x0  }
.Ltmp1:
0x24: {  	[sflag:s1] =	ssyncadd.s32 @p0 $0xFFFFD780;
	s1 =	simm.s32 @!p0 $0xD;
	(pc) =	sbr.rel @!p1 .LBB2_8-.Ltmp1, $4  }
0x25: {  	[hbm:s12], [sflag:s17] =	dma.local @!p0 [spmem:s18], $0x2700  }
0x26: {  	_ =	swait.ge @!p0 [sflag:s1], $0x2700  }
0x27: {  	[sflag:s1] =	ssyncset.done @!p0 $0x0  }
0x28: {  	[sflag:s1] =	ssyncadd.s32 @!p0 $0xFFFFD900  }
.LBB2_1:
0x29: {  	s1 =	simm.s32 @p0 $0x1FCD  }
0x2a: {  	[spmem:s16], [sflag:s1] =	dma.local @p0 [hbm:s6], $0x2880  }
0x2b: {  	s1 =	simm.s32 @p0 $0xD  }
0x2c: {  	_ =	swait.ge @p0 [sflag:s1], $0x2880  }
0x2d: {  	[sflag:s1] =	ssyncset.done @p0 $0x0  }
0x2e: {  	[sflag:s1] =	ssyncadd.s32 @p0 $0xFFFFD780;
	s1 =	simm.s32 @!p0 $0xD  }
0x2f: {  	[spmem:s18], [sflag:s17] =	dma.local @!p0 [hbm:s5], $0x2700  }
0x30: {  	_ =	swait.ge @!p0 [sflag:s1], $0x2700  }
0x31: {  	[sflag:s1] =	ssyncset.done @!p0 $0x0  }
0x32: {  	[sflag:s1] =	ssyncadd.s32 @!p0 $0xFFFFD900  }
0x33: {  	[bflag:$0x0] =	sbarrier.arrive $0xFFFF  }
0x34: {  	[tilespmem:s3], [sflag:$0xD] =	stream.linear.gather [hbm4b:s7+s3], $0x100, $0x38;
	[tilespmem:$0x1FEC0] =	vst v63  }
0x35: {  	_ =	swait.ge [sflag:s19], $0x100  }
0x36: {  	[sflag:s19] =	ssyncset.done $0x0  }
0x37: {  	[sflag:s19] =	ssyncadd.s32 $0xFFFFFF00  }
0x38: {  	[tilespmem:s20], [sflag:$0xD] =	stream.linear.gather [hbm4b:s8+s3], $0x100, $0x38;
	[tilespmem:$0x1FEC0] =	vst v63  }
0x39: {  	_ =	swait.ge [sflag:s19], $0x100  }
0x3a: {  	[sflag:s19] =	ssyncset.done $0x0  }
0x3b: {  	s22 =	simm.s32 $0x600;
	[sflag:s19] =	ssyncadd.s32 $0xFFFFFF00  }
0x3c: {  	[tilespmem:s22], [sflag:$0x7] =	stream.indirect.gather [hbm4b:s4+s21], $0x80, s3, s21, $0xb8;
	[tilespmem:$0x1FEC0] =	vst v63  }
0x3d: {  	s23 =	simm.s32 $0x4600  }
0x3e: {  	[tilespmem:s23], [sflag:$0x8] =	stream.indirect.gather [hbm4b:s4+s21], $0x80, s20, s21, $0xb8;
	[tilespmem:$0x1FEC0] =	vst v63  }
0x3f: {  	s24 =	simm.s32 $0x200  }
0x40: {  	[tilespmem:s24], [sflag:$0x3] =	stream.linear.gather [hbm4b:s9+s3], $0x100, $0x38;
	[tilespmem:$0x1FEC0] =	vst v63  }
.Ltmp2:
0x41: {  	_ = 	snop;
	(pc) =	sbr.rel .LBB2_2-.Ltmp2, $4  }
0x42: {  	s25 =	simm.s32 $0x300  }
0x43: {  	[tilespmem:s25], [sflag:$0x4] =	stream.linear.gather [hbm4b:s10+s3], $0x100, $0x38;
	[tilespmem:$0x1FEC0] =	vst v63  }
0x44: {  	s26 =	simm.s32 $0x400;
	s15 =	smov.u32 s0;
	s1 =	simm.s32 $0xFFFFFFFF  }
0x45: {  	[tilespmem:s26], [sflag:$0x5] =	stream.linear.gather [hbm4b:s11+s3], $0x100, $0x38;
	[tilespmem:$0x1FEC0] =	vst v63  }
.LBB2_3:
0x46: {  	s26 =	sadd.s32 $0xA, s22  }
0x47: {  	_ =	swait.ge [sflag:s26], $0x4000  }
0x48: {  	[sflag:s26] =	ssyncset.done $0x0  }
0x49: {  	[sflag:s26] =	ssyncadd.s32 $0xFFFFC000  }
.LBB2_5:
0x4a: {  	s25 =	sshrl.u32 s25, $0xA  }
0x4b: {  	s1 =	sadd.s32 $0x6, s1;
	s25 =	smul.u32 $0x6, s25  }
0x4c: {  	s26 =	smul.u32 $0xAB, s1  }
0x4d: {  	s24 =	ssub.s32 s24, s25  }
0x4e: {  	s26 =	sshrl.u32 s26, $0xA;
	s24 =	sand.u32 $0xFF, s24  }
0x4f: {  	s25 =	sand.u32 $0x3F, s26;
	s26 =	sadd.s32 $0x1, s24  }
0x50: {  	s25 =	smul.u32 $0x6, s25;
	_ =	swait.ge [sflag:s26], $0x100  }
0x51: {  	p1 =	sgt.u32 s23, $0x49;
	s24 =	sshll.u32 s24, $0x8;
	[sflag:s26] =	ssyncset.done $0x0  }
0x52: {  	s1 =	ssub.s32 s1, s25;
	[sflag:s26] =	ssyncadd.s32 $0xFFFFFF00;
	s26 =	sshll.u32 s22, $0xE  }
0x53: {  	s1 =	sand.u32 $0xFF, s1;
	s25 =	sor.u32 $0x600, s26;
	s26 =	sadd.s32 $0x7, s22  }
0x54: {  	[tilespmem:s25], [sflag:s26] =	stream.indirect.gather [hbm4b:s4+s21], $0x80, s24, s21, $0xb8;
	[tilespmem:$0x1FEC0] =	vst v63  }
0x55: {  	s22 =	sshll.u32 @!p1 s1, $0x8;
	s1 =	sadd.s32 @!p1 $0x1, s1;
	s24 =	simm.s32 @!p1 $0x0  }
0x56: {  	[tilespmem:s22], [sflag:s1] =	stream.linear.gather @!p1 [hbm4b:s15+s24], $0x100, $0x38;
	[tilespmem:$0x1FEC0] =	vst v63  }
.LBB2_6:
0x57: {  	s1 =	sand.u32 $0xFF, s23  }
0x58: {  	s1 =	smul.u32 $0xAB, s1;
	_ =	sdelay $0x1  }
0x59: {  	s22 =	sshrl.u32 s1, $0x9  }
0x5a: {  	s1 =	sshrl.u32 s1, $0xA;
	s22 =	smul.u32 $0x3, s22  }
0x5b: {  	s1 =	smul.u32 $0x6, s1  }
0x5c: {  	s22 =	ssub.s32 s23, s22  }
0x5d: {  	s1 =	ssub.s32 s23, s1;
	s22 =	sand.u32 $0xFF, s22  }
0x5e: {  	p1 =	sne.s32 s23, $0x4E;
	s1 =	sand.u32 $0xFF, s1;
	s24 =	sadd.s32 $0x7, s22  }
.Ltmp3:
0x5f: {  	s25 =	sshll.u32 s22, $0xE;
	_ =	swait.ge [sflag:s24], $0x4000;
	(pc) =	sbr.rel @!p1 .LBB2_7-.Ltmp3, $4  }
0x60: {  	s1 =	sshll.u32 s1, $0x8;
	s22 =	sadd.s32 $0xA, s22;
	[sflag:s24] =	ssyncset.done $0x0  }
0x61: {  	s25 =	sor.u32 $0x600, s25;
	s1 =	sor.u32 $0x80, s1;
	[sflag:s24] =	ssyncadd.s32 $0xFFFFC000  }
0x62: {  	[spmem:s2] =	stream.indirect.scatter.add.f32 [tilespmem:s25], [sflag:s22], $0x80, s1, s21, $0xb8;
	[tilespmem:$0x1FEC0] =	vst v63  }
0x63: {  	s15 =	sadd.s32 $0x20, s15;
	s1 =	smov.u32 s23  }
.LBB2_2:
0x64: {  	s24 =	sadd.s32 $0x3, s1  }
0x65: {  	s22 =	sand.u32 $0xFF, s24  }
0x66: {  	s25 =	smul.u32 $0xAB, s22  }
0x67: {  	p1 =	sgt.u32 s1, $0x4B  }
.Ltmp4:
0x68: {  	s22 =	sshrl.u32 s25, $0x9;
	(pc) =	sbr.rel @!p1 .LBB2_3-.Ltmp4, $3  }
0x69: {  	s22 =	smul.u32 $0x3, s22;
	_ =	sdelay $0x1  }
0x6a: {  	s22 =	ssub.s32 s24, s22  }
0x6b: {  	s23 =	sadd.s32 $0x1, s1;
	s22 =	sand.u32 $0xFF, s22  }
0x6c: {  	p1 =	sgt.u32 s23, $0x4C  }
.Ltmp5:
0x6d: {  	_ = 	snop;
	(pc) =	sbr.rel @p1 .LBB2_6-.Ltmp5, $4  }
.Ltmp6:
0x6e: {  	_ = 	snop;
	(pc) =	sbr.rel @!p1 .LBB2_5-.Ltmp6, $4  }
0x6f: {  	_ = 	snop  }
0x70: {  	_ = 	snop  }
0x71: {  	_ = 	snop  }
0x72: {  	_ = 	snop  }
.LBB2_8:
0x73: {  	_ =	sfence.sel $0x180000  }
0x74: {  	[bflag:$0x0] =	sbarrier.arrive $0xFFFF  }
0x75: {  	_ =	strace $0x9000004D  }
0x76: {  	s0 =	stileid.u32;
	[bflag:$0x2] =	sbarrier.arrive $0xFFFF  }
0x77: {  	p0 =	sne.s32 s0, $0x0;
	s0 =	rddreg [dreg:$0x2]  }
0x78: {  	s0 =	sadd.s32 @!p0 $0x100000, s0  }
0x79: {  	[sflag:s0] =	ssyncadd.tile.s32 @!p0 $0x1;
	_ =	shalt  }
.Lfunc_end2:
_tile_overlayer_lowered:
.L_overlay_start_2:
0x7a: {  	(tag) =	ssettag $0x2  }
0x7b: {  	s0 =	rddreg [dreg:$0x0];
	s2 =	stileid.u32  }
0x7c: {  	s1 =	rddreg [dreg:$0x1];
	p0 =	sne.s32 s2, $0x0  }
0x7d: {  	s3 =	rddreg [dreg:$0x2];
	[bflag:$0x3] =	sbarrier.arrive $0xFFFF;
	s2 =	simm.s32 @!p0 $0x1C0D  }
0x7e: {  	[timem:s3], [sflag:s2] =	dma.local @!p0 [hbm:s0], s1  }
0x7f: {  	s0 =	simm.s32 @!p0 $0xD  }
0x80: {  	_ =	swait.ge @!p0 [sflag:s0], s1  }
0x81: {  	s1 =	ssub.s32 @!p0 $0x0, s1;
	[sflag:s0] =	ssyncset.done @!p0 $0x0  }
0x82: {  	[sflag:s0] =	ssyncadd.s32 @!p0 s1  }
0x83: {  	[bflag:$0x3] =	sbarrier.arrive $0xFFFF  }
0x84: {  	_ =	shalt  }

// kernel: kernel.27.cloned.1.call-start
scs
__scs_entry_jumppad:
0x0: {  	(pc) =	sbr.rel $0x88, $3  }
0x1: {  	(tag) =	ssettag $0x0;
	lr =	simm.s32 $0x1  }
0x2: {  	[smem:$0x3F95] =	sst lr;
	_ =	strace $0xD0000000  }
0x3: {  	_ = 	snop  }
0x4: {  	_ = 	snop  }
0x5: {  	_ = 	snop  }
0x6: {  	_ = 	snop  }
0x7: {  	_ = 	snop  }
__scs_overlays_trampoline_lowered:
0x8: {  	[smem:$0x3FA4] =	sst s0  }
0x9: {  	[smem:$0x3FA5] =	sst s1  }
0xa: {  	[smem:$0x3FA6] =	sst s2  }
0xb: {  	[smem:$0x3FA7] =	sst s3  }
0xc: {  	[smem:$0x3FA8] =	sst s4  }
0xd: {  	[smem:$0x3FA9] =	sst s5  }
0xe: {  	[smem:$0x3FAA] =	sst s6  }
0xf: {  	[smem:$0x3FAB] =	sst s7  }
0x10: {  	[smem:$0x3FAC] =	sst s8  }
0x11: {  	[smem:$0x3FAD] =	sst s9;
	s0 =	simm.s32 @!p0 $0x0  }
0x12: {  	s1 =	sld [smem:$0x3F93];
	s0 =	simm.s32 @p0 $0x1  }
0x13: {  	[smem:$0x3FAE] =	sst s0;
	s0 =	simm.s32 @!p1 $0x0  }
0x14: {  	s2 =	sld [smem:$0x3F92];
	s0 =	simm.s32 @p1 $0x1  }
0x15: {  	[smem:$0x3FAF] =	sst s0;
	s0 =	simm.s32 @!p2 $0x0  }
0x16: {  	s3 =	sld [smem:$0x3FDB];
	s0 =	simm.s32 @p2 $0x1  }
0x17: {  	s4 =	simm.s32 $0x1BF5;
	[smem:$0x3FB1] =	sst s0  }
0x18: {  	s0 =	sld [smem:$0x3F94];
	_ =	swait.ge [sflag:s4], $0x0  }
0x19: {  	s7 =	sld [smem:$0x3F95]  }
0x1a: {  	s8 =	sadd.s32 $0xFFFFE003, lr  }
0x1b: {  	s9 =	sadd.s32 $0xFFFFFEF7, lr;
	s5 =	simm.s32 $0xFFFFFFFF;
	p2 =	slt.u32 s8, $0xFFFFF086  }
0x1c: {  	p1 =	slt.u32 s9, $0xF7A;
	s5 =	simm.s32 @!p2 $0x0  }
0x1d: {  	s5 =	simm.s32 @p1 $0x1;
	p0 =	seq.s32 s7, s2  }
0x1e: {  	s7 =	smul.u32 @!p0 $0xF7A, s2;
	p2 =	seq.s32 @!p0 s5, $0x0  }
0x1f: {  	s9 =	smul.u32 $0xF7A, s1;
	s8 =	simm.s32 @!p0 $0x1BF5;
	p2 =	por !p2, p0  }
0x20: {  	[sflag:s8] =	ssyncset.s32 @!p0 $0xFFFFF086;
	s6 =	sadd.s32 @!p0 s3, s7;
	s7 =	simm.s32 @!p0 $0x108  }
0x21: {  	s3 =	sadd.s32 s3, s9;
	s6 =	sadd.s32 @!p0 $0x88, s6;
	s7 =	simm.s32 @p2 $0x1082  }
0x22: {  	[simem:s7], [sflag:s8] =	dma.local @!p0 [hbm:s6], $0xF7A  }
0x23: {  	s9 =	sor.u32 $0xD0000000, s2;
	s6 =	simm.s32 $0x108;
	_ =	swait.ge @!p0 [sflag:s8], $0x0  }
0x24: {  	s3 =	sadd.s32 $0x88, s3;
	s6 =	simm.s32 @!p1 $0x1082;
	[sflag:s4] =	ssyncset.s32 $0xFFFFF086  }
0x25: {  	[simem:s6], [sflag:s4] =	dma.local [hbm:s3], $0xF7A  }
0x26: {  	[smem:$0x3F95] =	sst s1;
	(tag) =	ssettag s2;
	_ =	strace s9  }
0x27: {  	s1 =	sld [smem:$0x3FA5]  }
0x28: {  	s2 =	sld [smem:$0x3FA6]  }
0x29: {  	s4 =	sld [smem:$0x3FA8]  }
0x2a: {  	p0 =	seq.s32 s5, $0x0;
	s5 =	sld [smem:$0x3FA9]  }
0x2b: {  	s6 =	sld [smem:$0x3FAA]  }
0x2c: {  	s7 =	sld [smem:$0x3FAB]  }
0x2d: {  	s3 =	simm.s32 $0x108;
	s8 =	sld [smem:$0x3FAC]  }
0x2e: {  	s3 =	simm.s32 @!p0 $0x1082;
	s9 =	sld [smem:$0x3FAD]  }
0x2f: {  	lr =	sadd.s32 s0, s3;
	s0 =	sld [smem:$0x3FA4]  }
0x30: {  	s3 =	sld [smem:$0x3FA7]  }
0x31: {  	[smem:$0x3FB0] =	sst s10  }
0x32: {  	s10 =	sld [smem:$0x3FAE];
	_ =	sdelay $0x3  }
0x33: {  	p0 =	seq.s32 s10, $0x1;
	s10 =	sld [smem:$0x3FB0];
	_ =	sdelay $0x3  }
0x34: {  	[smem:$0x3FB0] =	sst s10  }
0x35: {  	s10 =	sld [smem:$0x3FAF];
	_ =	sdelay $0x3  }
0x36: {  	p1 =	seq.s32 s10, $0x1;
	s10 =	sld [smem:$0x3FB0];
	_ =	sdelay $0x3  }
0x37: {  	[smem:$0x3FB0] =	sst s10  }
0x38: {  	s10 =	sld [smem:$0x3FB1]  }
0x39: {  	_ = 	snop;
	(pc) =	sbr.ind lr, $3  }
0x3a: {  	_ = 	snop  }
0x3b: {  	_ = 	snop  }
0x3c: {  	p2 =	seq.s32 s10, $0x1;
	s10 =	sld [smem:$0x3FB0]  }
0x3d: {  	_ =	shalt  }
0x3e: {  	_ =	shalt  }
0x3f: {  	_ =	shalt  }
0x40: {  	_ =	shalt  }
0x41: {  	_ =	shalt  }
0x42: {  	_ =	shalt  }
0x43: {  	_ =	shalt  }
0x44: {  	_ =	shalt  }
0x45: {  	_ =	shalt  }
0x46: {  	_ =	shalt  }
0x47: {  	_ =	shalt  }
0x48: {  	_ =	shalt  }
0x49: {  	_ =	shalt  }
0x4a: {  	_ =	shalt  }
0x4b: {  	_ =	shalt  }
0x4c: {  	_ =	shalt  }
0x4d: {  	_ =	shalt  }
0x4e: {  	_ =	shalt  }
0x4f: {  	_ =	shalt  }
0x50: {  	_ =	shalt  }
0x51: {  	_ =	shalt  }
0x52: {  	_ =	shalt  }
0x53: {  	_ =	shalt  }
0x54: {  	_ =	shalt  }
0x55: {  	_ =	shalt  }
0x56: {  	_ =	shalt  }
0x57: {  	_ =	shalt  }
0x58: {  	_ =	shalt  }
0x59: {  	_ =	shalt  }
0x5a: {  	_ =	shalt  }
0x5b: {  	_ =	shalt  }
0x5c: {  	_ =	shalt  }
0x5d: {  	_ =	shalt  }
0x5e: {  	_ =	shalt  }
0x5f: {  	_ =	shalt  }
0x60: {  	_ =	shalt  }
0x61: {  	_ =	shalt  }
0x62: {  	_ =	shalt  }
0x63: {  	_ =	shalt  }
0x64: {  	_ =	shalt  }
0x65: {  	_ =	shalt  }
0x66: {  	_ =	shalt  }
0x67: {  	_ =	shalt  }
0x68: {  	_ =	shalt  }
0x69: {  	_ =	shalt  }
0x6a: {  	_ =	shalt  }
0x6b: {  	_ =	shalt  }
0x6c: {  	_ =	shalt  }
0x6d: {  	_ =	shalt  }
0x6e: {  	_ =	shalt  }
0x6f: {  	_ =	shalt  }
0x70: {  	_ =	shalt  }
0x71: {  	_ =	shalt  }
0x72: {  	_ =	shalt  }
0x73: {  	_ =	shalt  }
0x74: {  	_ =	shalt  }
0x75: {  	_ =	shalt  }
0x76: {  	_ =	shalt  }
0x77: {  	_ =	shalt  }
0x78: {  	_ =	shalt  }
0x79: {  	_ =	shalt  }
0x7a: {  	_ =	shalt  }
0x7b: {  	_ =	shalt  }
0x7c: {  	_ =	shalt  }
0x7d: {  	_ =	shalt  }
0x7e: {  	_ =	shalt  }
0x7f: {  	_ =	shalt  }
0x80: {  	_ =	shalt  }
0x81: {  	_ =	shalt  }
0x82: {  	_ =	shalt  }
0x83: {  	_ =	shalt  }
0x84: {  	_ =	shalt  }
0x85: {  	_ =	shalt  }
0x86: {  	_ =	shalt  }
0x87: {  	_ =	shalt  }
.Lfunc_end0:
.L_simem_size_0:
called_computation.3_lowered:
.L_overlay_start_0:
0x88: {  	s2 =	sld [smem:$0x3FD9]  }
0x89: {  	s3 =	sld [smem:$0x3FFE];
	_ =	sdelay $0x1  }
0x8a: {  	s1 =	srdreg.scid  }
0x8b: {  	s0 =	sand.u32 $0x1, s1  }
0x8c: {  	s16 =	sshll.u32 s0, $0xA;
	s2 =	sadd.s32 s3, s2  }
0x8d: {  	s2 =	sadd.s32 s2, s16  }
0x8e: {  	[smem:$0x3FBC] =	sst s2  }
0x8f: {  	_ = 	snop  }
0x90: {  	(tm) =	ssettm $0x1  }
0x91: {  	s17 =	sld [smem:$0x3FFB];
	_ =	sdelay $0x3  }
0x92: {  	_ =	strace s17  }
0x93: {  	s2 =	sld [smem:$0x3FFC];
	_ =	sdelay $0x3  }
0x94: {  	_ =	strace s2  }
0x95: {  	s2 =	sld [smem:$0x3FFD];
	_ =	sdelay $0x3  }
0x96: {  	_ =	strace s2  }
0x97: {  	_ =	strace $0x8FFFFFFF  }
0x98: {  	s18 =	sld [smem:$0x3FDB];
	_ =	sdelay $0x1  }
0x99: {  	s19 =	simm.s32 $_scs_section_size  }
0x9a: {  	s4 =	simm.s32 $_size__tile_overlayer_lowered;
	s5 =	simm.s32 $_tile_overlayer_lowered  }
0x9b: {  	s22 =	simm.s32 $0x1BFF;
	s21 =	sshll.u32 s5, $0x1;
	s2 =	sadd.s32 s19, s18  }
0x9c: {  	s6 =	simm.s32 $0x0;
	s20 =	sshll.u32 s4, $0x1;
	s4 =	sadd.s32 s21, s2  }
0x9d: {  	[timem:s6], [sflag:s22] =	dma.local [hbm:s4], s20  }
0x9e: {  	_ =	swait.ge [sflag:s22], s20  }
0x9f: {  	s3 =	ssub.s32 $0x0, s20;
	[sflag:s22] =	ssyncset.done $0x0  }
0xa0: {  	[sflag:s22] =	ssyncadd.s32 s3;
	_ =	sdelay $0x1  }
0xa1: {  	s23 =	simm.s32 $0x1B8B  }
0xa2: {  	_ =	swait.ge [sflag:s23], $0x1  }
0xa3: {  	[sflag:s23] =	ssyncset.done $0x0  }
0xa4: {  	s25 =	simm.s32 $0x1B8E;
	s24 =	sld [smem:$0x3FFE];
	[sflag:s23] =	ssyncadd.s32 $0xFFFFFFFF  }
0xa5: {  	s26 =	simm.s32 $execute0_lowered;
	[smem:$0x3FD2] =	sst s25  }
0xa6: {  	s4 =	sshll.u32 s26, $0x1;
	_ =	strace $0x8000004F;
	[dreg:$0x1] =	wrdreg $0xFFFFFFFF  }
0xa7: {  	s28 =	simm.s32 $_size_execute0_lowered;
	s2 =	sadd.s32 s2, s4;
	[dreg:$0x0] =	wrdreg $0x0  }
0xa8: {  	s4 =	sshll.u32 s28, $0x1;
	[dreg:$0x2] =	wrdreg s2  }
0xa9: {  	[dreg:$0x3] =	wrdreg s4  }
0xaa: {  	[dreg:$0x4] =	wrdreg $0xC0  }
0xab: {  	_ =	task [dreg:s6], $0x5FFFF  }
0xac: {  	[dreg:$0x1] =	wrdreg $0xFFFFFFFF  }
0xad: {  	[dreg:$0x0] =	wrdreg $0x60  }
0xae: {  	[dreg:$0x2] =	wrdreg s24  }
0xaf: {  	[dreg:$0x3] =	wrdreg $0xC6000  }
0xb0: {  	[dreg:$0x4] =	wrdreg $0x9  }
0xb1: {  	_ =	task.clear_ibuf [dreg:s6], $0x5FFFF;
	_ =	strace $0x9000004F  }
0xb2: {  	s29 =	simm.s32 $0x9;
	_ =	strace $0x80000051  }
0xb3: {  	_ =	swait.ge [sflag:s29], $0x1  }
0xb4: {  	[sflag:s29] =	ssyncadd.s32 $0xFFFFFFFF  }
0xb5: {  	_ =	strace $0x90000051  }
0xb6: {  	_ =	sfence  }
0xb7: {  	s30 =	sld [smem:$0x0];
	_ =	sdelay $0x2  }
0xb8: {  	s31 =	sshll.u32 s1, $0xD;
	s1 =	sshrl.u32 s1, $0x2  }
0xb9: {  	s3 =	sand.u32 $0x4000, s31;
	s1 =	sadd.s32 s1, s30  }
0xba: {  	s0 =	sor.u32 s3, s0;
	s1 =	sshll.u32 s1, $0x11  }
0xbb: {  	s0 =	sor.u32 s1, s0  }
0xbc: {  	s0 =	sadd.s32 $0x8F2B, s0  }
0xbd: {  	[sflag:s0] =	ssyncadd.remote.s32 $0x1  }
0xbe: {  	_ =	sfence.sel $0xFFFF  }
0xbf: {  	[dreg:$0x0] =	wrdreg $0xFFFFFFFF;
	(pc) =	sbr.abs _section_cstart, $3  }
0xc0: {  	[dreg:$0x1] =	wrdreg $0xFFFFFFFF  }
0xc1: {  	_ =	task.clear_ibuf [dreg:s6], $0x2FFFF;
	_ =	strace $0x9FFFFFFF  }
0xc2: {  	(tm) =	ssettm $0x7FFFFFFF  }
0xc3: {  	_ =	shalt  }
tec
execute0_lowered:
.L_overlay_start_1:
0x0: {  	(tag) =	ssettag $0x1  }
0x1: {  	s0 =	rddreg [dreg:$0x0]  }
0x2: {  	s2 =	rddreg [dreg:$0x1]  }
0x3: {  	s3 =	simm.s32 $0x0;
	s19 =	stileid.u32;
	s5 =	srdreg.scid  }
0x4: {  	s20 =	simm.s32 $0x100;
	s21 =	simm.s32 $0x80;
	s28 =	simm.s32 $0xB  }
0x5: {  	s29 =	simm.s32 $0xC;
	s30 =	simm.s32 $0xA;
	s31 =	simm.s32 $0x0  }
0x6: {  	[smem:$0x7FF] =	sst s3;
	s1 =	smul.u32 $0x2700, s19;
	s4 =	sadd.s32 $0x40400, s0  }
0x7: {  	s15 =	sadd.s32 $0x5600, s0;
	s8 =	sand.u32 $0x1, s5;
	s7 =	smul.u32 $0x4E000, s19  }
0x8: {  	s13 =	sadd.s32 $0x67600, s0;
	s16 =	sadd.s32 $0x124800, s2;
	s12 =	smul.u32 $0x13800, s19  }
0x9: {  	s17 =	smul.u32 $0x4F00, s19;
	p0 =	seq.s32 s19, $0xF;
	_ =	strace $0x80000050  }
0xa: {  	s5 =	ssub.s32 $0x2, s8;
	s6 =	sshll.u32 s8, $0x4;
	s24 =	smul.u32 $0x138C00, s8  }
0xb: {  	s26 =	smul.u32 $0x4F000, s8;
	s16 =	sshrl.u32 @p0 s16, $0x3;
	s1 =	sadd.s32 s1, s0  }
0xc: {  	s9 =	sshrl.u32 s5, $0x1;
	s6 =	sor.u32 s19, s6;
	s23 =	sshrl.u32 s7, $0x2  }
0xd: {  	s14 =	ssub.s32 s5, s9;
	s6 =	smul.u32 $0x4F00, s6;
	s18 =	sadd.s32 s23, s2  }
0xe: {  	s5 =	sadd.s32 $0x19200, s1;
	s12 =	sadd.s32 s12, s24;
	s1 =	sshrl.u32 s24, $0x3  }
0xf: {  	s12 =	sshrl.u32 s12, $0x3;
	s1 =	sadd.s32 s13, s1;
	s14 =	smax.u32 s14, $0x1  }
0x10: {  	s18 =	sshrl.u32 @!p0 s18, $0x3;
	s25 =	sshrl.u32 s6, $0x3;
	s6 =	sadd.s32 $0x3DB00, s0  }
.Ltmp0:
0x11: {  	s0 =	sadd.s32 s17, s26;
	s12 =	sadd.s32 s13, s12;
	(pc) =	sbr.rel .LBB2_1-.Ltmp0, $4  }
0x12: {  	s13 =	sadd.s32 $0x24900, s1;
	s1 =	sshll.u32 @!p0 s19, $0x6;
	s19 =	simm.s32 $0xD  }
0x13: {  	s7 =	sadd.s32 s15, s25;
	s0 =	sadd.s32 $0x500, s0;
	s17 =	sor.u32 @!p0 $0x1C0D, s1  }
0x14: {  	s8 =	sadd.s32 $0x20, s7;
	s9 =	sadd.s32 $0x40, s7;
	s0 =	sshrl.u32 s0, $0x3  }
0x15: {  	s10 =	sadd.s32 $0x60, s7;
	s11 =	sadd.s32 $0x80, s7;
	s0 =	sadd.s32 s0, s15  }
.LBB2_7:
0x16: {  	_ =	swait.ge [sflag:s28], $0x4000  }
0x17: {  	[sflag:s28] =	ssyncset.done $0x0  }
0x18: {  	[sflag:s28] =	ssyncadd.s32 $0xFFFFC000  }
0x19: {  	_ =	swait.ge [sflag:s29], $0x4000  }
0x1a: {  	[sflag:s29] =	ssyncset.done $0x0  }
0x1b: {  	[sflag:s29] =	ssyncadd.s32 $0xFFFFC000  }
0x1c: {  	_ =	swait.ge [sflag:s30], $0x4000  }
0x1d: {  	[sflag:s30] =	ssyncset.done $0x0  }
0x1e: {  	[sflag:s30] =	ssyncadd.s32 $0xFFFFC000  }
0x1f: {  	s1 =	simm.s32 @p0 $0x1FCD;
	[bflag:$0x0] =	sbarrier.arrive $0xFFFF  }
0x20: {  	[hbm:s13], [sflag:s1] =	dma.local @p0 [spmem:s16], $0x2880  }
0x21: {  	s1 =	simm.s32 @p0 $0xD  }
0x22: {  	s31 =	sadd.s32 $0x1, s31;
	_ =	swait.ge @p0 [sflag:s1], $0x2880  }
0x23: {  	p1 =	sne.s32 s31, s14;
	[sflag:s1] =	ssyncset.done @p0 $0x0  }
.Ltmp1:
0x24: {  	[sflag:s1] =	ssyncadd.s32 @p0 $0xFFFFD780;
	s1 =	simm.s32 @!p0 $0xD;
	(pc) =	sbr.rel @!p1 .LBB2_8-.Ltmp1, $4  }
0x25: {  	[hbm:s12], [sflag:s17] =	dma.local @!p0 [spmem:s18], $0x2700  }
0x26: {  	_ =	swait.ge @!p0 [sflag:s1], $0x2700  }
0x27: {  	[sflag:s1] =	ssyncset.done @!p0 $0x0  }
0x28: {  	[sflag:s1] =	ssyncadd.s32 @!p0 $0xFFFFD900  }
.LBB2_1:
0x29: {  	s1 =	simm.s32 @p0 $0x1FCD  }
0x2a: {  	[spmem:s16], [sflag:s1] =	dma.local @p0 [hbm:s6], $0x2880  }
0x2b: {  	s1 =	simm.s32 @p0 $0xD  }
0x2c: {  	_ =	swait.ge @p0 [sflag:s1], $0x2880  }
0x2d: {  	[sflag:s1] =	ssyncset.done @p0 $0x0  }
0x2e: {  	[sflag:s1] =	ssyncadd.s32 @p0 $0xFFFFD780;
	s1 =	simm.s32 @!p0 $0xD  }
0x2f: {  	[spmem:s18], [sflag:s17] =	dma.local @!p0 [hbm:s5], $0x2700  }
0x30: {  	_ =	swait.ge @!p0 [sflag:s1], $0x2700  }
0x31: {  	[sflag:s1] =	ssyncset.done @!p0 $0x0  }
0x32: {  	[sflag:s1] =	ssyncadd.s32 @!p0 $0xFFFFD900  }
0x33: {  	[bflag:$0x0] =	sbarrier.arrive $0xFFFF  }
0x34: {  	[tilespmem:s3], [sflag:$0xD] =	stream.linear.gather [hbm4b:s7+s3], $0x100, $0x38;
	[tilespmem:$0x1FEC0] =	vst v63  }
0x35: {  	_ =	swait.ge [sflag:s19], $0x100  }
0x36: {  	[sflag:s19] =	ssyncset.done $0x0  }
0x37: {  	[sflag:s19] =	ssyncadd.s32 $0xFFFFFF00  }
0x38: {  	[tilespmem:s20], [sflag:$0xD] =	stream.linear.gather [hbm4b:s8+s3], $0x100, $0x38;
	[tilespmem:$0x1FEC0] =	vst v63  }
0x39: {  	_ =	swait.ge [sflag:s19], $0x100  }
0x3a: {  	[sflag:s19] =	ssyncset.done $0x0  }
0x3b: {  	s22 =	simm.s32 $0x600;
	[sflag:s19] =	ssyncadd.s32 $0xFFFFFF00  }
0x3c: {  	[tilespmem:s22], [sflag:$0x7] =	stream.indirect.gather [hbm4b:s4+s21], $0x80, s3, s21, $0xb8;
	[tilespmem:$0x1FEC0] =	vst v63  }
0x3d: {  	s23 =	simm.s32 $0x4600  }
0x3e: {  	[tilespmem:s23], [sflag:$0x8] =	stream.indirect.gather [hbm4b:s4+s21], $0x80, s20, s21, $0xb8;
	[tilespmem:$0x1FEC0] =	vst v63  }
0x3f: {  	s24 =	simm.s32 $0x200  }
0x40: {  	[tilespmem:s24], [sflag:$0x3] =	stream.linear.gather [hbm4b:s9+s3], $0x100, $0x38;
	[tilespmem:$0x1FEC0] =	vst v63  }
.Ltmp2:
0x41: {  	_ = 	snop;
	(pc) =	sbr.rel .LBB2_2-.Ltmp2, $4  }
0x42: {  	s25 =	simm.s32 $0x300  }
0x43: {  	[tilespmem:s25], [sflag:$0x4] =	stream.linear.gather [hbm4b:s10+s3], $0x100, $0x38;
	[tilespmem:$0x1FEC0] =	vst v63  }
0x44: {  	s26 =	simm.s32 $0x400;
	s15 =	smov.u32 s0;
	s1 =	simm.s32 $0xFFFFFFFF  }
0x45: {  	[tilespmem:s26], [sflag:$0x5] =	stream.linear.gather [hbm4b:s11+s3], $0x100, $0x38;
	[tilespmem:$0x1FEC0] =	vst v63  }
.LBB2_3:
0x46: {  	s26 =	sadd.s32 $0xA, s22  }
0x47: {  	_ =	swait.ge [sflag:s26], $0x4000  }
0x48: {  	[sflag:s26] =	ssyncset.done $0x0  }
0x49: {  	[sflag:s26] =	ssyncadd.s32 $0xFFFFC000  }
.LBB2_5:
0x4a: {  	s25 =	sshrl.u32 s25, $0xA  }
0x4b: {  	s1 =	sadd.s32 $0x6, s1;
	s25 =	smul.u32 $0x6, s25  }
0x4c: {  	s26 =	smul.u32 $0xAB, s1  }
0x4d: {  	s24 =	ssub.s32 s24, s25  }
0x4e: {  	s26 =	sshrl.u32 s26, $0xA;
	s24 =	sand.u32 $0xFF, s24  }
0x4f: {  	s25 =	sand.u32 $0x3F, s26;
	s26 =	sadd.s32 $0x1, s24  }
0x50: {  	s25 =	smul.u32 $0x6, s25;
	_ =	swait.ge [sflag:s26], $0x100  }
0x51: {  	p1 =	sgt.u32 s23, $0x49;
	s24 =	sshll.u32 s24, $0x8;
	[sflag:s26] =	ssyncset.done $0x0  }
0x52: {  	s1 =	ssub.s32 s1, s25;
	[sflag:s26] =	ssyncadd.s32 $0xFFFFFF00;
	s26 =	sshll.u32 s22, $0xE  }
0x53: {  	s1 =	sand.u32 $0xFF, s1;
	s25 =	sor.u32 $0x600, s26;
	s26 =	sadd.s32 $0x7, s22  }
0x54: {  	[tilespmem:s25], [sflag:s26] =	stream.indirect.gather [hbm4b:s4+s21], $0x80, s24, s21, $0xb8;
	[tilespmem:$0x1FEC0] =	vst v63  }
0x55: {  	s22 =	sshll.u32 @!p1 s1, $0x8;
	s1 =	sadd.s32 @!p1 $0x1, s1;
	s24 =	simm.s32 @!p1 $0x0  }
0x56: {  	[tilespmem:s22], [sflag:s1] =	stream.linear.gather @!p1 [hbm4b:s15+s24], $0x100, $0x38;
	[tilespmem:$0x1FEC0] =	vst v63  }
.LBB2_6:
0x57: {  	s1 =	sand.u32 $0xFF, s23  }
0x58: {  	s1 =	smul.u32 $0xAB, s1;
	_ =	sdelay $0x1  }
0x59: {  	s22 =	sshrl.u32 s1, $0x9  }
0x5a: {  	s1 =	sshrl.u32 s1, $0xA;
	s22 =	smul.u32 $0x3, s22  }
0x5b: {  	s1 =	smul.u32 $0x6, s1  }
0x5c: {  	s22 =	ssub.s32 s23, s22  }
0x5d: {  	s1 =	ssub.s32 s23, s1;
	s22 =	sand.u32 $0xFF, s22  }
0x5e: {  	p1 =	sne.s32 s23, $0x4E;
	s1 =	sand.u32 $0xFF, s1;
	s24 =	sadd.s32 $0x7, s22  }
.Ltmp3:
0x5f: {  	s25 =	sshll.u32 s22, $0xE;
	_ =	swait.ge [sflag:s24], $0x4000;
	(pc) =	sbr.rel @!p1 .LBB2_7-.Ltmp3, $4  }
0x60: {  	s1 =	sshll.u32 s1, $0x8;
	s22 =	sadd.s32 $0xA, s22;
	[sflag:s24] =	ssyncset.done $0x0  }
0x61: {  	s25 =	sor.u32 $0x600, s25;
	s1 =	sor.u32 $0x80, s1;
	[sflag:s24] =	ssyncadd.s32 $0xFFFFC000  }
0x62: {  	[spmem:s2] =	stream.indirect.scatter.add.f32 [tilespmem:s25], [sflag:s22], $0x80, s1, s21, $0xb8;
	[tilespmem:$0x1FEC0] =	vst v63  }
0x63: {  	s15 =	sadd.s32 $0x20, s15;
	s1 =	smov.u32 s23  }
.LBB2_2:
0x64: {  	s24 =	sadd.s32 $0x3, s1  }
0x65: {  	s22 =	sand.u32 $0xFF, s24  }
0x66: {  	s25 =	smul.u32 $0xAB, s22  }
0x67: {  	p1 =	sgt.u32 s1, $0x4B  }
.Ltmp4:
0x68: {  	s22 =	sshrl.u32 s25, $0x9;
	(pc) =	sbr.rel @!p1 .LBB2_3-.Ltmp4, $3  }
0x69: {  	s22 =	smul.u32 $0x3, s22;
	_ =	sdelay $0x1  }
0x6a: {  	s22 =	ssub.s32 s24, s22  }
0x6b: {  	s23 =	sadd.s32 $0x1, s1;
	s22 =	sand.u32 $0xFF, s22  }
0x6c: {  	p1 =	sgt.u32 s23, $0x4C  }
.Ltmp5:
0x6d: {  	_ = 	snop;
	(pc) =	sbr.rel @p1 .LBB2_6-.Ltmp5, $4  }
.Ltmp6:
0x6e: {  	_ = 	snop;
	(pc) =	sbr.rel @!p1 .LBB2_5-.Ltmp6, $4  }
0x6f: {  	_ = 	snop  }
0x70: {  	_ = 	snop  }
0x71: {  	_ = 	snop  }
0x72: {  	_ = 	snop  }
.LBB2_8:
0x73: {  	_ =	sfence.sel $0x180000  }
0x74: {  	[bflag:$0x0] =	sbarrier.arrive $0xFFFF  }
0x75: {  	_ =	strace $0x90000050  }
0x76: {  	s0 =	stileid.u32;
	[bflag:$0x2] =	sbarrier.arrive $0xFFFF  }
0x77: {  	p0 =	sne.s32 s0, $0x0;
	s0 =	rddreg [dreg:$0x2]  }
0x78: {  	s0 =	sadd.s32 @!p0 $0x100000, s0  }
0x79: {  	[sflag:s0] =	ssyncadd.tile.s32 @!p0 $0x1;
	_ =	shalt  }
.Lfunc_end2:
_tile_overlayer_lowered:
.L_overlay_start_2:
0x7a: {  	(tag) =	ssettag $0x2  }
0x7b: {  	s0 =	rddreg [dreg:$0x0];
	s2 =	stileid.u32  }
0x7c: {  	s1 =	rddreg [dreg:$0x1];
	p0 =	sne.s32 s2, $0x0  }
0x7d: {  	s3 =	rddreg [dreg:$0x2];
	[bflag:$0x3] =	sbarrier.arrive $0xFFFF;
	s2 =	simm.s32 @!p0 $0x1C0D  }
0x7e: {  	[timem:s3], [sflag:s2] =	dma.local @!p0 [hbm:s0], s1  }
0x7f: {  	s0 =	simm.s32 @!p0 $0xD  }
0x80: {  	_ =	swait.ge @!p0 [sflag:s0], s1  }
0x81: {  	s1 =	ssub.s32 @!p0 $0x0, s1;
	[sflag:s0] =	ssyncset.done @!p0 $0x0  }
0x82: {  	[sflag:s0] =	ssyncadd.s32 @!p0 s1  }
0x83: {  	[bflag:$0x3] =	sbarrier.arrive $0xFFFF  }
0x84: {  	_ =	shalt  }

</sc_bundles>
